<compile_context>
chip_gen: v7x
topology: tpu7x:2x2x1
jax: 0.10.2.dev20260603
libtpu: 0.0.44.dev20260713+nightly
codegen_flags: <defaults>
</compile_context>

<pallas_src>
import jax
import jax.numpy as jnp
from jax import lax
from jax.experimental import pallas as pl
from jax.experimental.pallas import tpu as pltpu
from jax.experimental.pallas import tpu_sc as plsc

N = 10000
E = 320000
D = 128

NC = 2
NS = 16
NW = NC * NS
CHUNK = 128
CPW = 80
STAGES = 2
HALF = CPW // STAGES
EPW = CHUNK * CPW
E_PAD = EPW * NW
N_ACC = 10240
ROWS_PER_TILE = N_ACC // NS
ZCOPY = CHUNK

_VREGS_PER_ROW = D // 16


def _sc_agg_kernel(h_hbm, row_hbm, col_hbm, ew_hbm, out_hbm,
                   col_v, row_v, ew_v, g0, g1,
                   gsem0, gsem1, ssem0, ssem1, acc_sh):
  c = lax.axis_index("c")
  s = lax.axis_index("s")
  wid = s * NC + c

  def zbody(i, carry):
    for k in range(_VREGS_PER_ROW):
      g0[i, pl.ds(k * 16, 16)] = jnp.zeros((16,), jnp.float32)
    return carry
  lax.fori_loop(0, CHUNK, zbody, 0)

  for t in range(ROWS_PER_TILE // ZCOPY):
    pltpu.sync_copy(g0,
                    acc_sh.at[pl.ds(s * ROWS_PER_TILE + t * ZCOPY, ZCOPY)])
  plsc.subcore_barrier()

  def scale(j, gbuf):
    def ebody(eb, c2):
      e0 = eb * 4
      w16 = ew_v[j, pl.ds((e0 // 16) * 16, 16)]
      lane0 = e0 % 16
      for q in range(4):
        wv = jnp.take_along_axis(
            w16, jnp.full((16,), lane0 + q, jnp.int32), axis=0)
        for k in range(_VREGS_PER_ROW):
          sl = pl.ds(k * 16, 16)
          gbuf[e0 + q, sl] = gbuf[e0 + q, sl] * wv
      return c2
    lax.fori_loop(0, CHUNK // 4, ebody, 0)

  def start_gather(j, gbuf, gsem):
    pltpu.make_async_copy(h_hbm.at[col_v.at[j]], gbuf, gsem).start()

  def wait_gather(j, gbuf, gsem):
    pltpu.make_async_copy(h_hbm.at[col_v.at[j]], gbuf, gsem).wait()

  def start_scatter(j, sbuf, ssem):
    pltpu.make_async_copy(sbuf, acc_sh.at[row_v.at[j]], ssem).start(add=True)

  def wait_scatter(j, sbuf, ssem):
    pltpu.make_async_copy(sbuf, acc_sh.at[row_v.at[j]], ssem).wait()

  def stage_body(half, carry0):
    base_c = wid * CPW + half * HALF
    pltpu.sync_copy(col_hbm.at[pl.ds(base_c, HALF)], col_v)
    pltpu.sync_copy(row_hbm.at[pl.ds(base_c, HALF)], row_v)
    pltpu.sync_copy(ew_hbm.at[pl.ds(base_c, HALF)], ew_v)

    start_gather(0, g0, gsem0)
    start_gather(1, g1, gsem1)

    def chunk_body(jj, carry):
      for p, (gbuf, gsem, ssem) in enumerate(
          ((g0, gsem0, ssem0), (g1, gsem1, ssem1))):
        j = 2 * jj + p
        wait_gather(j, gbuf, gsem)
        scale(j, gbuf)
        start_scatter(j, gbuf, ssem)

        @pl.when(jj < HALF // 2 - 1)
        def _():
          wait_scatter(j, gbuf, ssem)
          start_gather(j + 2, gbuf, gsem)
      return carry
    lax.fori_loop(0, HALF // 2, chunk_body, 0)

    wait_scatter(HALF - 2, g0, ssem0)
    wait_scatter(HALF - 1, g1, ssem1)
    return carry0
  lax.fori_loop(0, STAGES, stage_body, 0)

  plsc.subcore_barrier()

  for t in range(ROWS_PER_TILE // ZCOPY):
    r0 = s * ROWS_PER_TILE + t * ZCOPY
    pltpu.sync_copy(acc_sh.at[pl.ds(r0, ZCOPY)],
                    out_hbm.at[c, pl.ds(r0, ZCOPY)])


def _sc_aggregate(h, row2d, col2d, ew2d):
  mesh = plsc.VectorSubcoreMesh(core_axis_name="c", subcore_axis_name="s")
  return pl.kernel(
      _sc_agg_kernel,
      out_type=jax.ShapeDtypeStruct((NC, N_ACC, D), jnp.float32),
      mesh=mesh,
      scratch_types=[
          pltpu.VMEM((HALF, CHUNK), jnp.int32),
          pltpu.VMEM((HALF, CHUNK), jnp.int32),
          pltpu.VMEM((HALF, CHUNK), jnp.float32),
          pltpu.VMEM((CHUNK, D), jnp.float32),
          pltpu.VMEM((CHUNK, D), jnp.float32),
          pltpu.SemaphoreType.DMA,
          pltpu.SemaphoreType.DMA,
          pltpu.SemaphoreType.DMA,
          pltpu.SemaphoreType.DMA,
          pltpu.VMEM_SHARED((N_ACC, D), jnp.float32),
      ],
  )(h, row2d, col2d, ew2d)


BR = 5000


def _tc_proj_kernel(x_ref, w_ref, b_ref, o_ref):
  o_ref[...] = (
      jax.lax.dot_general(
          x_ref[...], w_ref[...], (((1,), (0,)), ((), ())),
          precision=lax.Precision.DEFAULT,
          preferred_element_type=jnp.float32)
      + b_ref[...])


def _tc_proj(x, w, b):
  return pl.pallas_call(
      _tc_proj_kernel,
      out_shape=jax.ShapeDtypeStruct((N, D), jnp.float32),
      grid=(N // BR,),
      in_specs=[
          pl.BlockSpec((BR, D), lambda i: (i, 0)),
          pl.BlockSpec((D, D), lambda i: (0, 0)),
          pl.BlockSpec((1, D), lambda i: (0, 0)),
      ],
      out_specs=pl.BlockSpec((BR, D), lambda i: (i, 0)),
  )(x, w, b.reshape(1, D))


def _tc_layer_kernel(p0_ref, p1_ref, w_ref, b_ref, g_ref, be_ref, o_ref):
  agg = p0_ref[0] + p1_ref[0]
  y = jax.lax.dot_general(
      agg, w_ref[...], (((1,), (0,)), ((), ())),
      precision=lax.Precision.DEFAULT,
      preferred_element_type=jnp.float32) + b_ref[...]
  y = jnp.maximum(y, 0.0)
  mu = jnp.mean(y, axis=-1, keepdims=True)
  var = jnp.mean((y - mu) ** 2, axis=-1, keepdims=True)
  o_ref[...] = (y - mu) * lax.rsqrt(var + 1e-5) * g_ref[...] + be_ref[...]


def _tc_layer_final_kernel(p0_ref, p1_ref, w_ref, b_ref, g_ref, be_ref,
                           res_ref, emb_ref, o_ref):
  agg = p0_ref[0] + p1_ref[0]
  y = jax.lax.dot_general(
      agg, w_ref[...], (((1,), (0,)), ((), ())),
      precision=lax.Precision.DEFAULT,
      preferred_element_type=jnp.float32) + b_ref[...]
  y = jnp.maximum(y, 0.0)
  mu = jnp.mean(y, axis=-1, keepdims=True)
  var = jnp.mean((y - mu) ** 2, axis=-1, keepdims=True)
  ln = (y - mu) * lax.rsqrt(var + 1e-5) * g_ref[...] + be_ref[...]
  o_ref[...] = ln + res_ref[...] + emb_ref[...]


def _tc_layer(parts, w, b, gamma, beta, residual=None, emb=None):
  p0 = parts
  p1 = parts
  row_spec = pl.BlockSpec((BR, D), lambda i: (i, 0))
  p0_spec = pl.BlockSpec((1, BR, D), lambda i: (0, i, 0))
  p1_spec = pl.BlockSpec((1, BR, D), lambda i: (1, i, 0))
  vec_spec = pl.BlockSpec((1, D), lambda i: (0, 0))
  mat_spec = pl.BlockSpec((D, D), lambda i: (0, 0))
  if residual is None:
    return pl.pallas_call(
        _tc_layer_kernel,
        out_shape=jax.ShapeDtypeStruct((N, D), jnp.float32),
        grid=(N // BR,),
        in_specs=[p0_spec, p1_spec, mat_spec, vec_spec, vec_spec, vec_spec],
        out_specs=row_spec,
    )(p0, p1, w, b.reshape(1, D), gamma.reshape(1, D), beta.reshape(1, D))
  return pl.pallas_call(
      _tc_layer_final_kernel,
      out_shape=jax.ShapeDtypeStruct((N, D), jnp.float32),
      grid=(N // BR,),
      in_specs=[p0_spec, p1_spec, mat_spec, vec_spec, vec_spec, vec_spec,
                row_spec, row_spec],
      out_specs=row_spec,
  )(p0, p1, w, b.reshape(1, D), gamma.reshape(1, D), beta.reshape(1, D),
    residual, emb)


@jax.jit
def kernel(node_features, edge_index, edge_weight, W_proj, b_proj,
           W1, b1, W2, b2, gamma, beta, item_emb):
  row = edge_index[0]
  col = edge_index[1]
  ppw = EPW - E // NW
  pad_rows = jnp.broadcast_to(N + jnp.arange(ppw, dtype=jnp.int32),
                              (NW, ppw))
  pad_cols = jnp.broadcast_to(jnp.arange(ppw, dtype=jnp.int32), (NW, ppw))
  row2d = jnp.concatenate(
      [row.reshape(NW, E // NW), pad_rows], axis=1).reshape(NW * CPW, CHUNK)
  col2d = jnp.concatenate(
      [col.reshape(NW, E // NW), pad_cols], axis=1).reshape(NW * CPW, CHUNK)
  ew2d = jnp.concatenate(
      [edge_weight.reshape(NW, E // NW),
       jnp.zeros((NW, ppw), jnp.float32)], axis=1).reshape(NW * CPW, CHUNK)

  h = _tc_proj(node_features, W_proj, b_proj)
  residual = h

  parts = _sc_aggregate(h, row2d, col2d, ew2d)
  h = _tc_layer(parts, W1, b1, gamma, beta)

  parts = _sc_aggregate(h, row2d, col2d, ew2d)
  out = _tc_layer(parts, W2, b2, gamma, beta, residual=residual, emb=item_emb)
  return out

# --- scband reference (transcript-rebuilt; emitter-appended) ---
"""Pipeline reference for scband-kggcnrecommender-32349693673727 (READ-ONLY COPY).

The authoritative reference and input builder live on the scoring server;
editing this copy changes nothing except your own understanding.
"""

import jax, jax.numpy as jnp
import numpy as np

N = 10000   # num_items / graph nodes
E = 320000  # edges
D = 128     # feature_dim == hidden_dim
NUM_LAYERS = 2

def setup_inputs(seed: int = 0) -> dict:
    key = jax.random.key(seed)
    ks = jax.random.split(key, 16)
    inp = {}
    inp["node_features"] = jax.random.normal(ks[0], (N, D), dtype=jnp.float32)
    inp["edge_index"] = jax.random.randint(ks[1], (2, E), 0, N, dtype=jnp.int32)
    inp["edge_weight"] = jax.random.uniform(ks[2], (E,), dtype=jnp.float32)
    # learned params
    inp["W_proj"] = jax.random.normal(ks[3], (D, D), dtype=jnp.float32) * 0.02
    inp["b_proj"] = jnp.zeros((D,), dtype=jnp.float32)
    inp["W1"] = jax.random.normal(ks[4], (D, D), dtype=jnp.float32) * 0.02
    inp["b1"] = jnp.zeros((D,), dtype=jnp.float32)
    inp["W2"] = jax.random.normal(ks[5], (D, D), dtype=jnp.float32) * 0.02
    inp["b2"] = jnp.zeros((D,), dtype=jnp.float32)
    inp["gamma"] = jnp.ones((D,), dtype=jnp.float32)
    inp["beta"] = jnp.zeros((D,), dtype=jnp.float32)
    inp["item_emb"] = jax.random.normal(ks[6], (N, D), dtype=jnp.float32) * 0.01
    return inp

def _layer_norm(x, gamma, beta, eps=1e-5):
    mu = jnp.mean(x, axis=-1, keepdims=True)
    var = jnp.mean((x - mu) ** 2, axis=-1, keepdims=True)
    return (x - mu) / jnp.sqrt(var + eps) * gamma + beta

def reference(node_features, edge_index, edge_weight, W_proj, b_proj, W1, b1, W2, b2, gamma, beta, item_emb):
    # compute_item_embeddings: feature_proj -> 2x (sparse.mm(adj, h) -> linear -> relu -> layernorm) -> residual + item id emb
    # adj is COO: out[row] += edge_weight * h[col]   (torch.sparse.mm(adj, x))
    row = edge_index[0]
    col = edge_index[1]
    h = node_features @ W_proj + b_proj
    residual = h
    layer_ws = [(W1, b1), (W2, b2)]
    for (W, b) in layer_ws:
        msgs = edge_weight[:, None] * jnp.take(h, col, axis=0)      # gather
        agg = jnp.zeros((N, h.shape[1]), dtype=h.dtype).at[row].add(msgs)  # scatter-add (sparse mm)
        h = agg @ W + b
        h = jax.nn.relu(h)
        h = _layer_norm(h, gamma, beta)
    # dropout is identity at p=0.0 / eval
    return h + residual + item_emb

if __name__ == "__main__":
    import jax
    _d = setup_inputs()
    print(jax.jit(kernel)(*tuple(_d.values())))

</pallas_src>

<mosaic_0001>
#map = affine_map<(d0, d1) -> (0, 0)>
#map1 = affine_map<(d0, d1) -> (0, 0, 0)>
module attributes {stable_mosaic.version = 14 : i64} {
  func.func @_sc_agg_kernel(%arg0: i32, %arg1: i32, %arg2: memref<10000x128xf32, #tpu.memory_space<hbm>>, %arg3: memref<2560x128xi32, #tpu.memory_space<hbm>>, %arg4: memref<2560x128xi32, #tpu.memory_space<hbm>>, %arg5: memref<2560x128xf32, #tpu.memory_space<hbm>>, %arg6: memref<2x10240x128xf32, #tpu.memory_space<hbm>>, %arg7: memref<40x128xi32, #tpu.memory_space<vmem>>, %arg8: memref<40x128xi32, #tpu.memory_space<vmem>>, %arg9: memref<40x128xf32, #tpu.memory_space<vmem>>, %arg10: memref<128x128xf32, #tpu.memory_space<vmem>>, %arg11: memref<128x128xf32, #tpu.memory_space<vmem>>, %arg12: memref<!tpu.dma_semaphore, #tpu.memory_space<semaphore_mem>>, %arg13: memref<!tpu.dma_semaphore, #tpu.memory_space<semaphore_mem>>, %arg14: memref<!tpu.dma_semaphore, #tpu.memory_space<semaphore_mem>>, %arg15: memref<!tpu.dma_semaphore, #tpu.memory_space<semaphore_mem>>, %arg16: memref<10240x128xf32, #tpu.memory_space<vmem_shared>>) attributes {dimension_semantics = [#tpu.dimension_semantics<core_parallel>, #tpu.dimension_semantics<subcore_parallel>], iteration_bounds = array<i64: 2, 16>, scalar_prefetch = 0 : i64, scratch_operands = 10 : i64, tpu.core_type = #tpu.core_type<sc_vector_subcore>, window_params = [{transform_indices = #map}, {transform_indices = #map}, {transform_indices = #map}, {transform_indices = #map}, {transform_indices = #map1}]} {
    %mul3A = arith.constant 2 : i32
    %mul3A_0 = arith.muli %arg1, %mul3A : i32
    %add3A = arith.addi %mul3A_0, %arg0 : i32
    %scan3A = arith.constant 0 : i32
    %scan3A_1 = arith.constant 0 : i32
    %scan3A_2 = arith.constant 128 : i32
    %scan3A_3 = arith.addi %scan3A_1, %scan3A_2 : i32
    %scan3A_4 = arith.constant 1 : i32
    scf.for %scan3A_53 = %scan3A_1 to %scan3A_3 step %scan3A_4  : i32 {
      %broadcast_in_dim3A = arith.constant 0.000000e+00 : f32
      %broadcast_in_dim3A_54 = vector.broadcast %broadcast_in_dim3A : f32 to vector<16xf32>
      %swap3A = arith.index_cast %scan3A_53 : i32 to index
      %swap3A_55 = arith.constant 0 : index
      %swap3A_56 = tpu.vector_load %arg10[%swap3A, %swap3A_55] {strides = array<i32>} : memref<128x128xf32, #tpu.memory_space<vmem>>, vector<1x16xf32>,
      %swap3A_57 = vector.shape_cast %swap3A_56 : vector<1x16xf32> to vector<16xf32>
      %swap3A_58 = vector.shape_cast %broadcast_in_dim3A_54 : vector<16xf32> to vector<1x16xf32>
      tpu.vector_store %arg10[%swap3A, %swap3A_55], %swap3A_58 {strides = array<i32>} : memref<128x128xf32, #tpu.memory_space<vmem>>, vector<1x16xf32>,
      %broadcast_in_dim3A_59 = arith.constant 0.000000e+00 : f32
      %broadcast_in_dim3A_60 = vector.broadcast %broadcast_in_dim3A_59 : f32 to vector<16xf32>
      %swap3A_61 = arith.index_cast %scan3A_53 : i32 to index
      %swap3A_62 = arith.constant 16 : index
      %swap3A_63 = tpu.vector_load %arg10[%swap3A_61, %swap3A_62] {strides = array<i32>} : memref<128x128xf32, #tpu.memory_space<vmem>>, vector<1x16xf32>,
      %swap3A_64 = vector.shape_cast %swap3A_63 : vector<1x16xf32> to vector<16xf32>
      %swap3A_65 = vector.shape_cast %broadcast_in_dim3A_60 : vector<16xf32> to vector<1x16xf32>
      tpu.vector_store %arg10[%swap3A_61, %swap3A_62], %swap3A_65 {strides = array<i32>} : memref<128x128xf32, #tpu.memory_space<vmem>>, vector<1x16xf32>,
      %broadcast_in_dim3A_66 = arith.constant 0.000000e+00 : f32
      %broadcast_in_dim3A_67 = vector.broadcast %broadcast_in_dim3A_66 : f32 to vector<16xf32>
      %swap3A_68 = arith.index_cast %scan3A_53 : i32 to index
      %swap3A_69 = arith.constant 32 : index
      %swap3A_70 = tpu.vector_load %arg10[%swap3A_68, %swap3A_69] {strides = array<i32>} : memref<128x128xf32, #tpu.memory_space<vmem>>, vector<1x16xf32>,
      %swap3A_71 = vector.shape_cast %swap3A_70 : vector<1x16xf32> to vector<16xf32>
      %swap3A_72 = vector.shape_cast %broadcast_in_dim3A_67 : vector<16xf32> to vector<1x16xf32>
      tpu.vector_store %arg10[%swap3A_68, %swap3A_69], %swap3A_72 {strides = array<i32>} : memref<128x128xf32, #tpu.memory_space<vmem>>, vector<1x16xf32>,
      %broadcast_in_dim3A_73 = arith.constant 0.000000e+00 : f32
      %broadcast_in_dim3A_74 = vector.broadcast %broadcast_in_dim3A_73 : f32 to vector<16xf32>
      %swap3A_75 = arith.index_cast %scan3A_53 : i32 to index
      %swap3A_76 = arith.constant 48 : index
      %swap3A_77 = tpu.vector_load %arg10[%swap3A_75, %swap3A_76] {strides = array<i32>} : memref<128x128xf32, #tpu.memory_space<vmem>>, vector<1x16xf32>,
      %swap3A_78 = vector.shape_cast %swap3A_77 : vector<1x16xf32> to vector<16xf32>
      %swap3A_79 = vector.shape_cast %broadcast_in_dim3A_74 : vector<16xf32> to vector<1x16xf32>
      tpu.vector_store %arg10[%swap3A_75, %swap3A_76], %swap3A_79 {strides = array<i32>} : memref<128x128xf32, #tpu.memory_space<vmem>>, vector<1x16xf32>,
      %broadcast_in_dim3A_80 = arith.constant 0.000000e+00 : f32
      %broadcast_in_dim3A_81 = vector.broadcast %broadcast_in_dim3A_80 : f32 to vector<16xf32>
      %swap3A_82 = arith.index_cast %scan3A_53 : i32 to index
      %swap3A_83 = arith.constant 64 : index
      %swap3A_84 = tpu.vector_load %arg10[%swap3A_82, %swap3A_83] {strides = array<i32>} : memref<128x128xf32, #tpu.memory_space<vmem>>, vector<1x16xf32>,
      %swap3A_85 = vector.shape_cast %swap3A_84 : vector<1x16xf32> to vector<16xf32>
      %swap3A_86 = vector.shape_cast %broadcast_in_dim3A_81 : vector<16xf32> to vector<1x16xf32>
      tpu.vector_store %arg10[%swap3A_82, %swap3A_83], %swap3A_86 {strides = array<i32>} : memref<128x128xf32, #tpu.memory_space<vmem>>, vector<1x16xf32>,
      %broadcast_in_dim3A_87 = arith.constant 0.000000e+00 : f32
      %broadcast_in_dim3A_88 = vector.broadcast %broadcast_in_dim3A_87 : f32 to vector<16xf32>
      %swap3A_89 = arith.index_cast %scan3A_53 : i32 to index
      %swap3A_90 = arith.constant 80 : index
      %swap3A_91 = tpu.vector_load %arg10[%swap3A_89, %swap3A_90] {strides = array<i32>} : memref<128x128xf32, #tpu.memory_space<vmem>>, vector<1x16xf32>,
      %swap3A_92 = vector.shape_cast %swap3A_91 : vector<1x16xf32> to vector<16xf32>
      %swap3A_93 = vector.shape_cast %broadcast_in_dim3A_88 : vector<16xf32> to vector<1x16xf32>
      tpu.vector_store %arg10[%swap3A_89, %swap3A_90], %swap3A_93 {strides = array<i32>} : memref<128x128xf32, #tpu.memory_space<vmem>>, vector<1x16xf32>,
      %broadcast_in_dim3A_94 = arith.constant 0.000000e+00 : f32
      %broadcast_in_dim3A_95 = vector.broadcast %broadcast_in_dim3A_94 : f32 to vector<16xf32>
      %swap3A_96 = arith.index_cast %scan3A_53 : i32 to index
      %swap3A_97 = arith.constant 96 : index
      %swap3A_98 = tpu.vector_load %arg10[%swap3A_96, %swap3A_97] {strides = array<i32>} : memref<128x128xf32, #tpu.memory_space<vmem>>, vector<1x16xf32>,
      %swap3A_99 = vector.shape_cast %swap3A_98 : vector<1x16xf32> to vector<16xf32>
      %swap3A_100 = vector.shape_cast %broadcast_in_dim3A_95 : vector<16xf32> to vector<1x16xf32>
      tpu.vector_store %arg10[%swap3A_96, %swap3A_97], %swap3A_100 {strides = array<i32>} : memref<128x128xf32, #tpu.memory_space<vmem>>, vector<1x16xf32>,
      %broadcast_in_dim3A_101 = arith.constant 0.000000e+00 : f32
      %broadcast_in_dim3A_102 = vector.broadcast %broadcast_in_dim3A_101 : f32 to vector<16xf32>
      %swap3A_103 = arith.index_cast %scan3A_53 : i32 to index
      %swap3A_104 = arith.constant 112 : index
      %swap3A_105 = tpu.vector_load %arg10[%swap3A_103, %swap3A_104] {strides = array<i32>} : memref<128x128xf32, #tpu.memory_space<vmem>>, vector<1x16xf32>,
      %swap3A_106 = vector.shape_cast %swap3A_105 : vector<1x16xf32> to vector<16xf32>
      %swap3A_107 = vector.shape_cast %broadcast_in_dim3A_102 : vector<16xf32> to vector<1x16xf32>
      tpu.vector_store %arg10[%swap3A_103, %swap3A_104], %swap3A_107 {strides = array<i32>} : memref<128x128xf32, #tpu.memory_space<vmem>>, vector<1x16xf32>,
    }
    %scan3A_5 = arith.constant 128 : i32
    %mul3A_6 = arith.constant 640 : i32
    %mul3A_7 = arith.muli %arg1, %mul3A_6 : i32
    %add3A_8 = arith.constant 0 : i32
    %add3A_9 = arith.addi %mul3A_7, %add3A_8 : i32
    "tpu.region"() ({
      %run_scoped3A = tpu.sem_alloc : memref<!tpu.dma_semaphore, #tpu.memory_space<semaphore_mem>>
      %dma_start3A = arith.constant 0 : i32
      %dma_start3A_53 = tpu.memref_slice %arg16[%add3A_9, %dma_start3A] : memref<10240x128xf32, #tpu.memory_space<vmem_shared>> -> memref<128x128xf32, #tpu.memory_space<vmem_shared>>
      %dma_start3A_54 = arith.constant 0 : i32
      %dma_start3A_55 = tpu.memref_slice %arg16[%add3A_9, %dma_start3A_54] : memref<10240x128xf32, #tpu.memory_space<vmem_shared>> -> memref<128x128xf32, #tpu.memory_space<vmem_shared>>
      tpu.enqueue_dma source(%arg10 : memref<128x128xf32, #tpu.memory_space<vmem>>) target(%dma_start3A_55 : memref<128x128xf32, #tpu.memory_space<vmem_shared>>) target_semaphore(%run_scoped3A : memref<!tpu.dma_semaphore, #tpu.memory_space<semaphore_mem>>)
      %dma_wait3A = arith.constant 0 : i32
      %dma_wait3A_56 = tpu.memref_slice %arg16[%add3A_9, %dma_wait3A] : memref<10240x128xf32, #tpu.memory_space<vmem_shared>> -> memref<128x128xf32, #tpu.memory_space<vmem_shared>>
      %dma_wait3A_57 = arith.constant 0 : i32
      %dma_wait3A_58 = tpu.memref_slice %arg16[%add3A_9, %dma_wait3A_57] : memref<10240x128xf32, #tpu.memory_space<vmem_shared>> -> memref<128x128xf32, #tpu.memory_space<vmem_shared>>
      tpu.wait_dma2 semaphore(%run_scoped3A : memref<!tpu.dma_semaphore, #tpu.memory_space<semaphore_mem>>) src(%arg10 : memref<128x128xf32, #tpu.memory_space<vmem>>) dst(%dma_wait3A_58 : memref<128x128xf32, #tpu.memory_space<vmem_shared>>)
      tpu.yield
    }) : () -> ()
    %mul3A_10 = arith.constant 640 : i32
    %mul3A_11 = arith.muli %arg1, %mul3A_10 : i32
    %add3A_12 = arith.constant 128 : i32
    %add3A_13 = arith.addi %mul3A_11, %add3A_12 : i32
    "tpu.region"() ({
      %run_scoped3A = tpu.sem_alloc : memref<!tpu.dma_semaphore, #tpu.memory_space<semaphore_mem>>
      %dma_start3A = arith.constant 0 : i32
      %dma_start3A_53 = tpu.memref_slice %arg16[%add3A_13, %dma_start3A] : memref<10240x128xf32, #tpu.memory_space<vmem_shared>> -> memref<128x128xf32, #tpu.memory_space<vmem_shared>>
      %dma_start3A_54 = arith.constant 0 : i32
      %dma_start3A_55 = tpu.memref_slice %arg16[%add3A_13, %dma_start3A_54] : memref<10240x128xf32, #tpu.memory_space<vmem_shared>> -> memref<128x128xf32, #tpu.memory_space<vmem_shared>>
      tpu.enqueue_dma source(%arg10 : memref<128x128xf32, #tpu.memory_space<vmem>>) target(%dma_start3A_55 : memref<128x128xf32, #tpu.memory_space<vmem_shared>>) target_semaphore(%run_scoped3A : memref<!tpu.dma_semaphore, #tpu.memory_space<semaphore_mem>>)
      %dma_wait3A = arith.constant 0 : i32
      %dma_wait3A_56 = tpu.memref_slice %arg16[%add3A_13, %dma_wait3A] : memref<10240x128xf32, #tpu.memory_space<vmem_shared>> -> memref<128x128xf32, #tpu.memory_space<vmem_shared>>
      %dma_wait3A_57 = arith.constant 0 : i32
      %dma_wait3A_58 = tpu.memref_slice %arg16[%add3A_13, %dma_wait3A_57] : memref<10240x128xf32, #tpu.memory_space<vmem_shared>> -> memref<128x128xf32, #tpu.memory_space<vmem_shared>>
      tpu.wait_dma2 semaphore(%run_scoped3A : memref<!tpu.dma_semaphore, #tpu.memory_space<semaphore_mem>>) src(%arg10 : memref<128x128xf32, #tpu.memory_space<vmem>>) dst(%dma_wait3A_58 : memref<128x128xf32, #tpu.memory_space<vmem_shared>>)
      tpu.yield
    }) : () -> ()
    %mul3A_14 = arith.constant 640 : i32
    %mul3A_15 = arith.muli %arg1, %mul3A_14 : i32
    %add3A_16 = arith.constant 256 : i32
    %add3A_17 = arith.addi %mul3A_15, %add3A_16 : i32
    "tpu.region"() ({
      %run_scoped3A = tpu.sem_alloc : memref<!tpu.dma_semaphore, #tpu.memory_space<semaphore_mem>>
      %dma_start3A = arith.constant 0 : i32
      %dma_start3A_53 = tpu.memref_slice %arg16[%add3A_17, %dma_start3A] : memref<10240x128xf32, #tpu.memory_space<vmem_shared>> -> memref<128x128xf32, #tpu.memory_space<vmem_shared>>
      %dma_start3A_54 = arith.constant 0 : i32
      %dma_start3A_55 = tpu.memref_slice %arg16[%add3A_17, %dma_start3A_54] : memref<10240x128xf32, #tpu.memory_space<vmem_shared>> -> memref<128x128xf32, #tpu.memory_space<vmem_shared>>
      tpu.enqueue_dma source(%arg10 : memref<128x128xf32, #tpu.memory_space<vmem>>) target(%dma_start3A_55 : memref<128x128xf32, #tpu.memory_space<vmem_shared>>) target_semaphore(%run_scoped3A : memref<!tpu.dma_semaphore, #tpu.memory_space<semaphore_mem>>)
      %dma_wait3A = arith.constant 0 : i32
      %dma_wait3A_56 = tpu.memref_slice %arg16[%add3A_17, %dma_wait3A] : memref<10240x128xf32, #tpu.memory_space<vmem_shared>> -> memref<128x128xf32, #tpu.memory_space<vmem_shared>>
      %dma_wait3A_57 = arith.constant 0 : i32
      %dma_wait3A_58 = tpu.memref_slice %arg16[%add3A_17, %dma_wait3A_57] : memref<10240x128xf32, #tpu.memory_space<vmem_shared>> -> memref<128x128xf32, #tpu.memory_space<vmem_shared>>
      tpu.wait_dma2 semaphore(%run_scoped3A : memref<!tpu.dma_semaphore, #tpu.memory_space<semaphore_mem>>) src(%arg10 : memref<128x128xf32, #tpu.memory_space<vmem>>) dst(%dma_wait3A_58 : memref<128x128xf32, #tpu.memory_space<vmem_shared>>)
      tpu.yield
    }) : () -> ()
    %mul3A_18 = arith.constant 640 : i32
    %mul3A_19 = arith.muli %arg1, %mul3A_18 : i32
    %add3A_20 = arith.constant 384 : i32
    %add3A_21 = arith.addi %mul3A_19, %add3A_20 : i32
    "tpu.region"() ({
      %run_scoped3A = tpu.sem_alloc : memref<!tpu.dma_semaphore, #tpu.memory_space<semaphore_mem>>
      %dma_start3A = arith.constant 0 : i32
      %dma_start3A_53 = tpu.memref_slice %arg16[%add3A_21, %dma_start3A] : memref<10240x128xf32, #tpu.memory_space<vmem_shared>> -> memref<128x128xf32, #tpu.memory_space<vmem_shared>>
      %dma_start3A_54 = arith.constant 0 : i32
      %dma_start3A_55 = tpu.memref_slice %arg16[%add3A_21, %dma_start3A_54] : memref<10240x128xf32, #tpu.memory_space<vmem_shared>> -> memref<128x128xf32, #tpu.memory_space<vmem_shared>>
      tpu.enqueue_dma source(%arg10 : memref<128x128xf32, #tpu.memory_space<vmem>>) target(%dma_start3A_55 : memref<128x128xf32, #tpu.memory_space<vmem_shared>>) target_semaphore(%run_scoped3A : memref<!tpu.dma_semaphore, #tpu.memory_space<semaphore_mem>>)
      %dma_wait3A = arith.constant 0 : i32
      %dma_wait3A_56 = tpu.memref_slice %arg16[%add3A_21, %dma_wait3A] : memref<10240x128xf32, #tpu.memory_space<vmem_shared>> -> memref<128x128xf32, #tpu.memory_space<vmem_shared>>
      %dma_wait3A_57 = arith.constant 0 : i32
      %dma_wait3A_58 = tpu.memref_slice %arg16[%add3A_21, %dma_wait3A_57] : memref<10240x128xf32, #tpu.memory_space<vmem_shared>> -> memref<128x128xf32, #tpu.memory_space<vmem_shared>>
      tpu.wait_dma2 semaphore(%run_scoped3A : memref<!tpu.dma_semaphore, #tpu.memory_space<semaphore_mem>>) src(%arg10 : memref<128x128xf32, #tpu.memory_space<vmem>>) dst(%dma_wait3A_58 : memref<128x128xf32, #tpu.memory_space<vmem_shared>>)
      tpu.yield
    }) : () -> ()
    %mul3A_22 = arith.constant 640 : i32
    %mul3A_23 = arith.muli %arg1, %mul3A_22 : i32
    %add3A_24 = arith.constant 512 : i32
    %add3A_25 = arith.addi %mul3A_23, %add3A_24 : i32
    "tpu.region"() ({
      %run_scoped3A = tpu.sem_alloc : memref<!tpu.dma_semaphore, #tpu.memory_space<semaphore_mem>>
      %dma_start3A = arith.constant 0 : i32
      %dma_start3A_53 = tpu.memref_slice %arg16[%add3A_25, %dma_start3A] : memref<10240x128xf32, #tpu.memory_space<vmem_shared>> -> memref<128x128xf32, #tpu.memory_space<vmem_shared>>
      %dma_start3A_54 = arith.constant 0 : i32
      %dma_start3A_55 = tpu.memref_slice %arg16[%add3A_25, %dma_start3A_54] : memref<10240x128xf32, #tpu.memory_space<vmem_shared>> -> memref<128x128xf32, #tpu.memory_space<vmem_shared>>
      tpu.enqueue_dma source(%arg10 : memref<128x128xf32, #tpu.memory_space<vmem>>) target(%dma_start3A_55 : memref<128x128xf32, #tpu.memory_space<vmem_shared>>) target_semaphore(%run_scoped3A : memref<!tpu.dma_semaphore, #tpu.memory_space<semaphore_mem>>)
      %dma_wait3A = arith.constant 0 : i32
      %dma_wait3A_56 = tpu.memref_slice %arg16[%add3A_25, %dma_wait3A] : memref<10240x128xf32, #tpu.memory_space<vmem_shared>> -> memref<128x128xf32, #tpu.memory_space<vmem_shared>>
      %dma_wait3A_57 = arith.constant 0 : i32
      %dma_wait3A_58 = tpu.memref_slice %arg16[%add3A_25, %dma_wait3A_57] : memref<10240x128xf32, #tpu.memory_space<vmem_shared>> -> memref<128x128xf32, #tpu.memory_space<vmem_shared>>
      tpu.wait_dma2 semaphore(%run_scoped3A : memref<!tpu.dma_semaphore, #tpu.memory_space<semaphore_mem>>) src(%arg10 : memref<128x128xf32, #tpu.memory_space<vmem>>) dst(%dma_wait3A_58 : memref<128x128xf32, #tpu.memory_space<vmem_shared>>)
      tpu.yield
    }) : () -> ()
    %barrier3A = arith.constant 0 : index
    tpu.barrier barrier_id(%barrier3A)
    %scan3A_26 = arith.constant 0 : i32
    %scan3A_27 = arith.constant 0 : i32
    %scan3A_28 = arith.constant 2 : i32
    %scan3A_29 = arith.addi %scan3A_27, %scan3A_28 : i32
    %scan3A_30 = arith.constant 1 : i32
    scf.for %scan3A_53 = %scan3A_27 to %scan3A_29 step %scan3A_30  : i32 {
      %mul3A_54 = arith.constant 80 : i32
      %mul3A_55 = arith.muli %add3A, %mul3A_54 : i32
      %mul3A_56 = arith.constant 40 : i32
      %mul3A_57 = arith.muli %scan3A_53, %mul3A_56 : i32
      %add3A_58 = arith.addi %mul3A_55, %mul3A_57 : i32
      "tpu.region"() ({
        %run_scoped3A = tpu.sem_alloc : memref<!tpu.dma_semaphore, #tpu.memory_space<semaphore_mem>>
        %dma_start3A_91 = arith.constant 0 : i32
        %dma_start3A_92 = tpu.memref_slice %arg4[%add3A_58, %dma_start3A_91] : memref<2560x128xi32, #tpu.memory_space<hbm>> -> memref<40x128xi32, #tpu.memory_space<hbm>>
        %dma_start3A_93 = arith.constant 0 : i32
        %dma_start3A_94 = tpu.memref_slice %arg4[%add3A_58, %dma_start3A_93] : memref<2560x128xi32, #tpu.memory_space<hbm>> -> memref<40x128xi32, #tpu.memory_space<hbm>>
        tpu.enqueue_dma source(%dma_start3A_94 : memref<40x128xi32, #tpu.memory_space<hbm>>) target(%arg7 : memref<40x128xi32, #tpu.memory_space<vmem>>) target_semaphore(%run_scoped3A : memref<!tpu.dma_semaphore, #tpu.memory_space<semaphore_mem>>)
        %dma_wait3A_95 = arith.constant 0 : i32
        %dma_wait3A_96 = tpu.memref_slice %arg4[%add3A_58, %dma_wait3A_95] : memref<2560x128xi32, #tpu.memory_space<hbm>> -> memref<40x128xi32, #tpu.memory_space<hbm>>
        %dma_wait3A_97 = arith.constant 0 : i32
        %dma_wait3A_98 = tpu.memref_slice %arg4[%add3A_58, %dma_wait3A_97] : memref<2560x128xi32, #tpu.memory_space<hbm>> -> memref<40x128xi32, #tpu.memory_space<hbm>>
        tpu.wait_dma2 semaphore(%run_scoped3A : memref<!tpu.dma_semaphore, #tpu.memory_space<semaphore_mem>>) src(%dma_wait3A_98 : memref<40x128xi32, #tpu.memory_space<hbm>>) dst(%arg7 : memref<40x128xi32, #tpu.memory_space<vmem>>)
        tpu.yield
      }) : () -> ()
      "tpu.region"() ({
        %run_scoped3A = tpu.sem_alloc : memref<!tpu.dma_semaphore, #tpu.memory_space<semaphore_mem>>
        %dma_start3A_91 = arith.constant 0 : i32
        %dma_start3A_92 = tpu.memref_slice %arg3[%add3A_58, %dma_start3A_91] : memref<2560x128xi32, #tpu.memory_space<hbm>> -> memref<40x128xi32, #tpu.memory_space<hbm>>
        %dma_start3A_93 = arith.constant 0 : i32
        %dma_start3A_94 = tpu.memref_slice %arg3[%add3A_58, %dma_start3A_93] : memref<2560x128xi32, #tpu.memory_space<hbm>> -> memref<40x128xi32, #tpu.memory_space<hbm>>
        tpu.enqueue_dma source(%dma_start3A_94 : memref<40x128xi32, #tpu.memory_space<hbm>>) target(%arg8 : memref<40x128xi32, #tpu.memory_space<vmem>>) target_semaphore(%run_scoped3A : memref<!tpu.dma_semaphore, #tpu.memory_space<semaphore_mem>>)
        %dma_wait3A_95 = arith.constant 0 : i32
        %dma_wait3A_96 = tpu.memref_slice %arg3[%add3A_58, %dma_wait3A_95] : memref<2560x128xi32, #tpu.memory_space<hbm>> -> memref<40x128xi32, #tpu.memory_space<hbm>>
        %dma_wait3A_97 = arith.constant 0 : i32
        %dma_wait3A_98 = tpu.memref_slice %arg3[%add3A_58, %dma_wait3A_97] : memref<2560x128xi32, #tpu.memory_space<hbm>> -> memref<40x128xi32, #tpu.memory_space<hbm>>
        tpu.wait_dma2 semaphore(%run_scoped3A : memref<!tpu.dma_semaphore, #tpu.memory_space<semaphore_mem>>) src(%dma_wait3A_98 : memref<40x128xi32, #tpu.memory_space<hbm>>) dst(%arg8 : memref<40x128xi32, #tpu.memory_space<vmem>>)
        tpu.yield
      }) : () -> ()
      "tpu.region"() ({
        %run_scoped3A = tpu.sem_alloc : memref<!tpu.dma_semaphore, #tpu.memory_space<semaphore_mem>>
        %dma_start3A_91 = arith.constant 0 : i32
        %dma_start3A_92 = tpu.memref_slice %arg5[%add3A_58, %dma_start3A_91] : memref<2560x128xf32, #tpu.memory_space<hbm>> -> memref<40x128xf32, #tpu.memory_space<hbm>>
        %dma_start3A_93 = arith.constant 0 : i32
        %dma_start3A_94 = tpu.memref_slice %arg5[%add3A_58, %dma_start3A_93] : memref<2560x128xf32, #tpu.memory_space<hbm>> -> memref<40x128xf32, #tpu.memory_space<hbm>>
        tpu.enqueue_dma source(%dma_start3A_94 : memref<40x128xf32, #tpu.memory_space<hbm>>) target(%arg9 : memref<40x128xf32, #tpu.memory_space<vmem>>) target_semaphore(%run_scoped3A : memref<!tpu.dma_semaphore, #tpu.memory_space<semaphore_mem>>)
        %dma_wait3A_95 = arith.constant 0 : i32
        %dma_wait3A_96 = tpu.memref_slice %arg5[%add3A_58, %dma_wait3A_95] : memref<2560x128xf32, #tpu.memory_space<hbm>> -> memref<40x128xf32, #tpu.memory_space<hbm>>
        %dma_wait3A_97 = arith.constant 0 : i32
        %dma_wait3A_98 = tpu.memref_slice %arg5[%add3A_58, %dma_wait3A_97] : memref<2560x128xf32, #tpu.memory_space<hbm>> -> memref<40x128xf32, #tpu.memory_space<hbm>>
        tpu.wait_dma2 semaphore(%run_scoped3A : memref<!tpu.dma_semaphore, #tpu.memory_space<semaphore_mem>>) src(%dma_wait3A_98 : memref<40x128xf32, #tpu.memory_space<hbm>>) dst(%arg9 : memref<40x128xf32, #tpu.memory_space<vmem>>)
        tpu.yield
      }) : () -> ()
      %dma_start3A = arith.constant 0 : i32
      %dma_start3A_59 = arith.constant 0 : i32
      %dma_start3A_60 = tpu.memref_slice %arg7[%dma_start3A, %dma_start3A_59] : memref<40x128xi32, #tpu.memory_space<vmem>> -> memref<1x128xi32, #tpu.memory_space<vmem>>
      %dma_start3A_61 = tpu.memref_squeeze %dma_start3A_60 : memref<1x128xi32, #tpu.memory_space<vmem>> -> memref<128xi32, #tpu.memory_space<vmem>>
      %dma_start3A_62 = arith.constant 0 : i32
      %dma_start3A_63 = arith.constant 0 : i32
      %dma_start3A_64 = tpu.memref_slice %arg2[%dma_start3A_62, %dma_start3A_63] : memref<10000x128xf32, #tpu.memory_space<hbm>> -> memref<10000x128xf32, #tpu.memory_space<hbm>>
      tpu.enqueue_indirect_dma source(%dma_start3A_64 : memref<10000x128xf32, #tpu.memory_space<hbm>>) target(%arg10 : memref<128x128xf32, #tpu.memory_space<vmem>>) offsets(%dma_start3A_61 : memref<128xi32, #tpu.memory_space<vmem>>) semaphore(%arg12 : memref<!tpu.dma_semaphore, #tpu.memory_space<semaphore_mem>>)
      %dma_start3A_65 = arith.constant 1 : i32
      %dma_start3A_66 = arith.constant 0 : i32
      %dma_start3A_67 = tpu.memref_slice %arg7[%dma_start3A_65, %dma_start3A_66] : memref<40x128xi32, #tpu.memory_space<vmem>> -> memref<1x128xi32, #tpu.memory_space<vmem>>
      %dma_start3A_68 = tpu.memref_squeeze %dma_start3A_67 : memref<1x128xi32, #tpu.memory_space<vmem>> -> memref<128xi32, #tpu.memory_space<vmem>>
      %dma_start3A_69 = arith.constant 0 : i32
      %dma_start3A_70 = arith.constant 0 : i32
      %dma_start3A_71 = tpu.memref_slice %arg2[%dma_start3A_69, %dma_start3A_70] : memref<10000x128xf32, #tpu.memory_space<hbm>> -> memref<10000x128xf32, #tpu.memory_space<hbm>>
      tpu.enqueue_indirect_dma source(%dma_start3A_71 : memref<10000x128xf32, #tpu.memory_space<hbm>>) target(%arg11 : memref<128x128xf32, #tpu.memory_space<vmem>>) offsets(%dma_start3A_68 : memref<128xi32, #tpu.memory_space<vmem>>) semaphore(%arg13 : memref<!tpu.dma_semaphore, #tpu.memory_space<semaphore_mem>>)
      %scan3A_72 = arith.constant 0 : i32
      %scan3A_73 = arith.constant 0 : i32
      %scan3A_74 = arith.constant 20 : i32
      %scan3A_75 = arith.addi %scan3A_73, %scan3A_74 : i32
      %scan3A_76 = arith.constant 1 : i32
      scf.for %scan3A_91 = %scan3A_73 to %scan3A_75 step %scan3A_76  : i32 {
        %mul3A_92 = arith.constant 2 : i32
        %mul3A_93 = arith.muli %mul3A_92, %scan3A_91 : i32
        %add3A_94 = arith.constant 0 : i32
        %add3A_95 = arith.addi %mul3A_93, %add3A_94 : i32
        %dma_wait3A_96 = arith.constant 0 : i32
        %dma_wait3A_97 = tpu.memref_slice %arg7[%add3A_95, %dma_wait3A_96] : memref<40x128xi32, #tpu.memory_space<vmem>> -> memref<1x128xi32, #tpu.memory_space<vmem>>
        %dma_wait3A_98 = tpu.memref_squeeze %dma_wait3A_97 : memref<1x128xi32, #tpu.memory_space<vmem>> -> memref<128xi32, #tpu.memory_space<vmem>>
        %dma_wait3A_99 = arith.constant 0 : i32
        %dma_wait3A_100 = arith.constant 0 : i32
        %dma_wait3A_101 = tpu.memref_slice %arg2[%dma_wait3A_99, %dma_wait3A_100] : memref<10000x128xf32, #tpu.memory_space<hbm>> -> memref<10000x128xf32, #tpu.memory_space<hbm>>
        tpu.wait_indirect_dma semaphore(%arg12 : memref<!tpu.dma_semaphore, #tpu.memory_space<semaphore_mem>>) src(%dma_wait3A_101 : memref<10000x128xf32, #tpu.memory_space<hbm>>) dst(%arg10 : memref<128x128xf32, #tpu.memory_space<vmem>>)
        %scan3A_102 = arith.constant 0 : i32
        %scan3A_103 = arith.constant 0 : i32
        %scan3A_104 = arith.constant 32 : i32
        %scan3A_105 = arith.addi %scan3A_103, %scan3A_104 : i32
        %scan3A_106 = arith.constant 1 : i32
        scf.for %scan3A_143 = %scan3A_103 to %scan3A_105 step %scan3A_106  : i32 {
          %mul3A_144 = arith.constant 4 : i32
          %mul3A_145 = arith.muli %scan3A_143, %mul3A_144 : i32
          %jit3A = arith.constant 16 : i32
          %div3A = arith.divsi %mul3A_145, %jit3A : i32
          %sign3A = arith.constant 0 : i32
          %sign3A_146 = arith.cmpi sgt, %mul3A_145, %sign3A : i32
          %sign3A_147 = arith.extui %sign3A_146 : i1 to i32
          %sign3A_148 = arith.constant 0 : i32
          %sign3A_149 = arith.cmpi slt, %mul3A_145, %sign3A_148 : i32
          %sign3A_150 = arith.extui %sign3A_149 : i1 to i32
          %sign3A_151 = arith.subi %sign3A_147, %sign3A_150 : i32
          %sign3A_152 = arith.constant 0 : i32
          %sign3A_153 = arith.cmpi sgt, %jit3A, %sign3A_152 : i32
          %sign3A_154 = arith.extui %sign3A_153 : i1 to i32
          %sign3A_155 = arith.constant 0 : i32
          %sign3A_156 = arith.cmpi slt, %jit3A, %sign3A_155 : i32
          %sign3A_157 = arith.extui %sign3A_156 : i1 to i32
          %sign3A_158 = arith.subi %sign3A_154, %sign3A_157 : i32
          %ne3A = arith.cmpi ne, %sign3A_151, %sign3A_158 : i32
          %rem3A = arith.remsi %mul3A_145, %jit3A : i32
          %ne3A_159 = arith.constant 0 : i32
          %ne3A_160 = arith.cmpi ne, %rem3A, %ne3A_159 : i32
          %and3A = arith.andi %ne3A, %ne3A_160 : i1
          %sub3A = arith.constant 1 : i32
          %sub3A_161 = arith.subi %div3A, %sub3A : i32
          %select_n3A = arith.select %and3A, %sub3A_161, %div3A : i32
          %mul3A_162 = arith.constant 16 : i32
          %mul3A_163 = arith.muli %select_n3A, %mul3A_162 : i32
          %get3A = arith.index_cast %add3A_95 : i32 to index
          %get3A_164 = arith.index_cast %mul3A_163 : i32 to index
          %get3A_165 = tpu.vector_load %arg9[%get3A, %get3A_164] {strides = array<i32>} : memref<40x128xf32, #tpu.memory_space<vmem>>, vector<1x16xf32>,
          %get3A_166 = vector.shape_cast %get3A_165 : vector<1x16xf32> to vector<16xf32>
          %jit3A_167 = arith.constant 16 : i32
          %eq3A = arith.constant 0 : i32
          %eq3A_168 = arith.cmpi eq, %jit3A_167, %eq3A : i32
          %jit3A_169 = arith.constant 1 : i32
          %select_n3A_170 = arith.select %eq3A_168, %jit3A_169, %jit3A_167 : i32
          %rem3A_171 = arith.remsi %mul3A_145, %select_n3A_170 : i32
          %ne3A_172 = arith.constant 0 : i32
          %ne3A_173 = arith.cmpi ne, %rem3A_171, %ne3A_172 : i32
          %lt3A_174 = arith.constant 0 : i32
          %lt3A_175 = arith.cmpi slt, %rem3A_171, %lt3A_174 : i32
          %lt3A_176 = arith.constant 0 : i32
          %lt3A_177 = arith.cmpi slt, %select_n3A_170, %lt3A_176 : i32
          %ne3A_178 = arith.xori %lt3A_175, %lt3A_177 : i1
          %and3A_179 = arith.andi %ne3A_178, %ne3A_173 : i1
          %add3A_180 = arith.addi %rem3A_171, %select_n3A_170 : i32
          %select_n3A_181 = arith.select %and3A_179, %add3A_180, %rem3A_171 : i32
          %add3A_182 = arith.constant 0 : i32
          %add3A_183 = arith.addi %select_n3A_181, %add3A_182 : i32
          %broadcast_in_dim3A = vector.broadcast %add3A_183 : i32 to vector<16xi32>
          %lt3A_184 = arith.constant 0 : i32
          %lt3A_185 = vector.broadcast %lt3A_184 : i32 to vector<16xi32>
          %lt3A_186 = arith.cmpi slt, %broadcast_in_dim3A, %lt3A_185 : vector<16xi32>
          %add3A_187 = arith.constant 16 : i32
          %add3A_188 = vector.broadcast %add3A_187 : i32 to vector<16xi32>
          %add3A_189 = arith.addi %broadcast_in_dim3A, %add3A_188 : vector<16xi32>
          %select_n3A_190 = arith.select %lt3A_186, %add3A_189, %broadcast_in_dim3A : vector<16xi1>, vector<16xi32>
          %reshape3A = vector.shape_cast %select_n3A_190 : vector<16xi32> to vector<16x1xi32>
          %gather3A = vector.shape_cast %reshape3A : vector<16x1xi32> to vector<16xi32>
          %gather3A_191 = tpu.dynamic_gather %get3A_166[%gather3A] in [0] : vector<16xf32>, vector<16xi32> -> vector<16xf32>
          %add3A_192 = arith.constant 0 : i32
          %add3A_193 = arith.addi %mul3A_145, %add3A_192 : i32
          %get3A_194 = arith.index_cast %add3A_193 : i32 to index
          %get3A_195 = arith.constant 0 : index
          %get3A_196 = tpu.vector_load %arg10[%get3A_194, %get3A_195] {strides = array<i32>} : memref<128x128xf32, #tpu.memory_space<vmem>>, vector<1x16xf32>,
          %get3A_197 = vector.shape_cast %get3A_196 : vector<1x16xf32> to vector<16xf32>
          %mul3A_198 = arith.mulf %get3A_197, %gather3A_191 : vector<16xf32>
          %add3A_199 = arith.constant 0 : i32
          %add3A_200 = arith.addi %mul3A_145, %add3A_199 : i32
          %swap3A = arith.index_cast %add3A_200 : i32 to index
          %swap3A_201 = arith.constant 0 : index
          %swap3A_202 = tpu.vector_load %arg10[%swap3A, %swap3A_201] {strides = array<i32>} : memref<128x128xf32, #tpu.memory_space<vmem>>, vector<1x16xf32>,
          %swap3A_203 = vector.shape_cast %swap3A_202 : vector<1x16xf32> to vector<16xf32>
          %swap3A_204 = vector.shape_cast %mul3A_198 : vector<16xf32> to vector<1x16xf32>
          tpu.vector_store %arg10[%swap3A, %swap3A_201], %swap3A_204 {strides = array<i32>} : memref<128x128xf32, #tpu.memory_space<vmem>>, vector<1x16xf32>,
          %add3A_205 = arith.constant 0 : i32
          %add3A_206 = arith.addi %mul3A_145, %add3A_205 : i32
          %get3A_207 = arith.index_cast %add3A_206 : i32 to index
          %get3A_208 = arith.constant 16 : index
          %get3A_209 = tpu.vector_load %arg10[%get3A_207, %get3A_208] {strides = array<i32>} : memref<128x128xf32, #tpu.memory_space<vmem>>, vector<1x16xf32>,
          %get3A_210 = vector.shape_cast %get3A_209 : vector<1x16xf32> to vector<16xf32>
          %mul3A_211 = arith.mulf %get3A_210, %gather3A_191 : vector<16xf32>
          %add3A_212 = arith.constant 0 : i32
          %add3A_213 = arith.addi %mul3A_145, %add3A_212 : i32
          %swap3A_214 = arith.index_cast %add3A_213 : i32 to index
          %swap3A_215 = arith.constant 16 : index
          %swap3A_216 = tpu.vector_load %arg10[%swap3A_214, %swap3A_215] {strides = array<i32>} : memref<128x128xf32, #tpu.memory_space<vmem>>, vector<1x16xf32>,
          %swap3A_217 = vector.shape_cast %swap3A_216 : vector<1x16xf32> to vector<16xf32>
          %swap3A_218 = vector.shape_cast %mul3A_211 : vector<16xf32> to vector<1x16xf32>
          tpu.vector_store %arg10[%swap3A_214, %swap3A_215], %swap3A_218 {strides = array<i32>} : memref<128x128xf32, #tpu.memory_space<vmem>>, vector<1x16xf32>,
          %add3A_219 = arith.constant 0 : i32
          %add3A_220 = arith.addi %mul3A_145, %add3A_219 : i32
          %get3A_221 = arith.index_cast %add3A_220 : i32 to index
          %get3A_222 = arith.constant 32 : index
          %get3A_223 = tpu.vector_load %arg10[%get3A_221, %get3A_222] {strides = array<i32>} : memref<128x128xf32, #tpu.memory_space<vmem>>, vector<1x16xf32>,
          %get3A_224 = vector.shape_cast %get3A_223 : vector<1x16xf32> to vector<16xf32>
          %mul3A_225 = arith.mulf %get3A_224, %gather3A_191 : vector<16xf32>
          %add3A_226 = arith.constant 0 : i32
          %add3A_227 = arith.addi %mul3A_145, %add3A_226 : i32
          %swap3A_228 = arith.index_cast %add3A_227 : i32 to index
          %swap3A_229 = arith.constant 32 : index
          %swap3A_230 = tpu.vector_load %arg10[%swap3A_228, %swap3A_229] {strides = array<i32>} : memref<128x128xf32, #tpu.memory_space<vmem>>, vector<1x16xf32>,
          %swap3A_231 = vector.shape_cast %swap3A_230 : vector<1x16xf32> to vector<16xf32>
          %swap3A_232 = vector.shape_cast %mul3A_225 : vector<16xf32> to vector<1x16xf32>
          tpu.vector_store %arg10[%swap3A_228, %swap3A_229], %swap3A_232 {strides = array<i32>} : memref<128x128xf32, #tpu.memory_space<vmem>>, vector<1x16xf32>,
          %add3A_233 = arith.constant 0 : i32
          %add3A_234 = arith.addi %mul3A_145, %add3A_233 : i32
          %get3A_235 = arith.index_cast %add3A_234 : i32 to index
          %get3A_236 = arith.constant 48 : index
          %get3A_237 = tpu.vector_load %arg10[%get3A_235, %get3A_236] {strides = array<i32>} : memref<128x128xf32, #tpu.memory_space<vmem>>, vector<1x16xf32>,
          %get3A_238 = vector.shape_cast %get3A_237 : vector<1x16xf32> to vector<16xf32>
          %mul3A_239 = arith.mulf %get3A_238, %gather3A_191 : vector<16xf32>
          %add3A_240 = arith.constant 0 : i32
          %add3A_241 = arith.addi %mul3A_145, %add3A_240 : i32
          %swap3A_242 = arith.index_cast %add3A_241 : i32 to index
          %swap3A_243 = arith.constant 48 : index
          %swap3A_244 = tpu.vector_load %arg10[%swap3A_242, %swap3A_243] {strides = array<i32>} : memref<128x128xf32, #tpu.memory_space<vmem>>, vector<1x16xf32>,
          %swap3A_245 = vector.shape_cast %swap3A_244 : vector<1x16xf32> to vector<16xf32>
          %swap3A_246 = vector.shape_cast %mul3A_239 : vector<16xf32> to vector<1x16xf32>
          tpu.vector_store %arg10[%swap3A_242, %swap3A_243], %swap3A_246 {strides = array<i32>} : memref<128x128xf32, #tpu.memory_space<vmem>>, vector<1x16xf32>,
          %add3A_247 = arith.constant 0 : i32
          %add3A_248 = arith.addi %mul3A_145, %add3A_247 : i32
          %get3A_249 = arith.index_cast %add3A_248 : i32 to index
          %get3A_250 = arith.constant 64 : index
          %get3A_251 = tpu.vector_load %arg10[%get3A_249, %get3A_250] {strides = array<i32>} : memref<128x128xf32, #tpu.memory_space<vmem>>, vector<1x16xf32>,
          %get3A_252 = vector.shape_cast %get3A_251 : vector<1x16xf32> to vector<16xf32>
          %mul3A_253 = arith.mulf %get3A_252, %gather3A_191 : vector<16xf32>
          %add3A_254 = arith.constant 0 : i32
          %add3A_255 = arith.addi %mul3A_145, %add3A_254 : i32
          %swap3A_256 = arith.index_cast %add3A_255 : i32 to index
          %swap3A_257 = arith.constant 64 : index
          %swap3A_258 = tpu.vector_load %arg10[%swap3A_256, %swap3A_257] {strides = array<i32>} : memref<128x128xf32, #tpu.memory_space<vmem>>, vector<1x16xf32>,
          %swap3A_259 = vector.shape_cast %swap3A_258 : vector<1x16xf32> to vector<16xf32>
          %swap3A_260 = vector.shape_cast %mul3A_253 : vector<16xf32> to vector<1x16xf32>
          tpu.vector_store %arg10[%swap3A_256, %swap3A_257], %swap3A_260 {strides = array<i32>} : memref<128x128xf32, #tpu.memory_space<vmem>>, vector<1x16xf32>,
          %add3A_261 = arith.constant 0 : i32
          %add3A_262 = arith.addi %mul3A_145, %add3A_261 : i32
          %get3A_263 = arith.index_cast %add3A_262 : i32 to index
          %get3A_264 = arith.constant 80 : index
          %get3A_265 = tpu.vector_load %arg10[%get3A_263, %get3A_264] {strides = array<i32>} : memref<128x128xf32, #tpu.memory_space<vmem>>, vector<1x16xf32>,
          %get3A_266 = vector.shape_cast %get3A_265 : vector<1x16xf32> to vector<16xf32>
          %mul3A_267 = arith.mulf %get3A_266, %gather3A_191 : vector<16xf32>
          %add3A_268 = arith.constant 0 : i32
          %add3A_269 = arith.addi %mul3A_145, %add3A_268 : i32
          %swap3A_270 = arith.index_cast %add3A_269 : i32 to index
          %swap3A_271 = arith.constant 80 : index
          %swap3A_272 = tpu.vector_load %arg10[%swap3A_270, %swap3A_271] {strides = array<i32>} : memref<128x128xf32, #tpu.memory_space<vmem>>, vector<1x16xf32>,
          %swap3A_273 = vector.shape_cast %swap3A_272 : vector<1x16xf32> to vector<16xf32>
          %swap3A_274 = vector.shape_cast %mul3A_267 : vector<16xf32> to vector<1x16xf32>
          tpu.vector_store %arg10[%swap3A_270, %swap3A_271], %swap3A_274 {strides = array<i32>} : memref<128x128xf32, #tpu.memory_space<vmem>>, vector<1x16xf32>,
          %add3A_275 = arith.constant 0 : i32
          %add3A_276 = arith.addi %mul3A_145, %add3A_275 : i32
          %get3A_277 = arith.index_cast %add3A_276 : i32 to index
          %get3A_278 = arith.constant 96 : index
          %get3A_279 = tpu.vector_load %arg10[%get3A_277, %get3A_278] {strides = array<i32>} : memref<128x128xf32, #tpu.memory_space<vmem>>, vector<1x16xf32>,
          %get3A_280 = vector.shape_cast %get3A_279 : vector<1x16xf32> to vector<16xf32>
          %mul3A_281 = arith.mulf %get3A_280, %gather3A_191 : vector<16xf32>
          %add3A_282 = arith.constant 0 : i32
          %add3A_283 = arith.addi %mul3A_145, %add3A_282 : i32
          %swap3A_284 = arith.index_cast %add3A_283 : i32 to index
          %swap3A_285 = arith.constant 96 : index
          %swap3A_286 = tpu.vector_load %arg10[%swap3A_284, %swap3A_285] {strides = array<i32>} : memref<128x128xf32, #tpu.memory_space<vmem>>, vector<1x16xf32>,
          %swap3A_287 = vector.shape_cast %swap3A_286 : vector<1x16xf32> to vector<16xf32>
          %swap3A_288 = vector.shape_cast %mul3A_281 : vector<16xf32> to vector<1x16xf32>
          tpu.vector_store %arg10[%swap3A_284, %swap3A_285], %swap3A_288 {strides = array<i32>} : memref<128x128xf32, #tpu.memory_space<vmem>>, vector<1x16xf32>,
          %add3A_289 = arith.constant 0 : i32
          %add3A_290 = arith.addi %mul3A_145, %add3A_289 : i32
          %get3A_291 = arith.index_cast %add3A_290 : i32 to index
          %get3A_292 = arith.constant 112 : index
          %get3A_293 = tpu.vector_load %arg10[%get3A_291, %get3A_292] {strides = array<i32>} : memref<128x128xf32, #tpu.memory_space<vmem>>, vector<1x16xf32>,
          %get3A_294 = vector.shape_cast %get3A_293 : vector<1x16xf32> to vector<16xf32>
          %mul3A_295 = arith.mulf %get3A_294, %gather3A_191 : vector<16xf32>
          %add3A_296 = arith.constant 0 : i32
          %add3A_297 = arith.addi %mul3A_145, %add3A_296 : i32
          %swap3A_298 = arith.index_cast %add3A_297 : i32 to index
          %swap3A_299 = arith.constant 112 : index
          %swap3A_300 = tpu.vector_load %arg10[%swap3A_298, %swap3A_299] {strides = array<i32>} : memref<128x128xf32, #tpu.memory_space<vmem>>, vector<1x16xf32>,
          %swap3A_301 = vector.shape_cast %swap3A_300 : vector<1x16xf32> to vector<16xf32>
          %swap3A_302 = vector.shape_cast %mul3A_295 : vector<16xf32> to vector<1x16xf32>
          tpu.vector_store %arg10[%swap3A_298, %swap3A_299], %swap3A_302 {strides = array<i32>} : memref<128x128xf32, #tpu.memory_space<vmem>>, vector<1x16xf32>,
          %add3A_303 = arith.constant 1 : i32
          %add3A_304 = arith.addi %select_n3A_181, %add3A_303 : i32
          %broadcast_in_dim3A_305 = vector.broadcast %add3A_304 : i32 to vector<16xi32>
          %lt3A_306 = arith.constant 0 : i32
          %lt3A_307 = vector.broadcast %lt3A_306 : i32 to vector<16xi32>
          %lt3A_308 = arith.cmpi slt, %broadcast_in_dim3A_305, %lt3A_307 : vector<16xi32>
          %add3A_309 = arith.constant 16 : i32
          %add3A_310 = vector.broadcast %add3A_309 : i32 to vector<16xi32>
          %add3A_311 = arith.addi %broadcast_in_dim3A_305, %add3A_310 : vector<16xi32>
          %select_n3A_312 = arith.select %lt3A_308, %add3A_311, %broadcast_in_dim3A_305 : vector<16xi1>, vector<16xi32>
          %reshape3A_313 = vector.shape_cast %select_n3A_312 : vector<16xi32> to vector<16x1xi32>
          %gather3A_314 = vector.shape_cast %reshape3A_313 : vector<16x1xi32> to vector<16xi32>
          %gather3A_315 = tpu.dynamic_gather %get3A_166[%gather3A_314] in [0] : vector<16xf32>, vector<16xi32> -> vector<16xf32>
          %add3A_316 = arith.constant 1 : i32
          %add3A_317 = arith.addi %mul3A_145, %add3A_316 : i32
          %get3A_318 = arith.index_cast %add3A_317 : i32 to index
          %get3A_319 = arith.constant 0 : index
          %get3A_320 = tpu.vector_load %arg10[%get3A_318, %get3A_319] {strides = array<i32>} : memref<128x128xf32, #tpu.memory_space<vmem>>, vector<1x16xf32>,
          %get3A_321 = vector.shape_cast %get3A_320 : vector<1x16xf32> to vector<16xf32>
          %mul3A_322 = arith.mulf %get3A_321, %gather3A_315 : vector<16xf32>
          %add3A_323 = arith.constant 1 : i32
          %add3A_324 = arith.addi %mul3A_145, %add3A_323 : i32
          %swap3A_325 = arith.index_cast %add3A_324 : i32 to index
          %swap3A_326 = arith.constant 0 : index
          %swap3A_327 = tpu.vector_load %arg10[%swap3A_325, %swap3A_326] {strides = array<i32>} : memref<128x128xf32, #tpu.memory_space<vmem>>, vector<1x16xf32>,
          %swap3A_328 = vector.shape_cast %swap3A_327 : vector<1x16xf32> to vector<16xf32>
          %swap3A_329 = vector.shape_cast %mul3A_322 : vector<16xf32> to vector<1x16xf32>
          tpu.vector_store %arg10[%swap3A_325, %swap3A_326], %swap3A_329 {strides = array<i32>} : memref<128x128xf32, #tpu.memory_space<vmem>>, vector<1x16xf32>,
          %add3A_330 = arith.constant 1 : i32
          %add3A_331 = arith.addi %mul3A_145, %add3A_330 : i32
          %get3A_332 = arith.index_cast %add3A_331 : i32 to index
          %get3A_333 = arith.constant 16 : index
          %get3A_334 = tpu.vector_load %arg10[%get3A_332, %get3A_333] {strides = array<i32>} : memref<128x128xf32, #tpu.memory_space<vmem>>, vector<1x16xf32>,
          %get3A_335 = vector.shape_cast %get3A_334 : vector<1x16xf32> to vector<16xf32>
          %mul3A_336 = arith.mulf %get3A_335, %gather3A_315 : vector<16xf32>
          %add3A_337 = arith.constant 1 : i32
          %add3A_338 = arith.addi %mul3A_145, %add3A_337 : i32
          %swap3A_339 = arith.index_cast %add3A_338 : i32 to index
          %swap3A_340 = arith.constant 16 : index
          %swap3A_341 = tpu.vector_load %arg10[%swap3A_339, %swap3A_340] {strides = array<i32>} : memref<128x128xf32, #tpu.memory_space<vmem>>, vector<1x16xf32>,
          %swap3A_342 = vector.shape_cast %swap3A_341 : vector<1x16xf32> to vector<16xf32>
          %swap3A_343 = vector.shape_cast %mul3A_336 : vector<16xf32> to vector<1x16xf32>
          tpu.vector_store %arg10[%swap3A_339, %swap3A_340], %swap3A_343 {strides = array<i32>} : memref<128x128xf32, #tpu.memory_space<vmem>>, vector<1x16xf32>,
          %add3A_344 = arith.constant 1 : i32
          %add3A_345 = arith.addi %mul3A_145, %add3A_344 : i32
          %get3A_346 = arith.index_cast %add3A_345 : i32 to index
          %get3A_347 = arith.constant 32 : index
          %get3A_348 = tpu.vector_load %arg10[%get3A_346, %get3A_347] {strides = array<i32>} : memref<128x128xf32, #tpu.memory_space<vmem>>, vector<1x16xf32>,
          %get3A_349 = vector.shape_cast %get3A_348 : vector<1x16xf32> to vector<16xf32>
          %mul3A_350 = arith.mulf %get3A_349, %gather3A_315 : vector<16xf32>
          %add3A_351 = arith.constant 1 : i32
          %add3A_352 = arith.addi %mul3A_145, %add3A_351 : i32
          %swap3A_353 = arith.index_cast %add3A_352 : i32 to index
          %swap3A_354 = arith.constant 32 : index
          %swap3A_355 = tpu.vector_load %arg10[%swap3A_353, %swap3A_354] {strides = array<i32>} : memref<128x128xf32, #tpu.memory_space<vmem>>, vector<1x16xf32>,
          %swap3A_356 = vector.shape_cast %swap3A_355 : vector<1x16xf32> to vector<16xf32>
          %swap3A_357 = vector.shape_cast %mul3A_350 : vector<16xf32> to vector<1x16xf32>
          tpu.vector_store %arg10[%swap3A_353, %swap3A_354], %swap3A_357 {strides = array<i32>} : memref<128x128xf32, #tpu.memory_space<vmem>>, vector<1x16xf32>,
          %add3A_358 = arith.constant 1 : i32
          %add3A_359 = arith.addi %mul3A_145, %add3A_358 : i32
          %get3A_360 = arith.index_cast %add3A_359 : i32 to index
          %get3A_361 = arith.constant 48 : index
          %get3A_362 = tpu.vector_load %arg10[%get3A_360, %get3A_361] {strides = array<i32>} : memref<128x128xf32, #tpu.memory_space<vmem>>, vector<1x16xf32>,
          %get3A_363 = vector.shape_cast %get3A_362 : vector<1x16xf32> to vector<16xf32>
          %mul3A_364 = arith.mulf %get3A_363, %gather3A_315 : vector<16xf32>
          %add3A_365 = arith.constant 1 : i32
          %add3A_366 = arith.addi %mul3A_145, %add3A_365 : i32
          %swap3A_367 = arith.index_cast %add3A_366 : i32 to index
          %swap3A_368 = arith.constant 48 : index
          %swap3A_369 = tpu.vector_load %arg10[%swap3A_367, %swap3A_368] {strides = array<i32>} : memref<128x128xf32, #tpu.memory_space<vmem>>, vector<1x16xf32>,
          %swap3A_370 = vector.shape_cast %swap3A_369 : vector<1x16xf32> to vector<16xf32>
          %swap3A_371 = vector.shape_cast %mul3A_364 : vector<16xf32> to vector<1x16xf32>
          tpu.vector_store %arg10[%swap3A_367, %swap3A_368], %swap3A_371 {strides = array<i32>} : memref<128x128xf32, #tpu.memory_space<vmem>>, vector<1x16xf32>,
          %add3A_372 = arith.constant 1 : i32
          %add3A_373 = arith.addi %mul3A_145, %add3A_372 : i32
          %get3A_374 = arith.index_cast %add3A_373 : i32 to index
          %get3A_375 = arith.constant 64 : index
          %get3A_376 = tpu.vector_load %arg10[%get3A_374, %get3A_375] {strides = array<i32>} : memref<128x128xf32, #tpu.memory_space<vmem>>, vector<1x16xf32>,
          %get3A_377 = vector.shape_cast %get3A_376 : vector<1x16xf32> to vector<16xf32>
          %mul3A_378 = arith.mulf %get3A_377, %gather3A_315 : vector<16xf32>
          %add3A_379 = arith.constant 1 : i32
          %add3A_380 = arith.addi %mul3A_145, %add3A_379 : i32
          %swap3A_381 = arith.index_cast %add3A_380 : i32 to index
          %swap3A_382 = arith.constant 64 : index
          %swap3A_383 = tpu.vector_load %arg10[%swap3A_381, %swap3A_382] {strides = array<i32>} : memref<128x128xf32, #tpu.memory_space<vmem>>, vector<1x16xf32>,
          %swap3A_384 = vector.shape_cast %swap3A_383 : vector<1x16xf32> to vector<16xf32>
          %swap3A_385 = vector.shape_cast %mul3A_378 : vector<16xf32> to vector<1x16xf32>
          tpu.vector_store %arg10[%swap3A_381, %swap3A_382], %swap3A_385 {strides = array<i32>} : memref<128x128xf32, #tpu.memory_space<vmem>>, vector<1x16xf32>,
          %add3A_386 = arith.constant 1 : i32
          %add3A_387 = arith.addi %mul3A_145, %add3A_386 : i32
          %get3A_388 = arith.index_cast %add3A_387 : i32 to index
          %get3A_389 = arith.constant 80 : index
          %get3A_390 = tpu.vector_load %arg10[%get3A_388, %get3A_389] {strides = array<i32>} : memref<128x128xf32, #tpu.memory_space<vmem>>, vector<1x16xf32>,
          %get3A_391 = vector.shape_cast %get3A_390 : vector<1x16xf32> to vector<16xf32>
          %mul3A_392 = arith.mulf %get3A_391, %gather3A_315 : vector<16xf32>
          %add3A_393 = arith.constant 1 : i32
          %add3A_394 = arith.addi %mul3A_145, %add3A_393 : i32
          %swap3A_395 = arith.index_cast %add3A_394 : i32 to index
          %swap3A_396 = arith.constant 80 : index
          %swap3A_397 = tpu.vector_load %arg10[%swap3A_395, %swap3A_396] {strides = array<i32>} : memref<128x128xf32, #tpu.memory_space<vmem>>, vector<1x16xf32>,
          %swap3A_398 = vector.shape_cast %swap3A_397 : vector<1x16xf32> to vector<16xf32>
          %swap3A_399 = vector.shape_cast %mul3A_392 : vector<16xf32> to vector<1x16xf32>
          tpu.vector_store %arg10[%swap3A_395, %swap3A_396], %swap3A_399 {strides = array<i32>} : memref<128x128xf32, #tpu.memory_space<vmem>>, vector<1x16xf32>,
          %add3A_400 = arith.constant 1 : i32
          %add3A_401 = arith.addi %mul3A_145, %add3A_400 : i32
          %get3A_402 = arith.index_cast %add3A_401 : i32 to index
          %get3A_403 = arith.constant 96 : index
          %get3A_404 = tpu.vector_load %arg10[%get3A_402, %get3A_403] {strides = array<i32>} : memref<128x128xf32, #tpu.memory_space<vmem>>, vector<1x16xf32>,
          %get3A_405 = vector.shape_cast %get3A_404 : vector<1x16xf32> to vector<16xf32>
          %mul3A_406 = arith.mulf %get3A_405, %gather3A_315 : vector<16xf32>
          %add3A_407 = arith.constant 1 : i32
          %add3A_408 = arith.addi %mul3A_145, %add3A_407 : i32
          %swap3A_409 = arith.index_cast %add3A_408 : i32 to index
          %swap3A_410 = arith.constant 96 : index
          %swap3A_411 = tpu.vector_load %arg10[%swap3A_409, %swap3A_410] {strides = array<i32>} : memref<128x128xf32, #tpu.memory_space<vmem>>, vector<1x16xf32>,
          %swap3A_412 = vector.shape_cast %swap3A_411 : vector<1x16xf32> to vector<16xf32>
          %swap3A_413 = vector.shape_cast %mul3A_406 : vector<16xf32> to vector<1x16xf32>
          tpu.vector_store %arg10[%swap3A_409, %swap3A_410], %swap3A_413 {strides = array<i32>} : memref<128x128xf32, #tpu.memory_space<vmem>>, vector<1x16xf32>,
          %add3A_414 = arith.constant 1 : i32
          %add3A_415 = arith.addi %mul3A_145, %add3A_414 : i32
          %get3A_416 = arith.index_cast %add3A_415 : i32 to index
          %get3A_417 = arith.constant 112 : index
          %get3A_418 = tpu.vector_load %arg10[%get3A_416, %get3A_417] {strides = array<i32>} : memref<128x128xf32, #tpu.memory_space<vmem>>, vector<1x16xf32>,
          %get3A_419 = vector.shape_cast %get3A_418 : vector<1x16xf32> to vector<16xf32>
          %mul3A_420 = arith.mulf %get3A_419, %gather3A_315 : vector<16xf32>
          %add3A_421 = arith.constant 1 : i32
          %add3A_422 = arith.addi %mul3A_145, %add3A_421 : i32
          %swap3A_423 = arith.index_cast %add3A_422 : i32 to index
          %swap3A_424 = arith.constant 112 : index
          %swap3A_425 = tpu.vector_load %arg10[%swap3A_423, %swap3A_424] {strides = array<i32>} : memref<128x128xf32, #tpu.memory_space<vmem>>, vector<1x16xf32>,
          %swap3A_426 = vector.shape_cast %swap3A_425 : vector<1x16xf32> to vector<16xf32>
          %swap3A_427 = vector.shape_cast %mul3A_420 : vector<16xf32> to vector<1x16xf32>
          tpu.vector_store %arg10[%swap3A_423, %swap3A_424], %swap3A_427 {strides = array<i32>} : memref<128x128xf32, #tpu.memory_space<vmem>>, vector<1x16xf32>,
          %add3A_428 = arith.constant 2 : i32
          %add3A_429 = arith.addi %select_n3A_181, %add3A_428 : i32
          %broadcast_in_dim3A_430 = vector.broadcast %add3A_429 : i32 to vector<16xi32>
          %lt3A_431 = arith.constant 0 : i32
          %lt3A_432 = vector.broadcast %lt3A_431 : i32 to vector<16xi32>
          %lt3A_433 = arith.cmpi slt, %broadcast_in_dim3A_430, %lt3A_432 : vector<16xi32>
          %add3A_434 = arith.constant 16 : i32
          %add3A_435 = vector.broadcast %add3A_434 : i32 to vector<16xi32>
          %add3A_436 = arith.addi %broadcast_in_dim3A_430, %add3A_435 : vector<16xi32>
          %select_n3A_437 = arith.select %lt3A_433, %add3A_436, %broadcast_in_dim3A_430 : vector<16xi1>, vector<16xi32>
          %reshape3A_438 = vector.shape_cast %select_n3A_437 : vector<16xi32> to vector<16x1xi32>
          %gather3A_439 = vector.shape_cast %reshape3A_438 : vector<16x1xi32> to vector<16xi32>
          %gather3A_440 = tpu.dynamic_gather %get3A_166[%gather3A_439] in [0] : vector<16xf32>, vector<16xi32> -> vector<16xf32>
          %add3A_441 = arith.constant 2 : i32
          %add3A_442 = arith.addi %mul3A_145, %add3A_441 : i32
          %get3A_443 = arith.index_cast %add3A_442 : i32 to index
          %get3A_444 = arith.constant 0 : index
          %get3A_445 = tpu.vector_load %arg10[%get3A_443, %get3A_444] {strides = array<i32>} : memref<128x128xf32, #tpu.memory_space<vmem>>, vector<1x16xf32>,
          %get3A_446 = vector.shape_cast %get3A_445 : vector<1x16xf32> to vector<16xf32>
          %mul3A_447 = arith.mulf %get3A_446, %gather3A_440 : vector<16xf32>
          %add3A_448 = arith.constant 2 : i32
          %add3A_449 = arith.addi %mul3A_145, %add3A_448 : i32
          %swap3A_450 = arith.index_cast %add3A_449 : i32 to index
          %swap3A_451 = arith.constant 0 : index
          %swap3A_452 = tpu.vector_load %arg10[%swap3A_450, %swap3A_451] {strides = array<i32>} : memref<128x128xf32, #tpu.memory_space<vmem>>, vector<1x16xf32>,
          %swap3A_453 = vector.shape_cast %swap3A_452 : vector<1x16xf32> to vector<16xf32>
          %swap3A_454 = vector.shape_cast %mul3A_447 : vector<16xf32> to vector<1x16xf32>
          tpu.vector_store %arg10[%swap3A_450, %swap3A_451], %swap3A_454 {strides = array<i32>} : memref<128x128xf32, #tpu.memory_space<vmem>>, vector<1x16xf32>,
          %add3A_455 = arith.constant 2 : i32
          %add3A_456 = arith.addi %mul3A_145, %add3A_455 : i32
          %get3A_457 = arith.index_cast %add3A_456 : i32 to index
          %get3A_458 = arith.constant 16 : index
          %get3A_459 = tpu.vector_load %arg10[%get3A_457, %get3A_458] {strides = array<i32>} : memref<128x128xf32, #tpu.memory_space<vmem>>, vector<1x16xf32>,
          %get3A_460 = vector.shape_cast %get3A_459 : vector<1x16xf32> to vector<16xf32>
          %mul3A_461 = arith.mulf %get3A_460, %gather3A_440 : vector<16xf32>
          %add3A_462 = arith.constant 2 : i32
          %add3A_463 = arith.addi %mul3A_145, %add3A_462 : i32
          %swap3A_464 = arith.index_cast %add3A_463 : i32 to index
          %swap3A_465 = arith.constant 16 : index
          %swap3A_466 = tpu.vector_load %arg10[%swap3A_464, %swap3A_465] {strides = array<i32>} : memref<128x128xf32, #tpu.memory_space<vmem>>, vector<1x16xf32>,
          %swap3A_467 = vector.shape_cast %swap3A_466 : vector<1x16xf32> to vector<16xf32>
          %swap3A_468 = vector.shape_cast %mul3A_461 : vector<16xf32> to vector<1x16xf32>
          tpu.vector_store %arg10[%swap3A_464, %swap3A_465], %swap3A_468 {strides = array<i32>} : memref<128x128xf32, #tpu.memory_space<vmem>>, vector<1x16xf32>,
          %add3A_469 = arith.constant 2 : i32
          %add3A_470 = arith.addi %mul3A_145, %add3A_469 : i32
          %get3A_471 = arith.index_cast %add3A_470 : i32 to index
          %get3A_472 = arith.constant 32 : index
          %get3A_473 = tpu.vector_load %arg10[%get3A_471, %get3A_472] {strides = array<i32>} : memref<128x128xf32, #tpu.memory_space<vmem>>, vector<1x16xf32>,
          %get3A_474 = vector.shape_cast %get3A_473 : vector<1x16xf32> to vector<16xf32>
          %mul3A_475 = arith.mulf %get3A_474, %gather3A_440 : vector<16xf32>
          %add3A_476 = arith.constant 2 : i32
          %add3A_477 = arith.addi %mul3A_145, %add3A_476 : i32
          %swap3A_478 = arith.index_cast %add3A_477 : i32 to index
          %swap3A_479 = arith.constant 32 : index
          %swap3A_480 = tpu.vector_load %arg10[%swap3A_478, %swap3A_479] {strides = array<i32>} : memref<128x128xf32, #tpu.memory_space<vmem>>, vector<1x16xf32>,
          %swap3A_481 = vector.shape_cast %swap3A_480 : vector<1x16xf32> to vector<16xf32>
          %swap3A_482 = vector.shape_cast %mul3A_475 : vector<16xf32> to vector<1x16xf32>
          tpu.vector_store %arg10[%swap3A_478, %swap3A_479], %swap3A_482 {strides = array<i32>} : memref<128x128xf32, #tpu.memory_space<vmem>>, vector<1x16xf32>,
          %add3A_483 = arith.constant 2 : i32
          %add3A_484 = arith.addi %mul3A_145, %add3A_483 : i32
          %get3A_485 = arith.index_cast %add3A_484 : i32 to index
          %get3A_486 = arith.constant 48 : index
          %get3A_487 = tpu.vector_load %arg10[%get3A_485, %get3A_486] {strides = array<i32>} : memref<128x128xf32, #tpu.memory_space<vmem>>, vector<1x16xf32>,
          %get3A_488 = vector.shape_cast %get3A_487 : vector<1x16xf32> to vector<16xf32>
          %mul3A_489 = arith.mulf %get3A_488, %gather3A_440 : vector<16xf32>
          %add3A_490 = arith.constant 2 : i32
          %add3A_491 = arith.addi %mul3A_145, %add3A_490 : i32
          %swap3A_492 = arith.index_cast %add3A_491 : i32 to index
          %swap3A_493 = arith.constant 48 : index
          %swap3A_494 = tpu.vector_load %arg10[%swap3A_492, %swap3A_493] {strides = array<i32>} : memref<128x128xf32, #tpu.memory_space<vmem>>, vector<1x16xf32>,
          %swap3A_495 = vector.shape_cast %swap3A_494 : vector<1x16xf32> to vector<16xf32>
          %swap3A_496 = vector.shape_cast %mul3A_489 : vector<16xf32> to vector<1x16xf32>
          tpu.vector_store %arg10[%swap3A_492, %swap3A_493], %swap3A_496 {strides = array<i32>} : memref<128x128xf32, #tpu.memory_space<vmem>>, vector<1x16xf32>,
          %add3A_497 = arith.constant 2 : i32
          %add3A_498 = arith.addi %mul3A_145, %add3A_497 : i32
          %get3A_499 = arith.index_cast %add3A_498 : i32 to index
          %get3A_500 = arith.constant 64 : index
          %get3A_501 = tpu.vector_load %arg10[%get3A_499, %get3A_500] {strides = array<i32>} : memref<128x128xf32, #tpu.memory_space<vmem>>, vector<1x16xf32>,
          %get3A_502 = vector.shape_cast %get3A_501 : vector<1x16xf32> to vector<16xf32>
          %mul3A_503 = arith.mulf %get3A_502, %gather3A_440 : vector<16xf32>
          %add3A_504 = arith.constant 2 : i32
          %add3A_505 = arith.addi %mul3A_145, %add3A_504 : i32
          %swap3A_506 = arith.index_cast %add3A_505 : i32 to index
          %swap3A_507 = arith.constant 64 : index
          %swap3A_508 = tpu.vector_load %arg10[%swap3A_506, %swap3A_507] {strides = array<i32>} : memref<128x128xf32, #tpu.memory_space<vmem>>, vector<1x16xf32>,
          %swap3A_509 = vector.shape_cast %swap3A_508 : vector<1x16xf32> to vector<16xf32>
          %swap3A_510 = vector.shape_cast %mul3A_503 : vector<16xf32> to vector<1x16xf32>
          tpu.vector_store %arg10[%swap3A_506, %swap3A_507], %swap3A_510 {strides = array<i32>} : memref<128x128xf32, #tpu.memory_space<vmem>>, vector<1x16xf32>,
          %add3A_511 = arith.constant 2 : i32
          %add3A_512 = arith.addi %mul3A_145, %add3A_511 : i32
          %get3A_513 = arith.index_cast %add3A_512 : i32 to index
          %get3A_514 = arith.constant 80 : index
          %get3A_515 = tpu.vector_load %arg10[%get3A_513, %get3A_514] {strides = array<i32>} : memref<128x128xf32, #tpu.memory_space<vmem>>, vector<1x16xf32>,
          %get3A_516 = vector.shape_cast %get3A_515 : vector<1x16xf32> to vector<16xf32>
          %mul3A_517 = arith.mulf %get3A_516, %gather3A_440 : vector<16xf32>
          %add3A_518 = arith.constant 2 : i32
          %add3A_519 = arith.addi %mul3A_145, %add3A_518 : i32
          %swap3A_520 = arith.index_cast %add3A_519 : i32 to index
          %swap3A_521 = arith.constant 80 : index
          %swap3A_522 = tpu.vector_load %arg10[%swap3A_520, %swap3A_521] {strides = array<i32>} : memref<128x128xf32, #tpu.memory_space<vmem>>, vector<1x16xf32>,
          %swap3A_523 = vector.shape_cast %swap3A_522 : vector<1x16xf32> to vector<16xf32>
          %swap3A_524 = vector.shape_cast %mul3A_517 : vector<16xf32> to vector<1x16xf32>
          tpu.vector_store %arg10[%swap3A_520, %swap3A_521], %swap3A_524 {strides = array<i32>} : memref<128x128xf32, #tpu.memory_space<vmem>>, vector<1x16xf32>,
          %add3A_525 = arith.constant 2 : i32
          %add3A_526 = arith.addi %mul3A_145, %add3A_525 : i32
          %get3A_527 = arith.index_cast %add3A_526 : i32 to index
          %get3A_528 = arith.constant 96 : index
          %get3A_529 = tpu.vector_load %arg10[%get3A_527, %get3A_528] {strides = array<i32>} : memref<128x128xf32, #tpu.memory_space<vmem>>, vector<1x16xf32>,
          %get3A_530 = vector.shape_cast %get3A_529 : vector<1x16xf32> to vector<16xf32>
          %mul3A_531 = arith.mulf %get3A_530, %gather3A_440 : vector<16xf32>
          %add3A_532 = arith.constant 2 : i32
          %add3A_533 = arith.addi %mul3A_145, %add3A_532 : i32
          %swap3A_534 = arith.index_cast %add3A_533 : i32 to index
          %swap3A_535 = arith.constant 96 : index
          %swap3A_536 = tpu.vector_load %arg10[%swap3A_534, %swap3A_535] {strides = array<i32>} : memref<128x128xf32, #tpu.memory_space<vmem>>, vector<1x16xf32>,
          %swap3A_537 = vector.shape_cast %swap3A_536 : vector<1x16xf32> to vector<16xf32>
          %swap3A_538 = vector.shape_cast %mul3A_531 : vector<16xf32> to vector<1x16xf32>
          tpu.vector_store %arg10[%swap3A_534, %swap3A_535], %swap3A_538 {strides = array<i32>} : memref<128x128xf32, #tpu.memory_space<vmem>>, vector<1x16xf32>,
          %add3A_539 = arith.constant 2 : i32
          %add3A_540 = arith.addi %mul3A_145, %add3A_539 : i32
          %get3A_541 = arith.index_cast %add3A_540 : i32 to index
          %get3A_542 = arith.constant 112 : index
          %get3A_543 = tpu.vector_load %arg10[%get3A_541, %get3A_542] {strides = array<i32>} : memref<128x128xf32, #tpu.memory_space<vmem>>, vector<1x16xf32>,
          %get3A_544 = vector.shape_cast %get3A_543 : vector<1x16xf32> to vector<16xf32>
          %mul3A_545 = arith.mulf %get3A_544, %gather3A_440 : vector<16xf32>
          %add3A_546 = arith.constant 2 : i32
          %add3A_547 = arith.addi %mul3A_145, %add3A_546 : i32
          %swap3A_548 = arith.index_cast %add3A_547 : i32 to index
          %swap3A_549 = arith.constant 112 : index
          %swap3A_550 = tpu.vector_load %arg10[%swap3A_548, %swap3A_549] {strides = array<i32>} : memref<128x128xf32, #tpu.memory_space<vmem>>, vector<1x16xf32>,
          %swap3A_551 = vector.shape_cast %swap3A_550 : vector<1x16xf32> to vector<16xf32>
          %swap3A_552 = vector.shape_cast %mul3A_545 : vector<16xf32> to vector<1x16xf32>
          tpu.vector_store %arg10[%swap3A_548, %swap3A_549], %swap3A_552 {strides = array<i32>} : memref<128x128xf32, #tpu.memory_space<vmem>>, vector<1x16xf32>,
          %add3A_553 = arith.constant 3 : i32
          %add3A_554 = arith.addi %select_n3A_181, %add3A_553 : i32
          %broadcast_in_dim3A_555 = vector.broadcast %add3A_554 : i32 to vector<16xi32>
          %lt3A_556 = arith.constant 0 : i32
          %lt3A_557 = vector.broadcast %lt3A_556 : i32 to vector<16xi32>
          %lt3A_558 = arith.cmpi slt, %broadcast_in_dim3A_555, %lt3A_557 : vector<16xi32>
          %add3A_559 = arith.constant 16 : i32
          %add3A_560 = vector.broadcast %add3A_559 : i32 to vector<16xi32>
          %add3A_561 = arith.addi %broadcast_in_dim3A_555, %add3A_560 : vector<16xi32>
          %select_n3A_562 = arith.select %lt3A_558, %add3A_561, %broadcast_in_dim3A_555 : vector<16xi1>, vector<16xi32>
          %reshape3A_563 = vector.shape_cast %select_n3A_562 : vector<16xi32> to vector<16x1xi32>
          %gather3A_564 = vector.shape_cast %reshape3A_563 : vector<16x1xi32> to vector<16xi32>
          %gather3A_565 = tpu.dynamic_gather %get3A_166[%gather3A_564] in [0] : vector<16xf32>, vector<16xi32> -> vector<16xf32>
          %add3A_566 = arith.constant 3 : i32
          %add3A_567 = arith.addi %mul3A_145, %add3A_566 : i32
          %get3A_568 = arith.index_cast %add3A_567 : i32 to index
          %get3A_569 = arith.constant 0 : index
          %get3A_570 = tpu.vector_load %arg10[%get3A_568, %get3A_569] {strides = array<i32>} : memref<128x128xf32, #tpu.memory_space<vmem>>, vector<1x16xf32>,
          %get3A_571 = vector.shape_cast %get3A_570 : vector<1x16xf32> to vector<16xf32>
          %mul3A_572 = arith.mulf %get3A_571, %gather3A_565 : vector<16xf32>
          %add3A_573 = arith.constant 3 : i32
          %add3A_574 = arith.addi %mul3A_145, %add3A_573 : i32
          %swap3A_575 = arith.index_cast %add3A_574 : i32 to index
          %swap3A_576 = arith.constant 0 : index
          %swap3A_577 = tpu.vector_load %arg10[%swap3A_575, %swap3A_576] {strides = array<i32>} : memref<128x128xf32, #tpu.memory_space<vmem>>, vector<1x16xf32>,
          %swap3A_578 = vector.shape_cast %swap3A_577 : vector<1x16xf32> to vector<16xf32>
          %swap3A_579 = vector.shape_cast %mul3A_572 : vector<16xf32> to vector<1x16xf32>
          tpu.vector_store %arg10[%swap3A_575, %swap3A_576], %swap3A_579 {strides = array<i32>} : memref<128x128xf32, #tpu.memory_space<vmem>>, vector<1x16xf32>,
          %add3A_580 = arith.constant 3 : i32
          %add3A_581 = arith.addi %mul3A_145, %add3A_580 : i32
          %get3A_582 = arith.index_cast %add3A_581 : i32 to index
          %get3A_583 = arith.constant 16 : index
          %get3A_584 = tpu.vector_load %arg10[%get3A_582, %get3A_583] {strides = array<i32>} : memref<128x128xf32, #tpu.memory_space<vmem>>, vector<1x16xf32>,
          %get3A_585 = vector.shape_cast %get3A_584 : vector<1x16xf32> to vector<16xf32>
          %mul3A_586 = arith.mulf %get3A_585, %gather3A_565 : vector<16xf32>
          %add3A_587 = arith.constant 3 : i32
          %add3A_588 = arith.addi %mul3A_145, %add3A_587 : i32
          %swap3A_589 = arith.index_cast %add3A_588 : i32 to index
          %swap3A_590 = arith.constant 16 : index
          %swap3A_591 = tpu.vector_load %arg10[%swap3A_589, %swap3A_590] {strides = array<i32>} : memref<128x128xf32, #tpu.memory_space<vmem>>, vector<1x16xf32>,
          %swap3A_592 = vector.shape_cast %swap3A_591 : vector<1x16xf32> to vector<16xf32>
          %swap3A_593 = vector.shape_cast %mul3A_586 : vector<16xf32> to vector<1x16xf32>
          tpu.vector_store %arg10[%swap3A_589, %swap3A_590], %swap3A_593 {strides = array<i32>} : memref<128x128xf32, #tpu.memory_space<vmem>>, vector<1x16xf32>,
          %add3A_594 = arith.constant 3 : i32
          %add3A_595 = arith.addi %mul3A_145, %add3A_594 : i32
          %get3A_596 = arith.index_cast %add3A_595 : i32 to index
          %get3A_597 = arith.constant 32 : index
          %get3A_598 = tpu.vector_load %arg10[%get3A_596, %get3A_597] {strides = array<i32>} : memref<128x128xf32, #tpu.memory_space<vmem>>, vector<1x16xf32>,
          %get3A_599 = vector.shape_cast %get3A_598 : vector<1x16xf32> to vector<16xf32>
          %mul3A_600 = arith.mulf %get3A_599, %gather3A_565 : vector<16xf32>
          %add3A_601 = arith.constant 3 : i32
          %add3A_602 = arith.addi %mul3A_145, %add3A_601 : i32
          %swap3A_603 = arith.index_cast %add3A_602 : i32 to index
          %swap3A_604 = arith.constant 32 : index
          %swap3A_605 = tpu.vector_load %arg10[%swap3A_603, %swap3A_604] {strides = array<i32>} : memref<128x128xf32, #tpu.memory_space<vmem>>, vector<1x16xf32>,
          %swap3A_606 = vector.shape_cast %swap3A_605 : vector<1x16xf32> to vector<16xf32>
          %swap3A_607 = vector.shape_cast %mul3A_600 : vector<16xf32> to vector<1x16xf32>
          tpu.vector_store %arg10[%swap3A_603, %swap3A_604], %swap3A_607 {strides = array<i32>} : memref<128x128xf32, #tpu.memory_space<vmem>>, vector<1x16xf32>,
          %add3A_608 = arith.constant 3 : i32
          %add3A_609 = arith.addi %mul3A_145, %add3A_608 : i32
          %get3A_610 = arith.index_cast %add3A_609 : i32 to index
          %get3A_611 = arith.constant 48 : index
          %get3A_612 = tpu.vector_load %arg10[%get3A_610, %get3A_611] {strides = array<i32>} : memref<128x128xf32, #tpu.memory_space<vmem>>, vector<1x16xf32>,
          %get3A_613 = vector.shape_cast %get3A_612 : vector<1x16xf32> to vector<16xf32>
          %mul3A_614 = arith.mulf %get3A_613, %gather3A_565 : vector<16xf32>
          %add3A_615 = arith.constant 3 : i32
          %add3A_616 = arith.addi %mul3A_145, %add3A_615 : i32
          %swap3A_617 = arith.index_cast %add3A_616 : i32 to index
          %swap3A_618 = arith.constant 48 : index
          %swap3A_619 = tpu.vector_load %arg10[%swap3A_617, %swap3A_618] {strides = array<i32>} : memref<128x128xf32, #tpu.memory_space<vmem>>, vector<1x16xf32>,
          %swap3A_620 = vector.shape_cast %swap3A_619 : vector<1x16xf32> to vector<16xf32>
          %swap3A_621 = vector.shape_cast %mul3A_614 : vector<16xf32> to vector<1x16xf32>
          tpu.vector_store %arg10[%swap3A_617, %swap3A_618], %swap3A_621 {strides = array<i32>} : memref<128x128xf32, #tpu.memory_space<vmem>>, vector<1x16xf32>,
          %add3A_622 = arith.constant 3 : i32
          %add3A_623 = arith.addi %mul3A_145, %add3A_622 : i32
          %get3A_624 = arith.index_cast %add3A_623 : i32 to index
          %get3A_625 = arith.constant 64 : index
          %get3A_626 = tpu.vector_load %arg10[%get3A_624, %get3A_625] {strides = array<i32>} : memref<128x128xf32, #tpu.memory_space<vmem>>, vector<1x16xf32>,
          %get3A_627 = vector.shape_cast %get3A_626 : vector<1x16xf32> to vector<16xf32>
          %mul3A_628 = arith.mulf %get3A_627, %gather3A_565 : vector<16xf32>
          %add3A_629 = arith.constant 3 : i32
          %add3A_630 = arith.addi %mul3A_145, %add3A_629 : i32
          %swap3A_631 = arith.index_cast %add3A_630 : i32 to index
          %swap3A_632 = arith.constant 64 : index
          %swap3A_633 = tpu.vector_load %arg10[%swap3A_631, %swap3A_632] {strides = array<i32>} : memref<128x128xf32, #tpu.memory_space<vmem>>, vector<1x16xf32>,
          %swap3A_634 = vector.shape_cast %swap3A_633 : vector<1x16xf32> to vector<16xf32>
          %swap3A_635 = vector.shape_cast %mul3A_628 : vector<16xf32> to vector<1x16xf32>
          tpu.vector_store %arg10[%swap3A_631, %swap3A_632], %swap3A_635 {strides = array<i32>} : memref<128x128xf32, #tpu.memory_space<vmem>>, vector<1x16xf32>,
          %add3A_636 = arith.constant 3 : i32
          %add3A_637 = arith.addi %mul3A_145, %add3A_636 : i32
          %get3A_638 = arith.index_cast %add3A_637 : i32 to index
          %get3A_639 = arith.constant 80 : index
          %get3A_640 = tpu.vector_load %arg10[%get3A_638, %get3A_639] {strides = array<i32>} : memref<128x128xf32, #tpu.memory_space<vmem>>, vector<1x16xf32>,
          %get3A_641 = vector.shape_cast %get3A_640 : vector<1x16xf32> to vector<16xf32>
          %mul3A_642 = arith.mulf %get3A_641, %gather3A_565 : vector<16xf32>
          %add3A_643 = arith.constant 3 : i32
          %add3A_644 = arith.addi %mul3A_145, %add3A_643 : i32
          %swap3A_645 = arith.index_cast %add3A_644 : i32 to index
          %swap3A_646 = arith.constant 80 : index
          %swap3A_647 = tpu.vector_load %arg10[%swap3A_645, %swap3A_646] {strides = array<i32>} : memref<128x128xf32, #tpu.memory_space<vmem>>, vector<1x16xf32>,
          %swap3A_648 = vector.shape_cast %swap3A_647 : vector<1x16xf32> to vector<16xf32>
          %swap3A_649 = vector.shape_cast %mul3A_642 : vector<16xf32> to vector<1x16xf32>
          tpu.vector_store %arg10[%swap3A_645, %swap3A_646], %swap3A_649 {strides = array<i32>} : memref<128x128xf32, #tpu.memory_space<vmem>>, vector<1x16xf32>,
          %add3A_650 = arith.constant 3 : i32
          %add3A_651 = arith.addi %mul3A_145, %add3A_650 : i32
          %get3A_652 = arith.index_cast %add3A_651 : i32 to index
          %get3A_653 = arith.constant 96 : index
          %get3A_654 = tpu.vector_load %arg10[%get3A_652, %get3A_653] {strides = array<i32>} : memref<128x128xf32, #tpu.memory_space<vmem>>, vector<1x16xf32>,
          %get3A_655 = vector.shape_cast %get3A_654 : vector<1x16xf32> to vector<16xf32>
          %mul3A_656 = arith.mulf %get3A_655, %gather3A_565 : vector<16xf32>
          %add3A_657 = arith.constant 3 : i32
          %add3A_658 = arith.addi %mul3A_145, %add3A_657 : i32
          %swap3A_659 = arith.index_cast %add3A_658 : i32 to index
          %swap3A_660 = arith.constant 96 : index
          %swap3A_661 = tpu.vector_load %arg10[%swap3A_659, %swap3A_660] {strides = array<i32>} : memref<128x128xf32, #tpu.memory_space<vmem>>, vector<1x16xf32>,
          %swap3A_662 = vector.shape_cast %swap3A_661 : vector<1x16xf32> to vector<16xf32>
          %swap3A_663 = vector.shape_cast %mul3A_656 : vector<16xf32> to vector<1x16xf32>
          tpu.vector_store %arg10[%swap3A_659, %swap3A_660], %swap3A_663 {strides = array<i32>} : memref<128x128xf32, #tpu.memory_space<vmem>>, vector<1x16xf32>,
          %add3A_664 = arith.constant 3 : i32
          %add3A_665 = arith.addi %mul3A_145, %add3A_664 : i32
          %get3A_666 = arith.index_cast %add3A_665 : i32 to index
          %get3A_667 = arith.constant 112 : index
          %get3A_668 = tpu.vector_load %arg10[%get3A_666, %get3A_667] {strides = array<i32>} : memref<128x128xf32, #tpu.memory_space<vmem>>, vector<1x16xf32>,
          %get3A_669 = vector.shape_cast %get3A_668 : vector<1x16xf32> to vector<16xf32>
          %mul3A_670 = arith.mulf %get3A_669, %gather3A_565 : vector<16xf32>
          %add3A_671 = arith.constant 3 : i32
          %add3A_672 = arith.addi %mul3A_145, %add3A_671 : i32
          %swap3A_673 = arith.index_cast %add3A_672 : i32 to index
          %swap3A_674 = arith.constant 112 : index
          %swap3A_675 = tpu.vector_load %arg10[%swap3A_673, %swap3A_674] {strides = array<i32>} : memref<128x128xf32, #tpu.memory_space<vmem>>, vector<1x16xf32>,
          %swap3A_676 = vector.shape_cast %swap3A_675 : vector<1x16xf32> to vector<16xf32>
          %swap3A_677 = vector.shape_cast %mul3A_670 : vector<16xf32> to vector<1x16xf32>
          tpu.vector_store %arg10[%swap3A_673, %swap3A_674], %swap3A_677 {strides = array<i32>} : memref<128x128xf32, #tpu.memory_space<vmem>>, vector<1x16xf32>,
        }
        %scan3A_107 = arith.constant 32 : i32
        %dma_start3A_108 = arith.constant 0 : i32
        %dma_start3A_109 = tpu.memref_slice %arg8[%add3A_95, %dma_start3A_108] : memref<40x128xi32, #tpu.memory_space<vmem>> -> memref<1x128xi32, #tpu.memory_space<vmem>>
        %dma_start3A_110 = tpu.memref_squeeze %dma_start3A_109 : memref<1x128xi32, #tpu.memory_space<vmem>> -> memref<128xi32, #tpu.memory_space<vmem>>
        %dma_start3A_111 = arith.constant 0 : i32
        %dma_start3A_112 = arith.constant 0 : i32
        %dma_start3A_113 = tpu.memref_slice %arg16[%dma_start3A_111, %dma_start3A_112] : memref<10240x128xf32, #tpu.memory_space<vmem_shared>> -> memref<10240x128xf32, #tpu.memory_space<vmem_shared>>
        tpu.enqueue_indirect_dma source(%arg10 : memref<128x128xf32, #tpu.memory_space<vmem>>) target(%dma_start3A_113 : memref<10240x128xf32, #tpu.memory_space<vmem_shared>>) offsets(%dma_start3A_110 : memref<128xi32, #tpu.memory_space<vmem>>) semaphore(%arg14 : memref<!tpu.dma_semaphore, #tpu.memory_space<semaphore_mem>>) {add = true}
        %lt3A = arith.constant 19 : i32
        %lt3A_114 = arith.cmpi slt, %scan3A_91, %lt3A : i32
        %convert_element_type3A = arith.extui %lt3A_114 : i1 to i32
        %cond3A = arith.constant 0 : i32
        %cond3A_115 = arith.cmpi ne, %convert_element_type3A, %cond3A : i32
        scf.if %cond3A_115 {
          %dma_wait3A_143 = arith.constant 0 : i32
          %dma_wait3A_144 = tpu.memref_slice %arg8[%add3A_95, %dma_wait3A_143] : memref<40x128xi32, #tpu.memory_space<vmem>> -> memref<1x128xi32, #tpu.memory_space<vmem>>
          %dma_wait3A_145 = tpu.memref_squeeze %dma_wait3A_144 : memref<1x128xi32, #tpu.memory_space<vmem>> -> memref<128xi32, #tpu.memory_space<vmem>>
          %dma_wait3A_146 = arith.constant 0 : i32
          %dma_wait3A_147 = arith.constant 0 : i32
          %dma_wait3A_148 = tpu.memref_slice %arg16[%dma_wait3A_146, %dma_wait3A_147] : memref<10240x128xf32, #tpu.memory_space<vmem_shared>> -> memref<10240x128xf32, #tpu.memory_space<vmem_shared>>
          tpu.wait_indirect_dma semaphore(%arg14 : memref<!tpu.dma_semaphore, #tpu.memory_space<semaphore_mem>>) src(%arg10 : memref<128x128xf32, #tpu.memory_space<vmem>>) dst(%dma_wait3A_148 : memref<10240x128xf32, #tpu.memory_space<vmem_shared>>)
          %add3A_149 = arith.constant 2 : i32
          %add3A_150 = arith.addi %add3A_95, %add3A_149 : i32
          %dma_start3A_151 = arith.constant 0 : i32
          %dma_start3A_152 = tpu.memref_slice %arg7[%add3A_150, %dma_start3A_151] : memref<40x128xi32, #tpu.memory_space<vmem>> -> memref<1x128xi32, #tpu.memory_space<vmem>>
          %dma_start3A_153 = tpu.memref_squeeze %dma_start3A_152 : memref<1x128xi32, #tpu.memory_space<vmem>> -> memref<128xi32, #tpu.memory_space<vmem>>
          %dma_start3A_154 = arith.constant 0 : i32
          %dma_start3A_155 = arith.constant 0 : i32
          %dma_start3A_156 = tpu.memref_slice %arg2[%dma_start3A_154, %dma_start3A_155] : memref<10000x128xf32, #tpu.memory_space<hbm>> -> memref<10000x128xf32, #tpu.memory_space<hbm>>
          tpu.enqueue_indirect_dma source(%dma_start3A_156 : memref<10000x128xf32, #tpu.memory_space<hbm>>) target(%arg10 : memref<128x128xf32, #tpu.memory_space<vmem>>) offsets(%dma_start3A_153 : memref<128xi32, #tpu.memory_space<vmem>>) semaphore(%arg12 : memref<!tpu.dma_semaphore, #tpu.memory_space<semaphore_mem>>)
        } else {
        }
        %mul3A_116 = arith.constant 2 : i32
        %mul3A_117 = arith.muli %mul3A_116, %scan3A_91 : i32
        %add3A_118 = arith.constant 1 : i32
        %add3A_119 = arith.addi %mul3A_117, %add3A_118 : i32
        %dma_wait3A_120 = arith.constant 0 : i32
        %dma_wait3A_121 = tpu.memref_slice %arg7[%add3A_119, %dma_wait3A_120] : memref<40x128xi32, #tpu.memory_space<vmem>> -> memref<1x128xi32, #tpu.memory_space<vmem>>
        %dma_wait3A_122 = tpu.memref_squeeze %dma_wait3A_121 : memref<1x128xi32, #tpu.memory_space<vmem>> -> memref<128xi32, #tpu.memory_space<vmem>>
        %dma_wait3A_123 = arith.constant 0 : i32
        %dma_wait3A_124 = arith.constant 0 : i32
        %dma_wait3A_125 = tpu.memref_slice %arg2[%dma_wait3A_123, %dma_wait3A_124] : memref<10000x128xf32, #tpu.memory_space<hbm>> -> memref<10000x128xf32, #tpu.memory_space<hbm>>
        tpu.wait_indirect_dma semaphore(%arg13 : memref<!tpu.dma_semaphore, #tpu.memory_space<semaphore_mem>>) src(%dma_wait3A_125 : memref<10000x128xf32, #tpu.memory_space<hbm>>) dst(%arg11 : memref<128x128xf32, #tpu.memory_space<vmem>>)
        %scan3A_126 = arith.constant 0 : i32
        %scan3A_127 = arith.constant 0 : i32
        %scan3A_128 = arith.constant 32 : i32
        %scan3A_129 = arith.addi %scan3A_127, %scan3A_128 : i32
        %scan3A_130 = arith.constant 1 : i32
        scf.for %scan3A_143 = %scan3A_127 to %scan3A_129 step %scan3A_130  : i32 {
          %mul3A_144 = arith.constant 4 : i32
          %mul3A_145 = arith.muli %scan3A_143, %mul3A_144 : i32
          %jit3A = arith.constant 16 : i32
          %div3A = arith.divsi %mul3A_145, %jit3A : i32
          %sign3A = arith.constant 0 : i32
          %sign3A_146 = arith.cmpi sgt, %mul3A_145, %sign3A : i32
          %sign3A_147 = arith.extui %sign3A_146 : i1 to i32
          %sign3A_148 = arith.constant 0 : i32
          %sign3A_149 = arith.cmpi slt, %mul3A_145, %sign3A_148 : i32
          %sign3A_150 = arith.extui %sign3A_149 : i1 to i32
          %sign3A_151 = arith.subi %sign3A_147, %sign3A_150 : i32
          %sign3A_152 = arith.constant 0 : i32
          %sign3A_153 = arith.cmpi sgt, %jit3A, %sign3A_152 : i32
          %sign3A_154 = arith.extui %sign3A_153 : i1 to i32
          %sign3A_155 = arith.constant 0 : i32
          %sign3A_156 = arith.cmpi slt, %jit3A, %sign3A_155 : i32
          %sign3A_157 = arith.extui %sign3A_156 : i1 to i32
          %sign3A_158 = arith.subi %sign3A_154, %sign3A_157 : i32
          %ne3A = arith.cmpi ne, %sign3A_151, %sign3A_158 : i32
          %rem3A = arith.remsi %mul3A_145, %jit3A : i32
          %ne3A_159 = arith.constant 0 : i32
          %ne3A_160 = arith.cmpi ne, %rem3A, %ne3A_159 : i32
          %and3A = arith.andi %ne3A, %ne3A_160 : i1
          %sub3A = arith.constant 1 : i32
          %sub3A_161 = arith.subi %div3A, %sub3A : i32
          %select_n3A = arith.select %and3A, %sub3A_161, %div3A : i32
          %mul3A_162 = arith.constant 16 : i32
          %mul3A_163 = arith.muli %select_n3A, %mul3A_162 : i32
          %get3A = arith.index_cast %add3A_119 : i32 to index
          %get3A_164 = arith.index_cast %mul3A_163 : i32 to index
          %get3A_165 = tpu.vector_load %arg9[%get3A, %get3A_164] {strides = array<i32>} : memref<40x128xf32, #tpu.memory_space<vmem>>, vector<1x16xf32>,
          %get3A_166 = vector.shape_cast %get3A_165 : vector<1x16xf32> to vector<16xf32>
          %jit3A_167 = arith.constant 16 : i32
          %eq3A = arith.constant 0 : i32
          %eq3A_168 = arith.cmpi eq, %jit3A_167, %eq3A : i32
          %jit3A_169 = arith.constant 1 : i32
          %select_n3A_170 = arith.select %eq3A_168, %jit3A_169, %jit3A_167 : i32
          %rem3A_171 = arith.remsi %mul3A_145, %select_n3A_170 : i32
          %ne3A_172 = arith.constant 0 : i32
          %ne3A_173 = arith.cmpi ne, %rem3A_171, %ne3A_172 : i32
          %lt3A_174 = arith.constant 0 : i32
          %lt3A_175 = arith.cmpi slt, %rem3A_171, %lt3A_174 : i32
          %lt3A_176 = arith.constant 0 : i32
          %lt3A_177 = arith.cmpi slt, %select_n3A_170, %lt3A_176 : i32
          %ne3A_178 = arith.xori %lt3A_175, %lt3A_177 : i1
          %and3A_179 = arith.andi %ne3A_178, %ne3A_173 : i1
          %add3A_180 = arith.addi %rem3A_171, %select_n3A_170 : i32
          %select_n3A_181 = arith.select %and3A_179, %add3A_180, %rem3A_171 : i32
          %add3A_182 = arith.constant 0 : i32
          %add3A_183 = arith.addi %select_n3A_181, %add3A_182 : i32
          %broadcast_in_dim3A = vector.broadcast %add3A_183 : i32 to vector<16xi32>
          %lt3A_184 = arith.constant 0 : i32
          %lt3A_185 = vector.broadcast %lt3A_184 : i32 to vector<16xi32>
          %lt3A_186 = arith.cmpi slt, %broadcast_in_dim3A, %lt3A_185 : vector<16xi32>
          %add3A_187 = arith.constant 16 : i32
          %add3A_188 = vector.broadcast %add3A_187 : i32 to vector<16xi32>
          %add3A_189 = arith.addi %broadcast_in_dim3A, %add3A_188 : vector<16xi32>
          %select_n3A_190 = arith.select %lt3A_186, %add3A_189, %broadcast_in_dim3A : vector<16xi1>, vector<16xi32>
          %reshape3A = vector.shape_cast %select_n3A_190 : vector<16xi32> to vector<16x1xi32>
          %gather3A = vector.shape_cast %reshape3A : vector<16x1xi32> to vector<16xi32>
          %gather3A_191 = tpu.dynamic_gather %get3A_166[%gather3A] in [0] : vector<16xf32>, vector<16xi32> -> vector<16xf32>
          %add3A_192 = arith.constant 0 : i32
          %add3A_193 = arith.addi %mul3A_145, %add3A_192 : i32
          %get3A_194 = arith.index_cast %add3A_193 : i32 to index
          %get3A_195 = arith.constant 0 : index
          %get3A_196 = tpu.vector_load %arg11[%get3A_194, %get3A_195] {strides = array<i32>} : memref<128x128xf32, #tpu.memory_space<vmem>>, vector<1x16xf32>,
          %get3A_197 = vector.shape_cast %get3A_196 : vector<1x16xf32> to vector<16xf32>
          %mul3A_198 = arith.mulf %get3A_197, %gather3A_191 : vector<16xf32>
          %add3A_199 = arith.constant 0 : i32
          %add3A_200 = arith.addi %mul3A_145, %add3A_199 : i32
          %swap3A = arith.index_cast %add3A_200 : i32 to index
          %swap3A_201 = arith.constant 0 : index
          %swap3A_202 = tpu.vector_load %arg11[%swap3A, %swap3A_201] {strides = array<i32>} : memref<128x128xf32, #tpu.memory_space<vmem>>, vector<1x16xf32>,
          %swap3A_203 = vector.shape_cast %swap3A_202 : vector<1x16xf32> to vector<16xf32>
          %swap3A_204 = vector.shape_cast %mul3A_198 : vector<16xf32> to vector<1x16xf32>
          tpu.vector_store %arg11[%swap3A, %swap3A_201], %swap3A_204 {strides = array<i32>} : memref<128x128xf32, #tpu.memory_space<vmem>>, vector<1x16xf32>,
          %add3A_205 = arith.constant 0 : i32
          %add3A_206 = arith.addi %mul3A_145, %add3A_205 : i32
          %get3A_207 = arith.index_cast %add3A_206 : i32 to index
          %get3A_208 = arith.constant 16 : index
          %get3A_209 = tpu.vector_load %arg11[%get3A_207, %get3A_208] {strides = array<i32>} : memref<128x128xf32, #tpu.memory_space<vmem>>, vector<1x16xf32>,
          %get3A_210 = vector.shape_cast %get3A_209 : vector<1x16xf32> to vector<16xf32>
          %mul3A_211 = arith.mulf %get3A_210, %gather3A_191 : vector<16xf32>
          %add3A_212 = arith.constant 0 : i32
          %add3A_213 = arith.addi %mul3A_145, %add3A_212 : i32
          %swap3A_214 = arith.index_cast %add3A_213 : i32 to index
          %swap3A_215 = arith.constant 16 : index
          %swap3A_216 = tpu.vector_load %arg11[%swap3A_214, %swap3A_215] {strides = array<i32>} : memref<128x128xf32, #tpu.memory_space<vmem>>, vector<1x16xf32>,
          %swap3A_217 = vector.shape_cast %swap3A_216 : vector<1x16xf32> to vector<16xf32>
          %swap3A_218 = vector.shape_cast %mul3A_211 : vector<16xf32> to vector<1x16xf32>
          tpu.vector_store %arg11[%swap3A_214, %swap3A_215], %swap3A_218 {strides = array<i32>} : memref<128x128xf32, #tpu.memory_space<vmem>>, vector<1x16xf32>,
          %add3A_219 = arith.constant 0 : i32
          %add3A_220 = arith.addi %mul3A_145, %add3A_219 : i32
          %get3A_221 = arith.index_cast %add3A_220 : i32 to index
          %get3A_222 = arith.constant 32 : index
          %get3A_223 = tpu.vector_load %arg11[%get3A_221, %get3A_222] {strides = array<i32>} : memref<128x128xf32, #tpu.memory_space<vmem>>, vector<1x16xf32>,
          %get3A_224 = vector.shape_cast %get3A_223 : vector<1x16xf32> to vector<16xf32>
          %mul3A_225 = arith.mulf %get3A_224, %gather3A_191 : vector<16xf32>
          %add3A_226 = arith.constant 0 : i32
          %add3A_227 = arith.addi %mul3A_145, %add3A_226 : i32
          %swap3A_228 = arith.index_cast %add3A_227 : i32 to index
          %swap3A_229 = arith.constant 32 : index
          %swap3A_230 = tpu.vector_load %arg11[%swap3A_228, %swap3A_229] {strides = array<i32>} : memref<128x128xf32, #tpu.memory_space<vmem>>, vector<1x16xf32>,
          %swap3A_231 = vector.shape_cast %swap3A_230 : vector<1x16xf32> to vector<16xf32>
          %swap3A_232 = vector.shape_cast %mul3A_225 : vector<16xf32> to vector<1x16xf32>
          tpu.vector_store %arg11[%swap3A_228, %swap3A_229], %swap3A_232 {strides = array<i32>} : memref<128x128xf32, #tpu.memory_space<vmem>>, vector<1x16xf32>,
          %add3A_233 = arith.constant 0 : i32
          %add3A_234 = arith.addi %mul3A_145, %add3A_233 : i32
          %get3A_235 = arith.index_cast %add3A_234 : i32 to index
          %get3A_236 = arith.constant 48 : index
          %get3A_237 = tpu.vector_load %arg11[%get3A_235, %get3A_236] {strides = array<i32>} : memref<128x128xf32, #tpu.memory_space<vmem>>, vector<1x16xf32>,
          %get3A_238 = vector.shape_cast %get3A_237 : vector<1x16xf32> to vector<16xf32>
          %mul3A_239 = arith.mulf %get3A_238, %gather3A_191 : vector<16xf32>
          %add3A_240 = arith.constant 0 : i32
          %add3A_241 = arith.addi %mul3A_145, %add3A_240 : i32
          %swap3A_242 = arith.index_cast %add3A_241 : i32 to index
          %swap3A_243 = arith.constant 48 : index
          %swap3A_244 = tpu.vector_load %arg11[%swap3A_242, %swap3A_243] {strides = array<i32>} : memref<128x128xf32, #tpu.memory_space<vmem>>, vector<1x16xf32>,
          %swap3A_245 = vector.shape_cast %swap3A_244 : vector<1x16xf32> to vector<16xf32>
          %swap3A_246 = vector.shape_cast %mul3A_239 : vector<16xf32> to vector<1x16xf32>
          tpu.vector_store %arg11[%swap3A_242, %swap3A_243], %swap3A_246 {strides = array<i32>} : memref<128x128xf32, #tpu.memory_space<vmem>>, vector<1x16xf32>,
          %add3A_247 = arith.constant 0 : i32
          %add3A_248 = arith.addi %mul3A_145, %add3A_247 : i32
          %get3A_249 = arith.index_cast %add3A_248 : i32 to index
          %get3A_250 = arith.constant 64 : index
          %get3A_251 = tpu.vector_load %arg11[%get3A_249, %get3A_250] {strides = array<i32>} : memref<128x128xf32, #tpu.memory_space<vmem>>, vector<1x16xf32>,
          %get3A_252 = vector.shape_cast %get3A_251 : vector<1x16xf32> to vector<16xf32>
          %mul3A_253 = arith.mulf %get3A_252, %gather3A_191 : vector<16xf32>
          %add3A_254 = arith.constant 0 : i32
          %add3A_255 = arith.addi %mul3A_145, %add3A_254 : i32
          %swap3A_256 = arith.index_cast %add3A_255 : i32 to index
          %swap3A_257 = arith.constant 64 : index
          %swap3A_258 = tpu.vector_load %arg11[%swap3A_256, %swap3A_257] {strides = array<i32>} : memref<128x128xf32, #tpu.memory_space<vmem>>, vector<1x16xf32>,
          %swap3A_259 = vector.shape_cast %swap3A_258 : vector<1x16xf32> to vector<16xf32>
          %swap3A_260 = vector.shape_cast %mul3A_253 : vector<16xf32> to vector<1x16xf32>
          tpu.vector_store %arg11[%swap3A_256, %swap3A_257], %swap3A_260 {strides = array<i32>} : memref<128x128xf32, #tpu.memory_space<vmem>>, vector<1x16xf32>,
          %add3A_261 = arith.constant 0 : i32
          %add3A_262 = arith.addi %mul3A_145, %add3A_261 : i32
          %get3A_263 = arith.index_cast %add3A_262 : i32 to index
          %get3A_264 = arith.constant 80 : index
          %get3A_265 = tpu.vector_load %arg11[%get3A_263, %get3A_264] {strides = array<i32>} : memref<128x128xf32, #tpu.memory_space<vmem>>, vector<1x16xf32>,
          %get3A_266 = vector.shape_cast %get3A_265 : vector<1x16xf32> to vector<16xf32>
          %mul3A_267 = arith.mulf %get3A_266, %gather3A_191 : vector<16xf32>
          %add3A_268 = arith.constant 0 : i32
          %add3A_269 = arith.addi %mul3A_145, %add3A_268 : i32
          %swap3A_270 = arith.index_cast %add3A_269 : i32 to index
          %swap3A_271 = arith.constant 80 : index
          %swap3A_272 = tpu.vector_load %arg11[%swap3A_270, %swap3A_271] {strides = array<i32>} : memref<128x128xf32, #tpu.memory_space<vmem>>, vector<1x16xf32>,
          %swap3A_273 = vector.shape_cast %swap3A_272 : vector<1x16xf32> to vector<16xf32>
          %swap3A_274 = vector.shape_cast %mul3A_267 : vector<16xf32> to vector<1x16xf32>
          tpu.vector_store %arg11[%swap3A_270, %swap3A_271], %swap3A_274 {strides = array<i32>} : memref<128x128xf32, #tpu.memory_space<vmem>>, vector<1x16xf32>,
          %add3A_275 = arith.constant 0 : i32
          %add3A_276 = arith.addi %mul3A_145, %add3A_275 : i32
          %get3A_277 = arith.index_cast %add3A_276 : i32 to index
          %get3A_278 = arith.constant 96 : index
          %get3A_279 = tpu.vector_load %arg11[%get3A_277, %get3A_278] {strides = array<i32>} : memref<128x128xf32, #tpu.memory_space<vmem>>, vector<1x16xf32>,
          %get3A_280 = vector.shape_cast %get3A_279 : vector<1x16xf32> to vector<16xf32>
          %mul3A_281 = arith.mulf %get3A_280, %gather3A_191 : vector<16xf32>
          %add3A_282 = arith.constant 0 : i32
          %add3A_283 = arith.addi %mul3A_145, %add3A_282 : i32
          %swap3A_284 = arith.index_cast %add3A_283 : i32 to index
          %swap3A_285 = arith.constant 96 : index
          %swap3A_286 = tpu.vector_load %arg11[%swap3A_284, %swap3A_285] {strides = array<i32>} : memref<128x128xf32, #tpu.memory_space<vmem>>, vector<1x16xf32>,
          %swap3A_287 = vector.shape_cast %swap3A_286 : vector<1x16xf32> to vector<16xf32>
          %swap3A_288 = vector.shape_cast %mul3A_281 : vector<16xf32> to vector<1x16xf32>
          tpu.vector_store %arg11[%swap3A_284, %swap3A_285], %swap3A_288 {strides = array<i32>} : memref<128x128xf32, #tpu.memory_space<vmem>>, vector<1x16xf32>,
          %add3A_289 = arith.constant 0 : i32
          %add3A_290 = arith.addi %mul3A_145, %add3A_289 : i32
          %get3A_291 = arith.index_cast %add3A_290 : i32 to index
          %get3A_292 = arith.constant 112 : index
          %get3A_293 = tpu.vector_load %arg11[%get3A_291, %get3A_292] {strides = array<i32>} : memref<128x128xf32, #tpu.memory_space<vmem>>, vector<1x16xf32>,
          %get3A_294 = vector.shape_cast %get3A_293 : vector<1x16xf32> to vector<16xf32>
          %mul3A_295 = arith.mulf %get3A_294, %gather3A_191 : vector<16xf32>
          %add3A_296 = arith.constant 0 : i32
          %add3A_297 = arith.addi %mul3A_145, %add3A_296 : i32
          %swap3A_298 = arith.index_cast %add3A_297 : i32 to index
          %swap3A_299 = arith.constant 112 : index
          %swap3A_300 = tpu.vector_load %arg11[%swap3A_298, %swap3A_299] {strides = array<i32>} : memref<128x128xf32, #tpu.memory_space<vmem>>, vector<1x16xf32>,
          %swap3A_301 = vector.shape_cast %swap3A_300 : vector<1x16xf32> to vector<16xf32>
          %swap3A_302 = vector.shape_cast %mul3A_295 : vector<16xf32> to vector<1x16xf32>
          tpu.vector_store %arg11[%swap3A_298, %swap3A_299], %swap3A_302 {strides = array<i32>} : memref<128x128xf32, #tpu.memory_space<vmem>>, vector<1x16xf32>,
          %add3A_303 = arith.constant 1 : i32
          %add3A_304 = arith.addi %select_n3A_181, %add3A_303 : i32
          %broadcast_in_dim3A_305 = vector.broadcast %add3A_304 : i32 to vector<16xi32>
          %lt3A_306 = arith.constant 0 : i32
          %lt3A_307 = vector.broadcast %lt3A_306 : i32 to vector<16xi32>
          %lt3A_308 = arith.cmpi slt, %broadcast_in_dim3A_305, %lt3A_307 : vector<16xi32>
          %add3A_309 = arith.constant 16 : i32
          %add3A_310 = vector.broadcast %add3A_309 : i32 to vector<16xi32>
          %add3A_311 = arith.addi %broadcast_in_dim3A_305, %add3A_310 : vector<16xi32>
          %select_n3A_312 = arith.select %lt3A_308, %add3A_311, %broadcast_in_dim3A_305 : vector<16xi1>, vector<16xi32>
          %reshape3A_313 = vector.shape_cast %select_n3A_312 : vector<16xi32> to vector<16x1xi32>
          %gather3A_314 = vector.shape_cast %reshape3A_313 : vector<16x1xi32> to vector<16xi32>
          %gather3A_315 = tpu.dynamic_gather %get3A_166[%gather3A_314] in [0] : vector<16xf32>, vector<16xi32> -> vector<16xf32>
          %add3A_316 = arith.constant 1 : i32
          %add3A_317 = arith.addi %mul3A_145, %add3A_316 : i32
          %get3A_318 = arith.index_cast %add3A_317 : i32 to index
          %get3A_319 = arith.constant 0 : index
          %get3A_320 = tpu.vector_load %arg11[%get3A_318, %get3A_319] {strides = array<i32>} : memref<128x128xf32, #tpu.memory_space<vmem>>, vector<1x16xf32>,
          %get3A_321 = vector.shape_cast %get3A_320 : vector<1x16xf32> to vector<16xf32>
          %mul3A_322 = arith.mulf %get3A_321, %gather3A_315 : vector<16xf32>
          %add3A_323 = arith.constant 1 : i32
          %add3A_324 = arith.addi %mul3A_145, %add3A_323 : i32
          %swap3A_325 = arith.index_cast %add3A_324 : i32 to index
          %swap3A_326 = arith.constant 0 : index
          %swap3A_327 = tpu.vector_load %arg11[%swap3A_325, %swap3A_326] {strides = array<i32>} : memref<128x128xf32, #tpu.memory_space<vmem>>, vector<1x16xf32>,
          %swap3A_328 = vector.shape_cast %swap3A_327 : vector<1x16xf32> to vector<16xf32>
          %swap3A_329 = vector.shape_cast %mul3A_322 : vector<16xf32> to vector<1x16xf32>
          tpu.vector_store %arg11[%swap3A_325, %swap3A_326], %swap3A_329 {strides = array<i32>} : memref<128x128xf32, #tpu.memory_space<vmem>>, vector<1x16xf32>,
          %add3A_330 = arith.constant 1 : i32
          %add3A_331 = arith.addi %mul3A_145, %add3A_330 : i32
          %get3A_332 = arith.index_cast %add3A_331 : i32 to index
          %get3A_333 = arith.constant 16 : index
          %get3A_334 = tpu.vector_load %arg11[%get3A_332, %get3A_333] {strides = array<i32>} : memref<128x128xf32, #tpu.memory_space<vmem>>, vector<1x16xf32>,
          %get3A_335 = vector.shape_cast %get3A_334 : vector<1x16xf32> to vector<16xf32>
          %mul3A_336 = arith.mulf %get3A_335, %gather3A_315 : vector<16xf32>
          %add3A_337 = arith.constant 1 : i32
          %add3A_338 = arith.addi %mul3A_145, %add3A_337 : i32
          %swap3A_339 = arith.index_cast %add3A_338 : i32 to index
          %swap3A_340 = arith.constant 16 : index
          %swap3A_341 = tpu.vector_load %arg11[%swap3A_339, %swap3A_340] {strides = array<i32>} : memref<128x128xf32, #tpu.memory_space<vmem>>, vector<1x16xf32>,
          %swap3A_342 = vector.shape_cast %swap3A_341 : vector<1x16xf32> to vector<16xf32>
          %swap3A_343 = vector.shape_cast %mul3A_336 : vector<16xf32> to vector<1x16xf32>
          tpu.vector_store %arg11[%swap3A_339, %swap3A_340], %swap3A_343 {strides = array<i32>} : memref<128x128xf32, #tpu.memory_space<vmem>>, vector<1x16xf32>,
          %add3A_344 = arith.constant 1 : i32
          %add3A_345 = arith.addi %mul3A_145, %add3A_344 : i32
          %get3A_346 = arith.index_cast %add3A_345 : i32 to index
          %get3A_347 = arith.constant 32 : index
          %get3A_348 = tpu.vector_load %arg11[%get3A_346, %get3A_347] {strides = array<i32>} : memref<128x128xf32, #tpu.memory_space<vmem>>, vector<1x16xf32>,
          %get3A_349 = vector.shape_cast %get3A_348 : vector<1x16xf32> to vector<16xf32>
          %mul3A_350 = arith.mulf %get3A_349, %gather3A_315 : vector<16xf32>
          %add3A_351 = arith.constant 1 : i32
          %add3A_352 = arith.addi %mul3A_145, %add3A_351 : i32
          %swap3A_353 = arith.index_cast %add3A_352 : i32 to index
          %swap3A_354 = arith.constant 32 : index
          %swap3A_355 = tpu.vector_load %arg11[%swap3A_353, %swap3A_354] {strides = array<i32>} : memref<128x128xf32, #tpu.memory_space<vmem>>, vector<1x16xf32>,
          %swap3A_356 = vector.shape_cast %swap3A_355 : vector<1x16xf32> to vector<16xf32>
          %swap3A_357 = vector.shape_cast %mul3A_350 : vector<16xf32> to vector<1x16xf32>
          tpu.vector_store %arg11[%swap3A_353, %swap3A_354], %swap3A_357 {strides = array<i32>} : memref<128x128xf32, #tpu.memory_space<vmem>>, vector<1x16xf32>,
          %add3A_358 = arith.constant 1 : i32
          %add3A_359 = arith.addi %mul3A_145, %add3A_358 : i32
          %get3A_360 = arith.index_cast %add3A_359 : i32 to index
          %get3A_361 = arith.constant 48 : index
          %get3A_362 = tpu.vector_load %arg11[%get3A_360, %get3A_361] {strides = array<i32>} : memref<128x128xf32, #tpu.memory_space<vmem>>, vector<1x16xf32>,
          %get3A_363 = vector.shape_cast %get3A_362 : vector<1x16xf32> to vector<16xf32>
          %mul3A_364 = arith.mulf %get3A_363, %gather3A_315 : vector<16xf32>
          %add3A_365 = arith.constant 1 : i32
          %add3A_366 = arith.addi %mul3A_145, %add3A_365 : i32
          %swap3A_367 = arith.index_cast %add3A_366 : i32 to index
          %swap3A_368 = arith.constant 48 : index
          %swap3A_369 = tpu.vector_load %arg11[%swap3A_367, %swap3A_368] {strides = array<i32>} : memref<128x128xf32, #tpu.memory_space<vmem>>, vector<1x16xf32>,
          %swap3A_370 = vector.shape_cast %swap3A_369 : vector<1x16xf32> to vector<16xf32>
          %swap3A_371 = vector.shape_cast %mul3A_364 : vector<16xf32> to vector<1x16xf32>
          tpu.vector_store %arg11[%swap3A_367, %swap3A_368], %swap3A_371 {strides = array<i32>} : memref<128x128xf32, #tpu.memory_space<vmem>>, vector<1x16xf32>,
          %add3A_372 = arith.constant 1 : i32
          %add3A_373 = arith.addi %mul3A_145, %add3A_372 : i32
          %get3A_374 = arith.index_cast %add3A_373 : i32 to index
          %get3A_375 = arith.constant 64 : index
          %get3A_376 = tpu.vector_load %arg11[%get3A_374, %get3A_375] {strides = array<i32>} : memref<128x128xf32, #tpu.memory_space<vmem>>, vector<1x16xf32>,
          %get3A_377 = vector.shape_cast %get3A_376 : vector<1x16xf32> to vector<16xf32>
          %mul3A_378 = arith.mulf %get3A_377, %gather3A_315 : vector<16xf32>
          %add3A_379 = arith.constant 1 : i32
          %add3A_380 = arith.addi %mul3A_145, %add3A_379 : i32
          %swap3A_381 = arith.index_cast %add3A_380 : i32 to index
          %swap3A_382 = arith.constant 64 : index
          %swap3A_383 = tpu.vector_load %arg11[%swap3A_381, %swap3A_382] {strides = array<i32>} : memref<128x128xf32, #tpu.memory_space<vmem>>, vector<1x16xf32>,
          %swap3A_384 = vector.shape_cast %swap3A_383 : vector<1x16xf32> to vector<16xf32>
          %swap3A_385 = vector.shape_cast %mul3A_378 : vector<16xf32> to vector<1x16xf32>
          tpu.vector_store %arg11[%swap3A_381, %swap3A_382], %swap3A_385 {strides = array<i32>} : memref<128x128xf32, #tpu.memory_space<vmem>>, vector<1x16xf32>,
          %add3A_386 = arith.constant 1 : i32
          %add3A_387 = arith.addi %mul3A_145, %add3A_386 : i32
          %get3A_388 = arith.index_cast %add3A_387 : i32 to index
          %get3A_389 = arith.constant 80 : index
          %get3A_390 = tpu.vector_load %arg11[%get3A_388, %get3A_389] {strides = array<i32>} : memref<128x128xf32, #tpu.memory_space<vmem>>, vector<1x16xf32>,
          %get3A_391 = vector.shape_cast %get3A_390 : vector<1x16xf32> to vector<16xf32>
          %mul3A_392 = arith.mulf %get3A_391, %gather3A_315 : vector<16xf32>
          %add3A_393 = arith.constant 1 : i32
          %add3A_394 = arith.addi %mul3A_145, %add3A_393 : i32
          %swap3A_395 = arith.index_cast %add3A_394 : i32 to index
          %swap3A_396 = arith.constant 80 : index
          %swap3A_397 = tpu.vector_load %arg11[%swap3A_395, %swap3A_396] {strides = array<i32>} : memref<128x128xf32, #tpu.memory_space<vmem>>, vector<1x16xf32>,
          %swap3A_398 = vector.shape_cast %swap3A_397 : vector<1x16xf32> to vector<16xf32>
          %swap3A_399 = vector.shape_cast %mul3A_392 : vector<16xf32> to vector<1x16xf32>
          tpu.vector_store %arg11[%swap3A_395, %swap3A_396], %swap3A_399 {strides = array<i32>} : memref<128x128xf32, #tpu.memory_space<vmem>>, vector<1x16xf32>,
          %add3A_400 = arith.constant 1 : i32
          %add3A_401 = arith.addi %mul3A_145, %add3A_400 : i32
          %get3A_402 = arith.index_cast %add3A_401 : i32 to index
          %get3A_403 = arith.constant 96 : index
          %get3A_404 = tpu.vector_load %arg11[%get3A_402, %get3A_403] {strides = array<i32>} : memref<128x128xf32, #tpu.memory_space<vmem>>, vector<1x16xf32>,
          %get3A_405 = vector.shape_cast %get3A_404 : vector<1x16xf32> to vector<16xf32>
          %mul3A_406 = arith.mulf %get3A_405, %gather3A_315 : vector<16xf32>
          %add3A_407 = arith.constant 1 : i32
          %add3A_408 = arith.addi %mul3A_145, %add3A_407 : i32
          %swap3A_409 = arith.index_cast %add3A_408 : i32 to index
          %swap3A_410 = arith.constant 96 : index
          %swap3A_411 = tpu.vector_load %arg11[%swap3A_409, %swap3A_410] {strides = array<i32>} : memref<128x128xf32, #tpu.memory_space<vmem>>, vector<1x16xf32>,
          %swap3A_412 = vector.shape_cast %swap3A_411 : vector<1x16xf32> to vector<16xf32>
          %swap3A_413 = vector.shape_cast %mul3A_406 : vector<16xf32> to vector<1x16xf32>
          tpu.vector_store %arg11[%swap3A_409, %swap3A_410], %swap3A_413 {strides = array<i32>} : memref<128x128xf32, #tpu.memory_space<vmem>>, vector<1x16xf32>,
          %add3A_414 = arith.constant 1 : i32
          %add3A_415 = arith.addi %mul3A_145, %add3A_414 : i32
          %get3A_416 = arith.index_cast %add3A_415 : i32 to index
          %get3A_417 = arith.constant 112 : index
          %get3A_418 = tpu.vector_load %arg11[%get3A_416, %get3A_417] {strides = array<i32>} : memref<128x128xf32, #tpu.memory_space<vmem>>, vector<1x16xf32>,
          %get3A_419 = vector.shape_cast %get3A_418 : vector<1x16xf32> to vector<16xf32>
          %mul3A_420 = arith.mulf %get3A_419, %gather3A_315 : vector<16xf32>
          %add3A_421 = arith.constant 1 : i32
          %add3A_422 = arith.addi %mul3A_145, %add3A_421 : i32
          %swap3A_423 = arith.index_cast %add3A_422 : i32 to index
          %swap3A_424 = arith.constant 112 : index
          %swap3A_425 = tpu.vector_load %arg11[%swap3A_423, %swap3A_424] {strides = array<i32>} : memref<128x128xf32, #tpu.memory_space<vmem>>, vector<1x16xf32>,
          %swap3A_426 = vector.shape_cast %swap3A_425 : vector<1x16xf32> to vector<16xf32>
          %swap3A_427 = vector.shape_cast %mul3A_420 : vector<16xf32> to vector<1x16xf32>
          tpu.vector_store %arg11[%swap3A_423, %swap3A_424], %swap3A_427 {strides = array<i32>} : memref<128x128xf32, #tpu.memory_space<vmem>>, vector<1x16xf32>,
          %add3A_428 = arith.constant 2 : i32
          %add3A_429 = arith.addi %select_n3A_181, %add3A_428 : i32
          %broadcast_in_dim3A_430 = vector.broadcast %add3A_429 : i32 to vector<16xi32>
          %lt3A_431 = arith.constant 0 : i32
          %lt3A_432 = vector.broadcast %lt3A_431 : i32 to vector<16xi32>
          %lt3A_433 = arith.cmpi slt, %broadcast_in_dim3A_430, %lt3A_432 : vector<16xi32>
          %add3A_434 = arith.constant 16 : i32
          %add3A_435 = vector.broadcast %add3A_434 : i32 to vector<16xi32>
          %add3A_436 = arith.addi %broadcast_in_dim3A_430, %add3A_435 : vector<16xi32>
          %select_n3A_437 = arith.select %lt3A_433, %add3A_436, %broadcast_in_dim3A_430 : vector<16xi1>, vector<16xi32>
          %reshape3A_438 = vector.shape_cast %select_n3A_437 : vector<16xi32> to vector<16x1xi32>
          %gather3A_439 = vector.shape_cast %reshape3A_438 : vector<16x1xi32> to vector<16xi32>
          %gather3A_440 = tpu.dynamic_gather %get3A_166[%gather3A_439] in [0] : vector<16xf32>, vector<16xi32> -> vector<16xf32>
          %add3A_441 = arith.constant 2 : i32
          %add3A_442 = arith.addi %mul3A_145, %add3A_441 : i32
          %get3A_443 = arith.index_cast %add3A_442 : i32 to index
          %get3A_444 = arith.constant 0 : index
          %get3A_445 = tpu.vector_load %arg11[%get3A_443, %get3A_444] {strides = array<i32>} : memref<128x128xf32, #tpu.memory_space<vmem>>, vector<1x16xf32>,
          %get3A_446 = vector.shape_cast %get3A_445 : vector<1x16xf32> to vector<16xf32>
          %mul3A_447 = arith.mulf %get3A_446, %gather3A_440 : vector<16xf32>
          %add3A_448 = arith.constant 2 : i32
          %add3A_449 = arith.addi %mul3A_145, %add3A_448 : i32
          %swap3A_450 = arith.index_cast %add3A_449 : i32 to index
          %swap3A_451 = arith.constant 0 : index
          %swap3A_452 = tpu.vector_load %arg11[%swap3A_450, %swap3A_451] {strides = array<i32>} : memref<128x128xf32, #tpu.memory_space<vmem>>, vector<1x16xf32>,
          %swap3A_453 = vector.shape_cast %swap3A_452 : vector<1x16xf32> to vector<16xf32>
          %swap3A_454 = vector.shape_cast %mul3A_447 : vector<16xf32> to vector<1x16xf32>
          tpu.vector_store %arg11[%swap3A_450, %swap3A_451], %swap3A_454 {strides = array<i32>} : memref<128x128xf32, #tpu.memory_space<vmem>>, vector<1x16xf32>,
          %add3A_455 = arith.constant 2 : i32
          %add3A_456 = arith.addi %mul3A_145, %add3A_455 : i32
          %get3A_457 = arith.index_cast %add3A_456 : i32 to index
          %get3A_458 = arith.constant 16 : index
          %get3A_459 = tpu.vector_load %arg11[%get3A_457, %get3A_458] {strides = array<i32>} : memref<128x128xf32, #tpu.memory_space<vmem>>, vector<1x16xf32>,
          %get3A_460 = vector.shape_cast %get3A_459 : vector<1x16xf32> to vector<16xf32>
          %mul3A_461 = arith.mulf %get3A_460, %gather3A_440 : vector<16xf32>
          %add3A_462 = arith.constant 2 : i32
          %add3A_463 = arith.addi %mul3A_145, %add3A_462 : i32
          %swap3A_464 = arith.index_cast %add3A_463 : i32 to index
          %swap3A_465 = arith.constant 16 : index
          %swap3A_466 = tpu.vector_load %arg11[%swap3A_464, %swap3A_465] {strides = array<i32>} : memref<128x128xf32, #tpu.memory_space<vmem>>, vector<1x16xf32>,
          %swap3A_467 = vector.shape_cast %swap3A_466 : vector<1x16xf32> to vector<16xf32>
          %swap3A_468 = vector.shape_cast %mul3A_461 : vector<16xf32> to vector<1x16xf32>
          tpu.vector_store %arg11[%swap3A_464, %swap3A_465], %swap3A_468 {strides = array<i32>} : memref<128x128xf32, #tpu.memory_space<vmem>>, vector<1x16xf32>,
          %add3A_469 = arith.constant 2 : i32
          %add3A_470 = arith.addi %mul3A_145, %add3A_469 : i32
          %get3A_471 = arith.index_cast %add3A_470 : i32 to index
          %get3A_472 = arith.constant 32 : index
          %get3A_473 = tpu.vector_load %arg11[%get3A_471, %get3A_472] {strides = array<i32>} : memref<128x128xf32, #tpu.memory_space<vmem>>, vector<1x16xf32>,
          %get3A_474 = vector.shape_cast %get3A_473 : vector<1x16xf32> to vector<16xf32>
          %mul3A_475 = arith.mulf %get3A_474, %gather3A_440 : vector<16xf32>
          %add3A_476 = arith.constant 2 : i32
          %add3A_477 = arith.addi %mul3A_145, %add3A_476 : i32
          %swap3A_478 = arith.index_cast %add3A_477 : i32 to index
          %swap3A_479 = arith.constant 32 : index
          %swap3A_480 = tpu.vector_load %arg11[%swap3A_478, %swap3A_479] {strides = array<i32>} : memref<128x128xf32, #tpu.memory_space<vmem>>, vector<1x16xf32>,
          %swap3A_481 = vector.shape_cast %swap3A_480 : vector<1x16xf32> to vector<16xf32>
          %swap3A_482 = vector.shape_cast %mul3A_475 : vector<16xf32> to vector<1x16xf32>
          tpu.vector_store %arg11[%swap3A_478, %swap3A_479], %swap3A_482 {strides = array<i32>} : memref<128x128xf32, #tpu.memory_space<vmem>>, vector<1x16xf32>,
          %add3A_483 = arith.constant 2 : i32
          %add3A_484 = arith.addi %mul3A_145, %add3A_483 : i32
          %get3A_485 = arith.index_cast %add3A_484 : i32 to index
          %get3A_486 = arith.constant 48 : index
          %get3A_487 = tpu.vector_load %arg11[%get3A_485, %get3A_486] {strides = array<i32>} : memref<128x128xf32, #tpu.memory_space<vmem>>, vector<1x16xf32>,
          %get3A_488 = vector.shape_cast %get3A_487 : vector<1x16xf32> to vector<16xf32>
          %mul3A_489 = arith.mulf %get3A_488, %gather3A_440 : vector<16xf32>
          %add3A_490 = arith.constant 2 : i32
          %add3A_491 = arith.addi %mul3A_145, %add3A_490 : i32
          %swap3A_492 = arith.index_cast %add3A_491 : i32 to index
          %swap3A_493 = arith.constant 48 : index
          %swap3A_494 = tpu.vector_load %arg11[%swap3A_492, %swap3A_493] {strides = array<i32>} : memref<128x128xf32, #tpu.memory_space<vmem>>, vector<1x16xf32>,
          %swap3A_495 = vector.shape_cast %swap3A_494 : vector<1x16xf32> to vector<16xf32>
          %swap3A_496 = vector.shape_cast %mul3A_489 : vector<16xf32> to vector<1x16xf32>
          tpu.vector_store %arg11[%swap3A_492, %swap3A_493], %swap3A_496 {strides = array<i32>} : memref<128x128xf32, #tpu.memory_space<vmem>>, vector<1x16xf32>,
          %add3A_497 = arith.constant 2 : i32
          %add3A_498 = arith.addi %mul3A_145, %add3A_497 : i32
          %get3A_499 = arith.index_cast %add3A_498 : i32 to index
          %get3A_500 = arith.constant 64 : index
          %get3A_501 = tpu.vector_load %arg11[%get3A_499, %get3A_500] {strides = array<i32>} : memref<128x128xf32, #tpu.memory_space<vmem>>, vector<1x16xf32>,
          %get3A_502 = vector.shape_cast %get3A_501 : vector<1x16xf32> to vector<16xf32>
          %mul3A_503 = arith.mulf %get3A_502, %gather3A_440 : vector<16xf32>
          %add3A_504 = arith.constant 2 : i32
          %add3A_505 = arith.addi %mul3A_145, %add3A_504 : i32
          %swap3A_506 = arith.index_cast %add3A_505 : i32 to index
          %swap3A_507 = arith.constant 64 : index
          %swap3A_508 = tpu.vector_load %arg11[%swap3A_506, %swap3A_507] {strides = array<i32>} : memref<128x128xf32, #tpu.memory_space<vmem>>, vector<1x16xf32>,
          %swap3A_509 = vector.shape_cast %swap3A_508 : vector<1x16xf32> to vector<16xf32>
          %swap3A_510 = vector.shape_cast %mul3A_503 : vector<16xf32> to vector<1x16xf32>
          tpu.vector_store %arg11[%swap3A_506, %swap3A_507], %swap3A_510 {strides = array<i32>} : memref<128x128xf32, #tpu.memory_space<vmem>>, vector<1x16xf32>,
          %add3A_511 = arith.constant 2 : i32
          %add3A_512 = arith.addi %mul3A_145, %add3A_511 : i32
          %get3A_513 = arith.index_cast %add3A_512 : i32 to index
          %get3A_514 = arith.constant 80 : index
          %get3A_515 = tpu.vector_load %arg11[%get3A_513, %get3A_514] {strides = array<i32>} : memref<128x128xf32, #tpu.memory_space<vmem>>, vector<1x16xf32>,
          %get3A_516 = vector.shape_cast %get3A_515 : vector<1x16xf32> to vector<16xf32>
          %mul3A_517 = arith.mulf %get3A_516, %gather3A_440 : vector<16xf32>
          %add3A_518 = arith.constant 2 : i32
          %add3A_519 = arith.addi %mul3A_145, %add3A_518 : i32
          %swap3A_520 = arith.index_cast %add3A_519 : i32 to index
          %swap3A_521 = arith.constant 80 : index
          %swap3A_522 = tpu.vector_load %arg11[%swap3A_520, %swap3A_521] {strides = array<i32>} : memref<128x128xf32, #tpu.memory_space<vmem>>, vector<1x16xf32>,
          %swap3A_523 = vector.shape_cast %swap3A_522 : vector<1x16xf32> to vector<16xf32>
          %swap3A_524 = vector.shape_cast %mul3A_517 : vector<16xf32> to vector<1x16xf32>
          tpu.vector_store %arg11[%swap3A_520, %swap3A_521], %swap3A_524 {strides = array<i32>} : memref<128x128xf32, #tpu.memory_space<vmem>>, vector<1x16xf32>,
          %add3A_525 = arith.constant 2 : i32
          %add3A_526 = arith.addi %mul3A_145, %add3A_525 : i32
          %get3A_527 = arith.index_cast %add3A_526 : i32 to index
          %get3A_528 = arith.constant 96 : index
          %get3A_529 = tpu.vector_load %arg11[%get3A_527, %get3A_528] {strides = array<i32>} : memref<128x128xf32, #tpu.memory_space<vmem>>, vector<1x16xf32>,
          %get3A_530 = vector.shape_cast %get3A_529 : vector<1x16xf32> to vector<16xf32>
          %mul3A_531 = arith.mulf %get3A_530, %gather3A_440 : vector<16xf32>
          %add3A_532 = arith.constant 2 : i32
          %add3A_533 = arith.addi %mul3A_145, %add3A_532 : i32
          %swap3A_534 = arith.index_cast %add3A_533 : i32 to index
          %swap3A_535 = arith.constant 96 : index
          %swap3A_536 = tpu.vector_load %arg11[%swap3A_534, %swap3A_535] {strides = array<i32>} : memref<128x128xf32, #tpu.memory_space<vmem>>, vector<1x16xf32>,
          %swap3A_537 = vector.shape_cast %swap3A_536 : vector<1x16xf32> to vector<16xf32>
          %swap3A_538 = vector.shape_cast %mul3A_531 : vector<16xf32> to vector<1x16xf32>
          tpu.vector_store %arg11[%swap3A_534, %swap3A_535], %swap3A_538 {strides = array<i32>} : memref<128x128xf32, #tpu.memory_space<vmem>>, vector<1x16xf32>,
          %add3A_539 = arith.constant 2 : i32
          %add3A_540 = arith.addi %mul3A_145, %add3A_539 : i32
          %get3A_541 = arith.index_cast %add3A_540 : i32 to index
          %get3A_542 = arith.constant 112 : index
          %get3A_543 = tpu.vector_load %arg11[%get3A_541, %get3A_542] {strides = array<i32>} : memref<128x128xf32, #tpu.memory_space<vmem>>, vector<1x16xf32>,
          %get3A_544 = vector.shape_cast %get3A_543 : vector<1x16xf32> to vector<16xf32>
          %mul3A_545 = arith.mulf %get3A_544, %gather3A_440 : vector<16xf32>
          %add3A_546 = arith.constant 2 : i32
          %add3A_547 = arith.addi %mul3A_145, %add3A_546 : i32
          %swap3A_548 = arith.index_cast %add3A_547 : i32 to index
          %swap3A_549 = arith.constant 112 : index
          %swap3A_550 = tpu.vector_load %arg11[%swap3A_548, %swap3A_549] {strides = array<i32>} : memref<128x128xf32, #tpu.memory_space<vmem>>, vector<1x16xf32>,
          %swap3A_551 = vector.shape_cast %swap3A_550 : vector<1x16xf32> to vector<16xf32>
          %swap3A_552 = vector.shape_cast %mul3A_545 : vector<16xf32> to vector<1x16xf32>
          tpu.vector_store %arg11[%swap3A_548, %swap3A_549], %swap3A_552 {strides = array<i32>} : memref<128x128xf32, #tpu.memory_space<vmem>>, vector<1x16xf32>,
          %add3A_553 = arith.constant 3 : i32
          %add3A_554 = arith.addi %select_n3A_181, %add3A_553 : i32
          %broadcast_in_dim3A_555 = vector.broadcast %add3A_554 : i32 to vector<16xi32>
          %lt3A_556 = arith.constant 0 : i32
          %lt3A_557 = vector.broadcast %lt3A_556 : i32 to vector<16xi32>
          %lt3A_558 = arith.cmpi slt, %broadcast_in_dim3A_555, %lt3A_557 : vector<16xi32>
          %add3A_559 = arith.constant 16 : i32
          %add3A_560 = vector.broadcast %add3A_559 : i32 to vector<16xi32>
          %add3A_561 = arith.addi %broadcast_in_dim3A_555, %add3A_560 : vector<16xi32>
          %select_n3A_562 = arith.select %lt3A_558, %add3A_561, %broadcast_in_dim3A_555 : vector<16xi1>, vector<16xi32>
          %reshape3A_563 = vector.shape_cast %select_n3A_562 : vector<16xi32> to vector<16x1xi32>
          %gather3A_564 = vector.shape_cast %reshape3A_563 : vector<16x1xi32> to vector<16xi32>
          %gather3A_565 = tpu.dynamic_gather %get3A_166[%gather3A_564] in [0] : vector<16xf32>, vector<16xi32> -> vector<16xf32>
          %add3A_566 = arith.constant 3 : i32
          %add3A_567 = arith.addi %mul3A_145, %add3A_566 : i32
          %get3A_568 = arith.index_cast %add3A_567 : i32 to index
          %get3A_569 = arith.constant 0 : index
          %get3A_570 = tpu.vector_load %arg11[%get3A_568, %get3A_569] {strides = array<i32>} : memref<128x128xf32, #tpu.memory_space<vmem>>, vector<1x16xf32>,
          %get3A_571 = vector.shape_cast %get3A_570 : vector<1x16xf32> to vector<16xf32>
          %mul3A_572 = arith.mulf %get3A_571, %gather3A_565 : vector<16xf32>
          %add3A_573 = arith.constant 3 : i32
          %add3A_574 = arith.addi %mul3A_145, %add3A_573 : i32
          %swap3A_575 = arith.index_cast %add3A_574 : i32 to index
          %swap3A_576 = arith.constant 0 : index
          %swap3A_577 = tpu.vector_load %arg11[%swap3A_575, %swap3A_576] {strides = array<i32>} : memref<128x128xf32, #tpu.memory_space<vmem>>, vector<1x16xf32>,
          %swap3A_578 = vector.shape_cast %swap3A_577 : vector<1x16xf32> to vector<16xf32>
          %swap3A_579 = vector.shape_cast %mul3A_572 : vector<16xf32> to vector<1x16xf32>
          tpu.vector_store %arg11[%swap3A_575, %swap3A_576], %swap3A_579 {strides = array<i32>} : memref<128x128xf32, #tpu.memory_space<vmem>>, vector<1x16xf32>,
          %add3A_580 = arith.constant 3 : i32
          %add3A_581 = arith.addi %mul3A_145, %add3A_580 : i32
          %get3A_582 = arith.index_cast %add3A_581 : i32 to index
          %get3A_583 = arith.constant 16 : index
          %get3A_584 = tpu.vector_load %arg11[%get3A_582, %get3A_583] {strides = array<i32>} : memref<128x128xf32, #tpu.memory_space<vmem>>, vector<1x16xf32>,
          %get3A_585 = vector.shape_cast %get3A_584 : vector<1x16xf32> to vector<16xf32>
          %mul3A_586 = arith.mulf %get3A_585, %gather3A_565 : vector<16xf32>
          %add3A_587 = arith.constant 3 : i32
          %add3A_588 = arith.addi %mul3A_145, %add3A_587 : i32
          %swap3A_589 = arith.index_cast %add3A_588 : i32 to index
          %swap3A_590 = arith.constant 16 : index
          %swap3A_591 = tpu.vector_load %arg11[%swap3A_589, %swap3A_590] {strides = array<i32>} : memref<128x128xf32, #tpu.memory_space<vmem>>, vector<1x16xf32>,
          %swap3A_592 = vector.shape_cast %swap3A_591 : vector<1x16xf32> to vector<16xf32>
          %swap3A_593 = vector.shape_cast %mul3A_586 : vector<16xf32> to vector<1x16xf32>
          tpu.vector_store %arg11[%swap3A_589, %swap3A_590], %swap3A_593 {strides = array<i32>} : memref<128x128xf32, #tpu.memory_space<vmem>>, vector<1x16xf32>,
          %add3A_594 = arith.constant 3 : i32
          %add3A_595 = arith.addi %mul3A_145, %add3A_594 : i32
          %get3A_596 = arith.index_cast %add3A_595 : i32 to index
          %get3A_597 = arith.constant 32 : index
          %get3A_598 = tpu.vector_load %arg11[%get3A_596, %get3A_597] {strides = array<i32>} : memref<128x128xf32, #tpu.memory_space<vmem>>, vector<1x16xf32>,
          %get3A_599 = vector.shape_cast %get3A_598 : vector<1x16xf32> to vector<16xf32>
          %mul3A_600 = arith.mulf %get3A_599, %gather3A_565 : vector<16xf32>
          %add3A_601 = arith.constant 3 : i32
          %add3A_602 = arith.addi %mul3A_145, %add3A_601 : i32
          %swap3A_603 = arith.index_cast %add3A_602 : i32 to index
          %swap3A_604 = arith.constant 32 : index
          %swap3A_605 = tpu.vector_load %arg11[%swap3A_603, %swap3A_604] {strides = array<i32>} : memref<128x128xf32, #tpu.memory_space<vmem>>, vector<1x16xf32>,
          %swap3A_606 = vector.shape_cast %swap3A_605 : vector<1x16xf32> to vector<16xf32>
          %swap3A_607 = vector.shape_cast %mul3A_600 : vector<16xf32> to vector<1x16xf32>
          tpu.vector_store %arg11[%swap3A_603, %swap3A_604], %swap3A_607 {strides = array<i32>} : memref<128x128xf32, #tpu.memory_space<vmem>>, vector<1x16xf32>,
          %add3A_608 = arith.constant 3 : i32
          %add3A_609 = arith.addi %mul3A_145, %add3A_608 : i32
          %get3A_610 = arith.index_cast %add3A_609 : i32 to index
          %get3A_611 = arith.constant 48 : index
          %get3A_612 = tpu.vector_load %arg11[%get3A_610, %get3A_611] {strides = array<i32>} : memref<128x128xf32, #tpu.memory_space<vmem>>, vector<1x16xf32>,
          %get3A_613 = vector.shape_cast %get3A_612 : vector<1x16xf32> to vector<16xf32>
          %mul3A_614 = arith.mulf %get3A_613, %gather3A_565 : vector<16xf32>
          %add3A_615 = arith.constant 3 : i32
          %add3A_616 = arith.addi %mul3A_145, %add3A_615 : i32
          %swap3A_617 = arith.index_cast %add3A_616 : i32 to index
          %swap3A_618 = arith.constant 48 : index
          %swap3A_619 = tpu.vector_load %arg11[%swap3A_617, %swap3A_618] {strides = array<i32>} : memref<128x128xf32, #tpu.memory_space<vmem>>, vector<1x16xf32>,
          %swap3A_620 = vector.shape_cast %swap3A_619 : vector<1x16xf32> to vector<16xf32>
          %swap3A_621 = vector.shape_cast %mul3A_614 : vector<16xf32> to vector<1x16xf32>
          tpu.vector_store %arg11[%swap3A_617, %swap3A_618], %swap3A_621 {strides = array<i32>} : memref<128x128xf32, #tpu.memory_space<vmem>>, vector<1x16xf32>,
          %add3A_622 = arith.constant 3 : i32
          %add3A_623 = arith.addi %mul3A_145, %add3A_622 : i32
          %get3A_624 = arith.index_cast %add3A_623 : i32 to index
          %get3A_625 = arith.constant 64 : index
          %get3A_626 = tpu.vector_load %arg11[%get3A_624, %get3A_625] {strides = array<i32>} : memref<128x128xf32, #tpu.memory_space<vmem>>, vector<1x16xf32>,
          %get3A_627 = vector.shape_cast %get3A_626 : vector<1x16xf32> to vector<16xf32>
          %mul3A_628 = arith.mulf %get3A_627, %gather3A_565 : vector<16xf32>
          %add3A_629 = arith.constant 3 : i32
          %add3A_630 = arith.addi %mul3A_145, %add3A_629 : i32
          %swap3A_631 = arith.index_cast %add3A_630 : i32 to index
          %swap3A_632 = arith.constant 64 : index
          %swap3A_633 = tpu.vector_load %arg11[%swap3A_631, %swap3A_632] {strides = array<i32>} : memref<128x128xf32, #tpu.memory_space<vmem>>, vector<1x16xf32>,
          %swap3A_634 = vector.shape_cast %swap3A_633 : vector<1x16xf32> to vector<16xf32>
          %swap3A_635 = vector.shape_cast %mul3A_628 : vector<16xf32> to vector<1x16xf32>
          tpu.vector_store %arg11[%swap3A_631, %swap3A_632], %swap3A_635 {strides = array<i32>} : memref<128x128xf32, #tpu.memory_space<vmem>>, vector<1x16xf32>,
          %add3A_636 = arith.constant 3 : i32
          %add3A_637 = arith.addi %mul3A_145, %add3A_636 : i32
          %get3A_638 = arith.index_cast %add3A_637 : i32 to index
          %get3A_639 = arith.constant 80 : index
          %get3A_640 = tpu.vector_load %arg11[%get3A_638, %get3A_639] {strides = array<i32>} : memref<128x128xf32, #tpu.memory_space<vmem>>, vector<1x16xf32>,
          %get3A_641 = vector.shape_cast %get3A_640 : vector<1x16xf32> to vector<16xf32>
          %mul3A_642 = arith.mulf %get3A_641, %gather3A_565 : vector<16xf32>
          %add3A_643 = arith.constant 3 : i32
          %add3A_644 = arith.addi %mul3A_145, %add3A_643 : i32
          %swap3A_645 = arith.index_cast %add3A_644 : i32 to index
          %swap3A_646 = arith.constant 80 : index
          %swap3A_647 = tpu.vector_load %arg11[%swap3A_645, %swap3A_646] {strides = array<i32>} : memref<128x128xf32, #tpu.memory_space<vmem>>, vector<1x16xf32>,
          %swap3A_648 = vector.shape_cast %swap3A_647 : vector<1x16xf32> to vector<16xf32>
          %swap3A_649 = vector.shape_cast %mul3A_642 : vector<16xf32> to vector<1x16xf32>
          tpu.vector_store %arg11[%swap3A_645, %swap3A_646], %swap3A_649 {strides = array<i32>} : memref<128x128xf32, #tpu.memory_space<vmem>>, vector<1x16xf32>,
          %add3A_650 = arith.constant 3 : i32
          %add3A_651 = arith.addi %mul3A_145, %add3A_650 : i32
          %get3A_652 = arith.index_cast %add3A_651 : i32 to index
          %get3A_653 = arith.constant 96 : index
          %get3A_654 = tpu.vector_load %arg11[%get3A_652, %get3A_653] {strides = array<i32>} : memref<128x128xf32, #tpu.memory_space<vmem>>, vector<1x16xf32>,
          %get3A_655 = vector.shape_cast %get3A_654 : vector<1x16xf32> to vector<16xf32>
          %mul3A_656 = arith.mulf %get3A_655, %gather3A_565 : vector<16xf32>
          %add3A_657 = arith.constant 3 : i32
          %add3A_658 = arith.addi %mul3A_145, %add3A_657 : i32
          %swap3A_659 = arith.index_cast %add3A_658 : i32 to index
          %swap3A_660 = arith.constant 96 : index
          %swap3A_661 = tpu.vector_load %arg11[%swap3A_659, %swap3A_660] {strides = array<i32>} : memref<128x128xf32, #tpu.memory_space<vmem>>, vector<1x16xf32>,
          %swap3A_662 = vector.shape_cast %swap3A_661 : vector<1x16xf32> to vector<16xf32>
          %swap3A_663 = vector.shape_cast %mul3A_656 : vector<16xf32> to vector<1x16xf32>
          tpu.vector_store %arg11[%swap3A_659, %swap3A_660], %swap3A_663 {strides = array<i32>} : memref<128x128xf32, #tpu.memory_space<vmem>>, vector<1x16xf32>,
          %add3A_664 = arith.constant 3 : i32
          %add3A_665 = arith.addi %mul3A_145, %add3A_664 : i32
          %get3A_666 = arith.index_cast %add3A_665 : i32 to index
          %get3A_667 = arith.constant 112 : index
          %get3A_668 = tpu.vector_load %arg11[%get3A_666, %get3A_667] {strides = array<i32>} : memref<128x128xf32, #tpu.memory_space<vmem>>, vector<1x16xf32>,
          %get3A_669 = vector.shape_cast %get3A_668 : vector<1x16xf32> to vector<16xf32>
          %mul3A_670 = arith.mulf %get3A_669, %gather3A_565 : vector<16xf32>
          %add3A_671 = arith.constant 3 : i32
          %add3A_672 = arith.addi %mul3A_145, %add3A_671 : i32
          %swap3A_673 = arith.index_cast %add3A_672 : i32 to index
          %swap3A_674 = arith.constant 112 : index
          %swap3A_675 = tpu.vector_load %arg11[%swap3A_673, %swap3A_674] {strides = array<i32>} : memref<128x128xf32, #tpu.memory_space<vmem>>, vector<1x16xf32>,
          %swap3A_676 = vector.shape_cast %swap3A_675 : vector<1x16xf32> to vector<16xf32>
          %swap3A_677 = vector.shape_cast %mul3A_670 : vector<16xf32> to vector<1x16xf32>
          tpu.vector_store %arg11[%swap3A_673, %swap3A_674], %swap3A_677 {strides = array<i32>} : memref<128x128xf32, #tpu.memory_space<vmem>>, vector<1x16xf32>,
        }
        %scan3A_131 = arith.constant 32 : i32
        %dma_start3A_132 = arith.constant 0 : i32
        %dma_start3A_133 = tpu.memref_slice %arg8[%add3A_119, %dma_start3A_132] : memref<40x128xi32, #tpu.memory_space<vmem>> -> memref<1x128xi32, #tpu.memory_space<vmem>>
        %dma_start3A_134 = tpu.memref_squeeze %dma_start3A_133 : memref<1x128xi32, #tpu.memory_space<vmem>> -> memref<128xi32, #tpu.memory_space<vmem>>
        %dma_start3A_135 = arith.constant 0 : i32
        %dma_start3A_136 = arith.constant 0 : i32
        %dma_start3A_137 = tpu.memref_slice %arg16[%dma_start3A_135, %dma_start3A_136] : memref<10240x128xf32, #tpu.memory_space<vmem_shared>> -> memref<10240x128xf32, #tpu.memory_space<vmem_shared>>
        tpu.enqueue_indirect_dma source(%arg11 : memref<128x128xf32, #tpu.memory_space<vmem>>) target(%dma_start3A_137 : memref<10240x128xf32, #tpu.memory_space<vmem_shared>>) offsets(%dma_start3A_134 : memref<128xi32, #tpu.memory_space<vmem>>) semaphore(%arg15 : memref<!tpu.dma_semaphore, #tpu.memory_space<semaphore_mem>>) {add = true}
        %lt3A_138 = arith.constant 19 : i32
        %lt3A_139 = arith.cmpi slt, %scan3A_91, %lt3A_138 : i32
        %convert_element_type3A_140 = arith.extui %lt3A_139 : i1 to i32
        %cond3A_141 = arith.constant 0 : i32
        %cond3A_142 = arith.cmpi ne, %convert_element_type3A_140, %cond3A_141 : i32
        scf.if %cond3A_142 {
          %dma_wait3A_143 = arith.constant 0 : i32
          %dma_wait3A_144 = tpu.memref_slice %arg8[%add3A_119, %dma_wait3A_143] : memref<40x128xi32, #tpu.memory_space<vmem>> -> memref<1x128xi32, #tpu.memory_space<vmem>>
          %dma_wait3A_145 = tpu.memref_squeeze %dma_wait3A_144 : memref<1x128xi32, #tpu.memory_space<vmem>> -> memref<128xi32, #tpu.memory_space<vmem>>
          %dma_wait3A_146 = arith.constant 0 : i32
          %dma_wait3A_147 = arith.constant 0 : i32
          %dma_wait3A_148 = tpu.memref_slice %arg16[%dma_wait3A_146, %dma_wait3A_147] : memref<10240x128xf32, #tpu.memory_space<vmem_shared>> -> memref<10240x128xf32, #tpu.memory_space<vmem_shared>>
          tpu.wait_indirect_dma semaphore(%arg15 : memref<!tpu.dma_semaphore, #tpu.memory_space<semaphore_mem>>) src(%arg11 : memref<128x128xf32, #tpu.memory_space<vmem>>) dst(%dma_wait3A_148 : memref<10240x128xf32, #tpu.memory_space<vmem_shared>>)
          %add3A_149 = arith.constant 2 : i32
          %add3A_150 = arith.addi %add3A_119, %add3A_149 : i32
          %dma_start3A_151 = arith.constant 0 : i32
          %dma_start3A_152 = tpu.memref_slice %arg7[%add3A_150, %dma_start3A_151] : memref<40x128xi32, #tpu.memory_space<vmem>> -> memref<1x128xi32, #tpu.memory_space<vmem>>
          %dma_start3A_153 = tpu.memref_squeeze %dma_start3A_152 : memref<1x128xi32, #tpu.memory_space<vmem>> -> memref<128xi32, #tpu.memory_space<vmem>>
          %dma_start3A_154 = arith.constant 0 : i32
          %dma_start3A_155 = arith.constant 0 : i32
          %dma_start3A_156 = tpu.memref_slice %arg2[%dma_start3A_154, %dma_start3A_155] : memref<10000x128xf32, #tpu.memory_space<hbm>> -> memref<10000x128xf32, #tpu.memory_space<hbm>>
          tpu.enqueue_indirect_dma source(%dma_start3A_156 : memref<10000x128xf32, #tpu.memory_space<hbm>>) target(%arg11 : memref<128x128xf32, #tpu.memory_space<vmem>>) offsets(%dma_start3A_153 : memref<128xi32, #tpu.memory_space<vmem>>) semaphore(%arg13 : memref<!tpu.dma_semaphore, #tpu.memory_space<semaphore_mem>>)
        } else {
        }
      }
      %scan3A_77 = arith.constant 20 : i32
      %dma_wait3A = arith.constant 38 : i32
      %dma_wait3A_78 = arith.constant 0 : i32
      %dma_wait3A_79 = tpu.memref_slice %arg8[%dma_wait3A, %dma_wait3A_78] : memref<40x128xi32, #tpu.memory_space<vmem>> -> memref<1x128xi32, #tpu.memory_space<vmem>>
      %dma_wait3A_80 = tpu.memref_squeeze %dma_wait3A_79 : memref<1x128xi32, #tpu.memory_space<vmem>> -> memref<128xi32, #tpu.memory_space<vmem>>
      %dma_wait3A_81 = arith.constant 0 : i32
      %dma_wait3A_82 = arith.constant 0 : i32
      %dma_wait3A_83 = tpu.memref_slice %arg16[%dma_wait3A_81, %dma_wait3A_82] : memref<10240x128xf32, #tpu.memory_space<vmem_shared>> -> memref<10240x128xf32, #tpu.memory_space<vmem_shared>>
      tpu.wait_indirect_dma semaphore(%arg14 : memref<!tpu.dma_semaphore, #tpu.memory_space<semaphore_mem>>) src(%arg10 : memref<128x128xf32, #tpu.memory_space<vmem>>) dst(%dma_wait3A_83 : memref<10240x128xf32, #tpu.memory_space<vmem_shared>>)
      %dma_wait3A_84 = arith.constant 39 : i32
      %dma_wait3A_85 = arith.constant 0 : i32
      %dma_wait3A_86 = tpu.memref_slice %arg8[%dma_wait3A_84, %dma_wait3A_85] : memref<40x128xi32, #tpu.memory_space<vmem>> -> memref<1x128xi32, #tpu.memory_space<vmem>>
      %dma_wait3A_87 = tpu.memref_squeeze %dma_wait3A_86 : memref<1x128xi32, #tpu.memory_space<vmem>> -> memref<128xi32, #tpu.memory_space<vmem>>
      %dma_wait3A_88 = arith.constant 0 : i32
      %dma_wait3A_89 = arith.constant 0 : i32
      %dma_wait3A_90 = tpu.memref_slice %arg16[%dma_wait3A_88, %dma_wait3A_89] : memref<10240x128xf32, #tpu.memory_space<vmem_shared>> -> memref<10240x128xf32, #tpu.memory_space<vmem_shared>>
      tpu.wait_indirect_dma semaphore(%arg15 : memref<!tpu.dma_semaphore, #tpu.memory_space<semaphore_mem>>) src(%arg11 : memref<128x128xf32, #tpu.memory_space<vmem>>) dst(%dma_wait3A_90 : memref<10240x128xf32, #tpu.memory_space<vmem_shared>>)
    }
    %scan3A_31 = arith.constant 2 : i32
    %barrier3A_32 = arith.constant 0 : index
    tpu.barrier barrier_id(%barrier3A_32)
    %mul3A_33 = arith.constant 640 : i32
    %mul3A_34 = arith.muli %arg1, %mul3A_33 : i32
    %add3A_35 = arith.constant 0 : i32
    %add3A_36 = arith.addi %mul3A_34, %add3A_35 : i32
    "tpu.region"() ({
      %run_scoped3A = tpu.sem_alloc : memref<!tpu.dma_semaphore, #tpu.memory_space<semaphore_mem>>
      %dma_start3A = arith.constant 0 : i32
      %dma_start3A_53 = tpu.memref_slice %arg6[%arg0, %add3A_36, %dma_start3A] : memref<2x10240x128xf32, #tpu.memory_space<hbm>> -> memref<1x128x128xf32, #tpu.memory_space<hbm>>
      %dma_start3A_54 = tpu.memref_squeeze %dma_start3A_53 : memref<1x128x128xf32, #tpu.memory_space<hbm>> -> memref<128x128xf32, #tpu.memory_space<hbm>>
      %dma_start3A_55 = arith.constant 0 : i32
      %dma_start3A_56 = tpu.memref_slice %arg16[%add3A_36, %dma_start3A_55] : memref<10240x128xf32, #tpu.memory_space<vmem_shared>> -> memref<128x128xf32, #tpu.memory_space<vmem_shared>>
      tpu.enqueue_dma source(%dma_start3A_56 : memref<128x128xf32, #tpu.memory_space<vmem_shared>>) target(%dma_start3A_54 : memref<128x128xf32, #tpu.memory_space<hbm>>) target_semaphore(%run_scoped3A : memref<!tpu.dma_semaphore, #tpu.memory_space<semaphore_mem>>)
      %dma_wait3A = arith.constant 0 : i32
      %dma_wait3A_57 = tpu.memref_slice %arg6[%arg0, %add3A_36, %dma_wait3A] : memref<2x10240x128xf32, #tpu.memory_space<hbm>> -> memref<1x128x128xf32, #tpu.memory_space<hbm>>
      %dma_wait3A_58 = tpu.memref_squeeze %dma_wait3A_57 : memref<1x128x128xf32, #tpu.memory_space<hbm>> -> memref<128x128xf32, #tpu.memory_space<hbm>>
      %dma_wait3A_59 = arith.constant 0 : i32
      %dma_wait3A_60 = tpu.memref_slice %arg16[%add3A_36, %dma_wait3A_59] : memref<10240x128xf32, #tpu.memory_space<vmem_shared>> -> memref<128x128xf32, #tpu.memory_space<vmem_shared>>
      tpu.wait_dma2 semaphore(%run_scoped3A : memref<!tpu.dma_semaphore, #tpu.memory_space<semaphore_mem>>) src(%dma_wait3A_60 : memref<128x128xf32, #tpu.memory_space<vmem_shared>>) dst(%dma_wait3A_58 : memref<128x128xf32, #tpu.memory_space<hbm>>)
      tpu.yield
    }) : () -> ()
    %mul3A_37 = arith.constant 640 : i32
    %mul3A_38 = arith.muli %arg1, %mul3A_37 : i32
    %add3A_39 = arith.constant 128 : i32
    %add3A_40 = arith.addi %mul3A_38, %add3A_39 : i32
    "tpu.region"() ({
      %run_scoped3A = tpu.sem_alloc : memref<!tpu.dma_semaphore, #tpu.memory_space<semaphore_mem>>
      %dma_start3A = arith.constant 0 : i32
      %dma_start3A_53 = tpu.memref_slice %arg6[%arg0, %add3A_40, %dma_start3A] : memref<2x10240x128xf32, #tpu.memory_space<hbm>> -> memref<1x128x128xf32, #tpu.memory_space<hbm>>
      %dma_start3A_54 = tpu.memref_squeeze %dma_start3A_53 : memref<1x128x128xf32, #tpu.memory_space<hbm>> -> memref<128x128xf32, #tpu.memory_space<hbm>>
      %dma_start3A_55 = arith.constant 0 : i32
      %dma_start3A_56 = tpu.memref_slice %arg16[%add3A_40, %dma_start3A_55] : memref<10240x128xf32, #tpu.memory_space<vmem_shared>> -> memref<128x128xf32, #tpu.memory_space<vmem_shared>>
      tpu.enqueue_dma source(%dma_start3A_56 : memref<128x128xf32, #tpu.memory_space<vmem_shared>>) target(%dma_start3A_54 : memref<128x128xf32, #tpu.memory_space<hbm>>) target_semaphore(%run_scoped3A : memref<!tpu.dma_semaphore, #tpu.memory_space<semaphore_mem>>)
      %dma_wait3A = arith.constant 0 : i32
      %dma_wait3A_57 = tpu.memref_slice %arg6[%arg0, %add3A_40, %dma_wait3A] : memref<2x10240x128xf32, #tpu.memory_space<hbm>> -> memref<1x128x128xf32, #tpu.memory_space<hbm>>
      %dma_wait3A_58 = tpu.memref_squeeze %dma_wait3A_57 : memref<1x128x128xf32, #tpu.memory_space<hbm>> -> memref<128x128xf32, #tpu.memory_space<hbm>>
      %dma_wait3A_59 = arith.constant 0 : i32
      %dma_wait3A_60 = tpu.memref_slice %arg16[%add3A_40, %dma_wait3A_59] : memref<10240x128xf32, #tpu.memory_space<vmem_shared>> -> memref<128x128xf32, #tpu.memory_space<vmem_shared>>
      tpu.wait_dma2 semaphore(%run_scoped3A : memref<!tpu.dma_semaphore, #tpu.memory_space<semaphore_mem>>) src(%dma_wait3A_60 : memref<128x128xf32, #tpu.memory_space<vmem_shared>>) dst(%dma_wait3A_58 : memref<128x128xf32, #tpu.memory_space<hbm>>)
      tpu.yield
    }) : () -> ()
    %mul3A_41 = arith.constant 640 : i32
    %mul3A_42 = arith.muli %arg1, %mul3A_41 : i32
    %add3A_43 = arith.constant 256 : i32
    %add3A_44 = arith.addi %mul3A_42, %add3A_43 : i32
    "tpu.region"() ({
      %run_scoped3A = tpu.sem_alloc : memref<!tpu.dma_semaphore, #tpu.memory_space<semaphore_mem>>
      %dma_start3A = arith.constant 0 : i32
      %dma_start3A_53 = tpu.memref_slice %arg6[%arg0, %add3A_44, %dma_start3A] : memref<2x10240x128xf32, #tpu.memory_space<hbm>> -> memref<1x128x128xf32, #tpu.memory_space<hbm>>
      %dma_start3A_54 = tpu.memref_squeeze %dma_start3A_53 : memref<1x128x128xf32, #tpu.memory_space<hbm>> -> memref<128x128xf32, #tpu.memory_space<hbm>>
      %dma_start3A_55 = arith.constant 0 : i32
      %dma_start3A_56 = tpu.memref_slice %arg16[%add3A_44, %dma_start3A_55] : memref<10240x128xf32, #tpu.memory_space<vmem_shared>> -> memref<128x128xf32, #tpu.memory_space<vmem_shared>>
      tpu.enqueue_dma source(%dma_start3A_56 : memref<128x128xf32, #tpu.memory_space<vmem_shared>>) target(%dma_start3A_54 : memref<128x128xf32, #tpu.memory_space<hbm>>) target_semaphore(%run_scoped3A : memref<!tpu.dma_semaphore, #tpu.memory_space<semaphore_mem>>)
      %dma_wait3A = arith.constant 0 : i32
      %dma_wait3A_57 = tpu.memref_slice %arg6[%arg0, %add3A_44, %dma_wait3A] : memref<2x10240x128xf32, #tpu.memory_space<hbm>> -> memref<1x128x128xf32, #tpu.memory_space<hbm>>
      %dma_wait3A_58 = tpu.memref_squeeze %dma_wait3A_57 : memref<1x128x128xf32, #tpu.memory_space<hbm>> -> memref<128x128xf32, #tpu.memory_space<hbm>>
      %dma_wait3A_59 = arith.constant 0 : i32
      %dma_wait3A_60 = tpu.memref_slice %arg16[%add3A_44, %dma_wait3A_59] : memref<10240x128xf32, #tpu.memory_space<vmem_shared>> -> memref<128x128xf32, #tpu.memory_space<vmem_shared>>
      tpu.wait_dma2 semaphore(%run_scoped3A : memref<!tpu.dma_semaphore, #tpu.memory_space<semaphore_mem>>) src(%dma_wait3A_60 : memref<128x128xf32, #tpu.memory_space<vmem_shared>>) dst(%dma_wait3A_58 : memref<128x128xf32, #tpu.memory_space<hbm>>)
      tpu.yield
    }) : () -> ()
    %mul3A_45 = arith.constant 640 : i32
    %mul3A_46 = arith.muli %arg1, %mul3A_45 : i32
    %add3A_47 = arith.constant 384 : i32
    %add3A_48 = arith.addi %mul3A_46, %add3A_47 : i32
    "tpu.region"() ({
      %run_scoped3A = tpu.sem_alloc : memref<!tpu.dma_semaphore, #tpu.memory_space<semaphore_mem>>
      %dma_start3A = arith.constant 0 : i32
      %dma_start3A_53 = tpu.memref_slice %arg6[%arg0, %add3A_48, %dma_start3A] : memref<2x10240x128xf32, #tpu.memory_space<hbm>> -> memref<1x128x128xf32, #tpu.memory_space<hbm>>
      %dma_start3A_54 = tpu.memref_squeeze %dma_start3A_53 : memref<1x128x128xf32, #tpu.memory_space<hbm>> -> memref<128x128xf32, #tpu.memory_space<hbm>>
      %dma_start3A_55 = arith.constant 0 : i32
      %dma_start3A_56 = tpu.memref_slice %arg16[%add3A_48, %dma_start3A_55] : memref<10240x128xf32, #tpu.memory_space<vmem_shared>> -> memref<128x128xf32, #tpu.memory_space<vmem_shared>>
      tpu.enqueue_dma source(%dma_start3A_56 : memref<128x128xf32, #tpu.memory_space<vmem_shared>>) target(%dma_start3A_54 : memref<128x128xf32, #tpu.memory_space<hbm>>) target_semaphore(%run_scoped3A : memref<!tpu.dma_semaphore, #tpu.memory_space<semaphore_mem>>)
      %dma_wait3A = arith.constant 0 : i32
      %dma_wait3A_57 = tpu.memref_slice %arg6[%arg0, %add3A_48, %dma_wait3A] : memref<2x10240x128xf32, #tpu.memory_space<hbm>> -> memref<1x128x128xf32, #tpu.memory_space<hbm>>
      %dma_wait3A_58 = tpu.memref_squeeze %dma_wait3A_57 : memref<1x128x128xf32, #tpu.memory_space<hbm>> -> memref<128x128xf32, #tpu.memory_space<hbm>>
      %dma_wait3A_59 = arith.constant 0 : i32
      %dma_wait3A_60 = tpu.memref_slice %arg16[%add3A_48, %dma_wait3A_59] : memref<10240x128xf32, #tpu.memory_space<vmem_shared>> -> memref<128x128xf32, #tpu.memory_space<vmem_shared>>
      tpu.wait_dma2 semaphore(%run_scoped3A : memref<!tpu.dma_semaphore, #tpu.memory_space<semaphore_mem>>) src(%dma_wait3A_60 : memref<128x128xf32, #tpu.memory_space<vmem_shared>>) dst(%dma_wait3A_58 : memref<128x128xf32, #tpu.memory_space<hbm>>)
      tpu.yield
    }) : () -> ()
    %mul3A_49 = arith.constant 640 : i32
    %mul3A_50 = arith.muli %arg1, %mul3A_49 : i32
    %add3A_51 = arith.constant 512 : i32
    %add3A_52 = arith.addi %mul3A_50, %add3A_51 : i32
    "tpu.region"() ({
      %run_scoped3A = tpu.sem_alloc : memref<!tpu.dma_semaphore, #tpu.memory_space<semaphore_mem>>
      %dma_start3A = arith.constant 0 : i32
      %dma_start3A_53 = tpu.memref_slice %arg6[%arg0, %add3A_52, %dma_start3A] : memref<2x10240x128xf32, #tpu.memory_space<hbm>> -> memref<1x128x128xf32, #tpu.memory_space<hbm>>
      %dma_start3A_54 = tpu.memref_squeeze %dma_start3A_53 : memref<1x128x128xf32, #tpu.memory_space<hbm>> -> memref<128x128xf32, #tpu.memory_space<hbm>>
      %dma_start3A_55 = arith.constant 0 : i32
      %dma_start3A_56 = tpu.memref_slice %arg16[%add3A_52, %dma_start3A_55] : memref<10240x128xf32, #tpu.memory_space<vmem_shared>> -> memref<128x128xf32, #tpu.memory_space<vmem_shared>>
      tpu.enqueue_dma source(%dma_start3A_56 : memref<128x128xf32, #tpu.memory_space<vmem_shared>>) target(%dma_start3A_54 : memref<128x128xf32, #tpu.memory_space<hbm>>) target_semaphore(%run_scoped3A : memref<!tpu.dma_semaphore, #tpu.memory_space<semaphore_mem>>)
      %dma_wait3A = arith.constant 0 : i32
      %dma_wait3A_57 = tpu.memref_slice %arg6[%arg0, %add3A_52, %dma_wait3A] : memref<2x10240x128xf32, #tpu.memory_space<hbm>> -> memref<1x128x128xf32, #tpu.memory_space<hbm>>
      %dma_wait3A_58 = tpu.memref_squeeze %dma_wait3A_57 : memref<1x128x128xf32, #tpu.memory_space<hbm>> -> memref<128x128xf32, #tpu.memory_space<hbm>>
      %dma_wait3A_59 = arith.constant 0 : i32
      %dma_wait3A_60 = tpu.memref_slice %arg16[%add3A_52, %dma_wait3A_59] : memref<10240x128xf32, #tpu.memory_space<vmem_shared>> -> memref<128x128xf32, #tpu.memory_space<vmem_shared>>
      tpu.wait_dma2 semaphore(%run_scoped3A : memref<!tpu.dma_semaphore, #tpu.memory_space<semaphore_mem>>) src(%dma_wait3A_60 : memref<128x128xf32, #tpu.memory_space<vmem_shared>>) dst(%dma_wait3A_58 : memref<128x128xf32, #tpu.memory_space<hbm>>)
      tpu.yield
    }) : () -> ()
    return
  }
}

#map = affine_map<(d0, d1) -> (0, 0)>
#map1 = affine_map<(d0, d1) -> (0, 0, 0)>
module attributes {stable_mosaic.version = 14 : i64} {
  func.func @_sc_agg_kernel(%arg0: i32, %arg1: i32, %arg2: memref<10000x128xf32, #tpu.memory_space<hbm>>, %arg3: memref<2560x128xi32, #tpu.memory_space<hbm>>, %arg4: memref<2560x128xi32, #tpu.memory_space<hbm>>, %arg5: memref<2560x128xf32, #tpu.memory_space<hbm>>, %arg6: memref<2x10240x128xf32, #tpu.memory_space<hbm>>, %arg7: memref<40x128xi32, #tpu.memory_space<vmem>>, %arg8: memref<40x128xi32, #tpu.memory_space<vmem>>, %arg9: memref<40x128xf32, #tpu.memory_space<vmem>>, %arg10: memref<128x128xf32, #tpu.memory_space<vmem>>, %arg11: memref<128x128xf32, #tpu.memory_space<vmem>>, %arg12: memref<!tpu.dma_semaphore, #tpu.memory_space<semaphore_mem>>, %arg13: memref<!tpu.dma_semaphore, #tpu.memory_space<semaphore_mem>>, %arg14: memref<!tpu.dma_semaphore, #tpu.memory_space<semaphore_mem>>, %arg15: memref<!tpu.dma_semaphore, #tpu.memory_space<semaphore_mem>>, %arg16: memref<10240x128xf32, #tpu.memory_space<vmem_shared>>) attributes {dimension_semantics = [#tpu.dimension_semantics<core_parallel>, #tpu.dimension_semantics<subcore_parallel>], iteration_bounds = array<i64: 2, 16>, scalar_prefetch = 0 : i64, scratch_operands = 10 : i64, tpu.core_type = #tpu.core_type<sc_vector_subcore>, window_params = [{transform_indices = #map}, {transform_indices = #map}, {transform_indices = #map}, {transform_indices = #map}, {transform_indices = #map1}]} {
    %mul3A = arith.constant 2 : i32
    %mul3A_0 = arith.muli %arg1, %mul3A : i32
    %add3A = arith.addi %mul3A_0, %arg0 : i32
    %scan3A = arith.constant 0 : i32
    %scan3A_1 = arith.constant 0 : i32
    %scan3A_2 = arith.constant 128 : i32
    %scan3A_3 = arith.addi %scan3A_1, %scan3A_2 : i32
    %scan3A_4 = arith.constant 1 : i32
    scf.for %scan3A_53 = %scan3A_1 to %scan3A_3 step %scan3A_4  : i32 {
      %broadcast_in_dim3A = arith.constant 0.000000e+00 : f32
      %broadcast_in_dim3A_54 = vector.broadcast %broadcast_in_dim3A : f32 to vector<16xf32>
      %swap3A = arith.index_cast %scan3A_53 : i32 to index
      %swap3A_55 = arith.constant 0 : index
      %swap3A_56 = tpu.vector_load %arg10[%swap3A, %swap3A_55] {strides = array<i32>} : memref<128x128xf32, #tpu.memory_space<vmem>>, vector<1x16xf32>,
      %swap3A_57 = vector.shape_cast %swap3A_56 : vector<1x16xf32> to vector<16xf32>
      %swap3A_58 = vector.shape_cast %broadcast_in_dim3A_54 : vector<16xf32> to vector<1x16xf32>
      tpu.vector_store %arg10[%swap3A, %swap3A_55], %swap3A_58 {strides = array<i32>} : memref<128x128xf32, #tpu.memory_space<vmem>>, vector<1x16xf32>,
      %broadcast_in_dim3A_59 = arith.constant 0.000000e+00 : f32
      %broadcast_in_dim3A_60 = vector.broadcast %broadcast_in_dim3A_59 : f32 to vector<16xf32>
      %swap3A_61 = arith.index_cast %scan3A_53 : i32 to index
      %swap3A_62 = arith.constant 16 : index
      %swap3A_63 = tpu.vector_load %arg10[%swap3A_61, %swap3A_62] {strides = array<i32>} : memref<128x128xf32, #tpu.memory_space<vmem>>, vector<1x16xf32>,
      %swap3A_64 = vector.shape_cast %swap3A_63 : vector<1x16xf32> to vector<16xf32>
      %swap3A_65 = vector.shape_cast %broadcast_in_dim3A_60 : vector<16xf32> to vector<1x16xf32>
      tpu.vector_store %arg10[%swap3A_61, %swap3A_62], %swap3A_65 {strides = array<i32>} : memref<128x128xf32, #tpu.memory_space<vmem>>, vector<1x16xf32>,
      %broadcast_in_dim3A_66 = arith.constant 0.000000e+00 : f32
      %broadcast_in_dim3A_67 = vector.broadcast %broadcast_in_dim3A_66 : f32 to vector<16xf32>
      %swap3A_68 = arith.index_cast %scan3A_53 : i32 to index
      %swap3A_69 = arith.constant 32 : index
      %swap3A_70 = tpu.vector_load %arg10[%swap3A_68, %swap3A_69] {strides = array<i32>} : memref<128x128xf32, #tpu.memory_space<vmem>>, vector<1x16xf32>,
      %swap3A_71 = vector.shape_cast %swap3A_70 : vector<1x16xf32> to vector<16xf32>
      %swap3A_72 = vector.shape_cast %broadcast_in_dim3A_67 : vector<16xf32> to vector<1x16xf32>
      tpu.vector_store %arg10[%swap3A_68, %swap3A_69], %swap3A_72 {strides = array<i32>} : memref<128x128xf32, #tpu.memory_space<vmem>>, vector<1x16xf32>,
      %broadcast_in_dim3A_73 = arith.constant 0.000000e+00 : f32
      %broadcast_in_dim3A_74 = vector.broadcast %broadcast_in_dim3A_73 : f32 to vector<16xf32>
      %swap3A_75 = arith.index_cast %scan3A_53 : i32 to index
      %swap3A_76 = arith.constant 48 : index
      %swap3A_77 = tpu.vector_load %arg10[%swap3A_75, %swap3A_76] {strides = array<i32>} : memref<128x128xf32, #tpu.memory_space<vmem>>, vector<1x16xf32>,
      %swap3A_78 = vector.shape_cast %swap3A_77 : vector<1x16xf32> to vector<16xf32>
      %swap3A_79 = vector.shape_cast %broadcast_in_dim3A_74 : vector<16xf32> to vector<1x16xf32>
      tpu.vector_store %arg10[%swap3A_75, %swap3A_76], %swap3A_79 {strides = array<i32>} : memref<128x128xf32, #tpu.memory_space<vmem>>, vector<1x16xf32>,
      %broadcast_in_dim3A_80 = arith.constant 0.000000e+00 : f32
      %broadcast_in_dim3A_81 = vector.broadcast %broadcast_in_dim3A_80 : f32 to vector<16xf32>
      %swap3A_82 = arith.index_cast %scan3A_53 : i32 to index
      %swap3A_83 = arith.constant 64 : index
      %swap3A_84 = tpu.vector_load %arg10[%swap3A_82, %swap3A_83] {strides = array<i32>} : memref<128x128xf32, #tpu.memory_space<vmem>>, vector<1x16xf32>,
      %swap3A_85 = vector.shape_cast %swap3A_84 : vector<1x16xf32> to vector<16xf32>
      %swap3A_86 = vector.shape_cast %broadcast_in_dim3A_81 : vector<16xf32> to vector<1x16xf32>
      tpu.vector_store %arg10[%swap3A_82, %swap3A_83], %swap3A_86 {strides = array<i32>} : memref<128x128xf32, #tpu.memory_space<vmem>>, vector<1x16xf32>,
      %broadcast_in_dim3A_87 = arith.constant 0.000000e+00 : f32
      %broadcast_in_dim3A_88 = vector.broadcast %broadcast_in_dim3A_87 : f32 to vector<16xf32>
      %swap3A_89 = arith.index_cast %scan3A_53 : i32 to index
      %swap3A_90 = arith.constant 80 : index
      %swap3A_91 = tpu.vector_load %arg10[%swap3A_89, %swap3A_90] {strides = array<i32>} : memref<128x128xf32, #tpu.memory_space<vmem>>, vector<1x16xf32>,
      %swap3A_92 = vector.shape_cast %swap3A_91 : vector<1x16xf32> to vector<16xf32>
      %swap3A_93 = vector.shape_cast %broadcast_in_dim3A_88 : vector<16xf32> to vector<1x16xf32>
      tpu.vector_store %arg10[%swap3A_89, %swap3A_90], %swap3A_93 {strides = array<i32>} : memref<128x128xf32, #tpu.memory_space<vmem>>, vector<1x16xf32>,
      %broadcast_in_dim3A_94 = arith.constant 0.000000e+00 : f32
      %broadcast_in_dim3A_95 = vector.broadcast %broadcast_in_dim3A_94 : f32 to vector<16xf32>
      %swap3A_96 = arith.index_cast %scan3A_53 : i32 to index
      %swap3A_97 = arith.constant 96 : index
      %swap3A_98 = tpu.vector_load %arg10[%swap3A_96, %swap3A_97] {strides = array<i32>} : memref<128x128xf32, #tpu.memory_space<vmem>>, vector<1x16xf32>,
      %swap3A_99 = vector.shape_cast %swap3A_98 : vector<1x16xf32> to vector<16xf32>
      %swap3A_100 = vector.shape_cast %broadcast_in_dim3A_95 : vector<16xf32> to vector<1x16xf32>
      tpu.vector_store %arg10[%swap3A_96, %swap3A_97], %swap3A_100 {strides = array<i32>} : memref<128x128xf32, #tpu.memory_space<vmem>>, vector<1x16xf32>,
      %broadcast_in_dim3A_101 = arith.constant 0.000000e+00 : f32
      %broadcast_in_dim3A_102 = vector.broadcast %broadcast_in_dim3A_101 : f32 to vector<16xf32>
      %swap3A_103 = arith.index_cast %scan3A_53 : i32 to index
      %swap3A_104 = arith.constant 112 : index
      %swap3A_105 = tpu.vector_load %arg10[%swap3A_103, %swap3A_104] {strides = array<i32>} : memref<128x128xf32, #tpu.memory_space<vmem>>, vector<1x16xf32>,
      %swap3A_106 = vector.shape_cast %swap3A_105 : vector<1x16xf32> to vector<16xf32>
      %swap3A_107 = vector.shape_cast %broadcast_in_dim3A_102 : vector<16xf32> to vector<1x16xf32>
      tpu.vector_store %arg10[%swap3A_103, %swap3A_104], %swap3A_107 {strides = array<i32>} : memref<128x128xf32, #tpu.memory_space<vmem>>, vector<1x16xf32>,
    }
    %scan3A_5 = arith.constant 128 : i32
    %mul3A_6 = arith.constant 640 : i32
    %mul3A_7 = arith.muli %arg1, %mul3A_6 : i32
    %add3A_8 = arith.constant 0 : i32
    %add3A_9 = arith.addi %mul3A_7, %add3A_8 : i32
    "tpu.region"() ({
      %run_scoped3A = tpu.sem_alloc : memref<!tpu.dma_semaphore, #tpu.memory_space<semaphore_mem>>
      %dma_start3A = arith.constant 0 : i32
      %dma_start3A_53 = tpu.memref_slice %arg16[%add3A_9, %dma_start3A] : memref<10240x128xf32, #tpu.memory_space<vmem_shared>> -> memref<128x128xf32, #tpu.memory_space<vmem_shared>>
      %dma_start3A_54 = arith.constant 0 : i32
      %dma_start3A_55 = tpu.memref_slice %arg16[%add3A_9, %dma_start3A_54] : memref<10240x128xf32, #tpu.memory_space<vmem_shared>> -> memref<128x128xf32, #tpu.memory_space<vmem_shared>>
      tpu.enqueue_dma source(%arg10 : memref<128x128xf32, #tpu.memory_space<vmem>>) target(%dma_start3A_55 : memref<128x128xf32, #tpu.memory_space<vmem_shared>>) target_semaphore(%run_scoped3A : memref<!tpu.dma_semaphore, #tpu.memory_space<semaphore_mem>>)
      %dma_wait3A = arith.constant 0 : i32
      %dma_wait3A_56 = tpu.memref_slice %arg16[%add3A_9, %dma_wait3A] : memref<10240x128xf32, #tpu.memory_space<vmem_shared>> -> memref<128x128xf32, #tpu.memory_space<vmem_shared>>
      %dma_wait3A_57 = arith.constant 0 : i32
      %dma_wait3A_58 = tpu.memref_slice %arg16[%add3A_9, %dma_wait3A_57] : memref<10240x128xf32, #tpu.memory_space<vmem_shared>> -> memref<128x128xf32, #tpu.memory_space<vmem_shared>>
      tpu.wait_dma2 semaphore(%run_scoped3A : memref<!tpu.dma_semaphore, #tpu.memory_space<semaphore_mem>>) src(%arg10 : memref<128x128xf32, #tpu.memory_space<vmem>>) dst(%dma_wait3A_58 : memref<128x128xf32, #tpu.memory_space<vmem_shared>>)
      tpu.yield
    }) : () -> ()
    %mul3A_10 = arith.constant 640 : i32
    %mul3A_11 = arith.muli %arg1, %mul3A_10 : i32
    %add3A_12 = arith.constant 128 : i32
    %add3A_13 = arith.addi %mul3A_11, %add3A_12 : i32
    "tpu.region"() ({
      %run_scoped3A = tpu.sem_alloc : memref<!tpu.dma_semaphore, #tpu.memory_space<semaphore_mem>>
      %dma_start3A = arith.constant 0 : i32
      %dma_start3A_53 = tpu.memref_slice %arg16[%add3A_13, %dma_start3A] : memref<10240x128xf32, #tpu.memory_space<vmem_shared>> -> memref<128x128xf32, #tpu.memory_space<vmem_shared>>
      %dma_start3A_54 = arith.constant 0 : i32
      %dma_start3A_55 = tpu.memref_slice %arg16[%add3A_13, %dma_start3A_54] : memref<10240x128xf32, #tpu.memory_space<vmem_shared>> -> memref<128x128xf32, #tpu.memory_space<vmem_shared>>
      tpu.enqueue_dma source(%arg10 : memref<128x128xf32, #tpu.memory_space<vmem>>) target(%dma_start3A_55 : memref<128x128xf32, #tpu.memory_space<vmem_shared>>) target_semaphore(%run_scoped3A : memref<!tpu.dma_semaphore, #tpu.memory_space<semaphore_mem>>)
      %dma_wait3A = arith.constant 0 : i32
      %dma_wait3A_56 = tpu.memref_slice %arg16[%add3A_13, %dma_wait3A] : memref<10240x128xf32, #tpu.memory_space<vmem_shared>> -> memref<128x128xf32, #tpu.memory_space<vmem_shared>>
      %dma_wait3A_57 = arith.constant 0 : i32
      %dma_wait3A_58 = tpu.memref_slice %arg16[%add3A_13, %dma_wait3A_57] : memref<10240x128xf32, #tpu.memory_space<vmem_shared>> -> memref<128x128xf32, #tpu.memory_space<vmem_shared>>
      tpu.wait_dma2 semaphore(%run_scoped3A : memref<!tpu.dma_semaphore, #tpu.memory_space<semaphore_mem>>) src(%arg10 : memref<128x128xf32, #tpu.memory_space<vmem>>) dst(%dma_wait3A_58 : memref<128x128xf32, #tpu.memory_space<vmem_shared>>)
      tpu.yield
    }) : () -> ()
    %mul3A_14 = arith.constant 640 : i32
    %mul3A_15 = arith.muli %arg1, %mul3A_14 : i32
    %add3A_16 = arith.constant 256 : i32
    %add3A_17 = arith.addi %mul3A_15, %add3A_16 : i32
    "tpu.region"() ({
      %run_scoped3A = tpu.sem_alloc : memref<!tpu.dma_semaphore, #tpu.memory_space<semaphore_mem>>
      %dma_start3A = arith.constant 0 : i32
      %dma_start3A_53 = tpu.memref_slice %arg16[%add3A_17, %dma_start3A] : memref<10240x128xf32, #tpu.memory_space<vmem_shared>> -> memref<128x128xf32, #tpu.memory_space<vmem_shared>>
      %dma_start3A_54 = arith.constant 0 : i32
      %dma_start3A_55 = tpu.memref_slice %arg16[%add3A_17, %dma_start3A_54] : memref<10240x128xf32, #tpu.memory_space<vmem_shared>> -> memref<128x128xf32, #tpu.memory_space<vmem_shared>>
      tpu.enqueue_dma source(%arg10 : memref<128x128xf32, #tpu.memory_space<vmem>>) target(%dma_start3A_55 : memref<128x128xf32, #tpu.memory_space<vmem_shared>>) target_semaphore(%run_scoped3A : memref<!tpu.dma_semaphore, #tpu.memory_space<semaphore_mem>>)
      %dma_wait3A = arith.constant 0 : i32
      %dma_wait3A_56 = tpu.memref_slice %arg16[%add3A_17, %dma_wait3A] : memref<10240x128xf32, #tpu.memory_space<vmem_shared>> -> memref<128x128xf32, #tpu.memory_space<vmem_shared>>
      %dma_wait3A_57 = arith.constant 0 : i32
      %dma_wait3A_58 = tpu.memref_slice %arg16[%add3A_17, %dma_wait3A_57] : memref<10240x128xf32, #tpu.memory_space<vmem_shared>> -> memref<128x128xf32, #tpu.memory_space<vmem_shared>>
      tpu.wait_dma2 semaphore(%run_scoped3A : memref<!tpu.dma_semaphore, #tpu.memory_space<semaphore_mem>>) src(%arg10 : memref<128x128xf32, #tpu.memory_space<vmem>>) dst(%dma_wait3A_58 : memref<128x128xf32, #tpu.memory_space<vmem_shared>>)
      tpu.yield
    }) : () -> ()
    %mul3A_18 = arith.constant 640 : i32
    %mul3A_19 = arith.muli %arg1, %mul3A_18 : i32
    %add3A_20 = arith.constant 384 : i32
    %add3A_21 = arith.addi %mul3A_19, %add3A_20 : i32
    "tpu.region"() ({
      %run_scoped3A = tpu.sem_alloc : memref<!tpu.dma_semaphore, #tpu.memory_space<semaphore_mem>>
      %dma_start3A = arith.constant 0 : i32
      %dma_start3A_53 = tpu.memref_slice %arg16[%add3A_21, %dma_start3A] : memref<10240x128xf32, #tpu.memory_space<vmem_shared>> -> memref<128x128xf32, #tpu.memory_space<vmem_shared>>
      %dma_start3A_54 = arith.constant 0 : i32
      %dma_start3A_55 = tpu.memref_slice %arg16[%add3A_21, %dma_start3A_54] : memref<10240x128xf32, #tpu.memory_space<vmem_shared>> -> memref<128x128xf32, #tpu.memory_space<vmem_shared>>
      tpu.enqueue_dma source(%arg10 : memref<128x128xf32, #tpu.memory_space<vmem>>) target(%dma_start3A_55 : memref<128x128xf32, #tpu.memory_space<vmem_shared>>) target_semaphore(%run_scoped3A : memref<!tpu.dma_semaphore, #tpu.memory_space<semaphore_mem>>)
      %dma_wait3A = arith.constant 0 : i32
      %dma_wait3A_56 = tpu.memref_slice %arg16[%add3A_21, %dma_wait3A] : memref<10240x128xf32, #tpu.memory_space<vmem_shared>> -> memref<128x128xf32, #tpu.memory_space<vmem_shared>>
      %dma_wait3A_57 = arith.constant 0 : i32
      %dma_wait3A_58 = tpu.memref_slice %arg16[%add3A_21, %dma_wait3A_57] : memref<10240x128xf32, #tpu.memory_space<vmem_shared>> -> memref<128x128xf32, #tpu.memory_space<vmem_shared>>
      tpu.wait_dma2 semaphore(%run_scoped3A : memref<!tpu.dma_semaphore, #tpu.memory_space<semaphore_mem>>) src(%arg10 : memref<128x128xf32, #tpu.memory_space<vmem>>) dst(%dma_wait3A_58 : memref<128x128xf32, #tpu.memory_space<vmem_shared>>)
      tpu.yield
    }) : () -> ()
    %mul3A_22 = arith.constant 640 : i32
    %mul3A_23 = arith.muli %arg1, %mul3A_22 : i32
    %add3A_24 = arith.constant 512 : i32
    %add3A_25 = arith.addi %mul3A_23, %add3A_24 : i32
    "tpu.region"() ({
      %run_scoped3A = tpu.sem_alloc : memref<!tpu.dma_semaphore, #tpu.memory_space<semaphore_mem>>
      %dma_start3A = arith.constant 0 : i32
      %dma_start3A_53 = tpu.memref_slice %arg16[%add3A_25, %dma_start3A] : memref<10240x128xf32, #tpu.memory_space<vmem_shared>> -> memref<128x128xf32, #tpu.memory_space<vmem_shared>>
      %dma_start3A_54 = arith.constant 0 : i32
      %dma_start3A_55 = tpu.memref_slice %arg16[%add3A_25, %dma_start3A_54] : memref<10240x128xf32, #tpu.memory_space<vmem_shared>> -> memref<128x128xf32, #tpu.memory_space<vmem_shared>>
      tpu.enqueue_dma source(%arg10 : memref<128x128xf32, #tpu.memory_space<vmem>>) target(%dma_start3A_55 : memref<128x128xf32, #tpu.memory_space<vmem_shared>>) target_semaphore(%run_scoped3A : memref<!tpu.dma_semaphore, #tpu.memory_space<semaphore_mem>>)
      %dma_wait3A = arith.constant 0 : i32
      %dma_wait3A_56 = tpu.memref_slice %arg16[%add3A_25, %dma_wait3A] : memref<10240x128xf32, #tpu.memory_space<vmem_shared>> -> memref<128x128xf32, #tpu.memory_space<vmem_shared>>
      %dma_wait3A_57 = arith.constant 0 : i32
      %dma_wait3A_58 = tpu.memref_slice %arg16[%add3A_25, %dma_wait3A_57] : memref<10240x128xf32, #tpu.memory_space<vmem_shared>> -> memref<128x128xf32, #tpu.memory_space<vmem_shared>>
      tpu.wait_dma2 semaphore(%run_scoped3A : memref<!tpu.dma_semaphore, #tpu.memory_space<semaphore_mem>>) src(%arg10 : memref<128x128xf32, #tpu.memory_space<vmem>>) dst(%dma_wait3A_58 : memref<128x128xf32, #tpu.memory_space<vmem_shared>>)
      tpu.yield
    }) : () -> ()
    %barrier3A = arith.constant 0 : index
    tpu.barrier barrier_id(%barrier3A)
    %scan3A_26 = arith.constant 0 : i32
    %scan3A_27 = arith.constant 0 : i32
    %scan3A_28 = arith.constant 2 : i32
    %scan3A_29 = arith.addi %scan3A_27, %scan3A_28 : i32
    %scan3A_30 = arith.constant 1 : i32
    scf.for %scan3A_53 = %scan3A_27 to %scan3A_29 step %scan3A_30  : i32 {
      %mul3A_54 = arith.constant 80 : i32
      %mul3A_55 = arith.muli %add3A, %mul3A_54 : i32
      %mul3A_56 = arith.constant 40 : i32
      %mul3A_57 = arith.muli %scan3A_53, %mul3A_56 : i32
      %add3A_58 = arith.addi %mul3A_55, %mul3A_57 : i32
      "tpu.region"() ({
        %run_scoped3A = tpu.sem_alloc : memref<!tpu.dma_semaphore, #tpu.memory_space<semaphore_mem>>
        %dma_start3A_91 = arith.constant 0 : i32
        %dma_start3A_92 = tpu.memref_slice %arg4[%add3A_58, %dma_start3A_91] : memref<2560x128xi32, #tpu.memory_space<hbm>> -> memref<40x128xi32, #tpu.memory_space<hbm>>
        %dma_start3A_93 = arith.constant 0 : i32
        %dma_start3A_94 = tpu.memref_slice %arg4[%add3A_58, %dma_start3A_93] : memref<2560x128xi32, #tpu.memory_space<hbm>> -> memref<40x128xi32, #tpu.memory_space<hbm>>
        tpu.enqueue_dma source(%dma_start3A_94 : memref<40x128xi32, #tpu.memory_space<hbm>>) target(%arg7 : memref<40x128xi32, #tpu.memory_space<vmem>>) target_semaphore(%run_scoped3A : memref<!tpu.dma_semaphore, #tpu.memory_space<semaphore_mem>>)
        %dma_wait3A_95 = arith.constant 0 : i32
        %dma_wait3A_96 = tpu.memref_slice %arg4[%add3A_58, %dma_wait3A_95] : memref<2560x128xi32, #tpu.memory_space<hbm>> -> memref<40x128xi32, #tpu.memory_space<hbm>>
        %dma_wait3A_97 = arith.constant 0 : i32
        %dma_wait3A_98 = tpu.memref_slice %arg4[%add3A_58, %dma_wait3A_97] : memref<2560x128xi32, #tpu.memory_space<hbm>> -> memref<40x128xi32, #tpu.memory_space<hbm>>
        tpu.wait_dma2 semaphore(%run_scoped3A : memref<!tpu.dma_semaphore, #tpu.memory_space<semaphore_mem>>) src(%dma_wait3A_98 : memref<40x128xi32, #tpu.memory_space<hbm>>) dst(%arg7 : memref<40x128xi32, #tpu.memory_space<vmem>>)
        tpu.yield
      }) : () -> ()
      "tpu.region"() ({
        %run_scoped3A = tpu.sem_alloc : memref<!tpu.dma_semaphore, #tpu.memory_space<semaphore_mem>>
        %dma_start3A_91 = arith.constant 0 : i32
        %dma_start3A_92 = tpu.memref_slice %arg3[%add3A_58, %dma_start3A_91] : memref<2560x128xi32, #tpu.memory_space<hbm>> -> memref<40x128xi32, #tpu.memory_space<hbm>>
        %dma_start3A_93 = arith.constant 0 : i32
        %dma_start3A_94 = tpu.memref_slice %arg3[%add3A_58, %dma_start3A_93] : memref<2560x128xi32, #tpu.memory_space<hbm>> -> memref<40x128xi32, #tpu.memory_space<hbm>>
        tpu.enqueue_dma source(%dma_start3A_94 : memref<40x128xi32, #tpu.memory_space<hbm>>) target(%arg8 : memref<40x128xi32, #tpu.memory_space<vmem>>) target_semaphore(%run_scoped3A : memref<!tpu.dma_semaphore, #tpu.memory_space<semaphore_mem>>)
        %dma_wait3A_95 = arith.constant 0 : i32
        %dma_wait3A_96 = tpu.memref_slice %arg3[%add3A_58, %dma_wait3A_95] : memref<2560x128xi32, #tpu.memory_space<hbm>> -> memref<40x128xi32, #tpu.memory_space<hbm>>
        %dma_wait3A_97 = arith.constant 0 : i32
        %dma_wait3A_98 = tpu.memref_slice %arg3[%add3A_58, %dma_wait3A_97] : memref<2560x128xi32, #tpu.memory_space<hbm>> -> memref<40x128xi32, #tpu.memory_space<hbm>>
        tpu.wait_dma2 semaphore(%run_scoped3A : memref<!tpu.dma_semaphore, #tpu.memory_space<semaphore_mem>>) src(%dma_wait3A_98 : memref<40x128xi32, #tpu.memory_space<hbm>>) dst(%arg8 : memref<40x128xi32, #tpu.memory_space<vmem>>)
        tpu.yield
      }) : () -> ()
      "tpu.region"() ({
        %run_scoped3A = tpu.sem_alloc : memref<!tpu.dma_semaphore, #tpu.memory_space<semaphore_mem>>
        %dma_start3A_91 = arith.constant 0 : i32
        %dma_start3A_92 = tpu.memref_slice %arg5[%add3A_58, %dma_start3A_91] : memref<2560x128xf32, #tpu.memory_space<hbm>> -> memref<40x128xf32, #tpu.memory_space<hbm>>
        %dma_start3A_93 = arith.constant 0 : i32
        %dma_start3A_94 = tpu.memref_slice %arg5[%add3A_58, %dma_start3A_93] : memref<2560x128xf32, #tpu.memory_space<hbm>> -> memref<40x128xf32, #tpu.memory_space<hbm>>
        tpu.enqueue_dma source(%dma_start3A_94 : memref<40x128xf32, #tpu.memory_space<hbm>>) target(%arg9 : memref<40x128xf32, #tpu.memory_space<vmem>>) target_semaphore(%run_scoped3A : memref<!tpu.dma_semaphore, #tpu.memory_space<semaphore_mem>>)
        %dma_wait3A_95 = arith.constant 0 : i32
        %dma_wait3A_96 = tpu.memref_slice %arg5[%add3A_58, %dma_wait3A_95] : memref<2560x128xf32, #tpu.memory_space<hbm>> -> memref<40x128xf32, #tpu.memory_space<hbm>>
        %dma_wait3A_97 = arith.constant 0 : i32
        %dma_wait3A_98 = tpu.memref_slice %arg5[%add3A_58, %dma_wait3A_97] : memref<2560x128xf32, #tpu.memory_space<hbm>> -> memref<40x128xf32, #tpu.memory_space<hbm>>
        tpu.wait_dma2 semaphore(%run_scoped3A : memref<!tpu.dma_semaphore, #tpu.memory_space<semaphore_mem>>) src(%dma_wait3A_98 : memref<40x128xf32, #tpu.memory_space<hbm>>) dst(%arg9 : memref<40x128xf32, #tpu.memory_space<vmem>>)
        tpu.yield
      }) : () -> ()
      %dma_start3A = arith.constant 0 : i32
      %dma_start3A_59 = arith.constant 0 : i32
      %dma_start3A_60 = tpu.memref_slice %arg7[%dma_start3A, %dma_start3A_59] : memref<40x128xi32, #tpu.memory_space<vmem>> -> memref<1x128xi32, #tpu.memory_space<vmem>>
      %dma_start3A_61 = tpu.memref_squeeze %dma_start3A_60 : memref<1x128xi32, #tpu.memory_space<vmem>> -> memref<128xi32, #tpu.memory_space<vmem>>
      %dma_start3A_62 = arith.constant 0 : i32
      %dma_start3A_63 = arith.constant 0 : i32
      %dma_start3A_64 = tpu.memref_slice %arg2[%dma_start3A_62, %dma_start3A_63] : memref<10000x128xf32, #tpu.memory_space<hbm>> -> memref<10000x128xf32, #tpu.memory_space<hbm>>
      tpu.enqueue_indirect_dma source(%dma_start3A_64 : memref<10000x128xf32, #tpu.memory_space<hbm>>) target(%arg10 : memref<128x128xf32, #tpu.memory_space<vmem>>) offsets(%dma_start3A_61 : memref<128xi32, #tpu.memory_space<vmem>>) semaphore(%arg12 : memref<!tpu.dma_semaphore, #tpu.memory_space<semaphore_mem>>)
      %dma_start3A_65 = arith.constant 1 : i32
      %dma_start3A_66 = arith.constant 0 : i32
      %dma_start3A_67 = tpu.memref_slice %arg7[%dma_start3A_65, %dma_start3A_66] : memref<40x128xi32, #tpu.memory_space<vmem>> -> memref<1x128xi32, #tpu.memory_space<vmem>>
      %dma_start3A_68 = tpu.memref_squeeze %dma_start3A_67 : memref<1x128xi32, #tpu.memory_space<vmem>> -> memref<128xi32, #tpu.memory_space<vmem>>
      %dma_start3A_69 = arith.constant 0 : i32
      %dma_start3A_70 = arith.constant 0 : i32
      %dma_start3A_71 = tpu.memref_slice %arg2[%dma_start3A_69, %dma_start3A_70] : memref<10000x128xf32, #tpu.memory_space<hbm>> -> memref<10000x128xf32, #tpu.memory_space<hbm>>
      tpu.enqueue_indirect_dma source(%dma_start3A_71 : memref<10000x128xf32, #tpu.memory_space<hbm>>) target(%arg11 : memref<128x128xf32, #tpu.memory_space<vmem>>) offsets(%dma_start3A_68 : memref<128xi32, #tpu.memory_space<vmem>>) semaphore(%arg13 : memref<!tpu.dma_semaphore, #tpu.memory_space<semaphore_mem>>)
      %scan3A_72 = arith.constant 0 : i32
      %scan3A_73 = arith.constant 0 : i32
      %scan3A_74 = arith.constant 20 : i32
      %scan3A_75 = arith.addi %scan3A_73, %scan3A_74 : i32
      %scan3A_76 = arith.constant 1 : i32
      scf.for %scan3A_91 = %scan3A_73 to %scan3A_75 step %scan3A_76  : i32 {
        %mul3A_92 = arith.constant 2 : i32
        %mul3A_93 = arith.muli %mul3A_92, %scan3A_91 : i32
        %add3A_94 = arith.constant 0 : i32
        %add3A_95 = arith.addi %mul3A_93, %add3A_94 : i32
        %dma_wait3A_96 = arith.constant 0 : i32
        %dma_wait3A_97 = tpu.memref_slice %arg7[%add3A_95, %dma_wait3A_96] : memref<40x128xi32, #tpu.memory_space<vmem>> -> memref<1x128xi32, #tpu.memory_space<vmem>>
        %dma_wait3A_98 = tpu.memref_squeeze %dma_wait3A_97 : memref<1x128xi32, #tpu.memory_space<vmem>> -> memref<128xi32, #tpu.memory_space<vmem>>
        %dma_wait3A_99 = arith.constant 0 : i32
        %dma_wait3A_100 = arith.constant 0 : i32
        %dma_wait3A_101 = tpu.memref_slice %arg2[%dma_wait3A_99, %dma_wait3A_100] : memref<10000x128xf32, #tpu.memory_space<hbm>> -> memref<10000x128xf32, #tpu.memory_space<hbm>>
        tpu.wait_indirect_dma semaphore(%arg12 : memref<!tpu.dma_semaphore, #tpu.memory_space<semaphore_mem>>) src(%dma_wait3A_101 : memref<10000x128xf32, #tpu.memory_space<hbm>>) dst(%arg10 : memref<128x128xf32, #tpu.memory_space<vmem>>)
        %scan3A_102 = arith.constant 0 : i32
        %scan3A_103 = arith.constant 0 : i32
        %scan3A_104 = arith.constant 32 : i32
        %scan3A_105 = arith.addi %scan3A_103, %scan3A_104 : i32
        %scan3A_106 = arith.constant 1 : i32
        scf.for %scan3A_143 = %scan3A_103 to %scan3A_105 step %scan3A_106  : i32 {
          %mul3A_144 = arith.constant 4 : i32
          %mul3A_145 = arith.muli %scan3A_143, %mul3A_144 : i32
          %jit3A = arith.constant 16 : i32
          %div3A = arith.divsi %mul3A_145, %jit3A : i32
          %sign3A = arith.constant 0 : i32
          %sign3A_146 = arith.cmpi sgt, %mul3A_145, %sign3A : i32
          %sign3A_147 = arith.extui %sign3A_146 : i1 to i32
          %sign3A_148 = arith.constant 0 : i32
          %sign3A_149 = arith.cmpi slt, %mul3A_145, %sign3A_148 : i32
          %sign3A_150 = arith.extui %sign3A_149 : i1 to i32
          %sign3A_151 = arith.subi %sign3A_147, %sign3A_150 : i32
          %sign3A_152 = arith.constant 0 : i32
          %sign3A_153 = arith.cmpi sgt, %jit3A, %sign3A_152 : i32
          %sign3A_154 = arith.extui %sign3A_153 : i1 to i32
          %sign3A_155 = arith.constant 0 : i32
          %sign3A_156 = arith.cmpi slt, %jit3A, %sign3A_155 : i32
          %sign3A_157 = arith.extui %sign3A_156 : i1 to i32
          %sign3A_158 = arith.subi %sign3A_154, %sign3A_157 : i32
          %ne3A = arith.cmpi ne, %sign3A_151, %sign3A_158 : i32
          %rem3A = arith.remsi %mul3A_145, %jit3A : i32
          %ne3A_159 = arith.constant 0 : i32
          %ne3A_160 = arith.cmpi ne, %rem3A, %ne3A_159 : i32
          %and3A = arith.andi %ne3A, %ne3A_160 : i1
          %sub3A = arith.constant 1 : i32
          %sub3A_161 = arith.subi %div3A, %sub3A : i32
          %select_n3A = arith.select %and3A, %sub3A_161, %div3A : i32
          %mul3A_162 = arith.constant 16 : i32
          %mul3A_163 = arith.muli %select_n3A, %mul3A_162 : i32
          %get3A = arith.index_cast %add3A_95 : i32 to index
          %get3A_164 = arith.index_cast %mul3A_163 : i32 to index
          %get3A_165 = tpu.vector_load %arg9[%get3A, %get3A_164] {strides = array<i32>} : memref<40x128xf32, #tpu.memory_space<vmem>>, vector<1x16xf32>,
          %get3A_166 = vector.shape_cast %get3A_165 : vector<1x16xf32> to vector<16xf32>
          %jit3A_167 = arith.constant 16 : i32
          %eq3A = arith.constant 0 : i32
          %eq3A_168 = arith.cmpi eq, %jit3A_167, %eq3A : i32
          %jit3A_169 = arith.constant 1 : i32
          %select_n3A_170 = arith.select %eq3A_168, %jit3A_169, %jit3A_167 : i32
          %rem3A_171 = arith.remsi %mul3A_145, %select_n3A_170 : i32
          %ne3A_172 = arith.constant 0 : i32
          %ne3A_173 = arith.cmpi ne, %rem3A_171, %ne3A_172 : i32
          %lt3A_174 = arith.constant 0 : i32
          %lt3A_175 = arith.cmpi slt, %rem3A_171, %lt3A_174 : i32
          %lt3A_176 = arith.constant 0 : i32
          %lt3A_177 = arith.cmpi slt, %select_n3A_170, %lt3A_176 : i32
          %ne3A_178 = arith.xori %lt3A_175, %lt3A_177 : i1
          %and3A_179 = arith.andi %ne3A_178, %ne3A_173 : i1
          %add3A_180 = arith.addi %rem3A_171, %select_n3A_170 : i32
          %select_n3A_181 = arith.select %and3A_179, %add3A_180, %rem3A_171 : i32
          %add3A_182 = arith.constant 0 : i32
          %add3A_183 = arith.addi %select_n3A_181, %add3A_182 : i32
          %broadcast_in_dim3A = vector.broadcast %add3A_183 : i32 to vector<16xi32>
          %lt3A_184 = arith.constant 0 : i32
          %lt3A_185 = vector.broadcast %lt3A_184 : i32 to vector<16xi32>
          %lt3A_186 = arith.cmpi slt, %broadcast_in_dim3A, %lt3A_185 : vector<16xi32>
          %add3A_187 = arith.constant 16 : i32
          %add3A_188 = vector.broadcast %add3A_187 : i32 to vector<16xi32>
          %add3A_189 = arith.addi %broadcast_in_dim3A, %add3A_188 : vector<16xi32>
          %select_n3A_190 = arith.select %lt3A_186, %add3A_189, %broadcast_in_dim3A : vector<16xi1>, vector<16xi32>
          %reshape3A = vector.shape_cast %select_n3A_190 : vector<16xi32> to vector<16x1xi32>
          %gather3A = vector.shape_cast %reshape3A : vector<16x1xi32> to vector<16xi32>
          %gather3A_191 = tpu.dynamic_gather %get3A_166[%gather3A] in [0] : vector<16xf32>, vector<16xi32> -> vector<16xf32>
          %add3A_192 = arith.constant 0 : i32
          %add3A_193 = arith.addi %mul3A_145, %add3A_192 : i32
          %get3A_194 = arith.index_cast %add3A_193 : i32 to index
          %get3A_195 = arith.constant 0 : index
          %get3A_196 = tpu.vector_load %arg10[%get3A_194, %get3A_195] {strides = array<i32>} : memref<128x128xf32, #tpu.memory_space<vmem>>, vector<1x16xf32>,
          %get3A_197 = vector.shape_cast %get3A_196 : vector<1x16xf32> to vector<16xf32>
          %mul3A_198 = arith.mulf %get3A_197, %gather3A_191 : vector<16xf32>
          %add3A_199 = arith.constant 0 : i32
          %add3A_200 = arith.addi %mul3A_145, %add3A_199 : i32
          %swap3A = arith.index_cast %add3A_200 : i32 to index
          %swap3A_201 = arith.constant 0 : index
          %swap3A_202 = tpu.vector_load %arg10[%swap3A, %swap3A_201] {strides = array<i32>} : memref<128x128xf32, #tpu.memory_space<vmem>>, vector<1x16xf32>,
          %swap3A_203 = vector.shape_cast %swap3A_202 : vector<1x16xf32> to vector<16xf32>
          %swap3A_204 = vector.shape_cast %mul3A_198 : vector<16xf32> to vector<1x16xf32>
          tpu.vector_store %arg10[%swap3A, %swap3A_201], %swap3A_204 {strides = array<i32>} : memref<128x128xf32, #tpu.memory_space<vmem>>, vector<1x16xf32>,
          %add3A_205 = arith.constant 0 : i32
          %add3A_206 = arith.addi %mul3A_145, %add3A_205 : i32
          %get3A_207 = arith.index_cast %add3A_206 : i32 to index
          %get3A_208 = arith.constant 16 : index
          %get3A_209 = tpu.vector_load %arg10[%get3A_207, %get3A_208] {strides = array<i32>} : memref<128x128xf32, #tpu.memory_space<vmem>>, vector<1x16xf32>,
          %get3A_210 = vector.shape_cast %get3A_209 : vector<1x16xf32> to vector<16xf32>
          %mul3A_211 = arith.mulf %get3A_210, %gather3A_191 : vector<16xf32>
          %add3A_212 = arith.constant 0 : i32
          %add3A_213 = arith.addi %mul3A_145, %add3A_212 : i32
          %swap3A_214 = arith.index_cast %add3A_213 : i32 to index
          %swap3A_215 = arith.constant 16 : index
          %swap3A_216 = tpu.vector_load %arg10[%swap3A_214, %swap3A_215] {strides = array<i32>} : memref<128x128xf32, #tpu.memory_space<vmem>>, vector<1x16xf32>,
          %swap3A_217 = vector.shape_cast %swap3A_216 : vector<1x16xf32> to vector<16xf32>
          %swap3A_218 = vector.shape_cast %mul3A_211 : vector<16xf32> to vector<1x16xf32>
          tpu.vector_store %arg10[%swap3A_214, %swap3A_215], %swap3A_218 {strides = array<i32>} : memref<128x128xf32, #tpu.memory_space<vmem>>, vector<1x16xf32>,
          %add3A_219 = arith.constant 0 : i32
          %add3A_220 = arith.addi %mul3A_145, %add3A_219 : i32
          %get3A_221 = arith.index_cast %add3A_220 : i32 to index
          %get3A_222 = arith.constant 32 : index
          %get3A_223 = tpu.vector_load %arg10[%get3A_221, %get3A_222] {strides = array<i32>} : memref<128x128xf32, #tpu.memory_space<vmem>>, vector<1x16xf32>,
          %get3A_224 = vector.shape_cast %get3A_223 : vector<1x16xf32> to vector<16xf32>
          %mul3A_225 = arith.mulf %get3A_224, %gather3A_191 : vector<16xf32>
          %add3A_226 = arith.constant 0 : i32
          %add3A_227 = arith.addi %mul3A_145, %add3A_226 : i32
          %swap3A_228 = arith.index_cast %add3A_227 : i32 to index
          %swap3A_229 = arith.constant 32 : index
          %swap3A_230 = tpu.vector_load %arg10[%swap3A_228, %swap3A_229] {strides = array<i32>} : memref<128x128xf32, #tpu.memory_space<vmem>>, vector<1x16xf32>,
          %swap3A_231 = vector.shape_cast %swap3A_230 : vector<1x16xf32> to vector<16xf32>
          %swap3A_232 = vector.shape_cast %mul3A_225 : vector<16xf32> to vector<1x16xf32>
          tpu.vector_store %arg10[%swap3A_228, %swap3A_229], %swap3A_232 {strides = array<i32>} : memref<128x128xf32, #tpu.memory_space<vmem>>, vector<1x16xf32>,
          %add3A_233 = arith.constant 0 : i32
          %add3A_234 = arith.addi %mul3A_145, %add3A_233 : i32
          %get3A_235 = arith.index_cast %add3A_234 : i32 to index
          %get3A_236 = arith.constant 48 : index
          %get3A_237 = tpu.vector_load %arg10[%get3A_235, %get3A_236] {strides = array<i32>} : memref<128x128xf32, #tpu.memory_space<vmem>>, vector<1x16xf32>,
          %get3A_238 = vector.shape_cast %get3A_237 : vector<1x16xf32> to vector<16xf32>
          %mul3A_239 = arith.mulf %get3A_238, %gather3A_191 : vector<16xf32>
          %add3A_240 = arith.constant 0 : i32
          %add3A_241 = arith.addi %mul3A_145, %add3A_240 : i32
          %swap3A_242 = arith.index_cast %add3A_241 : i32 to index
          %swap3A_243 = arith.constant 48 : index
          %swap3A_244 = tpu.vector_load %arg10[%swap3A_242, %swap3A_243] {strides = array<i32>} : memref<128x128xf32, #tpu.memory_space<vmem>>, vector<1x16xf32>,
          %swap3A_245 = vector.shape_cast %swap3A_244 : vector<1x16xf32> to vector<16xf32>
          %swap3A_246 = vector.shape_cast %mul3A_239 : vector<16xf32> to vector<1x16xf32>
          tpu.vector_store %arg10[%swap3A_242, %swap3A_243], %swap3A_246 {strides = array<i32>} : memref<128x128xf32, #tpu.memory_space<vmem>>, vector<1x16xf32>,
          %add3A_247 = arith.constant 0 : i32
          %add3A_248 = arith.addi %mul3A_145, %add3A_247 : i32
          %get3A_249 = arith.index_cast %add3A_248 : i32 to index
          %get3A_250 = arith.constant 64 : index
          %get3A_251 = tpu.vector_load %arg10[%get3A_249, %get3A_250] {strides = array<i32>} : memref<128x128xf32, #tpu.memory_space<vmem>>, vector<1x16xf32>,
          %get3A_252 = vector.shape_cast %get3A_251 : vector<1x16xf32> to vector<16xf32>
          %mul3A_253 = arith.mulf %get3A_252, %gather3A_191 : vector<16xf32>
          %add3A_254 = arith.constant 0 : i32
          %add3A_255 = arith.addi %mul3A_145, %add3A_254 : i32
          %swap3A_256 = arith.index_cast %add3A_255 : i32 to index
          %swap3A_257 = arith.constant 64 : index
          %swap3A_258 = tpu.vector_load %arg10[%swap3A_256, %swap3A_257] {strides = array<i32>} : memref<128x128xf32, #tpu.memory_space<vmem>>, vector<1x16xf32>,
          %swap3A_259 = vector.shape_cast %swap3A_258 : vector<1x16xf32> to vector<16xf32>
          %swap3A_260 = vector.shape_cast %mul3A_253 : vector<16xf32> to vector<1x16xf32>
          tpu.vector_store %arg10[%swap3A_256, %swap3A_257], %swap3A_260 {strides = array<i32>} : memref<128x128xf32, #tpu.memory_space<vmem>>, vector<1x16xf32>,
          %add3A_261 = arith.constant 0 : i32
          %add3A_262 = arith.addi %mul3A_145, %add3A_261 : i32
          %get3A_263 = arith.index_cast %add3A_262 : i32 to index
          %get3A_264 = arith.constant 80 : index
          %get3A_265 = tpu.vector_load %arg10[%get3A_263, %get3A_264] {strides = array<i32>} : memref<128x128xf32, #tpu.memory_space<vmem>>, vector<1x16xf32>,
          %get3A_266 = vector.shape_cast %get3A_265 : vector<1x16xf32> to vector<16xf32>
          %mul3A_267 = arith.mulf %get3A_266, %gather3A_191 : vector<16xf32>
          %add3A_268 = arith.constant 0 : i32
          %add3A_269 = arith.addi %mul3A_145, %add3A_268 : i32
          %swap3A_270 = arith.index_cast %add3A_269 : i32 to index
          %swap3A_271 = arith.constant 80 : index
          %swap3A_272 = tpu.vector_load %arg10[%swap3A_270, %swap3A_271] {strides = array<i32>} : memref<128x128xf32, #tpu.memory_space<vmem>>, vector<1x16xf32>,
          %swap3A_273 = vector.shape_cast %swap3A_272 : vector<1x16xf32> to vector<16xf32>
          %swap3A_274 = vector.shape_cast %mul3A_267 : vector<16xf32> to vector<1x16xf32>
          tpu.vector_store %arg10[%swap3A_270, %swap3A_271], %swap3A_274 {strides = array<i32>} : memref<128x128xf32, #tpu.memory_space<vmem>>, vector<1x16xf32>,
          %add3A_275 = arith.constant 0 : i32
          %add3A_276 = arith.addi %mul3A_145, %add3A_275 : i32
          %get3A_277 = arith.index_cast %add3A_276 : i32 to index
          %get3A_278 = arith.constant 96 : index
          %get3A_279 = tpu.vector_load %arg10[%get3A_277, %get3A_278] {strides = array<i32>} : memref<128x128xf32, #tpu.memory_space<vmem>>, vector<1x16xf32>,
          %get3A_280 = vector.shape_cast %get3A_279 : vector<1x16xf32> to vector<16xf32>
          %mul3A_281 = arith.mulf %get3A_280, %gather3A_191 : vector<16xf32>
          %add3A_282 = arith.constant 0 : i32
          %add3A_283 = arith.addi %mul3A_145, %add3A_282 : i32
          %swap3A_284 = arith.index_cast %add3A_283 : i32 to index
          %swap3A_285 = arith.constant 96 : index
          %swap3A_286 = tpu.vector_load %arg10[%swap3A_284, %swap3A_285] {strides = array<i32>} : memref<128x128xf32, #tpu.memory_space<vmem>>, vector<1x16xf32>,
          %swap3A_287 = vector.shape_cast %swap3A_286 : vector<1x16xf32> to vector<16xf32>
          %swap3A_288 = vector.shape_cast %mul3A_281 : vector<16xf32> to vector<1x16xf32>
          tpu.vector_store %arg10[%swap3A_284, %swap3A_285], %swap3A_288 {strides = array<i32>} : memref<128x128xf32, #tpu.memory_space<vmem>>, vector<1x16xf32>,
          %add3A_289 = arith.constant 0 : i32
          %add3A_290 = arith.addi %mul3A_145, %add3A_289 : i32
          %get3A_291 = arith.index_cast %add3A_290 : i32 to index
          %get3A_292 = arith.constant 112 : index
          %get3A_293 = tpu.vector_load %arg10[%get3A_291, %get3A_292] {strides = array<i32>} : memref<128x128xf32, #tpu.memory_space<vmem>>, vector<1x16xf32>,
          %get3A_294 = vector.shape_cast %get3A_293 : vector<1x16xf32> to vector<16xf32>
          %mul3A_295 = arith.mulf %get3A_294, %gather3A_191 : vector<16xf32>
          %add3A_296 = arith.constant 0 : i32
          %add3A_297 = arith.addi %mul3A_145, %add3A_296 : i32
          %swap3A_298 = arith.index_cast %add3A_297 : i32 to index
          %swap3A_299 = arith.constant 112 : index
          %swap3A_300 = tpu.vector_load %arg10[%swap3A_298, %swap3A_299] {strides = array<i32>} : memref<128x128xf32, #tpu.memory_space<vmem>>, vector<1x16xf32>,
          %swap3A_301 = vector.shape_cast %swap3A_300 : vector<1x16xf32> to vector<16xf32>
          %swap3A_302 = vector.shape_cast %mul3A_295 : vector<16xf32> to vector<1x16xf32>
          tpu.vector_store %arg10[%swap3A_298, %swap3A_299], %swap3A_302 {strides = array<i32>} : memref<128x128xf32, #tpu.memory_space<vmem>>, vector<1x16xf32>,
          %add3A_303 = arith.constant 1 : i32
          %add3A_304 = arith.addi %select_n3A_181, %add3A_303 : i32
          %broadcast_in_dim3A_305 = vector.broadcast %add3A_304 : i32 to vector<16xi32>
          %lt3A_306 = arith.constant 0 : i32
          %lt3A_307 = vector.broadcast %lt3A_306 : i32 to vector<16xi32>
          %lt3A_308 = arith.cmpi slt, %broadcast_in_dim3A_305, %lt3A_307 : vector<16xi32>
          %add3A_309 = arith.constant 16 : i32
          %add3A_310 = vector.broadcast %add3A_309 : i32 to vector<16xi32>
          %add3A_311 = arith.addi %broadcast_in_dim3A_305, %add3A_310 : vector<16xi32>
          %select_n3A_312 = arith.select %lt3A_308, %add3A_311, %broadcast_in_dim3A_305 : vector<16xi1>, vector<16xi32>
          %reshape3A_313 = vector.shape_cast %select_n3A_312 : vector<16xi32> to vector<16x1xi32>
          %gather3A_314 = vector.shape_cast %reshape3A_313 : vector<16x1xi32> to vector<16xi32>
          %gather3A_315 = tpu.dynamic_gather %get3A_166[%gather3A_314] in [0] : vector<16xf32>, vector<16xi32> -> vector<16xf32>
          %add3A_316 = arith.constant 1 : i32
          %add3A_317 = arith.addi %mul3A_145, %add3A_316 : i32
          %get3A_318 = arith.index_cast %add3A_317 : i32 to index
          %get3A_319 = arith.constant 0 : index
          %get3A_320 = tpu.vector_load %arg10[%get3A_318, %get3A_319] {strides = array<i32>} : memref<128x128xf32, #tpu.memory_space<vmem>>, vector<1x16xf32>,
          %get3A_321 = vector.shape_cast %get3A_320 : vector<1x16xf32> to vector<16xf32>
          %mul3A_322 = arith.mulf %get3A_321, %gather3A_315 : vector<16xf32>
          %add3A_323 = arith.constant 1 : i32
          %add3A_324 = arith.addi %mul3A_145, %add3A_323 : i32
          %swap3A_325 = arith.index_cast %add3A_324 : i32 to index
          %swap3A_326 = arith.constant 0 : index
          %swap3A_327 = tpu.vector_load %arg10[%swap3A_325, %swap3A_326] {strides = array<i32>} : memref<128x128xf32, #tpu.memory_space<vmem>>, vector<1x16xf32>,
          %swap3A_328 = vector.shape_cast %swap3A_327 : vector<1x16xf32> to vector<16xf32>
          %swap3A_329 = vector.shape_cast %mul3A_322 : vector<16xf32> to vector<1x16xf32>
          tpu.vector_store %arg10[%swap3A_325, %swap3A_326], %swap3A_329 {strides = array<i32>} : memref<128x128xf32, #tpu.memory_space<vmem>>, vector<1x16xf32>,
          %add3A_330 = arith.constant 1 : i32
          %add3A_331 = arith.addi %mul3A_145, %add3A_330 : i32
          %get3A_332 = arith.index_cast %add3A_331 : i32 to index
          %get3A_333 = arith.constant 16 : index
          %get3A_334 = tpu.vector_load %arg10[%get3A_332, %get3A_333] {strides = array<i32>} : memref<128x128xf32, #tpu.memory_space<vmem>>, vector<1x16xf32>,
          %get3A_335 = vector.shape_cast %get3A_334 : vector<1x16xf32> to vector<16xf32>
          %mul3A_336 = arith.mulf %get3A_335, %gather3A_315 : vector<16xf32>
          %add3A_337 = arith.constant 1 : i32
          %add3A_338 = arith.addi %mul3A_145, %add3A_337 : i32
          %swap3A_339 = arith.index_cast %add3A_338 : i32 to index
          %swap3A_340 = arith.constant 16 : index
          %swap3A_341 = tpu.vector_load %arg10[%swap3A_339, %swap3A_340] {strides = array<i32>} : memref<128x128xf32, #tpu.memory_space<vmem>>, vector<1x16xf32>,
          %swap3A_342 = vector.shape_cast %swap3A_341 : vector<1x16xf32> to vector<16xf32>
          %swap3A_343 = vector.shape_cast %mul3A_336 : vector<16xf32> to vector<1x16xf32>
          tpu.vector_store %arg10[%swap3A_339, %swap3A_340], %swap3A_343 {strides = array<i32>} : memref<128x128xf32, #tpu.memory_space<vmem>>, vector<1x16xf32>,
          %add3A_344 = arith.constant 1 : i32
          %add3A_345 = arith.addi %mul3A_145, %add3A_344 : i32
          %get3A_346 = arith.index_cast %add3A_345 : i32 to index
          %get3A_347 = arith.constant 32 : index
          %get3A_348 = tpu.vector_load %arg10[%get3A_346, %get3A_347] {strides = array<i32>} : memref<128x128xf32, #tpu.memory_space<vmem>>, vector<1x16xf32>,
          %get3A_349 = vector.shape_cast %get3A_348 : vector<1x16xf32> to vector<16xf32>
          %mul3A_350 = arith.mulf %get3A_349, %gather3A_315 : vector<16xf32>
          %add3A_351 = arith.constant 1 : i32
          %add3A_352 = arith.addi %mul3A_145, %add3A_351 : i32
          %swap3A_353 = arith.index_cast %add3A_352 : i32 to index
          %swap3A_354 = arith.constant 32 : index
          %swap3A_355 = tpu.vector_load %arg10[%swap3A_353, %swap3A_354] {strides = array<i32>} : memref<128x128xf32, #tpu.memory_space<vmem>>, vector<1x16xf32>,
          %swap3A_356 = vector.shape_cast %swap3A_355 : vector<1x16xf32> to vector<16xf32>
          %swap3A_357 = vector.shape_cast %mul3A_350 : vector<16xf32> to vector<1x16xf32>
          tpu.vector_store %arg10[%swap3A_353, %swap3A_354], %swap3A_357 {strides = array<i32>} : memref<128x128xf32, #tpu.memory_space<vmem>>, vector<1x16xf32>,
          %add3A_358 = arith.constant 1 : i32
          %add3A_359 = arith.addi %mul3A_145, %add3A_358 : i32
          %get3A_360 = arith.index_cast %add3A_359 : i32 to index
          %get3A_361 = arith.constant 48 : index
          %get3A_362 = tpu.vector_load %arg10[%get3A_360, %get3A_361] {strides = array<i32>} : memref<128x128xf32, #tpu.memory_space<vmem>>, vector<1x16xf32>,
          %get3A_363 = vector.shape_cast %get3A_362 : vector<1x16xf32> to vector<16xf32>
          %mul3A_364 = arith.mulf %get3A_363, %gather3A_315 : vector<16xf32>
          %add3A_365 = arith.constant 1 : i32
          %add3A_366 = arith.addi %mul3A_145, %add3A_365 : i32
          %swap3A_367 = arith.index_cast %add3A_366 : i32 to index
          %swap3A_368 = arith.constant 48 : index
          %swap3A_369 = tpu.vector_load %arg10[%swap3A_367, %swap3A_368] {strides = array<i32>} : memref<128x128xf32, #tpu.memory_space<vmem>>, vector<1x16xf32>,
          %swap3A_370 = vector.shape_cast %swap3A_369 : vector<1x16xf32> to vector<16xf32>
          %swap3A_371 = vector.shape_cast %mul3A_364 : vector<16xf32> to vector<1x16xf32>
          tpu.vector_store %arg10[%swap3A_367, %swap3A_368], %swap3A_371 {strides = array<i32>} : memref<128x128xf32, #tpu.memory_space<vmem>>, vector<1x16xf32>,
          %add3A_372 = arith.constant 1 : i32
          %add3A_373 = arith.addi %mul3A_145, %add3A_372 : i32
          %get3A_374 = arith.index_cast %add3A_373 : i32 to index
          %get3A_375 = arith.constant 64 : index
          %get3A_376 = tpu.vector_load %arg10[%get3A_374, %get3A_375] {strides = array<i32>} : memref<128x128xf32, #tpu.memory_space<vmem>>, vector<1x16xf32>,
          %get3A_377 = vector.shape_cast %get3A_376 : vector<1x16xf32> to vector<16xf32>
          %mul3A_378 = arith.mulf %get3A_377, %gather3A_315 : vector<16xf32>
          %add3A_379 = arith.constant 1 : i32
          %add3A_380 = arith.addi %mul3A_145, %add3A_379 : i32
          %swap3A_381 = arith.index_cast %add3A_380 : i32 to index
          %swap3A_382 = arith.constant 64 : index
          %swap3A_383 = tpu.vector_load %arg10[%swap3A_381, %swap3A_382] {strides = array<i32>} : memref<128x128xf32, #tpu.memory_space<vmem>>, vector<1x16xf32>,
          %swap3A_384 = vector.shape_cast %swap3A_383 : vector<1x16xf32> to vector<16xf32>
          %swap3A_385 = vector.shape_cast %mul3A_378 : vector<16xf32> to vector<1x16xf32>
          tpu.vector_store %arg10[%swap3A_381, %swap3A_382], %swap3A_385 {strides = array<i32>} : memref<128x128xf32, #tpu.memory_space<vmem>>, vector<1x16xf32>,
          %add3A_386 = arith.constant 1 : i32
          %add3A_387 = arith.addi %mul3A_145, %add3A_386 : i32
          %get3A_388 = arith.index_cast %add3A_387 : i32 to index
          %get3A_389 = arith.constant 80 : index
          %get3A_390 = tpu.vector_load %arg10[%get3A_388, %get3A_389] {strides = array<i32>} : memref<128x128xf32, #tpu.memory_space<vmem>>, vector<1x16xf32>,
          %get3A_391 = vector.shape_cast %get3A_390 : vector<1x16xf32> to vector<16xf32>
          %mul3A_392 = arith.mulf %get3A_391, %gather3A_315 : vector<16xf32>
          %add3A_393 = arith.constant 1 : i32
          %add3A_394 = arith.addi %mul3A_145, %add3A_393 : i32
          %swap3A_395 = arith.index_cast %add3A_394 : i32 to index
          %swap3A_396 = arith.constant 80 : index
          %swap3A_397 = tpu.vector_load %arg10[%swap3A_395, %swap3A_396] {strides = array<i32>} : memref<128x128xf32, #tpu.memory_space<vmem>>, vector<1x16xf32>,
          %swap3A_398 = vector.shape_cast %swap3A_397 : vector<1x16xf32> to vector<16xf32>
          %swap3A_399 = vector.shape_cast %mul3A_392 : vector<16xf32> to vector<1x16xf32>
          tpu.vector_store %arg10[%swap3A_395, %swap3A_396], %swap3A_399 {strides = array<i32>} : memref<128x128xf32, #tpu.memory_space<vmem>>, vector<1x16xf32>,
          %add3A_400 = arith.constant 1 : i32
          %add3A_401 = arith.addi %mul3A_145, %add3A_400 : i32
          %get3A_402 = arith.index_cast %add3A_401 : i32 to index
          %get3A_403 = arith.constant 96 : index
          %get3A_404 = tpu.vector_load %arg10[%get3A_402, %get3A_403] {strides = array<i32>} : memref<128x128xf32, #tpu.memory_space<vmem>>, vector<1x16xf32>,
          %get3A_405 = vector.shape_cast %get3A_404 : vector<1x16xf32> to vector<16xf32>
          %mul3A_406 = arith.mulf %get3A_405, %gather3A_315 : vector<16xf32>
          %add3A_407 = arith.constant 1 : i32
          %add3A_408 = arith.addi %mul3A_145, %add3A_407 : i32
          %swap3A_409 = arith.index_cast %add3A_408 : i32 to index
          %swap3A_410 = arith.constant 96 : index
          %swap3A_411 = tpu.vector_load %arg10[%swap3A_409, %swap3A_410] {strides = array<i32>} : memref<128x128xf32, #tpu.memory_space<vmem>>, vector<1x16xf32>,
          %swap3A_412 = vector.shape_cast %swap3A_411 : vector<1x16xf32> to vector<16xf32>
          %swap3A_413 = vector.shape_cast %mul3A_406 : vector<16xf32> to vector<1x16xf32>
          tpu.vector_store %arg10[%swap3A_409, %swap3A_410], %swap3A_413 {strides = array<i32>} : memref<128x128xf32, #tpu.memory_space<vmem>>, vector<1x16xf32>,
          %add3A_414 = arith.constant 1 : i32
          %add3A_415 = arith.addi %mul3A_145, %add3A_414 : i32
          %get3A_416 = arith.index_cast %add3A_415 : i32 to index
          %get3A_417 = arith.constant 112 : index
          %get3A_418 = tpu.vector_load %arg10[%get3A_416, %get3A_417] {strides = array<i32>} : memref<128x128xf32, #tpu.memory_space<vmem>>, vector<1x16xf32>,
          %get3A_419 = vector.shape_cast %get3A_418 : vector<1x16xf32> to vector<16xf32>
          %mul3A_420 = arith.mulf %get3A_419, %gather3A_315 : vector<16xf32>
          %add3A_421 = arith.constant 1 : i32
          %add3A_422 = arith.addi %mul3A_145, %add3A_421 : i32
          %swap3A_423 = arith.index_cast %add3A_422 : i32 to index
          %swap3A_424 = arith.constant 112 : index
          %swap3A_425 = tpu.vector_load %arg10[%swap3A_423, %swap3A_424] {strides = array<i32>} : memref<128x128xf32, #tpu.memory_space<vmem>>, vector<1x16xf32>,
          %swap3A_426 = vector.shape_cast %swap3A_425 : vector<1x16xf32> to vector<16xf32>
          %swap3A_427 = vector.shape_cast %mul3A_420 : vector<16xf32> to vector<1x16xf32>
          tpu.vector_store %arg10[%swap3A_423, %swap3A_424], %swap3A_427 {strides = array<i32>} : memref<128x128xf32, #tpu.memory_space<vmem>>, vector<1x16xf32>,
          %add3A_428 = arith.constant 2 : i32
          %add3A_429 = arith.addi %select_n3A_181, %add3A_428 : i32
          %broadcast_in_dim3A_430 = vector.broadcast %add3A_429 : i32 to vector<16xi32>
          %lt3A_431 = arith.constant 0 : i32
          %lt3A_432 = vector.broadcast %lt3A_431 : i32 to vector<16xi32>
          %lt3A_433 = arith.cmpi slt, %broadcast_in_dim3A_430, %lt3A_432 : vector<16xi32>
          %add3A_434 = arith.constant 16 : i32
          %add3A_435 = vector.broadcast %add3A_434 : i32 to vector<16xi32>
          %add3A_436 = arith.addi %broadcast_in_dim3A_430, %add3A_435 : vector<16xi32>
          %select_n3A_437 = arith.select %lt3A_433, %add3A_436, %broadcast_in_dim3A_430 : vector<16xi1>, vector<16xi32>
          %reshape3A_438 = vector.shape_cast %select_n3A_437 : vector<16xi32> to vector<16x1xi32>
          %gather3A_439 = vector.shape_cast %reshape3A_438 : vector<16x1xi32> to vector<16xi32>
          %gather3A_440 = tpu.dynamic_gather %get3A_166[%gather3A_439] in [0] : vector<16xf32>, vector<16xi32> -> vector<16xf32>
          %add3A_441 = arith.constant 2 : i32
          %add3A_442 = arith.addi %mul3A_145, %add3A_441 : i32
          %get3A_443 = arith.index_cast %add3A_442 : i32 to index
          %get3A_444 = arith.constant 0 : index
          %get3A_445 = tpu.vector_load %arg10[%get3A_443, %get3A_444] {strides = array<i32>} : memref<128x128xf32, #tpu.memory_space<vmem>>, vector<1x16xf32>,
          %get3A_446 = vector.shape_cast %get3A_445 : vector<1x16xf32> to vector<16xf32>
          %mul3A_447 = arith.mulf %get3A_446, %gather3A_440 : vector<16xf32>
          %add3A_448 = arith.constant 2 : i32
          %add3A_449 = arith.addi %mul3A_145, %add3A_448 : i32
          %swap3A_450 = arith.index_cast %add3A_449 : i32 to index
          %swap3A_451 = arith.constant 0 : index
          %swap3A_452 = tpu.vector_load %arg10[%swap3A_450, %swap3A_451] {strides = array<i32>} : memref<128x128xf32, #tpu.memory_space<vmem>>, vector<1x16xf32>,
          %swap3A_453 = vector.shape_cast %swap3A_452 : vector<1x16xf32> to vector<16xf32>
          %swap3A_454 = vector.shape_cast %mul3A_447 : vector<16xf32> to vector<1x16xf32>
          tpu.vector_store %arg10[%swap3A_450, %swap3A_451], %swap3A_454 {strides = array<i32>} : memref<128x128xf32, #tpu.memory_space<vmem>>, vector<1x16xf32>,
          %add3A_455 = arith.constant 2 : i32
          %add3A_456 = arith.addi %mul3A_145, %add3A_455 : i32
          %get3A_457 = arith.index_cast %add3A_456 : i32 to index
          %get3A_458 = arith.constant 16 : index
          %get3A_459 = tpu.vector_load %arg10[%get3A_457, %get3A_458] {strides = array<i32>} : memref<128x128xf32, #tpu.memory_space<vmem>>, vector<1x16xf32>,
          %get3A_460 = vector.shape_cast %get3A_459 : vector<1x16xf32> to vector<16xf32>
          %mul3A_461 = arith.mulf %get3A_460, %gather3A_440 : vector<16xf32>
          %add3A_462 = arith.constant 2 : i32
          %add3A_463 = arith.addi %mul3A_145, %add3A_462 : i32
          %swap3A_464 = arith.index_cast %add3A_463 : i32 to index
          %swap3A_465 = arith.constant 16 : index
          %swap3A_466 = tpu.vector_load %arg10[%swap3A_464, %swap3A_465] {strides = array<i32>} : memref<128x128xf32, #tpu.memory_space<vmem>>, vector<1x16xf32>,
          %swap3A_467 = vector.shape_cast %swap3A_466 : vector<1x16xf32> to vector<16xf32>
          %swap3A_468 = vector.shape_cast %mul3A_461 : vector<16xf32> to vector<1x16xf32>
          tpu.vector_store %arg10[%swap3A_464, %swap3A_465], %swap3A_468 {strides = array<i32>} : memref<128x128xf32, #tpu.memory_space<vmem>>, vector<1x16xf32>,
          %add3A_469 = arith.constant 2 : i32
          %add3A_470 = arith.addi %mul3A_145, %add3A_469 : i32
          %get3A_471 = arith.index_cast %add3A_470 : i32 to index
          %get3A_472 = arith.constant 32 : index
          %get3A_473 = tpu.vector_load %arg10[%get3A_471, %get3A_472] {strides = array<i32>} : memref<128x128xf32, #tpu.memory_space<vmem>>, vector<1x16xf32>,
          %get3A_474 = vector.shape_cast %get3A_473 : vector<1x16xf32> to vector<16xf32>
          %mul3A_475 = arith.mulf %get3A_474, %gather3A_440 : vector<16xf32>
          %add3A_476 = arith.constant 2 : i32
          %add3A_477 = arith.addi %mul3A_145, %add3A_476 : i32
          %swap3A_478 = arith.index_cast %add3A_477 : i32 to index
          %swap3A_479 = arith.constant 32 : index
          %swap3A_480 = tpu.vector_load %arg10[%swap3A_478, %swap3A_479] {strides = array<i32>} : memref<128x128xf32, #tpu.memory_space<vmem>>, vector<1x16xf32>,
          %swap3A_481 = vector.shape_cast %swap3A_480 : vector<1x16xf32> to vector<16xf32>
          %swap3A_482 = vector.shape_cast %mul3A_475 : vector<16xf32> to vector<1x16xf32>
          tpu.vector_store %arg10[%swap3A_478, %swap3A_479], %swap3A_482 {strides = array<i32>} : memref<128x128xf32, #tpu.memory_space<vmem>>, vector<1x16xf32>,
          %add3A_483 = arith.constant 2 : i32
          %add3A_484 = arith.addi %mul3A_145, %add3A_483 : i32
          %get3A_485 = arith.index_cast %add3A_484 : i32 to index
          %get3A_486 = arith.constant 48 : index
          %get3A_487 = tpu.vector_load %arg10[%get3A_485, %get3A_486] {strides = array<i32>} : memref<128x128xf32, #tpu.memory_space<vmem>>, vector<1x16xf32>,
          %get3A_488 = vector.shape_cast %get3A_487 : vector<1x16xf32> to vector<16xf32>
          %mul3A_489 = arith.mulf %get3A_488, %gather3A_440 : vector<16xf32>
          %add3A_490 = arith.constant 2 : i32
          %add3A_491 = arith.addi %mul3A_145, %add3A_490 : i32
          %swap3A_492 = arith.index_cast %add3A_491 : i32 to index
          %swap3A_493 = arith.constant 48 : index
          %swap3A_494 = tpu.vector_load %arg10[%swap3A_492, %swap3A_493] {strides = array<i32>} : memref<128x128xf32, #tpu.memory_space<vmem>>, vector<1x16xf32>,
          %swap3A_495 = vector.shape_cast %swap3A_494 : vector<1x16xf32> to vector<16xf32>
          %swap3A_496 = vector.shape_cast %mul3A_489 : vector<16xf32> to vector<1x16xf32>
          tpu.vector_store %arg10[%swap3A_492, %swap3A_493], %swap3A_496 {strides = array<i32>} : memref<128x128xf32, #tpu.memory_space<vmem>>, vector<1x16xf32>,
          %add3A_497 = arith.constant 2 : i32
          %add3A_498 = arith.addi %mul3A_145, %add3A_497 : i32
          %get3A_499 = arith.index_cast %add3A_498 : i32 to index
          %get3A_500 = arith.constant 64 : index
          %get3A_501 = tpu.vector_load %arg10[%get3A_499, %get3A_500] {strides = array<i32>} : memref<128x128xf32, #tpu.memory_space<vmem>>, vector<1x16xf32>,
          %get3A_502 = vector.shape_cast %get3A_501 : vector<1x16xf32> to vector<16xf32>
          %mul3A_503 = arith.mulf %get3A_502, %gather3A_440 : vector<16xf32>
          %add3A_504 = arith.constant 2 : i32
          %add3A_505 = arith.addi %mul3A_145, %add3A_504 : i32
          %swap3A_506 = arith.index_cast %add3A_505 : i32 to index
          %swap3A_507 = arith.constant 64 : index
          %swap3A_508 = tpu.vector_load %arg10[%swap3A_506, %swap3A_507] {strides = array<i32>} : memref<128x128xf32, #tpu.memory_space<vmem>>, vector<1x16xf32>,
          %swap3A_509 = vector.shape_cast %swap3A_508 : vector<1x16xf32> to vector<16xf32>
          %swap3A_510 = vector.shape_cast %mul3A_503 : vector<16xf32> to vector<1x16xf32>
          tpu.vector_store %arg10[%swap3A_506, %swap3A_507], %swap3A_510 {strides = array<i32>} : memref<128x128xf32, #tpu.memory_space<vmem>>, vector<1x16xf32>,
          %add3A_511 = arith.constant 2 : i32
          %add3A_512 = arith.addi %mul3A_145, %add3A_511 : i32
          %get3A_513 = arith.index_cast %add3A_512 : i32 to index
          %get3A_514 = arith.constant 80 : index
          %get3A_515 = tpu.vector_load %arg10[%get3A_513, %get3A_514] {strides = array<i32>} : memref<128x128xf32, #tpu.memory_space<vmem>>, vector<1x16xf32>,
          %get3A_516 = vector.shape_cast %get3A_515 : vector<1x16xf32> to vector<16xf32>
          %mul3A_517 = arith.mulf %get3A_516, %gather3A_440 : vector<16xf32>
          %add3A_518 = arith.constant 2 : i32
          %add3A_519 = arith.addi %mul3A_145, %add3A_518 : i32
          %swap3A_520 = arith.index_cast %add3A_519 : i32 to index
          %swap3A_521 = arith.constant 80 : index
          %swap3A_522 = tpu.vector_load %arg10[%swap3A_520, %swap3A_521] {strides = array<i32>} : memref<128x128xf32, #tpu.memory_space<vmem>>, vector<1x16xf32>,
          %swap3A_523 = vector.shape_cast %swap3A_522 : vector<1x16xf32> to vector<16xf32>
          %swap3A_524 = vector.shape_cast %mul3A_517 : vector<16xf32> to vector<1x16xf32>
          tpu.vector_store %arg10[%swap3A_520, %swap3A_521], %swap3A_524 {strides = array<i32>} : memref<128x128xf32, #tpu.memory_space<vmem>>, vector<1x16xf32>,
          %add3A_525 = arith.constant 2 : i32
          %add3A_526 = arith.addi %mul3A_145, %add3A_525 : i32
          %get3A_527 = arith.index_cast %add3A_526 : i32 to index
          %get3A_528 = arith.constant 96 : index
          %get3A_529 = tpu.vector_load %arg10[%get3A_527, %get3A_528] {strides = array<i32>} : memref<128x128xf32, #tpu.memory_space<vmem>>, vector<1x16xf32>,
          %get3A_530 = vector.shape_cast %get3A_529 : vector<1x16xf32> to vector<16xf32>
          %mul3A_531 = arith.mulf %get3A_530, %gather3A_440 : vector<16xf32>
          %add3A_532 = arith.constant 2 : i32
          %add3A_533 = arith.addi %mul3A_145, %add3A_532 : i32
          %swap3A_534 = arith.index_cast %add3A_533 : i32 to index
          %swap3A_535 = arith.constant 96 : index
          %swap3A_536 = tpu.vector_load %arg10[%swap3A_534, %swap3A_535] {strides = array<i32>} : memref<128x128xf32, #tpu.memory_space<vmem>>, vector<1x16xf32>,
          %swap3A_537 = vector.shape_cast %swap3A_536 : vector<1x16xf32> to vector<16xf32>
          %swap3A_538 = vector.shape_cast %mul3A_531 : vector<16xf32> to vector<1x16xf32>
          tpu.vector_store %arg10[%swap3A_534, %swap3A_535], %swap3A_538 {strides = array<i32>} : memref<128x128xf32, #tpu.memory_space<vmem>>, vector<1x16xf32>,
          %add3A_539 = arith.constant 2 : i32
          %add3A_540 = arith.addi %mul3A_145, %add3A_539 : i32
          %get3A_541 = arith.index_cast %add3A_540 : i32 to index
          %get3A_542 = arith.constant 112 : index
          %get3A_543 = tpu.vector_load %arg10[%get3A_541, %get3A_542] {strides = array<i32>} : memref<128x128xf32, #tpu.memory_space<vmem>>, vector<1x16xf32>,
          %get3A_544 = vector.shape_cast %get3A_543 : vector<1x16xf32> to vector<16xf32>
          %mul3A_545 = arith.mulf %get3A_544, %gather3A_440 : vector<16xf32>
          %add3A_546 = arith.constant 2 : i32
          %add3A_547 = arith.addi %mul3A_145, %add3A_546 : i32
          %swap3A_548 = arith.index_cast %add3A_547 : i32 to index
          %swap3A_549 = arith.constant 112 : index
          %swap3A_550 = tpu.vector_load %arg10[%swap3A_548, %swap3A_549] {strides = array<i32>} : memref<128x128xf32, #tpu.memory_space<vmem>>, vector<1x16xf32>,
          %swap3A_551 = vector.shape_cast %swap3A_550 : vector<1x16xf32> to vector<16xf32>
          %swap3A_552 = vector.shape_cast %mul3A_545 : vector<16xf32> to vector<1x16xf32>
          tpu.vector_store %arg10[%swap3A_548, %swap3A_549], %swap3A_552 {strides = array<i32>} : memref<128x128xf32, #tpu.memory_space<vmem>>, vector<1x16xf32>,
          %add3A_553 = arith.constant 3 : i32
          %add3A_554 = arith.addi %select_n3A_181, %add3A_553 : i32
          %broadcast_in_dim3A_555 = vector.broadcast %add3A_554 : i32 to vector<16xi32>
          %lt3A_556 = arith.constant 0 : i32
          %lt3A_557 = vector.broadcast %lt3A_556 : i32 to vector<16xi32>
          %lt3A_558 = arith.cmpi slt, %broadcast_in_dim3A_555, %lt3A_557 : vector<16xi32>
          %add3A_559 = arith.constant 16 : i32
          %add3A_560 = vector.broadcast %add3A_559 : i32 to vector<16xi32>
          %add3A_561 = arith.addi %broadcast_in_dim3A_555, %add3A_560 : vector<16xi32>
          %select_n3A_562 = arith.select %lt3A_558, %add3A_561, %broadcast_in_dim3A_555 : vector<16xi1>, vector<16xi32>
          %reshape3A_563 = vector.shape_cast %select_n3A_562 : vector<16xi32> to vector<16x1xi32>
          %gather3A_564 = vector.shape_cast %reshape3A_563 : vector<16x1xi32> to vector<16xi32>
          %gather3A_565 = tpu.dynamic_gather %get3A_166[%gather3A_564] in [0] : vector<16xf32>, vector<16xi32> -> vector<16xf32>
          %add3A_566 = arith.constant 3 : i32
          %add3A_567 = arith.addi %mul3A_145, %add3A_566 : i32
          %get3A_568 = arith.index_cast %add3A_567 : i32 to index
          %get3A_569 = arith.constant 0 : index
          %get3A_570 = tpu.vector_load %arg10[%get3A_568, %get3A_569] {strides = array<i32>} : memref<128x128xf32, #tpu.memory_space<vmem>>, vector<1x16xf32>,
          %get3A_571 = vector.shape_cast %get3A_570 : vector<1x16xf32> to vector<16xf32>
          %mul3A_572 = arith.mulf %get3A_571, %gather3A_565 : vector<16xf32>
          %add3A_573 = arith.constant 3 : i32
          %add3A_574 = arith.addi %mul3A_145, %add3A_573 : i32
          %swap3A_575 = arith.index_cast %add3A_574 : i32 to index
          %swap3A_576 = arith.constant 0 : index
          %swap3A_577 = tpu.vector_load %arg10[%swap3A_575, %swap3A_576] {strides = array<i32>} : memref<128x128xf32, #tpu.memory_space<vmem>>, vector<1x16xf32>,
          %swap3A_578 = vector.shape_cast %swap3A_577 : vector<1x16xf32> to vector<16xf32>
          %swap3A_579 = vector.shape_cast %mul3A_572 : vector<16xf32> to vector<1x16xf32>
          tpu.vector_store %arg10[%swap3A_575, %swap3A_576], %swap3A_579 {strides = array<i32>} : memref<128x128xf32, #tpu.memory_space<vmem>>, vector<1x16xf32>,
          %add3A_580 = arith.constant 3 : i32
          %add3A_581 = arith.addi %mul3A_145, %add3A_580 : i32
          %get3A_582 = arith.index_cast %add3A_581 : i32 to index
          %get3A_583 = arith.constant 16 : index
          %get3A_584 = tpu.vector_load %arg10[%get3A_582, %get3A_583] {strides = array<i32>} : memref<128x128xf32, #tpu.memory_space<vmem>>, vector<1x16xf32>,
          %get3A_585 = vector.shape_cast %get3A_584 : vector<1x16xf32> to vector<16xf32>
          %mul3A_586 = arith.mulf %get3A_585, %gather3A_565 : vector<16xf32>
          %add3A_587 = arith.constant 3 : i32
          %add3A_588 = arith.addi %mul3A_145, %add3A_587 : i32
          %swap3A_589 = arith.index_cast %add3A_588 : i32 to index
          %swap3A_590 = arith.constant 16 : index
          %swap3A_591 = tpu.vector_load %arg10[%swap3A_589, %swap3A_590] {strides = array<i32>} : memref<128x128xf32, #tpu.memory_space<vmem>>, vector<1x16xf32>,
          %swap3A_592 = vector.shape_cast %swap3A_591 : vector<1x16xf32> to vector<16xf32>
          %swap3A_593 = vector.shape_cast %mul3A_586 : vector<16xf32> to vector<1x16xf32>
          tpu.vector_store %arg10[%swap3A_589, %swap3A_590], %swap3A_593 {strides = array<i32>} : memref<128x128xf32, #tpu.memory_space<vmem>>, vector<1x16xf32>,
          %add3A_594 = arith.constant 3 : i32
          %add3A_595 = arith.addi %mul3A_145, %add3A_594 : i32
          %get3A_596 = arith.index_cast %add3A_595 : i32 to index
          %get3A_597 = arith.constant 32 : index
          %get3A_598 = tpu.vector_load %arg10[%get3A_596, %get3A_597] {strides = array<i32>} : memref<128x128xf32, #tpu.memory_space<vmem>>, vector<1x16xf32>,
          %get3A_599 = vector.shape_cast %get3A_598 : vector<1x16xf32> to vector<16xf32>
          %mul3A_600 = arith.mulf %get3A_599, %gather3A_565 : vector<16xf32>
          %add3A_601 = arith.constant 3 : i32
          %add3A_602 = arith.addi %mul3A_145, %add3A_601 : i32
          %swap3A_603 = arith.index_cast %add3A_602 : i32 to index
          %swap3A_604 = arith.constant 32 : index
          %swap3A_605 = tpu.vector_load %arg10[%swap3A_603, %swap3A_604] {strides = array<i32>} : memref<128x128xf32, #tpu.memory_space<vmem>>, vector<1x16xf32>,
          %swap3A_606 = vector.shape_cast %swap3A_605 : vector<1x16xf32> to vector<16xf32>
          %swap3A_607 = vector.shape_cast %mul3A_600 : vector<16xf32> to vector<1x16xf32>
          tpu.vector_store %arg10[%swap3A_603, %swap3A_604], %swap3A_607 {strides = array<i32>} : memref<128x128xf32, #tpu.memory_space<vmem>>, vector<1x16xf32>,
          %add3A_608 = arith.constant 3 : i32
          %add3A_609 = arith.addi %mul3A_145, %add3A_608 : i32
          %get3A_610 = arith.index_cast %add3A_609 : i32 to index
          %get3A_611 = arith.constant 48 : index
          %get3A_612 = tpu.vector_load %arg10[%get3A_610, %get3A_611] {strides = array<i32>} : memref<128x128xf32, #tpu.memory_space<vmem>>, vector<1x16xf32>,
          %get3A_613 = vector.shape_cast %get3A_612 : vector<1x16xf32> to vector<16xf32>
          %mul3A_614 = arith.mulf %get3A_613, %gather3A_565 : vector<16xf32>
          %add3A_615 = arith.constant 3 : i32
          %add3A_616 = arith.addi %mul3A_145, %add3A_615 : i32
          %swap3A_617 = arith.index_cast %add3A_616 : i32 to index
          %swap3A_618 = arith.constant 48 : index
          %swap3A_619 = tpu.vector_load %arg10[%swap3A_617, %swap3A_618] {strides = array<i32>} : memref<128x128xf32, #tpu.memory_space<vmem>>, vector<1x16xf32>,
          %swap3A_620 = vector.shape_cast %swap3A_619 : vector<1x16xf32> to vector<16xf32>
          %swap3A_621 = vector.shape_cast %mul3A_614 : vector<16xf32> to vector<1x16xf32>
          tpu.vector_store %arg10[%swap3A_617, %swap3A_618], %swap3A_621 {strides = array<i32>} : memref<128x128xf32, #tpu.memory_space<vmem>>, vector<1x16xf32>,
          %add3A_622 = arith.constant 3 : i32
          %add3A_623 = arith.addi %mul3A_145, %add3A_622 : i32
          %get3A_624 = arith.index_cast %add3A_623 : i32 to index
          %get3A_625 = arith.constant 64 : index
          %get3A_626 = tpu.vector_load %arg10[%get3A_624, %get3A_625] {strides = array<i32>} : memref<128x128xf32, #tpu.memory_space<vmem>>, vector<1x16xf32>,
          %get3A_627 = vector.shape_cast %get3A_626 : vector<1x16xf32> to vector<16xf32>
          %mul3A_628 = arith.mulf %get3A_627, %gather3A_565 : vector<16xf32>
          %add3A_629 = arith.constant 3 : i32
          %add3A_630 = arith.addi %mul3A_145, %add3A_629 : i32
          %swap3A_631 = arith.index_cast %add3A_630 : i32 to index
          %swap3A_632 = arith.constant 64 : index
          %swap3A_633 = tpu.vector_load %arg10[%swap3A_631, %swap3A_632] {strides = array<i32>} : memref<128x128xf32, #tpu.memory_space<vmem>>, vector<1x16xf32>,
          %swap3A_634 = vector.shape_cast %swap3A_633 : vector<1x16xf32> to vector<16xf32>
          %swap3A_635 = vector.shape_cast %mul3A_628 : vector<16xf32> to vector<1x16xf32>
          tpu.vector_store %arg10[%swap3A_631, %swap3A_632], %swap3A_635 {strides = array<i32>} : memref<128x128xf32, #tpu.memory_space<vmem>>, vector<1x16xf32>,
          %add3A_636 = arith.constant 3 : i32
          %add3A_637 = arith.addi %mul3A_145, %add3A_636 : i32
          %get3A_638 = arith.index_cast %add3A_637 : i32 to index
          %get3A_639 = arith.constant 80 : index
          %get3A_640 = tpu.vector_load %arg10[%get3A_638, %get3A_639] {strides = array<i32>} : memref<128x128xf32, #tpu.memory_space<vmem>>, vector<1x16xf32>,
          %get3A_641 = vector.shape_cast %get3A_640 : vector<1x16xf32> to vector<16xf32>
          %mul3A_642 = arith.mulf %get3A_641, %gather3A_565 : vector<16xf32>
          %add3A_643 = arith.constant 3 : i32
          %add3A_644 = arith.addi %mul3A_145, %add3A_643 : i32
          %swap3A_645 = arith.index_cast %add3A_644 : i32 to index
          %swap3A_646 = arith.constant 80 : index
          %swap3A_647 = tpu.vector_load %arg10[%swap3A_645, %swap3A_646] {strides = array<i32>} : memref<128x128xf32, #tpu.memory_space<vmem>>, vector<1x16xf32>,
          %swap3A_648 = vector.shape_cast %swap3A_647 : vector<1x16xf32> to vector<16xf32>
          %swap3A_649 = vector.shape_cast %mul3A_642 : vector<16xf32> to vector<1x16xf32>
          tpu.vector_store %arg10[%swap3A_645, %swap3A_646], %swap3A_649 {strides = array<i32>} : memref<128x128xf32, #tpu.memory_space<vmem>>, vector<1x16xf32>,
          %add3A_650 = arith.constant 3 : i32
          %add3A_651 = arith.addi %mul3A_145, %add3A_650 : i32
          %get3A_652 = arith.index_cast %add3A_651 : i32 to index
          %get3A_653 = arith.constant 96 : index
          %get3A_654 = tpu.vector_load %arg10[%get3A_652, %get3A_653] {strides = array<i32>} : memref<128x128xf32, #tpu.memory_space<vmem>>, vector<1x16xf32>,
          %get3A_655 = vector.shape_cast %get3A_654 : vector<1x16xf32> to vector<16xf32>
          %mul3A_656 = arith.mulf %get3A_655, %gather3A_565 : vector<16xf32>
          %add3A_657 = arith.constant 3 : i32
          %add3A_658 = arith.addi %mul3A_145, %add3A_657 : i32
          %swap3A_659 = arith.index_cast %add3A_658 : i32 to index
          %swap3A_660 = arith.constant 96 : index
          %swap3A_661 = tpu.vector_load %arg10[%swap3A_659, %swap3A_660] {strides = array<i32>} : memref<128x128xf32, #tpu.memory_space<vmem>>, vector<1x16xf32>,
          %swap3A_662 = vector.shape_cast %swap3A_661 : vector<1x16xf32> to vector<16xf32>
          %swap3A_663 = vector.shape_cast %mul3A_656 : vector<16xf32> to vector<1x16xf32>
          tpu.vector_store %arg10[%swap3A_659, %swap3A_660], %swap3A_663 {strides = array<i32>} : memref<128x128xf32, #tpu.memory_space<vmem>>, vector<1x16xf32>,
          %add3A_664 = arith.constant 3 : i32
          %add3A_665 = arith.addi %mul3A_145, %add3A_664 : i32
          %get3A_666 = arith.index_cast %add3A_665 : i32 to index
          %get3A_667 = arith.constant 112 : index
          %get3A_668 = tpu.vector_load %arg10[%get3A_666, %get3A_667] {strides = array<i32>} : memref<128x128xf32, #tpu.memory_space<vmem>>, vector<1x16xf32>,
          %get3A_669 = vector.shape_cast %get3A_668 : vector<1x16xf32> to vector<16xf32>
          %mul3A_670 = arith.mulf %get3A_669, %gather3A_565 : vector<16xf32>
          %add3A_671 = arith.constant 3 : i32
          %add3A_672 = arith.addi %mul3A_145, %add3A_671 : i32
          %swap3A_673 = arith.index_cast %add3A_672 : i32 to index
          %swap3A_674 = arith.constant 112 : index
          %swap3A_675 = tpu.vector_load %arg10[%swap3A_673, %swap3A_674] {strides = array<i32>} : memref<128x128xf32, #tpu.memory_space<vmem>>, vector<1x16xf32>,
          %swap3A_676 = vector.shape_cast %swap3A_675 : vector<1x16xf32> to vector<16xf32>
          %swap3A_677 = vector.shape_cast %mul3A_670 : vector<16xf32> to vector<1x16xf32>
          tpu.vector_store %arg10[%swap3A_673, %swap3A_674], %swap3A_677 {strides = array<i32>} : memref<128x128xf32, #tpu.memory_space<vmem>>, vector<1x16xf32>,
        }
        %scan3A_107 = arith.constant 32 : i32
        %dma_start3A_108 = arith.constant 0 : i32
        %dma_start3A_109 = tpu.memref_slice %arg8[%add3A_95, %dma_start3A_108] : memref<40x128xi32, #tpu.memory_space<vmem>> -> memref<1x128xi32, #tpu.memory_space<vmem>>
        %dma_start3A_110 = tpu.memref_squeeze %dma_start3A_109 : memref<1x128xi32, #tpu.memory_space<vmem>> -> memref<128xi32, #tpu.memory_space<vmem>>
        %dma_start3A_111 = arith.constant 0 : i32
        %dma_start3A_112 = arith.constant 0 : i32
        %dma_start3A_113 = tpu.memref_slice %arg16[%dma_start3A_111, %dma_start3A_112] : memref<10240x128xf32, #tpu.memory_space<vmem_shared>> -> memref<10240x128xf32, #tpu.memory_space<vmem_shared>>
        tpu.enqueue_indirect_dma source(%arg10 : memref<128x128xf32, #tpu.memory_space<vmem>>) target(%dma_start3A_113 : memref<10240x128xf32, #tpu.memory_space<vmem_shared>>) offsets(%dma_start3A_110 : memref<128xi32, #tpu.memory_space<vmem>>) semaphore(%arg14 : memref<!tpu.dma_semaphore, #tpu.memory_space<semaphore_mem>>) {add = true}
        %lt3A = arith.constant 19 : i32
        %lt3A_114 = arith.cmpi slt, %scan3A_91, %lt3A : i32
        %convert_element_type3A = arith.extui %lt3A_114 : i1 to i32
        %cond3A = arith.constant 0 : i32
        %cond3A_115 = arith.cmpi ne, %convert_element_type3A, %cond3A : i32
        scf.if %cond3A_115 {
          %dma_wait3A_143 = arith.constant 0 : i32
          %dma_wait3A_144 = tpu.memref_slice %arg8[%add3A_95, %dma_wait3A_143] : memref<40x128xi32, #tpu.memory_space<vmem>> -> memref<1x128xi32, #tpu.memory_space<vmem>>
          %dma_wait3A_145 = tpu.memref_squeeze %dma_wait3A_144 : memref<1x128xi32, #tpu.memory_space<vmem>> -> memref<128xi32, #tpu.memory_space<vmem>>
          %dma_wait3A_146 = arith.constant 0 : i32
          %dma_wait3A_147 = arith.constant 0 : i32
          %dma_wait3A_148 = tpu.memref_slice %arg16[%dma_wait3A_146, %dma_wait3A_147] : memref<10240x128xf32, #tpu.memory_space<vmem_shared>> -> memref<10240x128xf32, #tpu.memory_space<vmem_shared>>
          tpu.wait_indirect_dma semaphore(%arg14 : memref<!tpu.dma_semaphore, #tpu.memory_space<semaphore_mem>>) src(%arg10 : memref<128x128xf32, #tpu.memory_space<vmem>>) dst(%dma_wait3A_148 : memref<10240x128xf32, #tpu.memory_space<vmem_shared>>)
          %add3A_149 = arith.constant 2 : i32
          %add3A_150 = arith.addi %add3A_95, %add3A_149 : i32
          %dma_start3A_151 = arith.constant 0 : i32
          %dma_start3A_152 = tpu.memref_slice %arg7[%add3A_150, %dma_start3A_151] : memref<40x128xi32, #tpu.memory_space<vmem>> -> memref<1x128xi32, #tpu.memory_space<vmem>>
          %dma_start3A_153 = tpu.memref_squeeze %dma_start3A_152 : memref<1x128xi32, #tpu.memory_space<vmem>> -> memref<128xi32, #tpu.memory_space<vmem>>
          %dma_start3A_154 = arith.constant 0 : i32
          %dma_start3A_155 = arith.constant 0 : i32
          %dma_start3A_156 = tpu.memref_slice %arg2[%dma_start3A_154, %dma_start3A_155] : memref<10000x128xf32, #tpu.memory_space<hbm>> -> memref<10000x128xf32, #tpu.memory_space<hbm>>
          tpu.enqueue_indirect_dma source(%dma_start3A_156 : memref<10000x128xf32, #tpu.memory_space<hbm>>) target(%arg10 : memref<128x128xf32, #tpu.memory_space<vmem>>) offsets(%dma_start3A_153 : memref<128xi32, #tpu.memory_space<vmem>>) semaphore(%arg12 : memref<!tpu.dma_semaphore, #tpu.memory_space<semaphore_mem>>)
        } else {
        }
        %mul3A_116 = arith.constant 2 : i32
        %mul3A_117 = arith.muli %mul3A_116, %scan3A_91 : i32
        %add3A_118 = arith.constant 1 : i32
        %add3A_119 = arith.addi %mul3A_117, %add3A_118 : i32
        %dma_wait3A_120 = arith.constant 0 : i32
        %dma_wait3A_121 = tpu.memref_slice %arg7[%add3A_119, %dma_wait3A_120] : memref<40x128xi32, #tpu.memory_space<vmem>> -> memref<1x128xi32, #tpu.memory_space<vmem>>
        %dma_wait3A_122 = tpu.memref_squeeze %dma_wait3A_121 : memref<1x128xi32, #tpu.memory_space<vmem>> -> memref<128xi32, #tpu.memory_space<vmem>>
        %dma_wait3A_123 = arith.constant 0 : i32
        %dma_wait3A_124 = arith.constant 0 : i32
        %dma_wait3A_125 = tpu.memref_slice %arg2[%dma_wait3A_123, %dma_wait3A_124] : memref<10000x128xf32, #tpu.memory_space<hbm>> -> memref<10000x128xf32, #tpu.memory_space<hbm>>
        tpu.wait_indirect_dma semaphore(%arg13 : memref<!tpu.dma_semaphore, #tpu.memory_space<semaphore_mem>>) src(%dma_wait3A_125 : memref<10000x128xf32, #tpu.memory_space<hbm>>) dst(%arg11 : memref<128x128xf32, #tpu.memory_space<vmem>>)
        %scan3A_126 = arith.constant 0 : i32
        %scan3A_127 = arith.constant 0 : i32
        %scan3A_128 = arith.constant 32 : i32
        %scan3A_129 = arith.addi %scan3A_127, %scan3A_128 : i32
        %scan3A_130 = arith.constant 1 : i32
        scf.for %scan3A_143 = %scan3A_127 to %scan3A_129 step %scan3A_130  : i32 {
          %mul3A_144 = arith.constant 4 : i32
          %mul3A_145 = arith.muli %scan3A_143, %mul3A_144 : i32
          %jit3A = arith.constant 16 : i32
          %div3A = arith.divsi %mul3A_145, %jit3A : i32
          %sign3A = arith.constant 0 : i32
          %sign3A_146 = arith.cmpi sgt, %mul3A_145, %sign3A : i32
          %sign3A_147 = arith.extui %sign3A_146 : i1 to i32
          %sign3A_148 = arith.constant 0 : i32
          %sign3A_149 = arith.cmpi slt, %mul3A_145, %sign3A_148 : i32
          %sign3A_150 = arith.extui %sign3A_149 : i1 to i32
          %sign3A_151 = arith.subi %sign3A_147, %sign3A_150 : i32
          %sign3A_152 = arith.constant 0 : i32
          %sign3A_153 = arith.cmpi sgt, %jit3A, %sign3A_152 : i32
          %sign3A_154 = arith.extui %sign3A_153 : i1 to i32
          %sign3A_155 = arith.constant 0 : i32
          %sign3A_156 = arith.cmpi slt, %jit3A, %sign3A_155 : i32
          %sign3A_157 = arith.extui %sign3A_156 : i1 to i32
          %sign3A_158 = arith.subi %sign3A_154, %sign3A_157 : i32
          %ne3A = arith.cmpi ne, %sign3A_151, %sign3A_158 : i32
          %rem3A = arith.remsi %mul3A_145, %jit3A : i32
          %ne3A_159 = arith.constant 0 : i32
          %ne3A_160 = arith.cmpi ne, %rem3A, %ne3A_159 : i32
          %and3A = arith.andi %ne3A, %ne3A_160 : i1
          %sub3A = arith.constant 1 : i32
          %sub3A_161 = arith.subi %div3A, %sub3A : i32
          %select_n3A = arith.select %and3A, %sub3A_161, %div3A : i32
          %mul3A_162 = arith.constant 16 : i32
          %mul3A_163 = arith.muli %select_n3A, %mul3A_162 : i32
          %get3A = arith.index_cast %add3A_119 : i32 to index
          %get3A_164 = arith.index_cast %mul3A_163 : i32 to index
          %get3A_165 = tpu.vector_load %arg9[%get3A, %get3A_164] {strides = array<i32>} : memref<40x128xf32, #tpu.memory_space<vmem>>, vector<1x16xf32>,
          %get3A_166 = vector.shape_cast %get3A_165 : vector<1x16xf32> to vector<16xf32>
          %jit3A_167 = arith.constant 16 : i32
          %eq3A = arith.constant 0 : i32
          %eq3A_168 = arith.cmpi eq, %jit3A_167, %eq3A : i32
          %jit3A_169 = arith.constant 1 : i32
          %select_n3A_170 = arith.select %eq3A_168, %jit3A_169, %jit3A_167 : i32
          %rem3A_171 = arith.remsi %mul3A_145, %select_n3A_170 : i32
          %ne3A_172 = arith.constant 0 : i32
          %ne3A_173 = arith.cmpi ne, %rem3A_171, %ne3A_172 : i32
          %lt3A_174 = arith.constant 0 : i32
          %lt3A_175 = arith.cmpi slt, %rem3A_171, %lt3A_174 : i32
          %lt3A_176 = arith.constant 0 : i32
          %lt3A_177 = arith.cmpi slt, %select_n3A_170, %lt3A_176 : i32
          %ne3A_178 = arith.xori %lt3A_175, %lt3A_177 : i1
          %and3A_179 = arith.andi %ne3A_178, %ne3A_173 : i1
          %add3A_180 = arith.addi %rem3A_171, %select_n3A_170 : i32
          %select_n3A_181 = arith.select %and3A_179, %add3A_180, %rem3A_171 : i32
          %add3A_182 = arith.constant 0 : i32
          %add3A_183 = arith.addi %select_n3A_181, %add3A_182 : i32
          %broadcast_in_dim3A = vector.broadcast %add3A_183 : i32 to vector<16xi32>
          %lt3A_184 = arith.constant 0 : i32
          %lt3A_185 = vector.broadcast %lt3A_184 : i32 to vector<16xi32>
          %lt3A_186 = arith.cmpi slt, %broadcast_in_dim3A, %lt3A_185 : vector<16xi32>
          %add3A_187 = arith.constant 16 : i32
          %add3A_188 = vector.broadcast %add3A_187 : i32 to vector<16xi32>
          %add3A_189 = arith.addi %broadcast_in_dim3A, %add3A_188 : vector<16xi32>
          %select_n3A_190 = arith.select %lt3A_186, %add3A_189, %broadcast_in_dim3A : vector<16xi1>, vector<16xi32>
          %reshape3A = vector.shape_cast %select_n3A_190 : vector<16xi32> to vector<16x1xi32>
          %gather3A = vector.shape_cast %reshape3A : vector<16x1xi32> to vector<16xi32>
          %gather3A_191 = tpu.dynamic_gather %get3A_166[%gather3A] in [0] : vector<16xf32>, vector<16xi32> -> vector<16xf32>
          %add3A_192 = arith.constant 0 : i32
          %add3A_193 = arith.addi %mul3A_145, %add3A_192 : i32
          %get3A_194 = arith.index_cast %add3A_193 : i32 to index
          %get3A_195 = arith.constant 0 : index
          %get3A_196 = tpu.vector_load %arg11[%get3A_194, %get3A_195] {strides = array<i32>} : memref<128x128xf32, #tpu.memory_space<vmem>>, vector<1x16xf32>,
          %get3A_197 = vector.shape_cast %get3A_196 : vector<1x16xf32> to vector<16xf32>
          %mul3A_198 = arith.mulf %get3A_197, %gather3A_191 : vector<16xf32>
          %add3A_199 = arith.constant 0 : i32
          %add3A_200 = arith.addi %mul3A_145, %add3A_199 : i32
          %swap3A = arith.index_cast %add3A_200 : i32 to index
          %swap3A_201 = arith.constant 0 : index
          %swap3A_202 = tpu.vector_load %arg11[%swap3A, %swap3A_201] {strides = array<i32>} : memref<128x128xf32, #tpu.memory_space<vmem>>, vector<1x16xf32>,
          %swap3A_203 = vector.shape_cast %swap3A_202 : vector<1x16xf32> to vector<16xf32>
          %swap3A_204 = vector.shape_cast %mul3A_198 : vector<16xf32> to vector<1x16xf32>
          tpu.vector_store %arg11[%swap3A, %swap3A_201], %swap3A_204 {strides = array<i32>} : memref<128x128xf32, #tpu.memory_space<vmem>>, vector<1x16xf32>,
          %add3A_205 = arith.constant 0 : i32
          %add3A_206 = arith.addi %mul3A_145, %add3A_205 : i32
          %get3A_207 = arith.index_cast %add3A_206 : i32 to index
          %get3A_208 = arith.constant 16 : index
          %get3A_209 = tpu.vector_load %arg11[%get3A_207, %get3A_208] {strides = array<i32>} : memref<128x128xf32, #tpu.memory_space<vmem>>, vector<1x16xf32>,
          %get3A_210 = vector.shape_cast %get3A_209 : vector<1x16xf32> to vector<16xf32>
          %mul3A_211 = arith.mulf %get3A_210, %gather3A_191 : vector<16xf32>
          %add3A_212 = arith.constant 0 : i32
          %add3A_213 = arith.addi %mul3A_145, %add3A_212 : i32
          %swap3A_214 = arith.index_cast %add3A_213 : i32 to index
          %swap3A_215 = arith.constant 16 : index
          %swap3A_216 = tpu.vector_load %arg11[%swap3A_214, %swap3A_215] {strides = array<i32>} : memref<128x128xf32, #tpu.memory_space<vmem>>, vector<1x16xf32>,
          %swap3A_217 = vector.shape_cast %swap3A_216 : vector<1x16xf32> to vector<16xf32>
          %swap3A_218 = vector.shape_cast %mul3A_211 : vector<16xf32> to vector<1x16xf32>
          tpu.vector_store %arg11[%swap3A_214, %swap3A_215], %swap3A_218 {strides = array<i32>} : memref<128x128xf32, #tpu.memory_space<vmem>>, vector<1x16xf32>,
          %add3A_219 = arith.constant 0 : i32
          %add3A_220 = arith.addi %mul3A_145, %add3A_219 : i32
          %get3A_221 = arith.index_cast %add3A_220 : i32 to index
          %get3A_222 = arith.constant 32 : index
          %get3A_223 = tpu.vector_load %arg11[%get3A_221, %get3A_222] {strides = array<i32>} : memref<128x128xf32, #tpu.memory_space<vmem>>, vector<1x16xf32>,
          %get3A_224 = vector.shape_cast %get3A_223 : vector<1x16xf32> to vector<16xf32>
          %mul3A_225 = arith.mulf %get3A_224, %gather3A_191 : vector<16xf32>
          %add3A_226 = arith.constant 0 : i32
          %add3A_227 = arith.addi %mul3A_145, %add3A_226 : i32
          %swap3A_228 = arith.index_cast %add3A_227 : i32 to index
          %swap3A_229 = arith.constant 32 : index
          %swap3A_230 = tpu.vector_load %arg11[%swap3A_228, %swap3A_229] {strides = array<i32>} : memref<128x128xf32, #tpu.memory_space<vmem>>, vector<1x16xf32>,
          %swap3A_231 = vector.shape_cast %swap3A_230 : vector<1x16xf32> to vector<16xf32>
          %swap3A_232 = vector.shape_cast %mul3A_225 : vector<16xf32> to vector<1x16xf32>
          tpu.vector_store %arg11[%swap3A_228, %swap3A_229], %swap3A_232 {strides = array<i32>} : memref<128x128xf32, #tpu.memory_space<vmem>>, vector<1x16xf32>,
          %add3A_233 = arith.constant 0 : i32
          %add3A_234 = arith.addi %mul3A_145, %add3A_233 : i32
          %get3A_235 = arith.index_cast %add3A_234 : i32 to index
          %get3A_236 = arith.constant 48 : index
          %get3A_237 = tpu.vector_load %arg11[%get3A_235, %get3A_236] {strides = array<i32>} : memref<128x128xf32, #tpu.memory_space<vmem>>, vector<1x16xf32>,
          %get3A_238 = vector.shape_cast %get3A_237 : vector<1x16xf32> to vector<16xf32>
          %mul3A_239 = arith.mulf %get3A_238, %gather3A_191 : vector<16xf32>
          %add3A_240 = arith.constant 0 : i32
          %add3A_241 = arith.addi %mul3A_145, %add3A_240 : i32
          %swap3A_242 = arith.index_cast %add3A_241 : i32 to index
          %swap3A_243 = arith.constant 48 : index
          %swap3A_244 = tpu.vector_load %arg11[%swap3A_242, %swap3A_243] {strides = array<i32>} : memref<128x128xf32, #tpu.memory_space<vmem>>, vector<1x16xf32>,
          %swap3A_245 = vector.shape_cast %swap3A_244 : vector<1x16xf32> to vector<16xf32>
          %swap3A_246 = vector.shape_cast %mul3A_239 : vector<16xf32> to vector<1x16xf32>
          tpu.vector_store %arg11[%swap3A_242, %swap3A_243], %swap3A_246 {strides = array<i32>} : memref<128x128xf32, #tpu.memory_space<vmem>>, vector<1x16xf32>,
          %add3A_247 = arith.constant 0 : i32
          %add3A_248 = arith.addi %mul3A_145, %add3A_247 : i32
          %get3A_249 = arith.index_cast %add3A_248 : i32 to index
          %get3A_250 = arith.constant 64 : index
          %get3A_251 = tpu.vector_load %arg11[%get3A_249, %get3A_250] {strides = array<i32>} : memref<128x128xf32, #tpu.memory_space<vmem>>, vector<1x16xf32>,
          %get3A_252 = vector.shape_cast %get3A_251 : vector<1x16xf32> to vector<16xf32>
          %mul3A_253 = arith.mulf %get3A_252, %gather3A_191 : vector<16xf32>
          %add3A_254 = arith.constant 0 : i32
          %add3A_255 = arith.addi %mul3A_145, %add3A_254 : i32
          %swap3A_256 = arith.index_cast %add3A_255 : i32 to index
          %swap3A_257 = arith.constant 64 : index
          %swap3A_258 = tpu.vector_load %arg11[%swap3A_256, %swap3A_257] {strides = array<i32>} : memref<128x128xf32, #tpu.memory_space<vmem>>, vector<1x16xf32>,
          %swap3A_259 = vector.shape_cast %swap3A_258 : vector<1x16xf32> to vector<16xf32>
          %swap3A_260 = vector.shape_cast %mul3A_253 : vector<16xf32> to vector<1x16xf32>
          tpu.vector_store %arg11[%swap3A_256, %swap3A_257], %swap3A_260 {strides = array<i32>} : memref<128x128xf32, #tpu.memory_space<vmem>>, vector<1x16xf32>,
          %add3A_261 = arith.constant 0 : i32
          %add3A_262 = arith.addi %mul3A_145, %add3A_261 : i32
          %get3A_263 = arith.index_cast %add3A_262 : i32 to index
          %get3A_264 = arith.constant 80 : index
          %get3A_265 = tpu.vector_load %arg11[%get3A_263, %get3A_264] {strides = array<i32>} : memref<128x128xf32, #tpu.memory_space<vmem>>, vector<1x16xf32>,
          %get3A_266 = vector.shape_cast %get3A_265 : vector<1x16xf32> to vector<16xf32>
          %mul3A_267 = arith.mulf %get3A_266, %gather3A_191 : vector<16xf32>
          %add3A_268 = arith.constant 0 : i32
          %add3A_269 = arith.addi %mul3A_145, %add3A_268 : i32
          %swap3A_270 = arith.index_cast %add3A_269 : i32 to index
          %swap3A_271 = arith.constant 80 : index
          %swap3A_272 = tpu.vector_load %arg11[%swap3A_270, %swap3A_271] {strides = array<i32>} : memref<128x128xf32, #tpu.memory_space<vmem>>, vector<1x16xf32>,
          %swap3A_273 = vector.shape_cast %swap3A_272 : vector<1x16xf32> to vector<16xf32>
          %swap3A_274 = vector.shape_cast %mul3A_267 : vector<16xf32> to vector<1x16xf32>
          tpu.vector_store %arg11[%swap3A_270, %swap3A_271], %swap3A_274 {strides = array<i32>} : memref<128x128xf32, #tpu.memory_space<vmem>>, vector<1x16xf32>,
          %add3A_275 = arith.constant 0 : i32
          %add3A_276 = arith.addi %mul3A_145, %add3A_275 : i32
          %get3A_277 = arith.index_cast %add3A_276 : i32 to index
          %get3A_278 = arith.constant 96 : index
          %get3A_279 = tpu.vector_load %arg11[%get3A_277, %get3A_278] {strides = array<i32>} : memref<128x128xf32, #tpu.memory_space<vmem>>, vector<1x16xf32>,
          %get3A_280 = vector.shape_cast %get3A_279 : vector<1x16xf32> to vector<16xf32>
          %mul3A_281 = arith.mulf %get3A_280, %gather3A_191 : vector<16xf32>
          %add3A_282 = arith.constant 0 : i32
          %add3A_283 = arith.addi %mul3A_145, %add3A_282 : i32
          %swap3A_284 = arith.index_cast %add3A_283 : i32 to index
          %swap3A_285 = arith.constant 96 : index
          %swap3A_286 = tpu.vector_load %arg11[%swap3A_284, %swap3A_285] {strides = array<i32>} : memref<128x128xf32, #tpu.memory_space<vmem>>, vector<1x16xf32>,
          %swap3A_287 = vector.shape_cast %swap3A_286 : vector<1x16xf32> to vector<16xf32>
          %swap3A_288 = vector.shape_cast %mul3A_281 : vector<16xf32> to vector<1x16xf32>
          tpu.vector_store %arg11[%swap3A_284, %swap3A_285], %swap3A_288 {strides = array<i32>} : memref<128x128xf32, #tpu.memory_space<vmem>>, vector<1x16xf32>,
          %add3A_289 = arith.constant 0 : i32
          %add3A_290 = arith.addi %mul3A_145, %add3A_289 : i32
          %get3A_291 = arith.index_cast %add3A_290 : i32 to index
          %get3A_292 = arith.constant 112 : index
          %get3A_293 = tpu.vector_load %arg11[%get3A_291, %get3A_292] {strides = array<i32>} : memref<128x128xf32, #tpu.memory_space<vmem>>, vector<1x16xf32>,
          %get3A_294 = vector.shape_cast %get3A_293 : vector<1x16xf32> to vector<16xf32>
          %mul3A_295 = arith.mulf %get3A_294, %gather3A_191 : vector<16xf32>
          %add3A_296 = arith.constant 0 : i32
          %add3A_297 = arith.addi %mul3A_145, %add3A_296 : i32
          %swap3A_298 = arith.index_cast %add3A_297 : i32 to index
          %swap3A_299 = arith.constant 112 : index
          %swap3A_300 = tpu.vector_load %arg11[%swap3A_298, %swap3A_299] {strides = array<i32>} : memref<128x128xf32, #tpu.memory_space<vmem>>, vector<1x16xf32>,
          %swap3A_301 = vector.shape_cast %swap3A_300 : vector<1x16xf32> to vector<16xf32>
          %swap3A_302 = vector.shape_cast %mul3A_295 : vector<16xf32> to vector<1x16xf32>
          tpu.vector_store %arg11[%swap3A_298, %swap3A_299], %swap3A_302 {strides = array<i32>} : memref<128x128xf32, #tpu.memory_space<vmem>>, vector<1x16xf32>,
          %add3A_303 = arith.constant 1 : i32
          %add3A_304 = arith.addi %select_n3A_181, %add3A_303 : i32
          %broadcast_in_dim3A_305 = vector.broadcast %add3A_304 : i32 to vector<16xi32>
          %lt3A_306 = arith.constant 0 : i32
          %lt3A_307 = vector.broadcast %lt3A_306 : i32 to vector<16xi32>
          %lt3A_308 = arith.cmpi slt, %broadcast_in_dim3A_305, %lt3A_307 : vector<16xi32>
          %add3A_309 = arith.constant 16 : i32
          %add3A_310 = vector.broadcast %add3A_309 : i32 to vector<16xi32>
          %add3A_311 = arith.addi %broadcast_in_dim3A_305, %add3A_310 : vector<16xi32>
          %select_n3A_312 = arith.select %lt3A_308, %add3A_311, %broadcast_in_dim3A_305 : vector<16xi1>, vector<16xi32>
          %reshape3A_313 = vector.shape_cast %select_n3A_312 : vector<16xi32> to vector<16x1xi32>
          %gather3A_314 = vector.shape_cast %reshape3A_313 : vector<16x1xi32> to vector<16xi32>
          %gather3A_315 = tpu.dynamic_gather %get3A_166[%gather3A_314] in [0] : vector<16xf32>, vector<16xi32> -> vector<16xf32>
          %add3A_316 = arith.constant 1 : i32
          %add3A_317 = arith.addi %mul3A_145, %add3A_316 : i32
          %get3A_318 = arith.index_cast %add3A_317 : i32 to index
          %get3A_319 = arith.constant 0 : index
          %get3A_320 = tpu.vector_load %arg11[%get3A_318, %get3A_319] {strides = array<i32>} : memref<128x128xf32, #tpu.memory_space<vmem>>, vector<1x16xf32>,
          %get3A_321 = vector.shape_cast %get3A_320 : vector<1x16xf32> to vector<16xf32>
          %mul3A_322 = arith.mulf %get3A_321, %gather3A_315 : vector<16xf32>
          %add3A_323 = arith.constant 1 : i32
          %add3A_324 = arith.addi %mul3A_145, %add3A_323 : i32
          %swap3A_325 = arith.index_cast %add3A_324 : i32 to index
          %swap3A_326 = arith.constant 0 : index
          %swap3A_327 = tpu.vector_load %arg11[%swap3A_325, %swap3A_326] {strides = array<i32>} : memref<128x128xf32, #tpu.memory_space<vmem>>, vector<1x16xf32>,
          %swap3A_328 = vector.shape_cast %swap3A_327 : vector<1x16xf32> to vector<16xf32>
          %swap3A_329 = vector.shape_cast %mul3A_322 : vector<16xf32> to vector<1x16xf32>
          tpu.vector_store %arg11[%swap3A_325, %swap3A_326], %swap3A_329 {strides = array<i32>} : memref<128x128xf32, #tpu.memory_space<vmem>>, vector<1x16xf32>,
          %add3A_330 = arith.constant 1 : i32
          %add3A_331 = arith.addi %mul3A_145, %add3A_330 : i32
          %get3A_332 = arith.index_cast %add3A_331 : i32 to index
          %get3A_333 = arith.constant 16 : index
          %get3A_334 = tpu.vector_load %arg11[%get3A_332, %get3A_333] {strides = array<i32>} : memref<128x128xf32, #tpu.memory_space<vmem>>, vector<1x16xf32>,
          %get3A_335 = vector.shape_cast %get3A_334 : vector<1x16xf32> to vector<16xf32>
          %mul3A_336 = arith.mulf %get3A_335, %gather3A_315 : vector<16xf32>
          %add3A_337 = arith.constant 1 : i32
          %add3A_338 = arith.addi %mul3A_145, %add3A_337 : i32
          %swap3A_339 = arith.index_cast %add3A_338 : i32 to index
          %swap3A_340 = arith.constant 16 : index
          %swap3A_341 = tpu.vector_load %arg11[%swap3A_339, %swap3A_340] {strides = array<i32>} : memref<128x128xf32, #tpu.memory_space<vmem>>, vector<1x16xf32>,
          %swap3A_342 = vector.shape_cast %swap3A_341 : vector<1x16xf32> to vector<16xf32>
          %swap3A_343 = vector.shape_cast %mul3A_336 : vector<16xf32> to vector<1x16xf32>
          tpu.vector_store %arg11[%swap3A_339, %swap3A_340], %swap3A_343 {strides = array<i32>} : memref<128x128xf32, #tpu.memory_space<vmem>>, vector<1x16xf32>,
          %add3A_344 = arith.constant 1 : i32
          %add3A_345 = arith.addi %mul3A_145, %add3A_344 : i32
          %get3A_346 = arith.index_cast %add3A_345 : i32 to index
          %get3A_347 = arith.constant 32 : index
          %get3A_348 = tpu.vector_load %arg11[%get3A_346, %get3A_347] {strides = array<i32>} : memref<128x128xf32, #tpu.memory_space<vmem>>, vector<1x16xf32>,
          %get3A_349 = vector.shape_cast %get3A_348 : vector<1x16xf32> to vector<16xf32>
          %mul3A_350 = arith.mulf %get3A_349, %gather3A_315 : vector<16xf32>
          %add3A_351 = arith.constant 1 : i32
          %add3A_352 = arith.addi %mul3A_145, %add3A_351 : i32
          %swap3A_353 = arith.index_cast %add3A_352 : i32 to index
          %swap3A_354 = arith.constant 32 : index
          %swap3A_355 = tpu.vector_load %arg11[%swap3A_353, %swap3A_354] {strides = array<i32>} : memref<128x128xf32, #tpu.memory_space<vmem>>, vector<1x16xf32>,
          %swap3A_356 = vector.shape_cast %swap3A_355 : vector<1x16xf32> to vector<16xf32>
          %swap3A_357 = vector.shape_cast %mul3A_350 : vector<16xf32> to vector<1x16xf32>
          tpu.vector_store %arg11[%swap3A_353, %swap3A_354], %swap3A_357 {strides = array<i32>} : memref<128x128xf32, #tpu.memory_space<vmem>>, vector<1x16xf32>,
          %add3A_358 = arith.constant 1 : i32
          %add3A_359 = arith.addi %mul3A_145, %add3A_358 : i32
          %get3A_360 = arith.index_cast %add3A_359 : i32 to index
          %get3A_361 = arith.constant 48 : index
          %get3A_362 = tpu.vector_load %arg11[%get3A_360, %get3A_361] {strides = array<i32>} : memref<128x128xf32, #tpu.memory_space<vmem>>, vector<1x16xf32>,
          %get3A_363 = vector.shape_cast %get3A_362 : vector<1x16xf32> to vector<16xf32>
          %mul3A_364 = arith.mulf %get3A_363, %gather3A_315 : vector<16xf32>
          %add3A_365 = arith.constant 1 : i32
          %add3A_366 = arith.addi %mul3A_145, %add3A_365 : i32
          %swap3A_367 = arith.index_cast %add3A_366 : i32 to index
          %swap3A_368 = arith.constant 48 : index
          %swap3A_369 = tpu.vector_load %arg11[%swap3A_367, %swap3A_368] {strides = array<i32>} : memref<128x128xf32, #tpu.memory_space<vmem>>, vector<1x16xf32>,
          %swap3A_370 = vector.shape_cast %swap3A_369 : vector<1x16xf32> to vector<16xf32>
          %swap3A_371 = vector.shape_cast %mul3A_364 : vector<16xf32> to vector<1x16xf32>
          tpu.vector_store %arg11[%swap3A_367, %swap3A_368], %swap3A_371 {strides = array<i32>} : memref<128x128xf32, #tpu.memory_space<vmem>>, vector<1x16xf32>,
          %add3A_372 = arith.constant 1 : i32
          %add3A_373 = arith.addi %mul3A_145, %add3A_372 : i32
          %get3A_374 = arith.index_cast %add3A_373 : i32 to index
          %get3A_375 = arith.constant 64 : index
          %get3A_376 = tpu.vector_load %arg11[%get3A_374, %get3A_375] {strides = array<i32>} : memref<128x128xf32, #tpu.memory_space<vmem>>, vector<1x16xf32>,
          %get3A_377 = vector.shape_cast %get3A_376 : vector<1x16xf32> to vector<16xf32>
          %mul3A_378 = arith.mulf %get3A_377, %gather3A_315 : vector<16xf32>
          %add3A_379 = arith.constant 1 : i32
          %add3A_380 = arith.addi %mul3A_145, %add3A_379 : i32
          %swap3A_381 = arith.index_cast %add3A_380 : i32 to index
          %swap3A_382 = arith.constant 64 : index
          %swap3A_383 = tpu.vector_load %arg11[%swap3A_381, %swap3A_382] {strides = array<i32>} : memref<128x128xf32, #tpu.memory_space<vmem>>, vector<1x16xf32>,
          %swap3A_384 = vector.shape_cast %swap3A_383 : vector<1x16xf32> to vector<16xf32>
          %swap3A_385 = vector.shape_cast %mul3A_378 : vector<16xf32> to vector<1x16xf32>
          tpu.vector_store %arg11[%swap3A_381, %swap3A_382], %swap3A_385 {strides = array<i32>} : memref<128x128xf32, #tpu.memory_space<vmem>>, vector<1x16xf32>,
          %add3A_386 = arith.constant 1 : i32
          %add3A_387 = arith.addi %mul3A_145, %add3A_386 : i32
          %get3A_388 = arith.index_cast %add3A_387 : i32 to index
          %get3A_389 = arith.constant 80 : index
          %get3A_390 = tpu.vector_load %arg11[%get3A_388, %get3A_389] {strides = array<i32>} : memref<128x128xf32, #tpu.memory_space<vmem>>, vector<1x16xf32>,
          %get3A_391 = vector.shape_cast %get3A_390 : vector<1x16xf32> to vector<16xf32>
          %mul3A_392 = arith.mulf %get3A_391, %gather3A_315 : vector<16xf32>
          %add3A_393 = arith.constant 1 : i32
          %add3A_394 = arith.addi %mul3A_145, %add3A_393 : i32
          %swap3A_395 = arith.index_cast %add3A_394 : i32 to index
          %swap3A_396 = arith.constant 80 : index
          %swap3A_397 = tpu.vector_load %arg11[%swap3A_395, %swap3A_396] {strides = array<i32>} : memref<128x128xf32, #tpu.memory_space<vmem>>, vector<1x16xf32>,
          %swap3A_398 = vector.shape_cast %swap3A_397 : vector<1x16xf32> to vector<16xf32>
          %swap3A_399 = vector.shape_cast %mul3A_392 : vector<16xf32> to vector<1x16xf32>
          tpu.vector_store %arg11[%swap3A_395, %swap3A_396], %swap3A_399 {strides = array<i32>} : memref<128x128xf32, #tpu.memory_space<vmem>>, vector<1x16xf32>,
          %add3A_400 = arith.constant 1 : i32
          %add3A_401 = arith.addi %mul3A_145, %add3A_400 : i32
          %get3A_402 = arith.index_cast %add3A_401 : i32 to index
          %get3A_403 = arith.constant 96 : index
          %get3A_404 = tpu.vector_load %arg11[%get3A_402, %get3A_403] {strides = array<i32>} : memref<128x128xf32, #tpu.memory_space<vmem>>, vector<1x16xf32>,
          %get3A_405 = vector.shape_cast %get3A_404 : vector<1x16xf32> to vector<16xf32>
          %mul3A_406 = arith.mulf %get3A_405, %gather3A_315 : vector<16xf32>
          %add3A_407 = arith.constant 1 : i32
          %add3A_408 = arith.addi %mul3A_145, %add3A_407 : i32
          %swap3A_409 = arith.index_cast %add3A_408 : i32 to index
          %swap3A_410 = arith.constant 96 : index
          %swap3A_411 = tpu.vector_load %arg11[%swap3A_409, %swap3A_410] {strides = array<i32>} : memref<128x128xf32, #tpu.memory_space<vmem>>, vector<1x16xf32>,
          %swap3A_412 = vector.shape_cast %swap3A_411 : vector<1x16xf32> to vector<16xf32>
          %swap3A_413 = vector.shape_cast %mul3A_406 : vector<16xf32> to vector<1x16xf32>
          tpu.vector_store %arg11[%swap3A_409, %swap3A_410], %swap3A_413 {strides = array<i32>} : memref<128x128xf32, #tpu.memory_space<vmem>>, vector<1x16xf32>,
          %add3A_414 = arith.constant 1 : i32
          %add3A_415 = arith.addi %mul3A_145, %add3A_414 : i32
          %get3A_416 = arith.index_cast %add3A_415 : i32 to index
          %get3A_417 = arith.constant 112 : index
          %get3A_418 = tpu.vector_load %arg11[%get3A_416, %get3A_417] {strides = array<i32>} : memref<128x128xf32, #tpu.memory_space<vmem>>, vector<1x16xf32>,
          %get3A_419 = vector.shape_cast %get3A_418 : vector<1x16xf32> to vector<16xf32>
          %mul3A_420 = arith.mulf %get3A_419, %gather3A_315 : vector<16xf32>
          %add3A_421 = arith.constant 1 : i32
          %add3A_422 = arith.addi %mul3A_145, %add3A_421 : i32
          %swap3A_423 = arith.index_cast %add3A_422 : i32 to index
          %swap3A_424 = arith.constant 112 : index
          %swap3A_425 = tpu.vector_load %arg11[%swap3A_423, %swap3A_424] {strides = array<i32>} : memref<128x128xf32, #tpu.memory_space<vmem>>, vector<1x16xf32>,
          %swap3A_426 = vector.shape_cast %swap3A_425 : vector<1x16xf32> to vector<16xf32>
          %swap3A_427 = vector.shape_cast %mul3A_420 : vector<16xf32> to vector<1x16xf32>
          tpu.vector_store %arg11[%swap3A_423, %swap3A_424], %swap3A_427 {strides = array<i32>} : memref<128x128xf32, #tpu.memory_space<vmem>>, vector<1x16xf32>,
          %add3A_428 = arith.constant 2 : i32
          %add3A_429 = arith.addi %select_n3A_181, %add3A_428 : i32
          %broadcast_in_dim3A_430 = vector.broadcast %add3A_429 : i32 to vector<16xi32>
          %lt3A_431 = arith.constant 0 : i32
          %lt3A_432 = vector.broadcast %lt3A_431 : i32 to vector<16xi32>
          %lt3A_433 = arith.cmpi slt, %broadcast_in_dim3A_430, %lt3A_432 : vector<16xi32>
          %add3A_434 = arith.constant 16 : i32
          %add3A_435 = vector.broadcast %add3A_434 : i32 to vector<16xi32>
          %add3A_436 = arith.addi %broadcast_in_dim3A_430, %add3A_435 : vector<16xi32>
          %select_n3A_437 = arith.select %lt3A_433, %add3A_436, %broadcast_in_dim3A_430 : vector<16xi1>, vector<16xi32>
          %reshape3A_438 = vector.shape_cast %select_n3A_437 : vector<16xi32> to vector<16x1xi32>
          %gather3A_439 = vector.shape_cast %reshape3A_438 : vector<16x1xi32> to vector<16xi32>
          %gather3A_440 = tpu.dynamic_gather %get3A_166[%gather3A_439] in [0] : vector<16xf32>, vector<16xi32> -> vector<16xf32>
          %add3A_441 = arith.constant 2 : i32
          %add3A_442 = arith.addi %mul3A_145, %add3A_441 : i32
          %get3A_443 = arith.index_cast %add3A_442 : i32 to index
          %get3A_444 = arith.constant 0 : index
          %get3A_445 = tpu.vector_load %arg11[%get3A_443, %get3A_444] {strides = array<i32>} : memref<128x128xf32, #tpu.memory_space<vmem>>, vector<1x16xf32>,
          %get3A_446 = vector.shape_cast %get3A_445 : vector<1x16xf32> to vector<16xf32>
          %mul3A_447 = arith.mulf %get3A_446, %gather3A_440 : vector<16xf32>
          %add3A_448 = arith.constant 2 : i32
          %add3A_449 = arith.addi %mul3A_145, %add3A_448 : i32
          %swap3A_450 = arith.index_cast %add3A_449 : i32 to index
          %swap3A_451 = arith.constant 0 : index
          %swap3A_452 = tpu.vector_load %arg11[%swap3A_450, %swap3A_451] {strides = array<i32>} : memref<128x128xf32, #tpu.memory_space<vmem>>, vector<1x16xf32>,
          %swap3A_453 = vector.shape_cast %swap3A_452 : vector<1x16xf32> to vector<16xf32>
          %swap3A_454 = vector.shape_cast %mul3A_447 : vector<16xf32> to vector<1x16xf32>
          tpu.vector_store %arg11[%swap3A_450, %swap3A_451], %swap3A_454 {strides = array<i32>} : memref<128x128xf32, #tpu.memory_space<vmem>>, vector<1x16xf32>,
          %add3A_455 = arith.constant 2 : i32
          %add3A_456 = arith.addi %mul3A_145, %add3A_455 : i32
          %get3A_457 = arith.index_cast %add3A_456 : i32 to index
          %get3A_458 = arith.constant 16 : index
          %get3A_459 = tpu.vector_load %arg11[%get3A_457, %get3A_458] {strides = array<i32>} : memref<128x128xf32, #tpu.memory_space<vmem>>, vector<1x16xf32>,
          %get3A_460 = vector.shape_cast %get3A_459 : vector<1x16xf32> to vector<16xf32>
          %mul3A_461 = arith.mulf %get3A_460, %gather3A_440 : vector<16xf32>
          %add3A_462 = arith.constant 2 : i32
          %add3A_463 = arith.addi %mul3A_145, %add3A_462 : i32
          %swap3A_464 = arith.index_cast %add3A_463 : i32 to index
          %swap3A_465 = arith.constant 16 : index
          %swap3A_466 = tpu.vector_load %arg11[%swap3A_464, %swap3A_465] {strides = array<i32>} : memref<128x128xf32, #tpu.memory_space<vmem>>, vector<1x16xf32>,
          %swap3A_467 = vector.shape_cast %swap3A_466 : vector<1x16xf32> to vector<16xf32>
          %swap3A_468 = vector.shape_cast %mul3A_461 : vector<16xf32> to vector<1x16xf32>
          tpu.vector_store %arg11[%swap3A_464, %swap3A_465], %swap3A_468 {strides = array<i32>} : memref<128x128xf32, #tpu.memory_space<vmem>>, vector<1x16xf32>,
          %add3A_469 = arith.constant 2 : i32
          %add3A_470 = arith.addi %mul3A_145, %add3A_469 : i32
          %get3A_471 = arith.index_cast %add3A_470 : i32 to index
          %get3A_472 = arith.constant 32 : index
          %get3A_473 = tpu.vector_load %arg11[%get3A_471, %get3A_472] {strides = array<i32>} : memref<128x128xf32, #tpu.memory_space<vmem>>, vector<1x16xf32>,
          %get3A_474 = vector.shape_cast %get3A_473 : vector<1x16xf32> to vector<16xf32>
          %mul3A_475 = arith.mulf %get3A_474, %gather3A_440 : vector<16xf32>
          %add3A_476 = arith.constant 2 : i32
          %add3A_477 = arith.addi %mul3A_145, %add3A_476 : i32
          %swap3A_478 = arith.index_cast %add3A_477 : i32 to index
          %swap3A_479 = arith.constant 32 : index
          %swap3A_480 = tpu.vector_load %arg11[%swap3A_478, %swap3A_479] {strides = array<i32>} : memref<128x128xf32, #tpu.memory_space<vmem>>, vector<1x16xf32>,
          %swap3A_481 = vector.shape_cast %swap3A_480 : vector<1x16xf32> to vector<16xf32>
          %swap3A_482 = vector.shape_cast %mul3A_475 : vector<16xf32> to vector<1x16xf32>
          tpu.vector_store %arg11[%swap3A_478, %swap3A_479], %swap3A_482 {strides = array<i32>} : memref<128x128xf32, #tpu.memory_space<vmem>>, vector<1x16xf32>,
          %add3A_483 = arith.constant 2 : i32
          %add3A_484 = arith.addi %mul3A_145, %add3A_483 : i32
          %get3A_485 = arith.index_cast %add3A_484 : i32 to index
          %get3A_486 = arith.constant 48 : index
          %get3A_487 = tpu.vector_load %arg11[%get3A_485, %get3A_486] {strides = array<i32>} : memref<128x128xf32, #tpu.memory_space<vmem>>, vector<1x16xf32>,
          %get3A_488 = vector.shape_cast %get3A_487 : vector<1x16xf32> to vector<16xf32>
          %mul3A_489 = arith.mulf %get3A_488, %gather3A_440 : vector<16xf32>
          %add3A_490 = arith.constant 2 : i32
          %add3A_491 = arith.addi %mul3A_145, %add3A_490 : i32
          %swap3A_492 = arith.index_cast %add3A_491 : i32 to index
          %swap3A_493 = arith.constant 48 : index
          %swap3A_494 = tpu.vector_load %arg11[%swap3A_492, %swap3A_493] {strides = array<i32>} : memref<128x128xf32, #tpu.memory_space<vmem>>, vector<1x16xf32>,
          %swap3A_495 = vector.shape_cast %swap3A_494 : vector<1x16xf32> to vector<16xf32>
          %swap3A_496 = vector.shape_cast %mul3A_489 : vector<16xf32> to vector<1x16xf32>
          tpu.vector_store %arg11[%swap3A_492, %swap3A_493], %swap3A_496 {strides = array<i32>} : memref<128x128xf32, #tpu.memory_space<vmem>>, vector<1x16xf32>,
          %add3A_497 = arith.constant 2 : i32
          %add3A_498 = arith.addi %mul3A_145, %add3A_497 : i32
          %get3A_499 = arith.index_cast %add3A_498 : i32 to index
          %get3A_500 = arith.constant 64 : index
          %get3A_501 = tpu.vector_load %arg11[%get3A_499, %get3A_500] {strides = array<i32>} : memref<128x128xf32, #tpu.memory_space<vmem>>, vector<1x16xf32>,
          %get3A_502 = vector.shape_cast %get3A_501 : vector<1x16xf32> to vector<16xf32>
          %mul3A_503 = arith.mulf %get3A_502, %gather3A_440 : vector<16xf32>
          %add3A_504 = arith.constant 2 : i32
          %add3A_505 = arith.addi %mul3A_145, %add3A_504 : i32
          %swap3A_506 = arith.index_cast %add3A_505 : i32 to index
          %swap3A_507 = arith.constant 64 : index
          %swap3A_508 = tpu.vector_load %arg11[%swap3A_506, %swap3A_507] {strides = array<i32>} : memref<128x128xf32, #tpu.memory_space<vmem>>, vector<1x16xf32>,
          %swap3A_509 = vector.shape_cast %swap3A_508 : vector<1x16xf32> to vector<16xf32>
          %swap3A_510 = vector.shape_cast %mul3A_503 : vector<16xf32> to vector<1x16xf32>
          tpu.vector_store %arg11[%swap3A_506, %swap3A_507], %swap3A_510 {strides = array<i32>} : memref<128x128xf32, #tpu.memory_space<vmem>>, vector<1x16xf32>,
          %add3A_511 = arith.constant 2 : i32
          %add3A_512 = arith.addi %mul3A_145, %add3A_511 : i32
          %get3A_513 = arith.index_cast %add3A_512 : i32 to index
          %get3A_514 = arith.constant 80 : index
          %get3A_515 = tpu.vector_load %arg11[%get3A_513, %get3A_514] {strides = array<i32>} : memref<128x128xf32, #tpu.memory_space<vmem>>, vector<1x16xf32>,
          %get3A_516 = vector.shape_cast %get3A_515 : vector<1x16xf32> to vector<16xf32>
          %mul3A_517 = arith.mulf %get3A_516, %gather3A_440 : vector<16xf32>
          %add3A_518 = arith.constant 2 : i32
          %add3A_519 = arith.addi %mul3A_145, %add3A_518 : i32
          %swap3A_520 = arith.index_cast %add3A_519 : i32 to index
          %swap3A_521 = arith.constant 80 : index
          %swap3A_522 = tpu.vector_load %arg11[%swap3A_520, %swap3A_521] {strides = array<i32>} : memref<128x128xf32, #tpu.memory_space<vmem>>, vector<1x16xf32>,
          %swap3A_523 = vector.shape_cast %swap3A_522 : vector<1x16xf32> to vector<16xf32>
          %swap3A_524 = vector.shape_cast %mul3A_517 : vector<16xf32> to vector<1x16xf32>
          tpu.vector_store %arg11[%swap3A_520, %swap3A_521], %swap3A_524 {strides = array<i32>} : memref<128x128xf32, #tpu.memory_space<vmem>>, vector<1x16xf32>,
          %add3A_525 = arith.constant 2 : i32
          %add3A_526 = arith.addi %mul3A_145, %add3A_525 : i32
          %get3A_527 = arith.index_cast %add3A_526 : i32 to index
          %get3A_528 = arith.constant 96 : index
          %get3A_529 = tpu.vector_load %arg11[%get3A_527, %get3A_528] {strides = array<i32>} : memref<128x128xf32, #tpu.memory_space<vmem>>, vector<1x16xf32>,
          %get3A_530 = vector.shape_cast %get3A_529 : vector<1x16xf32> to vector<16xf32>
          %mul3A_531 = arith.mulf %get3A_530, %gather3A_440 : vector<16xf32>
          %add3A_532 = arith.constant 2 : i32
          %add3A_533 = arith.addi %mul3A_145, %add3A_532 : i32
          %swap3A_534 = arith.index_cast %add3A_533 : i32 to index
          %swap3A_535 = arith.constant 96 : index
          %swap3A_536 = tpu.vector_load %arg11[%swap3A_534, %swap3A_535] {strides = array<i32>} : memref<128x128xf32, #tpu.memory_space<vmem>>, vector<1x16xf32>,
          %swap3A_537 = vector.shape_cast %swap3A_536 : vector<1x16xf32> to vector<16xf32>
          %swap3A_538 = vector.shape_cast %mul3A_531 : vector<16xf32> to vector<1x16xf32>
          tpu.vector_store %arg11[%swap3A_534, %swap3A_535], %swap3A_538 {strides = array<i32>} : memref<128x128xf32, #tpu.memory_space<vmem>>, vector<1x16xf32>,
          %add3A_539 = arith.constant 2 : i32
          %add3A_540 = arith.addi %mul3A_145, %add3A_539 : i32
          %get3A_541 = arith.index_cast %add3A_540 : i32 to index
          %get3A_542 = arith.constant 112 : index
          %get3A_543 = tpu.vector_load %arg11[%get3A_541, %get3A_542] {strides = array<i32>} : memref<128x128xf32, #tpu.memory_space<vmem>>, vector<1x16xf32>,
          %get3A_544 = vector.shape_cast %get3A_543 : vector<1x16xf32> to vector<16xf32>
          %mul3A_545 = arith.mulf %get3A_544, %gather3A_440 : vector<16xf32>
          %add3A_546 = arith.constant 2 : i32
          %add3A_547 = arith.addi %mul3A_145, %add3A_546 : i32
          %swap3A_548 = arith.index_cast %add3A_547 : i32 to index
          %swap3A_549 = arith.constant 112 : index
          %swap3A_550 = tpu.vector_load %arg11[%swap3A_548, %swap3A_549] {strides = array<i32>} : memref<128x128xf32, #tpu.memory_space<vmem>>, vector<1x16xf32>,
          %swap3A_551 = vector.shape_cast %swap3A_550 : vector<1x16xf32> to vector<16xf32>
          %swap3A_552 = vector.shape_cast %mul3A_545 : vector<16xf32> to vector<1x16xf32>
          tpu.vector_store %arg11[%swap3A_548, %swap3A_549], %swap3A_552 {strides = array<i32>} : memref<128x128xf32, #tpu.memory_space<vmem>>, vector<1x16xf32>,
          %add3A_553 = arith.constant 3 : i32
          %add3A_554 = arith.addi %select_n3A_181, %add3A_553 : i32
          %broadcast_in_dim3A_555 = vector.broadcast %add3A_554 : i32 to vector<16xi32>
          %lt3A_556 = arith.constant 0 : i32
          %lt3A_557 = vector.broadcast %lt3A_556 : i32 to vector<16xi32>
          %lt3A_558 = arith.cmpi slt, %broadcast_in_dim3A_555, %lt3A_557 : vector<16xi32>
          %add3A_559 = arith.constant 16 : i32
          %add3A_560 = vector.broadcast %add3A_559 : i32 to vector<16xi32>
          %add3A_561 = arith.addi %broadcast_in_dim3A_555, %add3A_560 : vector<16xi32>
          %select_n3A_562 = arith.select %lt3A_558, %add3A_561, %broadcast_in_dim3A_555 : vector<16xi1>, vector<16xi32>
          %reshape3A_563 = vector.shape_cast %select_n3A_562 : vector<16xi32> to vector<16x1xi32>
          %gather3A_564 = vector.shape_cast %reshape3A_563 : vector<16x1xi32> to vector<16xi32>
          %gather3A_565 = tpu.dynamic_gather %get3A_166[%gather3A_564] in [0] : vector<16xf32>, vector<16xi32> -> vector<16xf32>
          %add3A_566 = arith.constant 3 : i32
          %add3A_567 = arith.addi %mul3A_145, %add3A_566 : i32
          %get3A_568 = arith.index_cast %add3A_567 : i32 to index
          %get3A_569 = arith.constant 0 : index
          %get3A_570 = tpu.vector_load %arg11[%get3A_568, %get3A_569] {strides = array<i32>} : memref<128x128xf32, #tpu.memory_space<vmem>>, vector<1x16xf32>,
          %get3A_571 = vector.shape_cast %get3A_570 : vector<1x16xf32> to vector<16xf32>
          %mul3A_572 = arith.mulf %get3A_571, %gather3A_565 : vector<16xf32>
          %add3A_573 = arith.constant 3 : i32
          %add3A_574 = arith.addi %mul3A_145, %add3A_573 : i32
          %swap3A_575 = arith.index_cast %add3A_574 : i32 to index
          %swap3A_576 = arith.constant 0 : index
          %swap3A_577 = tpu.vector_load %arg11[%swap3A_575, %swap3A_576] {strides = array<i32>} : memref<128x128xf32, #tpu.memory_space<vmem>>, vector<1x16xf32>,
          %swap3A_578 = vector.shape_cast %swap3A_577 : vector<1x16xf32> to vector<16xf32>
          %swap3A_579 = vector.shape_cast %mul3A_572 : vector<16xf32> to vector<1x16xf32>
          tpu.vector_store %arg11[%swap3A_575, %swap3A_576], %swap3A_579 {strides = array<i32>} : memref<128x128xf32, #tpu.memory_space<vmem>>, vector<1x16xf32>,
          %add3A_580 = arith.constant 3 : i32
          %add3A_581 = arith.addi %mul3A_145, %add3A_580 : i32
          %get3A_582 = arith.index_cast %add3A_581 : i32 to index
          %get3A_583 = arith.constant 16 : index
          %get3A_584 = tpu.vector_load %arg11[%get3A_582, %get3A_583] {strides = array<i32>} : memref<128x128xf32, #tpu.memory_space<vmem>>, vector<1x16xf32>,
          %get3A_585 = vector.shape_cast %get3A_584 : vector<1x16xf32> to vector<16xf32>
          %mul3A_586 = arith.mulf %get3A_585, %gather3A_565 : vector<16xf32>
          %add3A_587 = arith.constant 3 : i32
          %add3A_588 = arith.addi %mul3A_145, %add3A_587 : i32
          %swap3A_589 = arith.index_cast %add3A_588 : i32 to index
          %swap3A_590 = arith.constant 16 : index
          %swap3A_591 = tpu.vector_load %arg11[%swap3A_589, %swap3A_590] {strides = array<i32>} : memref<128x128xf32, #tpu.memory_space<vmem>>, vector<1x16xf32>,
          %swap3A_592 = vector.shape_cast %swap3A_591 : vector<1x16xf32> to vector<16xf32>
          %swap3A_593 = vector.shape_cast %mul3A_586 : vector<16xf32> to vector<1x16xf32>
          tpu.vector_store %arg11[%swap3A_589, %swap3A_590], %swap3A_593 {strides = array<i32>} : memref<128x128xf32, #tpu.memory_space<vmem>>, vector<1x16xf32>,
          %add3A_594 = arith.constant 3 : i32
          %add3A_595 = arith.addi %mul3A_145, %add3A_594 : i32
          %get3A_596 = arith.index_cast %add3A_595 : i32 to index
          %get3A_597 = arith.constant 32 : index
          %get3A_598 = tpu.vector_load %arg11[%get3A_596, %get3A_597] {strides = array<i32>} : memref<128x128xf32, #tpu.memory_space<vmem>>, vector<1x16xf32>,
          %get3A_599 = vector.shape_cast %get3A_598 : vector<1x16xf32> to vector<16xf32>
          %mul3A_600 = arith.mulf %get3A_599, %gather3A_565 : vector<16xf32>
          %add3A_601 = arith.constant 3 : i32
          %add3A_602 = arith.addi %mul3A_145, %add3A_601 : i32
          %swap3A_603 = arith.index_cast %add3A_602 : i32 to index
          %swap3A_604 = arith.constant 32 : index
          %swap3A_605 = tpu.vector_load %arg11[%swap3A_603, %swap3A_604] {strides = array<i32>} : memref<128x128xf32, #tpu.memory_space<vmem>>, vector<1x16xf32>,
          %swap3A_606 = vector.shape_cast %swap3A_605 : vector<1x16xf32> to vector<16xf32>
          %swap3A_607 = vector.shape_cast %mul3A_600 : vector<16xf32> to vector<1x16xf32>
          tpu.vector_store %arg11[%swap3A_603, %swap3A_604], %swap3A_607 {strides = array<i32>} : memref<128x128xf32, #tpu.memory_space<vmem>>, vector<1x16xf32>,
          %add3A_608 = arith.constant 3 : i32
          %add3A_609 = arith.addi %mul3A_145, %add3A_608 : i32
          %get3A_610 = arith.index_cast %add3A_609 : i32 to index
          %get3A_611 = arith.constant 48 : index
          %get3A_612 = tpu.vector_load %arg11[%get3A_610, %get3A_611] {strides = array<i32>} : memref<128x128xf32, #tpu.memory_space<vmem>>, vector<1x16xf32>,
          %get3A_613 = vector.shape_cast %get3A_612 : vector<1x16xf32> to vector<16xf32>
          %mul3A_614 = arith.mulf %get3A_613, %gather3A_565 : vector<16xf32>
          %add3A_615 = arith.constant 3 : i32
          %add3A_616 = arith.addi %mul3A_145, %add3A_615 : i32
          %swap3A_617 = arith.index_cast %add3A_616 : i32 to index
          %swap3A_618 = arith.constant 48 : index
          %swap3A_619 = tpu.vector_load %arg11[%swap3A_617, %swap3A_618] {strides = array<i32>} : memref<128x128xf32, #tpu.memory_space<vmem>>, vector<1x16xf32>,
          %swap3A_620 = vector.shape_cast %swap3A_619 : vector<1x16xf32> to vector<16xf32>
          %swap3A_621 = vector.shape_cast %mul3A_614 : vector<16xf32> to vector<1x16xf32>
          tpu.vector_store %arg11[%swap3A_617, %swap3A_618], %swap3A_621 {strides = array<i32>} : memref<128x128xf32, #tpu.memory_space<vmem>>, vector<1x16xf32>,
          %add3A_622 = arith.constant 3 : i32
          %add3A_623 = arith.addi %mul3A_145, %add3A_622 : i32
          %get3A_624 = arith.index_cast %add3A_623 : i32 to index
          %get3A_625 = arith.constant 64 : index
          %get3A_626 = tpu.vector_load %arg11[%get3A_624, %get3A_625] {strides = array<i32>} : memref<128x128xf32, #tpu.memory_space<vmem>>, vector<1x16xf32>,
          %get3A_627 = vector.shape_cast %get3A_626 : vector<1x16xf32> to vector<16xf32>
          %mul3A_628 = arith.mulf %get3A_627, %gather3A_565 : vector<16xf32>
          %add3A_629 = arith.constant 3 : i32
          %add3A_630 = arith.addi %mul3A_145, %add3A_629 : i32
          %swap3A_631 = arith.index_cast %add3A_630 : i32 to index
          %swap3A_632 = arith.constant 64 : index
          %swap3A_633 = tpu.vector_load %arg11[%swap3A_631, %swap3A_632] {strides = array<i32>} : memref<128x128xf32, #tpu.memory_space<vmem>>, vector<1x16xf32>,
          %swap3A_634 = vector.shape_cast %swap3A_633 : vector<1x16xf32> to vector<16xf32>
          %swap3A_635 = vector.shape_cast %mul3A_628 : vector<16xf32> to vector<1x16xf32>
          tpu.vector_store %arg11[%swap3A_631, %swap3A_632], %swap3A_635 {strides = array<i32>} : memref<128x128xf32, #tpu.memory_space<vmem>>, vector<1x16xf32>,
          %add3A_636 = arith.constant 3 : i32
          %add3A_637 = arith.addi %mul3A_145, %add3A_636 : i32
          %get3A_638 = arith.index_cast %add3A_637 : i32 to index
          %get3A_639 = arith.constant 80 : index
          %get3A_640 = tpu.vector_load %arg11[%get3A_638, %get3A_639] {strides = array<i32>} : memref<128x128xf32, #tpu.memory_space<vmem>>, vector<1x16xf32>,
          %get3A_641 = vector.shape_cast %get3A_640 : vector<1x16xf32> to vector<16xf32>
          %mul3A_642 = arith.mulf %get3A_641, %gather3A_565 : vector<16xf32>
          %add3A_643 = arith.constant 3 : i32
          %add3A_644 = arith.addi %mul3A_145, %add3A_643 : i32
          %swap3A_645 = arith.index_cast %add3A_644 : i32 to index
          %swap3A_646 = arith.constant 80 : index
          %swap3A_647 = tpu.vector_load %arg11[%swap3A_645, %swap3A_646] {strides = array<i32>} : memref<128x128xf32, #tpu.memory_space<vmem>>, vector<1x16xf32>,
          %swap3A_648 = vector.shape_cast %swap3A_647 : vector<1x16xf32> to vector<16xf32>
          %swap3A_649 = vector.shape_cast %mul3A_642 : vector<16xf32> to vector<1x16xf32>
          tpu.vector_store %arg11[%swap3A_645, %swap3A_646], %swap3A_649 {strides = array<i32>} : memref<128x128xf32, #tpu.memory_space<vmem>>, vector<1x16xf32>,
          %add3A_650 = arith.constant 3 : i32
          %add3A_651 = arith.addi %mul3A_145, %add3A_650 : i32
          %get3A_652 = arith.index_cast %add3A_651 : i32 to index
          %get3A_653 = arith.constant 96 : index
          %get3A_654 = tpu.vector_load %arg11[%get3A_652, %get3A_653] {strides = array<i32>} : memref<128x128xf32, #tpu.memory_space<vmem>>, vector<1x16xf32>,
          %get3A_655 = vector.shape_cast %get3A_654 : vector<1x16xf32> to vector<16xf32>
          %mul3A_656 = arith.mulf %get3A_655, %gather3A_565 : vector<16xf32>
          %add3A_657 = arith.constant 3 : i32
          %add3A_658 = arith.addi %mul3A_145, %add3A_657 : i32
          %swap3A_659 = arith.index_cast %add3A_658 : i32 to index
          %swap3A_660 = arith.constant 96 : index
          %swap3A_661 = tpu.vector_load %arg11[%swap3A_659, %swap3A_660] {strides = array<i32>} : memref<128x128xf32, #tpu.memory_space<vmem>>, vector<1x16xf32>,
          %swap3A_662 = vector.shape_cast %swap3A_661 : vector<1x16xf32> to vector<16xf32>
          %swap3A_663 = vector.shape_cast %mul3A_656 : vector<16xf32> to vector<1x16xf32>
          tpu.vector_store %arg11[%swap3A_659, %swap3A_660], %swap3A_663 {strides = array<i32>} : memref<128x128xf32, #tpu.memory_space<vmem>>, vector<1x16xf32>,
          %add3A_664 = arith.constant 3 : i32
          %add3A_665 = arith.addi %mul3A_145, %add3A_664 : i32
          %get3A_666 = arith.index_cast %add3A_665 : i32 to index
          %get3A_667 = arith.constant 112 : index
          %get3A_668 = tpu.vector_load %arg11[%get3A_666, %get3A_667] {strides = array<i32>} : memref<128x128xf32, #tpu.memory_space<vmem>>, vector<1x16xf32>,
          %get3A_669 = vector.shape_cast %get3A_668 : vector<1x16xf32> to vector<16xf32>
          %mul3A_670 = arith.mulf %get3A_669, %gather3A_565 : vector<16xf32>
          %add3A_671 = arith.constant 3 : i32
          %add3A_672 = arith.addi %mul3A_145, %add3A_671 : i32
          %swap3A_673 = arith.index_cast %add3A_672 : i32 to index
          %swap3A_674 = arith.constant 112 : index
          %swap3A_675 = tpu.vector_load %arg11[%swap3A_673, %swap3A_674] {strides = array<i32>} : memref<128x128xf32, #tpu.memory_space<vmem>>, vector<1x16xf32>,
          %swap3A_676 = vector.shape_cast %swap3A_675 : vector<1x16xf32> to vector<16xf32>
          %swap3A_677 = vector.shape_cast %mul3A_670 : vector<16xf32> to vector<1x16xf32>
          tpu.vector_store %arg11[%swap3A_673, %swap3A_674], %swap3A_677 {strides = array<i32>} : memref<128x128xf32, #tpu.memory_space<vmem>>, vector<1x16xf32>,
        }
        %scan3A_131 = arith.constant 32 : i32
        %dma_start3A_132 = arith.constant 0 : i32
        %dma_start3A_133 = tpu.memref_slice %arg8[%add3A_119, %dma_start3A_132] : memref<40x128xi32, #tpu.memory_space<vmem>> -> memref<1x128xi32, #tpu.memory_space<vmem>>
        %dma_start3A_134 = tpu.memref_squeeze %dma_start3A_133 : memref<1x128xi32, #tpu.memory_space<vmem>> -> memref<128xi32, #tpu.memory_space<vmem>>
        %dma_start3A_135 = arith.constant 0 : i32
        %dma_start3A_136 = arith.constant 0 : i32
        %dma_start3A_137 = tpu.memref_slice %arg16[%dma_start3A_135, %dma_start3A_136] : memref<10240x128xf32, #tpu.memory_space<vmem_shared>> -> memref<10240x128xf32, #tpu.memory_space<vmem_shared>>
        tpu.enqueue_indirect_dma source(%arg11 : memref<128x128xf32, #tpu.memory_space<vmem>>) target(%dma_start3A_137 : memref<10240x128xf32, #tpu.memory_space<vmem_shared>>) offsets(%dma_start3A_134 : memref<128xi32, #tpu.memory_space<vmem>>) semaphore(%arg15 : memref<!tpu.dma_semaphore, #tpu.memory_space<semaphore_mem>>) {add = true}
        %lt3A_138 = arith.constant 19 : i32
        %lt3A_139 = arith.cmpi slt, %scan3A_91, %lt3A_138 : i32
        %convert_element_type3A_140 = arith.extui %lt3A_139 : i1 to i32
        %cond3A_141 = arith.constant 0 : i32
        %cond3A_142 = arith.cmpi ne, %convert_element_type3A_140, %cond3A_141 : i32
        scf.if %cond3A_142 {
          %dma_wait3A_143 = arith.constant 0 : i32
          %dma_wait3A_144 = tpu.memref_slice %arg8[%add3A_119, %dma_wait3A_143] : memref<40x128xi32, #tpu.memory_space<vmem>> -> memref<1x128xi32, #tpu.memory_space<vmem>>
          %dma_wait3A_145 = tpu.memref_squeeze %dma_wait3A_144 : memref<1x128xi32, #tpu.memory_space<vmem>> -> memref<128xi32, #tpu.memory_space<vmem>>
          %dma_wait3A_146 = arith.constant 0 : i32
          %dma_wait3A_147 = arith.constant 0 : i32
          %dma_wait3A_148 = tpu.memref_slice %arg16[%dma_wait3A_146, %dma_wait3A_147] : memref<10240x128xf32, #tpu.memory_space<vmem_shared>> -> memref<10240x128xf32, #tpu.memory_space<vmem_shared>>
          tpu.wait_indirect_dma semaphore(%arg15 : memref<!tpu.dma_semaphore, #tpu.memory_space<semaphore_mem>>) src(%arg11 : memref<128x128xf32, #tpu.memory_space<vmem>>) dst(%dma_wait3A_148 : memref<10240x128xf32, #tpu.memory_space<vmem_shared>>)
          %add3A_149 = arith.constant 2 : i32
          %add3A_150 = arith.addi %add3A_119, %add3A_149 : i32
          %dma_start3A_151 = arith.constant 0 : i32
          %dma_start3A_152 = tpu.memref_slice %arg7[%add3A_150, %dma_start3A_151] : memref<40x128xi32, #tpu.memory_space<vmem>> -> memref<1x128xi32, #tpu.memory_space<vmem>>
          %dma_start3A_153 = tpu.memref_squeeze %dma_start3A_152 : memref<1x128xi32, #tpu.memory_space<vmem>> -> memref<128xi32, #tpu.memory_space<vmem>>
          %dma_start3A_154 = arith.constant 0 : i32
          %dma_start3A_155 = arith.constant 0 : i32
          %dma_start3A_156 = tpu.memref_slice %arg2[%dma_start3A_154, %dma_start3A_155] : memref<10000x128xf32, #tpu.memory_space<hbm>> -> memref<10000x128xf32, #tpu.memory_space<hbm>>
          tpu.enqueue_indirect_dma source(%dma_start3A_156 : memref<10000x128xf32, #tpu.memory_space<hbm>>) target(%arg11 : memref<128x128xf32, #tpu.memory_space<vmem>>) offsets(%dma_start3A_153 : memref<128xi32, #tpu.memory_space<vmem>>) semaphore(%arg13 : memref<!tpu.dma_semaphore, #tpu.memory_space<semaphore_mem>>)
        } else {
        }
      }
      %scan3A_77 = arith.constant 20 : i32
      %dma_wait3A = arith.constant 38 : i32
      %dma_wait3A_78 = arith.constant 0 : i32
      %dma_wait3A_79 = tpu.memref_slice %arg8[%dma_wait3A, %dma_wait3A_78] : memref<40x128xi32, #tpu.memory_space<vmem>> -> memref<1x128xi32, #tpu.memory_space<vmem>>
      %dma_wait3A_80 = tpu.memref_squeeze %dma_wait3A_79 : memref<1x128xi32, #tpu.memory_space<vmem>> -> memref<128xi32, #tpu.memory_space<vmem>>
      %dma_wait3A_81 = arith.constant 0 : i32
      %dma_wait3A_82 = arith.constant 0 : i32
      %dma_wait3A_83 = tpu.memref_slice %arg16[%dma_wait3A_81, %dma_wait3A_82] : memref<10240x128xf32, #tpu.memory_space<vmem_shared>> -> memref<10240x128xf32, #tpu.memory_space<vmem_shared>>
      tpu.wait_indirect_dma semaphore(%arg14 : memref<!tpu.dma_semaphore, #tpu.memory_space<semaphore_mem>>) src(%arg10 : memref<128x128xf32, #tpu.memory_space<vmem>>) dst(%dma_wait3A_83 : memref<10240x128xf32, #tpu.memory_space<vmem_shared>>)
      %dma_wait3A_84 = arith.constant 39 : i32
      %dma_wait3A_85 = arith.constant 0 : i32
      %dma_wait3A_86 = tpu.memref_slice %arg8[%dma_wait3A_84, %dma_wait3A_85] : memref<40x128xi32, #tpu.memory_space<vmem>> -> memref<1x128xi32, #tpu.memory_space<vmem>>
      %dma_wait3A_87 = tpu.memref_squeeze %dma_wait3A_86 : memref<1x128xi32, #tpu.memory_space<vmem>> -> memref<128xi32, #tpu.memory_space<vmem>>
      %dma_wait3A_88 = arith.constant 0 : i32
      %dma_wait3A_89 = arith.constant 0 : i32
      %dma_wait3A_90 = tpu.memref_slice %arg16[%dma_wait3A_88, %dma_wait3A_89] : memref<10240x128xf32, #tpu.memory_space<vmem_shared>> -> memref<10240x128xf32, #tpu.memory_space<vmem_shared>>
      tpu.wait_indirect_dma semaphore(%arg15 : memref<!tpu.dma_semaphore, #tpu.memory_space<semaphore_mem>>) src(%arg11 : memref<128x128xf32, #tpu.memory_space<vmem>>) dst(%dma_wait3A_90 : memref<10240x128xf32, #tpu.memory_space<vmem_shared>>)
    }
    %scan3A_31 = arith.constant 2 : i32
    %barrier3A_32 = arith.constant 0 : index
    tpu.barrier barrier_id(%barrier3A_32)
    %mul3A_33 = arith.constant 640 : i32
    %mul3A_34 = arith.muli %arg1, %mul3A_33 : i32
    %add3A_35 = arith.constant 0 : i32
    %add3A_36 = arith.addi %mul3A_34, %add3A_35 : i32
    "tpu.region"() ({
      %run_scoped3A = tpu.sem_alloc : memref<!tpu.dma_semaphore, #tpu.memory_space<semaphore_mem>>
      %dma_start3A = arith.constant 0 : i32
      %dma_start3A_53 = tpu.memref_slice %arg6[%arg0, %add3A_36, %dma_start3A] : memref<2x10240x128xf32, #tpu.memory_space<hbm>> -> memref<1x128x128xf32, #tpu.memory_space<hbm>>
      %dma_start3A_54 = tpu.memref_squeeze %dma_start3A_53 : memref<1x128x128xf32, #tpu.memory_space<hbm>> -> memref<128x128xf32, #tpu.memory_space<hbm>>
      %dma_start3A_55 = arith.constant 0 : i32
      %dma_start3A_56 = tpu.memref_slice %arg16[%add3A_36, %dma_start3A_55] : memref<10240x128xf32, #tpu.memory_space<vmem_shared>> -> memref<128x128xf32, #tpu.memory_space<vmem_shared>>
      tpu.enqueue_dma source(%dma_start3A_56 : memref<128x128xf32, #tpu.memory_space<vmem_shared>>) target(%dma_start3A_54 : memref<128x128xf32, #tpu.memory_space<hbm>>) target_semaphore(%run_scoped3A : memref<!tpu.dma_semaphore, #tpu.memory_space<semaphore_mem>>)
      %dma_wait3A = arith.constant 0 : i32
      %dma_wait3A_57 = tpu.memref_slice %arg6[%arg0, %add3A_36, %dma_wait3A] : memref<2x10240x128xf32, #tpu.memory_space<hbm>> -> memref<1x128x128xf32, #tpu.memory_space<hbm>>
      %dma_wait3A_58 = tpu.memref_squeeze %dma_wait3A_57 : memref<1x128x128xf32, #tpu.memory_space<hbm>> -> memref<128x128xf32, #tpu.memory_space<hbm>>
      %dma_wait3A_59 = arith.constant 0 : i32
      %dma_wait3A_60 = tpu.memref_slice %arg16[%add3A_36, %dma_wait3A_59] : memref<10240x128xf32, #tpu.memory_space<vmem_shared>> -> memref<128x128xf32, #tpu.memory_space<vmem_shared>>
      tpu.wait_dma2 semaphore(%run_scoped3A : memref<!tpu.dma_semaphore, #tpu.memory_space<semaphore_mem>>) src(%dma_wait3A_60 : memref<128x128xf32, #tpu.memory_space<vmem_shared>>) dst(%dma_wait3A_58 : memref<128x128xf32, #tpu.memory_space<hbm>>)
      tpu.yield
    }) : () -> ()
    %mul3A_37 = arith.constant 640 : i32
    %mul3A_38 = arith.muli %arg1, %mul3A_37 : i32
    %add3A_39 = arith.constant 128 : i32
    %add3A_40 = arith.addi %mul3A_38, %add3A_39 : i32
    "tpu.region"() ({
      %run_scoped3A = tpu.sem_alloc : memref<!tpu.dma_semaphore, #tpu.memory_space<semaphore_mem>>
      %dma_start3A = arith.constant 0 : i32
      %dma_start3A_53 = tpu.memref_slice %arg6[%arg0, %add3A_40, %dma_start3A] : memref<2x10240x128xf32, #tpu.memory_space<hbm>> -> memref<1x128x128xf32, #tpu.memory_space<hbm>>
      %dma_start3A_54 = tpu.memref_squeeze %dma_start3A_53 : memref<1x128x128xf32, #tpu.memory_space<hbm>> -> memref<128x128xf32, #tpu.memory_space<hbm>>
      %dma_start3A_55 = arith.constant 0 : i32
      %dma_start3A_56 = tpu.memref_slice %arg16[%add3A_40, %dma_start3A_55] : memref<10240x128xf32, #tpu.memory_space<vmem_shared>> -> memref<128x128xf32, #tpu.memory_space<vmem_shared>>
      tpu.enqueue_dma source(%dma_start3A_56 : memref<128x128xf32, #tpu.memory_space<vmem_shared>>) target(%dma_start3A_54 : memref<128x128xf32, #tpu.memory_space<hbm>>) target_semaphore(%run_scoped3A : memref<!tpu.dma_semaphore, #tpu.memory_space<semaphore_mem>>)
      %dma_wait3A = arith.constant 0 : i32
      %dma_wait3A_57 = tpu.memref_slice %arg6[%arg0, %add3A_40, %dma_wait3A] : memref<2x10240x128xf32, #tpu.memory_space<hbm>> -> memref<1x128x128xf32, #tpu.memory_space<hbm>>
      %dma_wait3A_58 = tpu.memref_squeeze %dma_wait3A_57 : memref<1x128x128xf32, #tpu.memory_space<hbm>> -> memref<128x128xf32, #tpu.memory_space<hbm>>
      %dma_wait3A_59 = arith.constant 0 : i32
      %dma_wait3A_60 = tpu.memref_slice %arg16[%add3A_40, %dma_wait3A_59] : memref<10240x128xf32, #tpu.memory_space<vmem_shared>> -> memref<128x128xf32, #tpu.memory_space<vmem_shared>>
      tpu.wait_dma2 semaphore(%run_scoped3A : memref<!tpu.dma_semaphore, #tpu.memory_space<semaphore_mem>>) src(%dma_wait3A_60 : memref<128x128xf32, #tpu.memory_space<vmem_shared>>) dst(%dma_wait3A_58 : memref<128x128xf32, #tpu.memory_space<hbm>>)
      tpu.yield
    }) : () -> ()
    %mul3A_41 = arith.constant 640 : i32
    %mul3A_42 = arith.muli %arg1, %mul3A_41 : i32
    %add3A_43 = arith.constant 256 : i32
    %add3A_44 = arith.addi %mul3A_42, %add3A_43 : i32
    "tpu.region"() ({
      %run_scoped3A = tpu.sem_alloc : memref<!tpu.dma_semaphore, #tpu.memory_space<semaphore_mem>>
      %dma_start3A = arith.constant 0 : i32
      %dma_start3A_53 = tpu.memref_slice %arg6[%arg0, %add3A_44, %dma_start3A] : memref<2x10240x128xf32, #tpu.memory_space<hbm>> -> memref<1x128x128xf32, #tpu.memory_space<hbm>>
      %dma_start3A_54 = tpu.memref_squeeze %dma_start3A_53 : memref<1x128x128xf32, #tpu.memory_space<hbm>> -> memref<128x128xf32, #tpu.memory_space<hbm>>
      %dma_start3A_55 = arith.constant 0 : i32
      %dma_start3A_56 = tpu.memref_slice %arg16[%add3A_44, %dma_start3A_55] : memref<10240x128xf32, #tpu.memory_space<vmem_shared>> -> memref<128x128xf32, #tpu.memory_space<vmem_shared>>
      tpu.enqueue_dma source(%dma_start3A_56 : memref<128x128xf32, #tpu.memory_space<vmem_shared>>) target(%dma_start3A_54 : memref<128x128xf32, #tpu.memory_space<hbm>>) target_semaphore(%run_scoped3A : memref<!tpu.dma_semaphore, #tpu.memory_space<semaphore_mem>>)
      %dma_wait3A = arith.constant 0 : i32
      %dma_wait3A_57 = tpu.memref_slice %arg6[%arg0, %add3A_44, %dma_wait3A] : memref<2x10240x128xf32, #tpu.memory_space<hbm>> -> memref<1x128x128xf32, #tpu.memory_space<hbm>>
      %dma_wait3A_58 = tpu.memref_squeeze %dma_wait3A_57 : memref<1x128x128xf32, #tpu.memory_space<hbm>> -> memref<128x128xf32, #tpu.memory_space<hbm>>
      %dma_wait3A_59 = arith.constant 0 : i32
      %dma_wait3A_60 = tpu.memref_slice %arg16[%add3A_44, %dma_wait3A_59] : memref<10240x128xf32, #tpu.memory_space<vmem_shared>> -> memref<128x128xf32, #tpu.memory_space<vmem_shared>>
      tpu.wait_dma2 semaphore(%run_scoped3A : memref<!tpu.dma_semaphore, #tpu.memory_space<semaphore_mem>>) src(%dma_wait3A_60 : memref<128x128xf32, #tpu.memory_space<vmem_shared>>) dst(%dma_wait3A_58 : memref<128x128xf32, #tpu.memory_space<hbm>>)
      tpu.yield
    }) : () -> ()
    %mul3A_45 = arith.constant 640 : i32
    %mul3A_46 = arith.muli %arg1, %mul3A_45 : i32
    %add3A_47 = arith.constant 384 : i32
    %add3A_48 = arith.addi %mul3A_46, %add3A_47 : i32
    "tpu.region"() ({
      %run_scoped3A = tpu.sem_alloc : memref<!tpu.dma_semaphore, #tpu.memory_space<semaphore_mem>>
      %dma_start3A = arith.constant 0 : i32
      %dma_start3A_53 = tpu.memref_slice %arg6[%arg0, %add3A_48, %dma_start3A] : memref<2x10240x128xf32, #tpu.memory_space<hbm>> -> memref<1x128x128xf32, #tpu.memory_space<hbm>>
      %dma_start3A_54 = tpu.memref_squeeze %dma_start3A_53 : memref<1x128x128xf32, #tpu.memory_space<hbm>> -> memref<128x128xf32, #tpu.memory_space<hbm>>
      %dma_start3A_55 = arith.constant 0 : i32
      %dma_start3A_56 = tpu.memref_slice %arg16[%add3A_48, %dma_start3A_55] : memref<10240x128xf32, #tpu.memory_space<vmem_shared>> -> memref<128x128xf32, #tpu.memory_space<vmem_shared>>
      tpu.enqueue_dma source(%dma_start3A_56 : memref<128x128xf32, #tpu.memory_space<vmem_shared>>) target(%dma_start3A_54 : memref<128x128xf32, #tpu.memory_space<hbm>>) target_semaphore(%run_scoped3A : memref<!tpu.dma_semaphore, #tpu.memory_space<semaphore_mem>>)
      %dma_wait3A = arith.constant 0 : i32
      %dma_wait3A_57 = tpu.memref_slice %arg6[%arg0, %add3A_48, %dma_wait3A] : memref<2x10240x128xf32, #tpu.memory_space<hbm>> -> memref<1x128x128xf32, #tpu.memory_space<hbm>>
      %dma_wait3A_58 = tpu.memref_squeeze %dma_wait3A_57 : memref<1x128x128xf32, #tpu.memory_space<hbm>> -> memref<128x128xf32, #tpu.memory_space<hbm>>
      %dma_wait3A_59 = arith.constant 0 : i32
      %dma_wait3A_60 = tpu.memref_slice %arg16[%add3A_48, %dma_wait3A_59] : memref<10240x128xf32, #tpu.memory_space<vmem_shared>> -> memref<128x128xf32, #tpu.memory_space<vmem_shared>>
      tpu.wait_dma2 semaphore(%run_scoped3A : memref<!tpu.dma_semaphore, #tpu.memory_space<semaphore_mem>>) src(%dma_wait3A_60 : memref<128x128xf32, #tpu.memory_space<vmem_shared>>) dst(%dma_wait3A_58 : memref<128x128xf32, #tpu.memory_space<hbm>>)
      tpu.yield
    }) : () -> ()
    %mul3A_49 = arith.constant 640 : i32
    %mul3A_50 = arith.muli %arg1, %mul3A_49 : i32
    %add3A_51 = arith.constant 512 : i32
    %add3A_52 = arith.addi %mul3A_50, %add3A_51 : i32
    "tpu.region"() ({
      %run_scoped3A = tpu.sem_alloc : memref<!tpu.dma_semaphore, #tpu.memory_space<semaphore_mem>>
      %dma_start3A = arith.constant 0 : i32
      %dma_start3A_53 = tpu.memref_slice %arg6[%arg0, %add3A_52, %dma_start3A] : memref<2x10240x128xf32, #tpu.memory_space<hbm>> -> memref<1x128x128xf32, #tpu.memory_space<hbm>>
      %dma_start3A_54 = tpu.memref_squeeze %dma_start3A_53 : memref<1x128x128xf32, #tpu.memory_space<hbm>> -> memref<128x128xf32, #tpu.memory_space<hbm>>
      %dma_start3A_55 = arith.constant 0 : i32
      %dma_start3A_56 = tpu.memref_slice %arg16[%add3A_52, %dma_start3A_55] : memref<10240x128xf32, #tpu.memory_space<vmem_shared>> -> memref<128x128xf32, #tpu.memory_space<vmem_shared>>
      tpu.enqueue_dma source(%dma_start3A_56 : memref<128x128xf32, #tpu.memory_space<vmem_shared>>) target(%dma_start3A_54 : memref<128x128xf32, #tpu.memory_space<hbm>>) target_semaphore(%run_scoped3A : memref<!tpu.dma_semaphore, #tpu.memory_space<semaphore_mem>>)
      %dma_wait3A = arith.constant 0 : i32
      %dma_wait3A_57 = tpu.memref_slice %arg6[%arg0, %add3A_52, %dma_wait3A] : memref<2x10240x128xf32, #tpu.memory_space<hbm>> -> memref<1x128x128xf32, #tpu.memory_space<hbm>>
      %dma_wait3A_58 = tpu.memref_squeeze %dma_wait3A_57 : memref<1x128x128xf32, #tpu.memory_space<hbm>> -> memref<128x128xf32, #tpu.memory_space<hbm>>
      %dma_wait3A_59 = arith.constant 0 : i32
      %dma_wait3A_60 = tpu.memref_slice %arg16[%add3A_52, %dma_wait3A_59] : memref<10240x128xf32, #tpu.memory_space<vmem_shared>> -> memref<128x128xf32, #tpu.memory_space<vmem_shared>>
      tpu.wait_dma2 semaphore(%run_scoped3A : memref<!tpu.dma_semaphore, #tpu.memory_space<semaphore_mem>>) src(%dma_wait3A_60 : memref<128x128xf32, #tpu.memory_space<vmem_shared>>) dst(%dma_wait3A_58 : memref<128x128xf32, #tpu.memory_space<hbm>>)
      tpu.yield
    }) : () -> ()
    return
  }
}

module attributes {stable_mosaic.version = 14 : i64} {
  func.func @_tc_proj_kernel(%arg0: i32, %arg1: memref<5000x128xf32, #tpu.memory_space<vmem>>, %arg2: memref<128x128xf32, #tpu.memory_space<vmem>>, %arg3: memref<1x128xf32, #tpu.memory_space<vmem>>, %arg4: memref<5000x128xf32, #tpu.memory_space<vmem>>) attributes {dimension_semantics = [#tpu.dimension_semantics<arbitrary>], iteration_bounds = array<i64: 2>, scalar_prefetch = 0 : i64, scratch_operands = 0 : i64, tpu.core_type = #tpu.core_type<tc>, window_params = [{transform_indices = @transform_0, window_bounds = array<i64: 5000, 128>}, {pipeline_mode = #tpu.pipeline_mode<synchronous>, transform_indices = @transform_1, window_bounds = array<i64: 128, 128>}, {pipeline_mode = #tpu.pipeline_mode<synchronous>, transform_indices = @transform_2, window_bounds = array<i64: 1, 128>}, {transform_indices = @transform_3, window_bounds = array<i64: 5000, 128>}]} {
    %get3A = arith.constant 0 : index
    %get3A_0 = arith.constant 0 : index
    %get3A_1 = vector.load %arg1[%get3A, %get3A_0] : memref<5000x128xf32, #tpu.memory_space<vmem>>, vector<5000x128xf32>
    %get3A_2 = arith.constant 0 : index
    %get3A_3 = arith.constant 0 : index
    %get3A_4 = vector.load %arg2[%get3A_2, %get3A_3] : memref<128x128xf32, #tpu.memory_space<vmem>>, vector<128x128xf32>
    %dot_general3A = arith.constant dense<0.000000e+00> : vector<5000x128xf32>
    %dot_general3A_5 = tpu.matmul %get3A_1, %get3A_4, %dot_general3A {dimension_numbers = #tpu.dot_dimension_numbers<[1], [0], [0], [1], [0, 0, 1, 1], [], []>, transpose_lhs_hint = false} : vector<5000x128xf32>, vector<128x128xf32>, vector<5000x128xf32> -> vector<5000x128xf32>
    %get3A_6 = arith.constant 0 : index
    %get3A_7 = arith.constant 0 : index
    %get3A_8 = vector.load %arg3[%get3A_6, %get3A_7] : memref<1x128xf32, #tpu.memory_space<vmem>>, vector<1x128xf32>
    %add3A = vector.broadcast %get3A_8 : vector<1x128xf32> to vector<5000x128xf32>
    %add3A_9 = arith.addf %dot_general3A_5, %add3A : vector<5000x128xf32>
    %swap3A = arith.constant 0 : index
    %swap3A_10 = arith.constant 0 : index
    %swap3A_11 = vector.load %arg4[%swap3A, %swap3A_10] : memref<5000x128xf32, #tpu.memory_space<vmem>>, vector<5000x128xf32>
    tpu.vector_store %arg4[%swap3A, %swap3A_10], %add3A_9 {strides = array<i32>} : memref<5000x128xf32, #tpu.memory_space<vmem>>, vector<5000x128xf32>,
    return
  }
  func.func @transform_0(%arg0: i32) -> (i32, i32) {
    %c0_i32 = arith.constant 0 : i32
    %c0_i32_0 = arith.constant 0 : i32
    return %arg0, %c0_i32 : i32, i32
  }
  func.func @transform_1(%arg0: i32) -> (i32, i32) {
    %c0_i32 = arith.constant 0 : i32
    %c0_i32_0 = arith.constant 0 : i32
    %c0_i32_1 = arith.constant 0 : i32
    return %c0_i32, %c0_i32_0 : i32, i32
  }
  func.func @transform_2(%arg0: i32) -> (i32, i32) {
    %c0_i32 = arith.constant 0 : i32
    %c0_i32_0 = arith.constant 0 : i32
    %c0_i32_1 = arith.constant 0 : i32
    return %c0_i32, %c0_i32_0 : i32, i32
  }
  func.func @transform_3(%arg0: i32) -> (i32, i32) {
    %c0_i32 = arith.constant 0 : i32
    %c0_i32_0 = arith.constant 0 : i32
    return %arg0, %c0_i32 : i32, i32
  }
}

module attributes {stable_mosaic.version = 14 : i64} {
  func.func @_tc_layer_final_kernel(%arg0: i32, %arg1: memref<1x5000x128xf32, #tpu.memory_space<vmem>>, %arg2: memref<1x5000x128xf32, #tpu.memory_space<vmem>>, %arg3: memref<128x128xf32, #tpu.memory_space<vmem>>, %arg4: memref<1x128xf32, #tpu.memory_space<vmem>>, %arg5: memref<1x128xf32, #tpu.memory_space<vmem>>, %arg6: memref<1x128xf32, #tpu.memory_space<vmem>>, %arg7: memref<5000x128xf32, #tpu.memory_space<vmem>>, %arg8: memref<5000x128xf32, #tpu.memory_space<vmem>>, %arg9: memref<5000x128xf32, #tpu.memory_space<vmem>>) attributes {dimension_semantics = [#tpu.dimension_semantics<arbitrary>], iteration_bounds = array<i64: 2>, scalar_prefetch = 0 : i64, scratch_operands = 0 : i64, tpu.core_type = #tpu.core_type<tc>, window_params = [{transform_indices = @transform_0, window_bounds = array<i64: 1, 5000, 128>}, {transform_indices = @transform_1, window_bounds = array<i64: 1, 5000, 128>}, {pipeline_mode = #tpu.pipeline_mode<synchronous>, transform_indices = @transform_2, window_bounds = array<i64: 128, 128>}, {pipeline_mode = #tpu.pipeline_mode<synchronous>, transform_indices = @transform_3, window_bounds = array<i64: 1, 128>}, {pipeline_mode = #tpu.pipeline_mode<synchronous>, transform_indices = @transform_4, window_bounds = array<i64: 1, 128>}, {pipeline_mode = #tpu.pipeline_mode<synchronous>, transform_indices = @transform_5, window_bounds = array<i64: 1, 128>}, {transform_indices = @transform_6, window_bounds = array<i64: 5000, 128>}, {transform_indices = @transform_7, window_bounds = array<i64: 5000, 128>}, {transform_indices = @transform_8, window_bounds = array<i64: 5000, 128>}]} {
    %get3A = arith.constant 0 : index
    %get3A_0 = arith.constant 0 : index
    %get3A_1 = arith.constant 0 : index
    %get3A_2 = vector.load %arg1[%get3A, %get3A_0, %get3A_1] : memref<1x5000x128xf32, #tpu.memory_space<vmem>>, vector<1x5000x128xf32>
    %get3A_3 = vector.shape_cast %get3A_2 : vector<1x5000x128xf32> to vector<5000x128xf32>
    %get3A_4 = arith.constant 0 : index
    %get3A_5 = arith.constant 0 : index
    %get3A_6 = arith.constant 0 : index
    %get3A_7 = vector.load %arg2[%get3A_4, %get3A_5, %get3A_6] : memref<1x5000x128xf32, #tpu.memory_space<vmem>>, vector<1x5000x128xf32>
    %get3A_8 = vector.shape_cast %get3A_7 : vector<1x5000x128xf32> to vector<5000x128xf32>
    %add3A = arith.addf %get3A_3, %get3A_8 : vector<5000x128xf32>
    %get3A_9 = arith.constant 0 : index
    %get3A_10 = arith.constant 0 : index
    %get3A_11 = vector.load %arg3[%get3A_9, %get3A_10] : memref<128x128xf32, #tpu.memory_space<vmem>>, vector<128x128xf32>
    %dot_general3A = arith.constant dense<0.000000e+00> : vector<5000x128xf32>
    %dot_general3A_12 = tpu.matmul %add3A, %get3A_11, %dot_general3A {dimension_numbers = #tpu.dot_dimension_numbers<[1], [0], [0], [1], [0, 0, 1, 1], [], []>, transpose_lhs_hint = false} : vector<5000x128xf32>, vector<128x128xf32>, vector<5000x128xf32> -> vector<5000x128xf32>
    %get3A_13 = arith.constant 0 : index
    %get3A_14 = arith.constant 0 : index
    %get3A_15 = vector.load %arg4[%get3A_13, %get3A_14] : memref<1x128xf32, #tpu.memory_space<vmem>>, vector<1x128xf32>
    %add3A_16 = vector.broadcast %get3A_15 : vector<1x128xf32> to vector<5000x128xf32>
    %add3A_17 = arith.addf %dot_general3A_12, %add3A_16 : vector<5000x128xf32>
    %max3A = arith.constant 0.000000e+00 : f32
    %max3A_18 = vector.broadcast %max3A : f32 to vector<5000x128xf32>
    %max3A_19 = arith.maximumf %add3A_17, %max3A_18 : vector<5000x128xf32>
    %reduce_sum3A = arith.constant dense<0.000000e+00> : vector<5000xf32>
    %reduce_sum3A_20 = vector.multi_reduction <add>, %max3A_19, %reduce_sum3A [1] : vector<5000x128xf32> to vector<5000xf32>
    %broadcast_in_dim3A = vector.shape_cast %reduce_sum3A_20 : vector<5000xf32> to vector<5000x1xf32>
    %div3A = arith.constant 1.280000e+02 : f32
    %div3A_21 = vector.broadcast %div3A : f32 to vector<5000x1xf32>
    %div3A_22 = arith.divf %broadcast_in_dim3A, %div3A_21 : vector<5000x1xf32>
    %sub3A = vector.broadcast %div3A_22 : vector<5000x1xf32> to vector<5000x128xf32>
    %sub3A_23 = arith.subf %max3A_19, %sub3A : vector<5000x128xf32>
    %integer_pow3A = arith.mulf %sub3A_23, %sub3A_23 : vector<5000x128xf32>
    %reduce_sum3A_24 = arith.constant dense<0.000000e+00> : vector<5000xf32>
    %reduce_sum3A_25 = vector.multi_reduction <add>, %integer_pow3A, %reduce_sum3A_24 [1] : vector<5000x128xf32> to vector<5000xf32>
    %broadcast_in_dim3A_26 = vector.shape_cast %reduce_sum3A_25 : vector<5000xf32> to vector<5000x1xf32>
    %div3A_27 = arith.constant 1.280000e+02 : f32
    %div3A_28 = vector.broadcast %div3A_27 : f32 to vector<5000x1xf32>
    %div3A_29 = arith.divf %broadcast_in_dim3A_26, %div3A_28 : vector<5000x1xf32>
    %sub3A_30 = vector.broadcast %div3A_22 : vector<5000x1xf32> to vector<5000x128xf32>
    %sub3A_31 = arith.subf %max3A_19, %sub3A_30 : vector<5000x128xf32>
    %add3A_32 = arith.constant 9.99999974E-6 : f32
    %add3A_33 = vector.broadcast %add3A_32 : f32 to vector<5000x1xf32>
    %add3A_34 = arith.addf %div3A_29, %add3A_33 : vector<5000x1xf32>
    %rsqrt3A = math.rsqrt %add3A_34 : vector<5000x1xf32>
    %mul3A = vector.broadcast %rsqrt3A : vector<5000x1xf32> to vector<5000x128xf32>
    %mul3A_35 = arith.mulf %sub3A_31, %mul3A : vector<5000x128xf32>
    %get3A_36 = arith.constant 0 : index
    %get3A_37 = arith.constant 0 : index
    %get3A_38 = vector.load %arg5[%get3A_36, %get3A_37] : memref<1x128xf32, #tpu.memory_space<vmem>>, vector<1x128xf32>
    %mul3A_39 = vector.broadcast %get3A_38 : vector<1x128xf32> to vector<5000x128xf32>
    %mul3A_40 = arith.mulf %mul3A_35, %mul3A_39 : vector<5000x128xf32>
    %get3A_41 = arith.constant 0 : index
    %get3A_42 = arith.constant 0 : index
    %get3A_43 = vector.load %arg6[%get3A_41, %get3A_42] : memref<1x128xf32, #tpu.memory_space<vmem>>, vector<1x128xf32>
    %add3A_44 = vector.broadcast %get3A_43 : vector<1x128xf32> to vector<5000x128xf32>
    %add3A_45 = arith.addf %mul3A_40, %add3A_44 : vector<5000x128xf32>
    %get3A_46 = arith.constant 0 : index
    %get3A_47 = arith.constant 0 : index
    %get3A_48 = vector.load %arg7[%get3A_46, %get3A_47] : memref<5000x128xf32, #tpu.memory_space<vmem>>, vector<5000x128xf32>
    %add3A_49 = arith.addf %add3A_45, %get3A_48 : vector<5000x128xf32>
    %get3A_50 = arith.constant 0 : index
    %get3A_51 = arith.constant 0 : index
    %get3A_52 = vector.load %arg8[%get3A_50, %get3A_51] : memref<5000x128xf32, #tpu.memory_space<vmem>>, vector<5000x128xf32>
    %add3A_53 = arith.addf %add3A_49, %get3A_52 : vector<5000x128xf32>
    %swap3A = arith.constant 0 : index
    %swap3A_54 = arith.constant 0 : index
    %swap3A_55 = vector.load %arg9[%swap3A, %swap3A_54] : memref<5000x128xf32, #tpu.memory_space<vmem>>, vector<5000x128xf32>
    tpu.vector_store %arg9[%swap3A, %swap3A_54], %add3A_53 {strides = array<i32>} : memref<5000x128xf32, #tpu.memory_space<vmem>>, vector<5000x128xf32>,
    return
  }
  func.func @transform_0(%arg0: i32) -> (i32, i32, i32) {
    %c0_i32 = arith.constant 0 : i32
    %c0_i32_0 = arith.constant 0 : i32
    %c0_i32_1 = arith.constant 0 : i32
    return %c0_i32, %arg0, %c0_i32_0 : i32, i32, i32
  }
  func.func @transform_1(%arg0: i32) -> (i32, i32, i32) {
    %c1_i32 = arith.constant 1 : i32
    %c0_i32 = arith.constant 0 : i32
    %c0_i32_0 = arith.constant 0 : i32
    return %c1_i32, %arg0, %c0_i32 : i32, i32, i32
  }
  func.func @transform_2(%arg0: i32) -> (i32, i32) {
    %c0_i32 = arith.constant 0 : i32
    %c0_i32_0 = arith.constant 0 : i32
    %c0_i32_1 = arith.constant 0 : i32
    return %c0_i32, %c0_i32_0 : i32, i32
  }
  func.func @transform_3(%arg0: i32) -> (i32, i32) {
    %c0_i32 = arith.constant 0 : i32
    %c0_i32_0 = arith.constant 0 : i32
    %c0_i32_1 = arith.constant 0 : i32
    return %c0_i32, %c0_i32_0 : i32, i32
  }
  func.func @transform_4(%arg0: i32) -> (i32, i32) {
    %c0_i32 = arith.constant 0 : i32
    %c0_i32_0 = arith.constant 0 : i32
    %c0_i32_1 = arith.constant 0 : i32
    return %c0_i32, %c0_i32_0 : i32, i32
  }
  func.func @transform_5(%arg0: i32) -> (i32, i32) {
    %c0_i32 = arith.constant 0 : i32
    %c0_i32_0 = arith.constant 0 : i32
    %c0_i32_1 = arith.constant 0 : i32
    return %c0_i32, %c0_i32_0 : i32, i32
  }
  func.func @transform_6(%arg0: i32) -> (i32, i32) {
    %c0_i32 = arith.constant 0 : i32
    %c0_i32_0 = arith.constant 0 : i32
    return %arg0, %c0_i32 : i32, i32
  }
  func.func @transform_7(%arg0: i32) -> (i32, i32) {
    %c0_i32 = arith.constant 0 : i32
    %c0_i32_0 = arith.constant 0 : i32
    return %arg0, %c0_i32 : i32, i32
  }
  func.func @transform_8(%arg0: i32) -> (i32, i32) {
    %c0_i32 = arith.constant 0 : i32
    %c0_i32_0 = arith.constant 0 : i32
    return %arg0, %c0_i32 : i32, i32
  }
}

module attributes {stable_mosaic.version = 14 : i64} {
  func.func @_tc_layer_kernel(%arg0: i32, %arg1: memref<1x5000x128xf32, #tpu.memory_space<vmem>>, %arg2: memref<1x5000x128xf32, #tpu.memory_space<vmem>>, %arg3: memref<128x128xf32, #tpu.memory_space<vmem>>, %arg4: memref<1x128xf32, #tpu.memory_space<vmem>>, %arg5: memref<1x128xf32, #tpu.memory_space<vmem>>, %arg6: memref<1x128xf32, #tpu.memory_space<vmem>>, %arg7: memref<5000x128xf32, #tpu.memory_space<vmem>>) attributes {dimension_semantics = [#tpu.dimension_semantics<arbitrary>], iteration_bounds = array<i64: 2>, scalar_prefetch = 0 : i64, scratch_operands = 0 : i64, tpu.core_type = #tpu.core_type<tc>, window_params = [{transform_indices = @transform_0, window_bounds = array<i64: 1, 5000, 128>}, {transform_indices = @transform_1, window_bounds = array<i64: 1, 5000, 128>}, {pipeline_mode = #tpu.pipeline_mode<synchronous>, transform_indices = @transform_2, window_bounds = array<i64: 128, 128>}, {pipeline_mode = #tpu.pipeline_mode<synchronous>, transform_indices = @transform_3, window_bounds = array<i64: 1, 128>}, {pipeline_mode = #tpu.pipeline_mode<synchronous>, transform_indices = @transform_4, window_bounds = array<i64: 1, 128>}, {pipeline_mode = #tpu.pipeline_mode<synchronous>, transform_indices = @transform_5, window_bounds = array<i64: 1, 128>}, {transform_indices = @transform_6, window_bounds = array<i64: 5000, 128>}]} {
    %get3A = arith.constant 0 : index
    %get3A_0 = arith.constant 0 : index
    %get3A_1 = arith.constant 0 : index
    %get3A_2 = vector.load %arg1[%get3A, %get3A_0, %get3A_1] : memref<1x5000x128xf32, #tpu.memory_space<vmem>>, vector<1x5000x128xf32>
    %get3A_3 = vector.shape_cast %get3A_2 : vector<1x5000x128xf32> to vector<5000x128xf32>
    %get3A_4 = arith.constant 0 : index
    %get3A_5 = arith.constant 0 : index
    %get3A_6 = arith.constant 0 : index
    %get3A_7 = vector.load %arg2[%get3A_4, %get3A_5, %get3A_6] : memref<1x5000x128xf32, #tpu.memory_space<vmem>>, vector<1x5000x128xf32>
    %get3A_8 = vector.shape_cast %get3A_7 : vector<1x5000x128xf32> to vector<5000x128xf32>
    %add3A = arith.addf %get3A_3, %get3A_8 : vector<5000x128xf32>
    %get3A_9 = arith.constant 0 : index
    %get3A_10 = arith.constant 0 : index
    %get3A_11 = vector.load %arg3[%get3A_9, %get3A_10] : memref<128x128xf32, #tpu.memory_space<vmem>>, vector<128x128xf32>
    %dot_general3A = arith.constant dense<0.000000e+00> : vector<5000x128xf32>
    %dot_general3A_12 = tpu.matmul %add3A, %get3A_11, %dot_general3A {dimension_numbers = #tpu.dot_dimension_numbers<[1], [0], [0], [1], [0, 0, 1, 1], [], []>, transpose_lhs_hint = false} : vector<5000x128xf32>, vector<128x128xf32>, vector<5000x128xf32> -> vector<5000x128xf32>
    %get3A_13 = arith.constant 0 : index
    %get3A_14 = arith.constant 0 : index
    %get3A_15 = vector.load %arg4[%get3A_13, %get3A_14] : memref<1x128xf32, #tpu.memory_space<vmem>>, vector<1x128xf32>
    %add3A_16 = vector.broadcast %get3A_15 : vector<1x128xf32> to vector<5000x128xf32>
    %add3A_17 = arith.addf %dot_general3A_12, %add3A_16 : vector<5000x128xf32>
    %max3A = arith.constant 0.000000e+00 : f32
    %max3A_18 = vector.broadcast %max3A : f32 to vector<5000x128xf32>
    %max3A_19 = arith.maximumf %add3A_17, %max3A_18 : vector<5000x128xf32>
    %reduce_sum3A = arith.constant dense<0.000000e+00> : vector<5000xf32>
    %reduce_sum3A_20 = vector.multi_reduction <add>, %max3A_19, %reduce_sum3A [1] : vector<5000x128xf32> to vector<5000xf32>
    %broadcast_in_dim3A = vector.shape_cast %reduce_sum3A_20 : vector<5000xf32> to vector<5000x1xf32>
    %div3A = arith.constant 1.280000e+02 : f32
    %div3A_21 = vector.broadcast %div3A : f32 to vector<5000x1xf32>
    %div3A_22 = arith.divf %broadcast_in_dim3A, %div3A_21 : vector<5000x1xf32>
    %sub3A = vector.broadcast %div3A_22 : vector<5000x1xf32> to vector<5000x128xf32>
    %sub3A_23 = arith.subf %max3A_19, %sub3A : vector<5000x128xf32>
    %integer_pow3A = arith.mulf %sub3A_23, %sub3A_23 : vector<5000x128xf32>
    %reduce_sum3A_24 = arith.constant dense<0.000000e+00> : vector<5000xf32>
    %reduce_sum3A_25 = vector.multi_reduction <add>, %integer_pow3A, %reduce_sum3A_24 [1] : vector<5000x128xf32> to vector<5000xf32>
    %broadcast_in_dim3A_26 = vector.shape_cast %reduce_sum3A_25 : vector<5000xf32> to vector<5000x1xf32>
    %div3A_27 = arith.constant 1.280000e+02 : f32
    %div3A_28 = vector.broadcast %div3A_27 : f32 to vector<5000x1xf32>
    %div3A_29 = arith.divf %broadcast_in_dim3A_26, %div3A_28 : vector<5000x1xf32>
    %sub3A_30 = vector.broadcast %div3A_22 : vector<5000x1xf32> to vector<5000x128xf32>
    %sub3A_31 = arith.subf %max3A_19, %sub3A_30 : vector<5000x128xf32>
    %add3A_32 = arith.constant 9.99999974E-6 : f32
    %add3A_33 = vector.broadcast %add3A_32 : f32 to vector<5000x1xf32>
    %add3A_34 = arith.addf %div3A_29, %add3A_33 : vector<5000x1xf32>
    %rsqrt3A = math.rsqrt %add3A_34 : vector<5000x1xf32>
    %mul3A = vector.broadcast %rsqrt3A : vector<5000x1xf32> to vector<5000x128xf32>
    %mul3A_35 = arith.mulf %sub3A_31, %mul3A : vector<5000x128xf32>
    %get3A_36 = arith.constant 0 : index
    %get3A_37 = arith.constant 0 : index
    %get3A_38 = vector.load %arg5[%get3A_36, %get3A_37] : memref<1x128xf32, #tpu.memory_space<vmem>>, vector<1x128xf32>
    %mul3A_39 = vector.broadcast %get3A_38 : vector<1x128xf32> to vector<5000x128xf32>
    %mul3A_40 = arith.mulf %mul3A_35, %mul3A_39 : vector<5000x128xf32>
    %get3A_41 = arith.constant 0 : index
    %get3A_42 = arith.constant 0 : index
    %get3A_43 = vector.load %arg6[%get3A_41, %get3A_42] : memref<1x128xf32, #tpu.memory_space<vmem>>, vector<1x128xf32>
    %add3A_44 = vector.broadcast %get3A_43 : vector<1x128xf32> to vector<5000x128xf32>
    %add3A_45 = arith.addf %mul3A_40, %add3A_44 : vector<5000x128xf32>
    %swap3A = arith.constant 0 : index
    %swap3A_46 = arith.constant 0 : index
    %swap3A_47 = vector.load %arg7[%swap3A, %swap3A_46] : memref<5000x128xf32, #tpu.memory_space<vmem>>, vector<5000x128xf32>
    tpu.vector_store %arg7[%swap3A, %swap3A_46], %add3A_45 {strides = array<i32>} : memref<5000x128xf32, #tpu.memory_space<vmem>>, vector<5000x128xf32>,
    return
  }
  func.func @transform_0(%arg0: i32) -> (i32, i32, i32) {
    %c0_i32 = arith.constant 0 : i32
    %c0_i32_0 = arith.constant 0 : i32
    %c0_i32_1 = arith.constant 0 : i32
    return %c0_i32, %arg0, %c0_i32_0 : i32, i32, i32
  }
  func.func @transform_1(%arg0: i32) -> (i32, i32, i32) {
    %c1_i32 = arith.constant 1 : i32
    %c0_i32 = arith.constant 0 : i32
    %c0_i32_0 = arith.constant 0 : i32
    return %c1_i32, %arg0, %c0_i32 : i32, i32, i32
  }
  func.func @transform_2(%arg0: i32) -> (i32, i32) {
    %c0_i32 = arith.constant 0 : i32
    %c0_i32_0 = arith.constant 0 : i32
    %c0_i32_1 = arith.constant 0 : i32
    return %c0_i32, %c0_i32_0 : i32, i32
  }
  func.func @transform_3(%arg0: i32) -> (i32, i32) {
    %c0_i32 = arith.constant 0 : i32
    %c0_i32_0 = arith.constant 0 : i32
    %c0_i32_1 = arith.constant 0 : i32
    return %c0_i32, %c0_i32_0 : i32, i32
  }
  func.func @transform_4(%arg0: i32) -> (i32, i32) {
    %c0_i32 = arith.constant 0 : i32
    %c0_i32_0 = arith.constant 0 : i32
    %c0_i32_1 = arith.constant 0 : i32
    return %c0_i32, %c0_i32_0 : i32, i32
  }
  func.func @transform_5(%arg0: i32) -> (i32, i32) {
    %c0_i32 = arith.constant 0 : i32
    %c0_i32_0 = arith.constant 0 : i32
    %c0_i32_1 = arith.constant 0 : i32
    return %c0_i32, %c0_i32_0 : i32, i32
  }
  func.func @transform_6(%arg0: i32) -> (i32, i32) {
    %c0_i32 = arith.constant 0 : i32
    %c0_i32_0 = arith.constant 0 : i32
    return %arg0, %c0_i32 : i32, i32
  }
}

</mosaic_0001>

<sc_bundles>
// kernel: kernel.10.cloned.1.call-start
scs
__scs_entry_jumppad:
0x0: {  	(pc) =	sbr.rel $0x88, $3  }
0x1: {  	(tag) =	ssettag $0x0;
	lr =	simm.s32 $0x1  }
0x2: {  	[smem:$0x3F95] =	sst lr;
	_ =	strace $0xD0000000  }
0x3: {  	_ = 	snop  }
0x4: {  	_ = 	snop  }
0x5: {  	_ = 	snop  }
0x6: {  	_ = 	snop  }
0x7: {  	_ = 	snop  }
__scs_overlays_trampoline_lowered:
0x8: {  	[smem:$0x3FA4] =	sst s0  }
0x9: {  	[smem:$0x3FA5] =	sst s1  }
0xa: {  	[smem:$0x3FA6] =	sst s2  }
0xb: {  	[smem:$0x3FA7] =	sst s3  }
0xc: {  	[smem:$0x3FA8] =	sst s4  }
0xd: {  	[smem:$0x3FA9] =	sst s5  }
0xe: {  	[smem:$0x3FAA] =	sst s6  }
0xf: {  	[smem:$0x3FAB] =	sst s7  }
0x10: {  	[smem:$0x3FAC] =	sst s8  }
0x11: {  	[smem:$0x3FAD] =	sst s9;
	s0 =	simm.s32 @!p0 $0x0  }
0x12: {  	s1 =	sld [smem:$0x3F93];
	s0 =	simm.s32 @p0 $0x1  }
0x13: {  	[smem:$0x3FAE] =	sst s0;
	s0 =	simm.s32 @!p1 $0x0  }
0x14: {  	s2 =	sld [smem:$0x3F92];
	s0 =	simm.s32 @p1 $0x1  }
0x15: {  	[smem:$0x3FAF] =	sst s0;
	s0 =	simm.s32 @!p2 $0x0  }
0x16: {  	s3 =	sld [smem:$0x3FDB];
	s0 =	simm.s32 @p2 $0x1  }
0x17: {  	s4 =	simm.s32 $0x1BF5;
	[smem:$0x3FB1] =	sst s0  }
0x18: {  	s0 =	sld [smem:$0x3F94];
	_ =	swait.ge [sflag:s4], $0x0  }
0x19: {  	s7 =	sld [smem:$0x3F95]  }
0x1a: {  	s8 =	sadd.s32 $0xFFFFE003, lr  }
0x1b: {  	s9 =	sadd.s32 $0xFFFFFEF7, lr;
	s5 =	simm.s32 $0xFFFFFFFF;
	p2 =	slt.u32 s8, $0xFFFFF086  }
0x1c: {  	p1 =	slt.u32 s9, $0xF7A;
	s5 =	simm.s32 @!p2 $0x0  }
0x1d: {  	s5 =	simm.s32 @p1 $0x1;
	p0 =	seq.s32 s7, s2  }
0x1e: {  	s7 =	smul.u32 @!p0 $0xF7A, s2;
	p2 =	seq.s32 @!p0 s5, $0x0  }
0x1f: {  	s9 =	smul.u32 $0xF7A, s1;
	s8 =	simm.s32 @!p0 $0x1BF5;
	p2 =	por !p2, p0  }
0x20: {  	[sflag:s8] =	ssyncset.s32 @!p0 $0xFFFFF086;
	s6 =	sadd.s32 @!p0 s3, s7;
	s7 =	simm.s32 @!p0 $0x108  }
0x21: {  	s3 =	sadd.s32 s3, s9;
	s6 =	sadd.s32 @!p0 $0x88, s6;
	s7 =	simm.s32 @p2 $0x1082  }
0x22: {  	[simem:s7], [sflag:s8] =	dma.local @!p0 [hbm:s6], $0xF7A  }
0x23: {  	s9 =	sor.u32 $0xD0000000, s2;
	s6 =	simm.s32 $0x108;
	_ =	swait.ge @!p0 [sflag:s8], $0x0  }
0x24: {  	s3 =	sadd.s32 $0x88, s3;
	s6 =	simm.s32 @!p1 $0x1082;
	[sflag:s4] =	ssyncset.s32 $0xFFFFF086  }
0x25: {  	[simem:s6], [sflag:s4] =	dma.local [hbm:s3], $0xF7A  }
0x26: {  	[smem:$0x3F95] =	sst s1;
	(tag) =	ssettag s2;
	_ =	strace s9  }
0x27: {  	s1 =	sld [smem:$0x3FA5]  }
0x28: {  	s2 =	sld [smem:$0x3FA6]  }
0x29: {  	s4 =	sld [smem:$0x3FA8]  }
0x2a: {  	p0 =	seq.s32 s5, $0x0;
	s5 =	sld [smem:$0x3FA9]  }
0x2b: {  	s6 =	sld [smem:$0x3FAA]  }
0x2c: {  	s7 =	sld [smem:$0x3FAB]  }
0x2d: {  	s3 =	simm.s32 $0x108;
	s8 =	sld [smem:$0x3FAC]  }
0x2e: {  	s3 =	simm.s32 @!p0 $0x1082;
	s9 =	sld [smem:$0x3FAD]  }
0x2f: {  	lr =	sadd.s32 s0, s3;
	s0 =	sld [smem:$0x3FA4]  }
0x30: {  	s3 =	sld [smem:$0x3FA7]  }
0x31: {  	[smem:$0x3FB0] =	sst s10  }
0x32: {  	s10 =	sld [smem:$0x3FAE];
	_ =	sdelay $0x3  }
0x33: {  	p0 =	seq.s32 s10, $0x1;
	s10 =	sld [smem:$0x3FB0];
	_ =	sdelay $0x3  }
0x34: {  	[smem:$0x3FB0] =	sst s10  }
0x35: {  	s10 =	sld [smem:$0x3FAF];
	_ =	sdelay $0x3  }
0x36: {  	p1 =	seq.s32 s10, $0x1;
	s10 =	sld [smem:$0x3FB0];
	_ =	sdelay $0x3  }
0x37: {  	[smem:$0x3FB0] =	sst s10  }
0x38: {  	s10 =	sld [smem:$0x3FB1]  }
0x39: {  	_ = 	snop;
	(pc) =	sbr.ind lr, $3  }
0x3a: {  	_ = 	snop  }
0x3b: {  	_ = 	snop  }
0x3c: {  	p2 =	seq.s32 s10, $0x1;
	s10 =	sld [smem:$0x3FB0]  }
0x3d: {  	_ =	shalt  }
0x3e: {  	_ =	shalt  }
0x3f: {  	_ =	shalt  }
0x40: {  	_ =	shalt  }
0x41: {  	_ =	shalt  }
0x42: {  	_ =	shalt  }
0x43: {  	_ =	shalt  }
0x44: {  	_ =	shalt  }
0x45: {  	_ =	shalt  }
0x46: {  	_ =	shalt  }
0x47: {  	_ =	shalt  }
0x48: {  	_ =	shalt  }
0x49: {  	_ =	shalt  }
0x4a: {  	_ =	shalt  }
0x4b: {  	_ =	shalt  }
0x4c: {  	_ =	shalt  }
0x4d: {  	_ =	shalt  }
0x4e: {  	_ =	shalt  }
0x4f: {  	_ =	shalt  }
0x50: {  	_ =	shalt  }
0x51: {  	_ =	shalt  }
0x52: {  	_ =	shalt  }
0x53: {  	_ =	shalt  }
0x54: {  	_ =	shalt  }
0x55: {  	_ =	shalt  }
0x56: {  	_ =	shalt  }
0x57: {  	_ =	shalt  }
0x58: {  	_ =	shalt  }
0x59: {  	_ =	shalt  }
0x5a: {  	_ =	shalt  }
0x5b: {  	_ =	shalt  }
0x5c: {  	_ =	shalt  }
0x5d: {  	_ =	shalt  }
0x5e: {  	_ =	shalt  }
0x5f: {  	_ =	shalt  }
0x60: {  	_ =	shalt  }
0x61: {  	_ =	shalt  }
0x62: {  	_ =	shalt  }
0x63: {  	_ =	shalt  }
0x64: {  	_ =	shalt  }
0x65: {  	_ =	shalt  }
0x66: {  	_ =	shalt  }
0x67: {  	_ =	shalt  }
0x68: {  	_ =	shalt  }
0x69: {  	_ =	shalt  }
0x6a: {  	_ =	shalt  }
0x6b: {  	_ =	shalt  }
0x6c: {  	_ =	shalt  }
0x6d: {  	_ =	shalt  }
0x6e: {  	_ =	shalt  }
0x6f: {  	_ =	shalt  }
0x70: {  	_ =	shalt  }
0x71: {  	_ =	shalt  }
0x72: {  	_ =	shalt  }
0x73: {  	_ =	shalt  }
0x74: {  	_ =	shalt  }
0x75: {  	_ =	shalt  }
0x76: {  	_ =	shalt  }
0x77: {  	_ =	shalt  }
0x78: {  	_ =	shalt  }
0x79: {  	_ =	shalt  }
0x7a: {  	_ =	shalt  }
0x7b: {  	_ =	shalt  }
0x7c: {  	_ =	shalt  }
0x7d: {  	_ =	shalt  }
0x7e: {  	_ =	shalt  }
0x7f: {  	_ =	shalt  }
0x80: {  	_ =	shalt  }
0x81: {  	_ =	shalt  }
0x82: {  	_ =	shalt  }
0x83: {  	_ =	shalt  }
0x84: {  	_ =	shalt  }
0x85: {  	_ =	shalt  }
0x86: {  	_ =	shalt  }
0x87: {  	_ =	shalt  }
.Lfunc_end0:
.L_simem_size_0:
called_computation.1_lowered:
.L_overlay_start_0:
0x88: {  	s2 =	sld [smem:$0x3FD9]  }
0x89: {  	s3 =	sld [smem:$0x3FFE];
	_ =	sdelay $0x1  }
0x8a: {  	s1 =	srdreg.scid  }
0x8b: {  	s0 =	sand.u32 $0x1, s1  }
0x8c: {  	s16 =	sshll.u32 s0, $0xA;
	s2 =	sadd.s32 s3, s2  }
0x8d: {  	s2 =	sadd.s32 s2, s16  }
0x8e: {  	[smem:$0x3FBC] =	sst s2  }
0x8f: {  	_ = 	snop  }
0x90: {  	(tm) =	ssettm $0x1  }
0x91: {  	s17 =	sld [smem:$0x3FFB];
	_ =	sdelay $0x3  }
0x92: {  	_ =	strace s17  }
0x93: {  	s2 =	sld [smem:$0x3FFC];
	_ =	sdelay $0x3  }
0x94: {  	_ =	strace s2  }
0x95: {  	s2 =	sld [smem:$0x3FFD];
	_ =	sdelay $0x3  }
0x96: {  	_ =	strace s2  }
0x97: {  	_ =	strace $0x8FFFFFFF  }
0x98: {  	s18 =	sld [smem:$0x3FDB];
	_ =	sdelay $0x1  }
0x99: {  	s19 =	simm.s32 $_scs_section_size  }
0x9a: {  	s4 =	simm.s32 $_size__tile_overlayer_lowered;
	s5 =	simm.s32 $_tile_overlayer_lowered  }
0x9b: {  	s22 =	simm.s32 $0x1BFF;
	s21 =	sshll.u32 s5, $0x1;
	s2 =	sadd.s32 s19, s18  }
0x9c: {  	s6 =	simm.s32 $0x0;
	s20 =	sshll.u32 s4, $0x1;
	s4 =	sadd.s32 s21, s2  }
0x9d: {  	[timem:s6], [sflag:s22] =	dma.local [hbm:s4], s20  }
0x9e: {  	_ =	swait.ge [sflag:s22], s20  }
0x9f: {  	s3 =	ssub.s32 $0x0, s20;
	[sflag:s22] =	ssyncset.done $0x0  }
0xa0: {  	[sflag:s22] =	ssyncadd.s32 s3;
	_ =	sdelay $0x1  }
0xa1: {  	s23 =	simm.s32 $0x1B8B  }
0xa2: {  	_ =	swait.ge [sflag:s23], $0x1  }
0xa3: {  	[sflag:s23] =	ssyncset.done $0x0  }
0xa4: {  	s25 =	simm.s32 $0x1B8E;
	s24 =	sld [smem:$0x3FFE];
	[sflag:s23] =	ssyncadd.s32 $0xFFFFFFFF  }
0xa5: {  	s26 =	simm.s32 $execute0_lowered;
	[smem:$0x3FD2] =	sst s25  }
0xa6: {  	s4 =	sshll.u32 s26, $0x1;
	_ =	strace $0x80000049;
	[dreg:$0x1] =	wrdreg $0xFFFFFFFF  }
0xa7: {  	s28 =	simm.s32 $_size_execute0_lowered;
	s2 =	sadd.s32 s2, s4;
	[dreg:$0x0] =	wrdreg $0x0  }
0xa8: {  	s4 =	sshll.u32 s28, $0x1;
	[dreg:$0x2] =	wrdreg s2  }
0xa9: {  	[dreg:$0x3] =	wrdreg s4  }
0xaa: {  	[dreg:$0x4] =	wrdreg $0xC0  }
0xab: {  	_ =	task [dreg:s6], $0x5FFFF  }
0xac: {  	[dreg:$0x1] =	wrdreg $0xFFFFFFFF  }
0xad: {  	[dreg:$0x0] =	wrdreg $0x60  }
0xae: {  	[dreg:$0x2] =	wrdreg s24  }
0xaf: {  	[dreg:$0x3] =	wrdreg $0xBC000  }
0xb0: {  	[dreg:$0x4] =	wrdreg $0x9  }
0xb1: {  	_ =	task.clear_ibuf [dreg:s6], $0x5FFFF;
	_ =	strace $0x90000049  }
0xb2: {  	s29 =	simm.s32 $0x9;
	_ =	strace $0x8000004B  }
0xb3: {  	_ =	swait.ge [sflag:s29], $0x1  }
0xb4: {  	[sflag:s29] =	ssyncadd.s32 $0xFFFFFFFF  }
0xb5: {  	_ =	strace $0x9000004B  }
0xb6: {  	_ =	sfence  }
0xb7: {  	s30 =	sld [smem:$0x0];
	_ =	sdelay $0x2  }
0xb8: {  	s31 =	sshll.u32 s1, $0xD;
	s1 =	sshrl.u32 s1, $0x2  }
0xb9: {  	s3 =	sand.u32 $0x4000, s31;
	s1 =	sadd.s32 s1, s30  }
0xba: {  	s0 =	sor.u32 s3, s0;
	s1 =	sshll.u32 s1, $0x11  }
0xbb: {  	s0 =	sor.u32 s1, s0  }
0xbc: {  	s0 =	sadd.s32 $0x8F2B, s0  }
0xbd: {  	[sflag:s0] =	ssyncadd.remote.s32 $0x1  }
0xbe: {  	_ =	sfence.sel $0xFFFF  }
0xbf: {  	[dreg:$0x0] =	wrdreg $0xFFFFFFFF;
	(pc) =	sbr.abs _section_cstart, $3  }
0xc0: {  	[dreg:$0x1] =	wrdreg $0xFFFFFFFF  }
0xc1: {  	_ =	task.clear_ibuf [dreg:s6], $0x2FFFF;
	_ =	strace $0x9FFFFFFF  }
0xc2: {  	(tm) =	ssettm $0x7FFFFFFF  }
0xc3: {  	_ =	shalt  }
tec
execute0_lowered:
.L_overlay_start_1:
0x0: {  	(tag) =	ssettag $0x1  }
0x1: {  	s0 =	rddreg [dreg:$0x0]  }
0x2: {  	s1 =	rddreg [dreg:$0x1];
	s2 =	simm.s32 $0x0;
	s3 =	srdreg.scid  }
0x3: {  	s12 =	stileid.u32;
	s28 =	simm.s32 $0x2;
	s29 =	simm.s32 $0x3  }
0x4: {  	s30 =	simm.s32 $0x4;
	[smem:$0x7FF] =	sst s2;
	s4 =	sadd.s32 $0x21200, s0  }
0x5: {  	s5 =	sadd.s32 $0x17200, s0;
	s3 =	sand.u32 $0x1, s3;
	s6 =	sadd.s32 $0xD200, s0  }
0x6: {  	s9 =	smul.u32 $0x50000, s12;
	s7 =	sadd.s32 $0x3200, s0;
	s0 =	sadd.s32 $0x48400, s0  }
0x7: {  	s11 =	sshll.u32 s12, $0x1;
	s12 =	smul.u32 $0x14000, s12;
	_ =	strace $0x8000004A  }
0x8: {  	s8 =	ssub.s32 $0x2, s3;
	s13 =	sor.u32 s3, s11;
	s3 =	smul.u32 $0x140000, s3  }
0x9: {  	s10 =	sshrl.u32 s8, $0x1;
	s9 =	sshrl.u32 s9, $0x2;
	s15 =	sadd.s32 $0x4000, s12  }
0xa: {  	s16 =	sadd.s32 $0x8000, s12;
	s17 =	sadd.s32 $0xC000, s12;
	s18 =	sadd.s32 $0x10000, s12  }
0xb: {  	s13 =	smul.u32 $0x50, s13;
	s14 =	ssub.s32 s8, s10;
	s8 =	sadd.s32 s9, s1  }
0xc: {  	s9 =	sadd.s32 s15, s1;
	s31 =	sadd.s32 s16, s1;
	s11 =	sadd.s32 s17, s1  }
0xd: {  	s19 =	sadd.s32 s12, s3;
	s12 =	sadd.s32 s18, s1;
	s15 =	sadd.s32 s3, s15  }
0xe: {  	s22 =	sadd.s32 s3, s16;
	s23 =	sadd.s32 s3, s17;
	[dreg:$0x3] =	wrdreg s11  }
0xf: {  	s3 =	sadd.s32 s3, s18;
	[dreg:$0x4] =	wrdreg s12;
	s19 =	sshrl.u32 s19, $0x3  }
0x10: {  	s15 =	sshrl.u32 s15, $0x3;
	s16 =	sshrl.u32 s23, $0x3;
	s3 =	sshrl.u32 s3, $0x3  }
0x11: {  	s26 =	smax.u32 s14, $0x1;
	s23 =	simm.s32 $0x2800;
	s20 =	sadd.s32 s0, s19  }
0x12: {  	s21 =	sadd.s32 s0, s15;
	s15 =	sshrl.u32 s22, $0x3;
	[dreg:$0xa] =	wrdreg s26  }
.Ltmp0:
0x13: {  	s25 =	sadd.s32 s0, s16;
	[dreg:$0x5] =	wrdreg s20;
	(pc) =	sbr.rel .LBB2_1-.Ltmp0, $4  }
0x14: {  	s22 =	simm.s32 $0x1400;
	s26 =	simm.s32 $0x1;
	[dreg:$0x6] =	wrdreg s21  }
0x15: {  	s24 =	sadd.s32 s0, s15;
	[dreg:$0x8] =	wrdreg s25;
	s0 =	sadd.s32 s0, s3  }
0x16: {  	s20 =	simm.s32 $0x3C00;
	s21 =	simm.s32 $0x5;
	[dreg:$0x7] =	wrdreg s24  }
0x17: {  	v0 =	vimm.f32 $0.0e+00;
	s25 =	simm.s32 $0x7C00;
	[dreg:$0x9] =	wrdreg s0;
	s24 =	simm.s32 $0x80  }
.LBB2_12:
0x18: {  	s0 =	stileid.u32  }
0x19: {  	[bflag:$0x0] =	sbarrier.arrive $0xFFFF;
	s0 =	sshll.u32 s0, $0x6  }
0x1a: {  	s3 =	sshrl.u32 s10, $0x3;
	s9 =	rddreg [dreg:$0x5];
	s0 =	sor.u32 $0x1C05, s0  }
0x1b: {  	[hbm:s9], [sflag:s0] =	dma.local [spmem:s3], $0x800  }
0x1c: {  	_ =	swait.ge [sflag:s21], $0x800  }
0x1d: {  	s8 =	smov.u32 s10;
	s10 =	sshrl.u32 s11, $0x3;
	[sflag:s21] =	ssyncset.done $0x0  }
0x1e: {  	s9 =	smov.u32 s11;
	s11 =	rddreg [dreg:$0x6];
	[sflag:s21] =	ssyncadd.s32 $0xFFFFF800  }
0x1f: {  	[hbm:s11], [sflag:s0] =	dma.local [spmem:s10], $0x800  }
0x20: {  	_ =	swait.ge [sflag:s21], $0x800  }
0x21: {  	s31 =	smov.u32 s12;
	[sflag:s21] =	ssyncset.done $0x0  }
0x22: {  	s12 =	sshrl.u32 s12, $0x3;
	s14 =	rddreg [dreg:$0x7];
	[sflag:s21] =	ssyncadd.s32 $0xFFFFF800  }
0x23: {  	[hbm:s14], [sflag:s0] =	dma.local [spmem:s12], $0x800  }
0x24: {  	_ =	swait.ge [sflag:s21], $0x800  }
0x25: {  	[sflag:s21] =	ssyncset.done $0x0;
	s15 =	rddreg [dreg:$0x3]  }
0x26: {  	s16 =	rddreg [dreg:$0x8];
	[sflag:s21] =	ssyncadd.s32 $0xFFFFF800;
	s3 =	sshrl.u32 s15, $0x3  }
0x27: {  	[hbm:s16], [sflag:s0] =	dma.local [spmem:s3], $0x800  }
0x28: {  	_ =	swait.ge [sflag:s21], $0x800  }
0x29: {  	[sflag:s21] =	ssyncset.done $0x0;
	s17 =	rddreg [dreg:$0x4]  }
0x2a: {  	s18 =	rddreg [dreg:$0x9];
	[sflag:s21] =	ssyncadd.s32 $0xFFFFF800;
	s3 =	sshrl.u32 s17, $0x3  }
0x2b: {  	[hbm:s18], [sflag:s0] =	dma.local [spmem:s3], $0x800  }
0x2c: {  	_ =	swait.ge [sflag:s21], $0x800  }
0x2d: {  	s2 =	sadd.s32 $0x1, s2;
	s19 =	rddreg [dreg:$0xa]  }
0x2e: {  	p0 =	sne.s32 s2, s19  }
.Ltmp1:
0x2f: {  	_ = 	snop;
	(pc) =	sbr.rel @!p0 .LBB2_13-.Ltmp1, $3  }
0x30: {  	_ =	sdelay $0x1  }
0x31: {  	[sflag:s21] =	ssyncset.done $0x0  }
0x32: {  	[sflag:s21] =	ssyncadd.s32 $0xFFFFF800  }
.LBB2_1:
0x33: {  	s0 =	simm.s32 $0x0;
	s3 =	simm.s32 $0x200  }
.LBB2_2:
0x34: {  	p0 =	sne.s32 s3, $0xFE00;
	[tilespmem:s0+$0x3C70] =	vst v0  }
0x35: {  	[tilespmem:s0+$0x3C00] =	vst v0  }
0x36: {  	[tilespmem:s0+$0x3C10] =	vst v0  }
.Ltmp2:
0x37: {  	[tilespmem:s0+$0x3C20] =	vst v0;
	(pc) =	sbr.rel @p0 .LBB2_2-.Ltmp2, $4  }
0x38: {  	[tilespmem:s0+$0x3C30] =	vst v0  }
0x39: {  	[tilespmem:s0+$0x3C40] =	vst v0  }
0x3a: {  	[tilespmem:s0+$0x3C50] =	vst v0  }
0x3b: {  	[tilespmem:s0+$0x3C60] =	vst v0;
	s0 =	sshra.s32 s3, $0x2;
	s3 =	sadd.s32 $0x200, s3  }
0x3c: {  	[tilespmem:s0+$0x3C70] =	vst v0  }
0x3d: {  	[tilespmem:s0+$0x3C00] =	vst v0  }
0x3e: {  	[tilespmem:s0+$0x3C10] =	vst v0  }
0x3f: {  	[tilespmem:s0+$0x3C20] =	vst v0  }
0x40: {  	[tilespmem:s0+$0x3C30] =	vst v0  }
0x41: {  	[tilespmem:s0+$0x3C40] =	vst v0  }
0x42: {  	[tilespmem:s0+$0x3C50] =	vst v0  }
0x43: {  	[tilespmem:s0+$0x3C60] =	vst v0  }
0x44: {  	[spmem:s8] =	stream.linear.scatter [tilespmem:s20], [sflag:$0x5], $0x4000, $0x38;
	[tilespmem:$0x1FC00] =	vst v63  }
0x45: {  	_ =	swait.ge [sflag:s21], $0x4000  }
0x46: {  	[sflag:s21] =	ssyncset.done $0x0  }
0x47: {  	[sflag:s21] =	ssyncadd.s32 $0xFFFFC000  }
0x48: {  	[spmem:s9] =	stream.linear.scatter [tilespmem:s20], [sflag:$0x5], $0x4000, $0x38;
	[tilespmem:$0x1FC00] =	vst v63  }
0x49: {  	_ =	swait.ge [sflag:s21], $0x4000  }
0x4a: {  	[sflag:s21] =	ssyncset.done $0x0  }
0x4b: {  	[sflag:s21] =	ssyncadd.s32 $0xFFFFC000  }
0x4c: {  	[spmem:s31] =	stream.linear.scatter [tilespmem:s20], [sflag:$0x5], $0x4000, $0x38;
	[tilespmem:$0x1FC00] =	vst v63  }
0x4d: {  	_ =	swait.ge [sflag:s21], $0x4000  }
0x4e: {  	[sflag:s21] =	ssyncset.done $0x0  }
0x4f: {  	s18 =	rddreg [dreg:$0x3];
	[sflag:s21] =	ssyncadd.s32 $0xFFFFC000  }
0x50: {  	[spmem:s18] =	stream.linear.scatter [tilespmem:s20], [sflag:$0x5], $0x4000, $0x38;
	[tilespmem:$0x1FC00] =	vst v63  }
0x51: {  	_ =	swait.ge [sflag:s21], $0x4000  }
0x52: {  	[sflag:s21] =	ssyncset.done $0x0  }
0x53: {  	s19 =	rddreg [dreg:$0x4];
	[sflag:s21] =	ssyncadd.s32 $0xFFFFC000  }
0x54: {  	[spmem:s19] =	stream.linear.scatter [tilespmem:s20], [sflag:$0x5], $0x4000, $0x38;
	[tilespmem:$0x1FC00] =	vst v63  }
.Ltmp3:
0x55: {  	_ =	swait.ge [sflag:s21], $0x4000;
	(pc) =	sbr.rel .LBB2_4-.Ltmp3, $4  }
0x56: {  	[sflag:s21] =	ssyncset.done $0x0  }
0x57: {  	s10 =	smov.u32 s8;
	[sflag:s21] =	ssyncadd.s32 $0xFFFFC000  }
0x58: {  	s11 =	smov.u32 s9;
	s12 =	smov.u32 s31;
	[bflag:$0x0] =	sbarrier.arrive $0xFFFF  }
0x59: {  	p1 =	por $0x1, $0x1;
	s0 =	simm.s32 $0x0;
	s31 =	simm.s32 $0x0  }
.LBB2_11:
0x5a: {  	_ =	swait.ge [sflag:s29], $0x4000  }
.Ltmp4:
0x5b: {  	[sflag:s29] =	ssyncset.done $0x0;
	(pc) =	sbr.rel @!p0 .LBB2_12-.Ltmp4, $4  }
0x5c: {  	[sflag:s29] =	ssyncadd.s32 $0xFFFFC000  }
0x5d: {  	_ =	swait.ge [sflag:s30], $0x4000  }
0x5e: {  	[sflag:s30] =	ssyncset.done $0x0  }
0x5f: {  	s0 =	simm.s32 $0x28;
	p1 =	por $0x0, $0x0;
	[sflag:s30] =	ssyncadd.s32 $0xFFFFC000  }
.LBB2_4:
0x60: {  	s0 =	sadd.s32 s13, s0  }
0x61: {  	s0 =	sshll.u32 s0, $0x4  }
0x62: {  	s3 =	sadd.s32 s6, s0  }
0x63: {  	[tilespmem:s31], [sflag:$0x5] =	stream.linear.gather [hbm4b:s3+s31], $0x1400, $0x38;
	[tilespmem:$0x1FC00] =	vst v63  }
0x64: {  	_ =	swait.ge [sflag:s21], $0x1400  }
0x65: {  	[sflag:s21] =	ssyncset.done $0x0  }
0x66: {  	s19 =	sadd.s32 s5, s0;
	[sflag:s21] =	ssyncadd.s32 $0xFFFFEC00  }
0x67: {  	[tilespmem:s22], [sflag:$0x5] =	stream.linear.gather [hbm4b:s19+s31], $0x1400, $0x38;
	[tilespmem:$0x1FC00] =	vst v63  }
0x68: {  	_ =	swait.ge [sflag:s21], $0x1400  }
0x69: {  	[sflag:s21] =	ssyncset.done $0x0  }
0x6a: {  	s0 =	sadd.s32 s7, s0;
	[sflag:s21] =	ssyncadd.s32 $0xFFFFEC00  }
0x6b: {  	[tilespmem:s23], [sflag:$0x5] =	stream.linear.gather [hbm4b:s0+s31], $0x1400, $0x38;
	[tilespmem:$0x1FC00] =	vst v63  }
0x6c: {  	_ =	swait.ge [sflag:s21], $0x1400  }
0x6d: {  	[sflag:s21] =	ssyncset.done $0x0  }
0x6e: {  	[sflag:s21] =	ssyncadd.s32 $0xFFFFEC00  }
0x6f: {  	[tilespmem:s20], [sflag:$0x1] =	stream.indirect.gather [hbm4b:s4+s24], $0x80, s31, s24, $0xb8;
	[tilespmem:$0x1FC00] =	vst v63  }
0x70: {  	p0 =	por p1, p1;
	s0 =	simm.s32 $0x0  }
0x71: {  	[tilespmem:s25], [sflag:$0x2] =	stream.indirect.gather [hbm4b:s4+s24], $0x80, s24, s24, $0xb8;
	[tilespmem:$0x1FC00] =	vst v63  }
.LBB2_5:
0x72: {  	_ =	swait.ge [sflag:s26], $0x4000  }
0x73: {  	[sflag:s26] =	ssyncset.done $0x0  }
0x74: {  	s15 =	simm.s32 $0x3D00;
	[sflag:s26] =	ssyncadd.s32 $0xFFFFC000  }
0x75: {  	v2 =	vld [tilespmem:s15+$0x90]  }
0x76: {  	v6 =	vld [tilespmem:s15+$0xFFFFFFF0]  }
0x77: {  	v8 =	vld [tilespmem:s15+$0xB0]  }
0x78: {  	v5 =	vld [tilespmem:s15+$0x40]  }
0x79: {  	v14 =	vld [tilespmem:s15+$0xA0]  }
0x7a: {  	v27 =	vld [tilespmem:s15+$0xE0]  }
0x7b: {  	v18 =	vld [tilespmem:s15+$0x80]  }
0x7c: {  	s14 =	sshll.u32 s0, $0xA;
	v1 =	vld [tilespmem:s15+$0xD0]  }
0x7d: {  	s3 =	sshrl.u32 s14, $0x2;
	v3 =	vld [tilespmem:s15+$0x30]  }
0x7e: {  	s16 =	sadd.s32 $0x2800, s3;
	v9 =	vld [tilespmem:s15+$0x0]  }
0x7f: {  	v4 =	vmov s16;
	v13 =	vld [tilespmem:s15+$0x10]  }
0x80: {  	v20 =	vld [tilespmem:s15+$0xC0]  }
0x81: {  	v25 =	vld [tilespmem:s15+$0xFFFFFF80]  }
0x82: {  	s8 =	simm.s32 $0x0;
	v19 =	vld [tilespmem:s15+$0xFFFFFF00]  }
0x83: {  	s17 =	sand.u32 $0x70, s8;
	v15 =	vld [tilespmem:s15+$0xFFFFFFB0]  }
0x84: {  	v12 =	vld.idx.msk [tilespmem:v4+s17+$0x0 ss:$0x1], $0xffff  }
0x85: {  	v10 =	vld [tilespmem:s15+$0xFFFFFF20]  }
0x86: {  	s16 =	sand.u32 $0xC, s8;
	v21 =	vld [tilespmem:s15+$0xF0]  }
0x87: {  	v11 =	vld [tilespmem:s15+$0x70];
	s9 =	sor.u32 $0x2, s16;
	s18 =	sor.u32 $0x3, s16  }
0x88: {  	v24 =	vld [tilespmem:s15+$0xFFFFFFA0];
	s19 =	sor.u32 $0x1, s16;
	v7 =	vmov s16;
	v22 =	vmov s9;
	v16 =	vmov s18  }
0x89: {  	v23 =	vld [tilespmem:s15+$0xFFFFFF90];
	v17 =	vmov s19;
	v7 =	vperm.xlane v12, v7;
	v16 =	vperm.xlane v12, v16  }
0x8a: {  	v17 =	vperm.xlane v12, v17;
	v12 =	vperm.xlane v12, v22;
	v22 =	vld [tilespmem:s15+$0x60]  }
0x8b: {  	v28 =	vmul.f32 v19, v7;
	v19 =	vld [tilespmem:s15+$0x50];
	v26 =	vmul.f32 v18, v16  }
0x8c: {  	s16 =	simm.s32 $0x4;
	s17 =	simm.s32 $0x3D00;
	v25 =	vmul.f32 v25, v17;
	v18 =	vld [tilespmem:s15+$0xFFFFFFC0];
	v27 =	vmul.f32 v27, v16  }
.LBB2_6:
0x8d: {  	p1 =	sne.s32 s16, $0x7C  }
0x8e: {  	[tilespmem:s15+$0xFFFFFF00] =	vst v28;
	v28 =	vld [tilespmem:s15+$0xFFFFFF40];
	v24 =	vmul.f32 v24, v17;
	v20 =	vmul.f32 v20, v16;
	s17 =	sadd.s32 $0x200, s17;
	s18 =	smov.u32 s16;
	s16 =	sadd.s32 $0x4, s16  }
0x8f: {  	v21 =	vmul.f32 v21, v16;
	v29 =	vld [tilespmem:s15+$0xFFFFFF10];
	v23 =	vmul.f32 v23, v17;
	[tilespmem:s15+$0x80] =	vst v26  }
0x90: {  	v14 =	vmul.f32 v14, v16;
	v26 =	vld [tilespmem:s15+$0xFFFFFFE0];
	v22 =	vmul.f32 v22, v12;
	[tilespmem:s15+$0xE0] =	vst v27  }
0x91: {  	v6 =	vmul.f32 v6, v17;
	[tilespmem:s15+$0xFFFFFF80] =	vst v25;
	v25 =	vld [tilespmem:s15+$0xFFFFFFD0];
	v19 =	vmul.f32 v19, v12  }
0x92: {  	v8 =	vmul.f32 v8, v16;
	v27 =	vld [tilespmem:s15+$0xFFFFFF30];
	v18 =	vmul.f32 v18, v17;
	[tilespmem:s15+$0xC0] =	vst v20  }
0x93: {  	v5 =	vmul.f32 v5, v12;
	v2 =	vmul.f32 v2, v16;
	v20 =	vld [tilespmem:s15+$0xFFFFFF60];
	[tilespmem:s15+$0xA0] =	vst v14  }
0x94: {  	v13 =	vmul.f32 v13, v12;
	v29 =	vmul.f32 v29, v7;
	v14 =	vld [tilespmem:s15+$0xFFFFFF50];
	[tilespmem:s15+$0xB0] =	vst v8  }
0x95: {  	v8 =	vmul.f32 v9, v12;
	v26 =	vmul.f32 v26, v17;
	v9 =	vld [tilespmem:s15+$0x20];
	[tilespmem:s15+$0x90] =	vst v2  }
0x96: {  	v15 =	vmul.f32 v15, v17;
	v30 =	vld [tilespmem:s15+$0xFFFFFF70];
	v17 =	vmul.f32 v25, v17;
	[tilespmem:s15+$0xF0] =	vst v21  }
0x97: {  	v10 =	vmul.f32 v10, v7;
	v11 =	vmul.f32 v11, v12;
	v2 =	vld [tilespmem:s17+$0x90];
	[tilespmem:s15+$0xFFFFFFA0] =	vst v24  }
0x98: {  	v21 =	vmul.f32 v27, v7;
	v24 =	vmul.f32 v28, v7;
	[tilespmem:s15+$0x10] =	vst v13  }
0x99: {  	v27 =	vmul.f32 v20, v7;
	v25 =	vmul.f32 v14, v7;
	[tilespmem:s15+$0x0] =	vst v8  }
0x9a: {  	v3 =	vmul.f32 v3, v12;
	[tilespmem:s15+$0xFFFFFFF0] =	vst v6;
	v9 =	vmul.f32 v9, v12  }
0x9b: {  	v1 =	vmul.f32 v1, v16;
	v7 =	vmul.f32 v30, v7;
	[tilespmem:s15+$0xFFFFFFB0] =	vst v15  }
0x9c: {  	[tilespmem:s15+$0xFFFFFF90] =	vst v23  }
0x9d: {  	[tilespmem:s15+$0xFFFFFF20] =	vst v10  }
0x9e: {  	[tilespmem:s15+$0x30] =	vst v3  }
0x9f: {  	[tilespmem:s15+$0xD0] =	vst v1  }
0xa0: {  	[tilespmem:s15+$0x70] =	vst v11  }
0xa1: {  	v6 =	vld [tilespmem:s17+$0xFFFFFFF0];
	[tilespmem:s15+$0x60] =	vst v22  }
0xa2: {  	v8 =	vld [tilespmem:s17+$0xB0];
	[tilespmem:s15+$0x40] =	vst v5  }
0xa3: {  	v5 =	vld [tilespmem:s17+$0x40];
	[tilespmem:s15+$0xFFFFFF70] =	vst v7  }
0xa4: {  	v14 =	vld [tilespmem:s17+$0xA0];
	[tilespmem:s15+$0x20] =	vst v9  }
0xa5: {  	v30 =	vld [tilespmem:s17+$0xE0];
	[tilespmem:s15+$0xFFFFFF40] =	vst v24  }
0xa6: {  	v31 =	vld [tilespmem:s17+$0x80];
	[tilespmem:s15+$0x50] =	vst v19  }
0xa7: {  	v1 =	vld [tilespmem:s17+$0xD0];
	[tilespmem:s15+$0xFFFFFFD0] =	vst v17  }
0xa8: {  	v3 =	vld [tilespmem:s17+$0x30];
	[tilespmem:s15+$0xFFFFFF30] =	vst v21  }
0xa9: {  	v9 =	vld [tilespmem:s17+$0x0];
	[tilespmem:s15+$0xFFFFFF10] =	vst v29  }
0xaa: {  	v13 =	vld [tilespmem:s17+$0x10];
	[tilespmem:s15+$0xFFFFFFC0] =	vst v18  }
0xab: {  	v20 =	vld [tilespmem:s17+$0xC0];
	[tilespmem:s15+$0xFFFFFFE0] =	vst v26  }
0xac: {  	v18 =	vld [tilespmem:s17+$0xFFFFFF80];
	[tilespmem:s15+$0xFFFFFF60] =	vst v27  }
0xad: {  	s19 =	sand.u32 $0x70, s18;
	v19 =	vld [tilespmem:s17+$0xFFFFFF00];
	[tilespmem:s15+$0xFFFFFF50] =	vst v25;
	s15 =	smov.u32 s17  }
0xae: {  	v12 =	vld.idx.msk [tilespmem:v4+s19+$0x0 ss:$0x1], $0xffff  }
0xaf: {  	v15 =	vld [tilespmem:s17+$0xFFFFFFB0]  }
0xb0: {  	v10 =	vld [tilespmem:s17+$0xFFFFFF20]  }
0xb1: {  	s18 =	sand.u32 $0xC, s18;
	v21 =	vld [tilespmem:s17+$0xF0]  }
0xb2: {  	s8 =	sor.u32 $0x2, s18;
	s9 =	sor.u32 $0x3, s18;
	s19 =	sor.u32 $0x1, s18;
	v11 =	vld [tilespmem:s17+$0x70]  }
.Ltmp5:
0xb3: {  	v16 =	vmov s9;
	v22 =	vmov s8;
	v7 =	vmov s18;
	v24 =	vld [tilespmem:s17+$0xFFFFFFA0];
	(pc) =	sbr.rel @p1 .LBB2_6-.Ltmp5, $4  }
0xb4: {  	v17 =	vmov s19;
	v7 =	vperm.xlane v12, v7;
	v16 =	vperm.xlane v12, v16;
	v23 =	vld [tilespmem:s17+$0xFFFFFF90]  }
0xb5: {  	v17 =	vperm.xlane v12, v17;
	v12 =	vperm.xlane v12, v22;
	v22 =	vld [tilespmem:s17+$0x60]  }
0xb6: {  	v28 =	vmul.f32 v19, v7;
	v26 =	vmul.f32 v31, v16;
	v19 =	vld [tilespmem:s17+$0x50]  }
0xb7: {  	v25 =	vmul.f32 v18, v17;
	v27 =	vmul.f32 v30, v16;
	v18 =	vld [tilespmem:s17+$0xFFFFFFC0]  }
0xb8: {  	[tilespmem:s15+$0xFFFFFF00] =	vst v28  }
0xb9: {  	[tilespmem:s15+$0x80] =	vst v26  }
0xba: {  	v4 =	vmul.f32 v20, v16;
	[tilespmem:s15+$0xE0] =	vst v27  }
0xbb: {  	v14 =	vmul.f32 v14, v16;
	[tilespmem:s15+$0xFFFFFF80] =	vst v25  }
0xbc: {  	v8 =	vmul.f32 v8, v16;
	[tilespmem:s15+$0xC0] =	vst v4  }
0xbd: {  	v2 =	vmul.f32 v2, v16;
	[tilespmem:s15+$0xA0] =	vst v14  }
0xbe: {  	v6 =	vmul.f32 v6, v17;
	[tilespmem:s15+$0xB0] =	vst v8  }
0xbf: {  	v15 =	vmul.f32 v15, v17;
	[tilespmem:s15+$0x90] =	vst v2  }
0xc0: {  	v10 =	vmul.f32 v10, v7;
	[tilespmem:s15+$0xFFFFFFF0] =	vst v6  }
0xc1: {  	v3 =	vmul.f32 v3, v12;
	[tilespmem:s15+$0xFFFFFFB0] =	vst v15  }
0xc2: {  	v1 =	vmul.f32 v1, v16;
	[tilespmem:s15+$0xFFFFFF20] =	vst v10  }
0xc3: {  	v4 =	vmul.f32 v21, v16;
	[tilespmem:s15+$0x30] =	vst v3  }
0xc4: {  	v8 =	vmul.f32 v24, v17;
	[tilespmem:s15+$0xD0] =	vst v1  }
0xc5: {  	v2 =	vmul.f32 v13, v12;
	[tilespmem:s15+$0xF0] =	vst v4  }
0xc6: {  	v4 =	vmul.f32 v9, v12;
	v9 =	vld [tilespmem:s15+$0x20];
	[tilespmem:s15+$0xFFFFFFA0] =	vst v8  }
0xc7: {  	v3 =	vmul.f32 v22, v12;
	v8 =	vld [tilespmem:s15+$0xFFFFFF40];
	[tilespmem:s15+$0x10] =	vst v2  }
0xc8: {  	v2 =	vld [tilespmem:s15+$0xFFFFFF10];
	[tilespmem:s15+$0x0] =	vst v4;
	v4 =	vmul.f32 v23, v17  }
0xc9: {  	v13 =	vld [tilespmem:s15+$0xFFFFFF70];
	v1 =	vmul.f32 v5, v12;
	[tilespmem:s15+$0x60] =	vst v3  }
0xca: {  	v20 =	vld [tilespmem:s15+$0xFFFFFFD0];
	[tilespmem:s15+$0xFFFFFF90] =	vst v4;
	v4 =	vmul.f32 v11, v12  }
0xcb: {  	v21 =	vld [tilespmem:s15+$0xFFFFFF30];
	[tilespmem:s15+$0x40] =	vst v1;
	v3 =	vmul.f32 v9, v12  }
0xcc: {  	v6 =	vld [tilespmem:s15+$0xFFFFFF60];
	v1 =	vmul.f32 v8, v7;
	[tilespmem:s15+$0x70] =	vst v4  }
0xcd: {  	v2 =	vmul.f32 v2, v7;
	[tilespmem:s15+$0x20] =	vst v3  }
0xce: {  	v4 =	vmul.f32 v13, v7;
	[tilespmem:s15+$0xFFFFFF40] =	vst v1  }
0xcf: {  	v14 =	vld [tilespmem:s15+$0xFFFFFFE0];
	v3 =	vmul.f32 v20, v17;
	[tilespmem:s15+$0xFFFFFF10] =	vst v2  }
0xd0: {  	v15 =	vld [tilespmem:s15+$0xFFFFFF50];
	v1 =	vmul.f32 v21, v7;
	[tilespmem:s15+$0xFFFFFF70] =	vst v4  }
0xd1: {  	v2 =	vmul.f32 v6, v7;
	[tilespmem:s15+$0xFFFFFFD0] =	vst v3  }
0xd2: {  	v4 =	vmul.f32 v19, v12;
	[tilespmem:s15+$0xFFFFFF30] =	vst v1  }
0xd3: {  	v3 =	vmul.f32 v18, v17;
	[tilespmem:s15+$0xFFFFFF60] =	vst v2  }
0xd4: {  	v1 =	vmul.f32 v14, v17;
	[tilespmem:s15+$0x50] =	vst v4  }
0xd5: {  	[tilespmem:s15+$0xFFFFFFC0] =	vst v3;
	v3 =	vmul.f32 v15, v7  }
0xd6: {  	[tilespmem:s15+$0xFFFFFFE0] =	vst v1  }
0xd7: {  	s8 =	sadd.s32 $0x1400, s3;
	p1 =	seq.s32 s0, $0x13;
	[tilespmem:s15+$0xFFFFFF50] =	vst v3  }
0xd8: {  	[spmem:s1] =	stream.indirect.scatter.add.f32 [tilespmem:s20], [sflag:$0x3], $0x80, s8, s24, $0xb8;
	[tilespmem:$0x1FC00] =	vst v63  }
0xd9: {  	s8 =	simm.s32 @!p1 $0x3  }
0xda: {  	_ =	swait.ge @!p1 [sflag:s8], $0x4000  }
0xdb: {  	[sflag:s8] =	ssyncset.done @!p1 $0x0  }
0xdc: {  	[sflag:s8] =	ssyncadd.s32 @!p1 $0xFFFFC000;
	s8 =	sshrl.u32 @!p1 s14, $0x2  }
0xdd: {  	s9 =	simm.s32 @!p1 $0x80;
	s15 =	simm.s32 @!p1 $0x3C00;
	s8 =	sadd.s32 @!p1 $0x100, s8  }
0xde: {  	[tilespmem:s15], [sflag:$0x1] =	stream.indirect.gather @!p1 [hbm4b:s4+s9], $0x80, s8, s9, $0xb8;
	[tilespmem:$0x1FC00] =	vst v63  }
0xdf: {  	_ =	swait.ge [sflag:s28], $0x4000  }
0xe0: {  	[sflag:s28] =	ssyncset.done $0x0  }
0xe1: {  	s15 =	simm.s32 $0x7D00;
	[sflag:s28] =	ssyncadd.s32 $0xFFFFC000  }
0xe2: {  	v2 =	vld [tilespmem:s15+$0x90]  }
0xe3: {  	v6 =	vld [tilespmem:s15+$0xFFFFFFF0]  }
0xe4: {  	v8 =	vld [tilespmem:s15+$0xB0]  }
0xe5: {  	v5 =	vld [tilespmem:s15+$0x40]  }
0xe6: {  	v14 =	vld [tilespmem:s15+$0xA0]  }
0xe7: {  	v27 =	vld [tilespmem:s15+$0xE0]  }
0xe8: {  	v18 =	vld [tilespmem:s15+$0x80]  }
0xe9: {  	s16 =	sor.u32 $0x200, s14;
	v1 =	vld [tilespmem:s15+$0xD0]  }
0xea: {  	s14 =	sshrl.u32 s16, $0x2;
	v3 =	vld [tilespmem:s15+$0x30]  }
0xeb: {  	s8 =	sadd.s32 $0x2800, s14;
	v9 =	vld [tilespmem:s15+$0x0]  }
0xec: {  	v4 =	vmov s8;
	v13 =	vld [tilespmem:s15+$0x10]  }
0xed: {  	v20 =	vld [tilespmem:s15+$0xC0]  }
0xee: {  	v25 =	vld [tilespmem:s15+$0xFFFFFF80]  }
0xef: {  	s17 =	simm.s32 $0x0;
	v19 =	vld [tilespmem:s15+$0xFFFFFF00]  }
0xf0: {  	s18 =	sand.u32 $0x70, s17;
	v15 =	vld [tilespmem:s15+$0xFFFFFFB0]  }
0xf1: {  	v12 =	vld.idx.msk [tilespmem:v4+s18+$0x0 ss:$0x1], $0xffff  }
0xf2: {  	v10 =	vld [tilespmem:s15+$0xFFFFFF20]  }
0xf3: {  	s8 =	sand.u32 $0xC, s17;
	v21 =	vld [tilespmem:s15+$0xF0]  }
0xf4: {  	s19 =	sor.u32 $0x2, s8;
	s16 =	sor.u32 $0x3, s8;
	v11 =	vld [tilespmem:s15+$0x70]  }
0xf5: {  	s17 =	sor.u32 $0x1, s8;
	v7 =	vmov s8;
	v22 =	vmov s19;
	v16 =	vmov s16;
	v24 =	vld [tilespmem:s15+$0xFFFFFFA0]  }
0xf6: {  	v17 =	vmov s17;
	v23 =	vld [tilespmem:s15+$0xFFFFFF90];
	v7 =	vperm.xlane v12, v7;
	v16 =	vperm.xlane v12, v16  }
0xf7: {  	v17 =	vperm.xlane v12, v17;
	v12 =	vperm.xlane v12, v22;
	v22 =	vld [tilespmem:s15+$0x60]  }
0xf8: {  	v28 =	vmul.f32 v19, v7;
	v19 =	vld [tilespmem:s15+$0x50];
	v26 =	vmul.f32 v18, v16  }
0xf9: {  	s16 =	simm.s32 $0x4;
	s17 =	simm.s32 $0x7D00;
	v25 =	vmul.f32 v25, v17;
	v18 =	vld [tilespmem:s15+$0xFFFFFFC0];
	v27 =	vmul.f32 v27, v16  }
.LBB2_8:
0xfa: {  	p2 =	sne.s32 s16, $0x7C  }
0xfb: {  	[tilespmem:s15+$0xFFFFFF00] =	vst v28;
	v28 =	vld [tilespmem:s15+$0xFFFFFF40];
	v24 =	vmul.f32 v24, v17;
	v20 =	vmul.f32 v20, v16;
	s17 =	sadd.s32 $0x200, s17;
	s18 =	smov.u32 s16;
	s16 =	sadd.s32 $0x4, s16  }
0xfc: {  	v21 =	vmul.f32 v21, v16;
	v29 =	vld [tilespmem:s15+$0xFFFFFF10];
	v23 =	vmul.f32 v23, v17;
	[tilespmem:s15+$0x80] =	vst v26  }
0xfd: {  	v14 =	vmul.f32 v14, v16;
	v26 =	vld [tilespmem:s15+$0xFFFFFFE0];
	v22 =	vmul.f32 v22, v12;
	[tilespmem:s15+$0xE0] =	vst v27  }
0xfe: {  	v6 =	vmul.f32 v6, v17;
	[tilespmem:s15+$0xFFFFFF80] =	vst v25;
	v25 =	vld [tilespmem:s15+$0xFFFFFFD0];
	v19 =	vmul.f32 v19, v12  }
0xff: {  	v8 =	vmul.f32 v8, v16;
	v27 =	vld [tilespmem:s15+$0xFFFFFF30];
	v18 =	vmul.f32 v18, v17;
	[tilespmem:s15+$0xC0] =	vst v20  }
0x100: {  	v5 =	vmul.f32 v5, v12;
	v2 =	vmul.f32 v2, v16;
	v20 =	vld [tilespmem:s15+$0xFFFFFF60];
	[tilespmem:s15+$0xA0] =	vst v14  }
0x101: {  	v13 =	vmul.f32 v13, v12;
	v29 =	vmul.f32 v29, v7;
	v14 =	vld [tilespmem:s15+$0xFFFFFF50];
	[tilespmem:s15+$0xB0] =	vst v8  }
0x102: {  	v8 =	vmul.f32 v9, v12;
	v26 =	vmul.f32 v26, v17;
	v9 =	vld [tilespmem:s15+$0x20];
	[tilespmem:s15+$0x90] =	vst v2  }
0x103: {  	v15 =	vmul.f32 v15, v17;
	v30 =	vld [tilespmem:s15+$0xFFFFFF70];
	v17 =	vmul.f32 v25, v17;
	[tilespmem:s15+$0xF0] =	vst v21  }
0x104: {  	v10 =	vmul.f32 v10, v7;
	v11 =	vmul.f32 v11, v12;
	v2 =	vld [tilespmem:s17+$0x90];
	[tilespmem:s15+$0xFFFFFFA0] =	vst v24  }
0x105: {  	v21 =	vmul.f32 v27, v7;
	v24 =	vmul.f32 v28, v7;
	[tilespmem:s15+$0x10] =	vst v13  }
0x106: {  	v27 =	vmul.f32 v20, v7;
	v25 =	vmul.f32 v14, v7;
	[tilespmem:s15+$0x0] =	vst v8  }
0x107: {  	v3 =	vmul.f32 v3, v12;
	[tilespmem:s15+$0xFFFFFFF0] =	vst v6;
	v9 =	vmul.f32 v9, v12  }
0x108: {  	v1 =	vmul.f32 v1, v16;
	v7 =	vmul.f32 v30, v7;
	[tilespmem:s15+$0xFFFFFFB0] =	vst v15  }
0x109: {  	[tilespmem:s15+$0xFFFFFF90] =	vst v23  }
0x10a: {  	[tilespmem:s15+$0xFFFFFF20] =	vst v10  }
0x10b: {  	[tilespmem:s15+$0x30] =	vst v3  }
0x10c: {  	[tilespmem:s15+$0xD0] =	vst v1  }
0x10d: {  	[tilespmem:s15+$0x70] =	vst v11  }
0x10e: {  	v6 =	vld [tilespmem:s17+$0xFFFFFFF0];
	[tilespmem:s15+$0x60] =	vst v22  }
0x10f: {  	v8 =	vld [tilespmem:s17+$0xB0];
	[tilespmem:s15+$0x40] =	vst v5  }
0x110: {  	v5 =	vld [tilespmem:s17+$0x40];
	[tilespmem:s15+$0xFFFFFF70] =	vst v7  }
0x111: {  	v14 =	vld [tilespmem:s17+$0xA0];
	[tilespmem:s15+$0x20] =	vst v9  }
0x112: {  	v30 =	vld [tilespmem:s17+$0xE0];
	[tilespmem:s15+$0xFFFFFF40] =	vst v24  }
0x113: {  	v31 =	vld [tilespmem:s17+$0x80];
	[tilespmem:s15+$0x50] =	vst v19  }
0x114: {  	v1 =	vld [tilespmem:s17+$0xD0];
	[tilespmem:s15+$0xFFFFFFD0] =	vst v17  }
0x115: {  	v3 =	vld [tilespmem:s17+$0x30];
	[tilespmem:s15+$0xFFFFFF30] =	vst v21  }
0x116: {  	v9 =	vld [tilespmem:s17+$0x0];
	[tilespmem:s15+$0xFFFFFF10] =	vst v29  }
0x117: {  	v13 =	vld [tilespmem:s17+$0x10];
	[tilespmem:s15+$0xFFFFFFC0] =	vst v18  }
0x118: {  	v20 =	vld [tilespmem:s17+$0xC0];
	[tilespmem:s15+$0xFFFFFFE0] =	vst v26  }
0x119: {  	v18 =	vld [tilespmem:s17+$0xFFFFFF80];
	[tilespmem:s15+$0xFFFFFF60] =	vst v27  }
0x11a: {  	s8 =	sand.u32 $0x70, s18;
	v19 =	vld [tilespmem:s17+$0xFFFFFF00];
	[tilespmem:s15+$0xFFFFFF50] =	vst v25;
	s15 =	smov.u32 s17  }
0x11b: {  	v12 =	vld.idx.msk [tilespmem:v4+s8+$0x0 ss:$0x1], $0xffff  }
0x11c: {  	v15 =	vld [tilespmem:s17+$0xFFFFFFB0]  }
0x11d: {  	v10 =	vld [tilespmem:s17+$0xFFFFFF20]  }
0x11e: {  	s8 =	sand.u32 $0xC, s18;
	v21 =	vld [tilespmem:s17+$0xF0]  }
0x11f: {  	s9 =	sor.u32 $0x1, s8;
	s18 =	sor.u32 $0x2, s8;
	s19 =	sor.u32 $0x3, s8;
	v11 =	vld [tilespmem:s17+$0x70]  }
.Ltmp6:
0x120: {  	v7 =	vmov s8;
	v22 =	vmov s18;
	v16 =	vmov s19;
	v24 =	vld [tilespmem:s17+$0xFFFFFFA0];
	(pc) =	sbr.rel @p2 .LBB2_8-.Ltmp6, $4  }
0x121: {  	v17 =	vmov s9;
	v7 =	vperm.xlane v12, v7;
	v16 =	vperm.xlane v12, v16;
	v23 =	vld [tilespmem:s17+$0xFFFFFF90]  }
0x122: {  	v17 =	vperm.xlane v12, v17;
	v12 =	vperm.xlane v12, v22;
	v22 =	vld [tilespmem:s17+$0x60]  }
0x123: {  	v28 =	vmul.f32 v19, v7;
	v26 =	vmul.f32 v31, v16;
	v19 =	vld [tilespmem:s17+$0x50]  }
0x124: {  	v25 =	vmul.f32 v18, v17;
	v27 =	vmul.f32 v30, v16;
	v18 =	vld [tilespmem:s17+$0xFFFFFFC0]  }
0x125: {  	[tilespmem:s15+$0xFFFFFF00] =	vst v28  }
0x126: {  	[tilespmem:s15+$0x80] =	vst v26  }
0x127: {  	v4 =	vmul.f32 v20, v16;
	[tilespmem:s15+$0xE0] =	vst v27  }
0x128: {  	v14 =	vmul.f32 v14, v16;
	[tilespmem:s15+$0xFFFFFF80] =	vst v25  }
0x129: {  	v8 =	vmul.f32 v8, v16;
	[tilespmem:s15+$0xC0] =	vst v4  }
0x12a: {  	v2 =	vmul.f32 v2, v16;
	[tilespmem:s15+$0xA0] =	vst v14  }
0x12b: {  	v49 =	vmul.f32 v21, v16;
	[tilespmem:s15+$0xB0] =	vst v8  }
0x12c: {  	v51 =	vmul.f32 v24, v17;
	[tilespmem:s15+$0x90] =	vst v2  }
0x12d: {  	v54 =	vmul.f32 v9, v12;
	[tilespmem:s15+$0xF0] =	vst v49  }
0x12e: {  	v6 =	vmul.f32 v6, v17;
	[tilespmem:s15+$0xFFFFFFA0] =	vst v51  }
0x12f: {  	v15 =	vmul.f32 v15, v17;
	[tilespmem:s15+$0x0] =	vst v54  }
0x130: {  	v10 =	vmul.f32 v10, v7;
	[tilespmem:s15+$0xFFFFFFF0] =	vst v6  }
0x131: {  	v3 =	vmul.f32 v3, v12;
	[tilespmem:s15+$0xFFFFFFB0] =	vst v15  }
0x132: {  	v1 =	vmul.f32 v1, v16;
	[tilespmem:s15+$0xFFFFFF20] =	vst v10  }
0x133: {  	v61 =	vmul.f32 v11, v12;
	[tilespmem:s15+$0x30] =	vst v3  }
0x134: {  	v53 =	vld [tilespmem:s15+$0xFFFFFF70];
	v57 =	vmul.f32 v23, v17;
	[tilespmem:s15+$0xD0] =	vst v1  }
0x135: {  	v55 =	vld [tilespmem:s15+$0x20];
	v2 =	vmul.f32 v13, v12;
	[tilespmem:s15+$0x70] =	vst v61  }
0x136: {  	v56 =	vld [tilespmem:s15+$0xFFFFFF40];
	v3 =	vmul.f32 v22, v12;
	[tilespmem:s15+$0xFFFFFF90] =	vst v57  }
0x137: {  	v52 =	vld [tilespmem:s15+$0xFFFFFFD0];
	v1 =	vmul.f32 v5, v12;
	[tilespmem:s15+$0x10] =	vst v2  }
0x138: {  	v58 =	vld [tilespmem:s15+$0xFFFFFF30];
	v63 =	vmul.f32 v19, v12;
	[tilespmem:s15+$0x60] =	vst v3  }
0x139: {  	v2 =	vld [tilespmem:s15+$0xFFFFFF10];
	[tilespmem:s15+$0x40] =	vst v1;
	v62 =	vmul.f32 v53, v7  }
0x13a: {  	v3 =	vmul.f32 v55, v12;
	[tilespmem:s15+$0x50] =	vst v63  }
0x13b: {  	v50 =	vld [tilespmem:s15+$0xFFFFFFE0];
	v1 =	vmul.f32 v56, v7;
	[tilespmem:s15+$0xFFFFFF70] =	vst v62  }
0x13c: {  	v59 =	vld [tilespmem:s15+$0xFFFFFF60];
	[tilespmem:s15+$0x20] =	vst v3;
	v3 =	vmul.f32 v52, v17  }
0x13d: {  	v60 =	vld [tilespmem:s15+$0xFFFFFF50];
	[tilespmem:s15+$0xFFFFFF40] =	vst v1;
	v1 =	vmul.f32 v58, v7  }
0x13e: {  	v2 =	vmul.f32 v2, v7;
	[tilespmem:s15+$0xFFFFFFD0] =	vst v3  }
0x13f: {  	v3 =	vmul.f32 v18, v17;
	[tilespmem:s15+$0xFFFFFF30] =	vst v1  }
0x140: {  	v1 =	vmul.f32 v50, v17;
	[tilespmem:s15+$0xFFFFFF10] =	vst v2  }
.Ltmp7:
0x141: {  	v2 =	vmul.f32 v59, v7;
	[tilespmem:s15+$0xFFFFFFC0] =	vst v3;
	(pc) =	sbr.rel @p1 .LBB2_11-.Ltmp7, $4  }
0x142: {  	v3 =	vmul.f32 v60, v7;
	[tilespmem:s15+$0xFFFFFFE0] =	vst v1  }
0x143: {  	[tilespmem:s15+$0xFFFFFF60] =	vst v2  }
0x144: {  	s8 =	sadd.s32 $0x1400, s14;
	[tilespmem:s15+$0xFFFFFF50] =	vst v3  }
0x145: {  	[spmem:s1] =	stream.indirect.scatter.add.f32 [tilespmem:s25], [sflag:$0x4], $0x80, s8, s24, $0xb8;
	[tilespmem:$0x1FC00] =	vst v63  }
.Ltmp8:
0x146: {  	(pc) =	sbr.rel .LBB2_5-.Ltmp8, $4  }
0x147: {  	_ =	swait.ge [sflag:s30], $0x4000  }
0x148: {  	[sflag:s30] =	ssyncset.done $0x0  }
0x149: {  	s3 =	sadd.s32 $0x180, s3;
	s0 =	sadd.s32 $0x1, s0;
	[sflag:s30] =	ssyncadd.s32 $0xFFFFC000  }
0x14a: {  	[tilespmem:s25], [sflag:$0x2] =	stream.indirect.gather [hbm4b:s4+s24], $0x80, s3, s24, $0xb8;
	[tilespmem:$0x1FC00] =	vst v63  }
.LBB2_13:
0x14b: {  	_ =	sfence.sel $0x180000  }
0x14c: {  	[bflag:$0x0] =	sbarrier.arrive $0xFFFF  }
0x14d: {  	_ =	strace $0x9000004A  }
0x14e: {  	s0 =	stileid.u32;
	[bflag:$0x2] =	sbarrier.arrive $0xFFFF  }
0x14f: {  	p0 =	sne.s32 s0, $0x0;
	s0 =	rddreg [dreg:$0x2]  }
0x150: {  	s0 =	sadd.s32 @!p0 $0x100000, s0  }
0x151: {  	[sflag:s0] =	ssyncadd.tile.s32 @!p0 $0x1;
	_ =	shalt  }
.Lfunc_end2:
_tile_overlayer_lowered:
.L_overlay_start_2:
0x152: {  	(tag) =	ssettag $0x2  }
0x153: {  	s0 =	rddreg [dreg:$0x0];
	s2 =	stileid.u32  }
0x154: {  	s1 =	rddreg [dreg:$0x1];
	p0 =	sne.s32 s2, $0x0  }
0x155: {  	s3 =	rddreg [dreg:$0x2];
	[bflag:$0x3] =	sbarrier.arrive $0xFFFF;
	s2 =	simm.s32 @!p0 $0x1C05  }
0x156: {  	[timem:s3], [sflag:s2] =	dma.local @!p0 [hbm:s0], s1  }
0x157: {  	s0 =	simm.s32 @!p0 $0x5  }
0x158: {  	_ =	swait.ge @!p0 [sflag:s0], s1  }
0x159: {  	s1 =	ssub.s32 @!p0 $0x0, s1;
	[sflag:s0] =	ssyncset.done @!p0 $0x0  }
0x15a: {  	[sflag:s0] =	ssyncadd.s32 @!p0 s1  }
0x15b: {  	[bflag:$0x3] =	sbarrier.arrive $0xFFFF  }
0x15c: {  	_ =	shalt  }

// kernel: kernel.7.cloned.1.call-start
scs
__scs_entry_jumppad:
0x0: {  	(pc) =	sbr.rel $0x88, $3  }
0x1: {  	(tag) =	ssettag $0x0;
	lr =	simm.s32 $0x1  }
0x2: {  	[smem:$0x3F95] =	sst lr;
	_ =	strace $0xD0000000  }
0x3: {  	_ = 	snop  }
0x4: {  	_ = 	snop  }
0x5: {  	_ = 	snop  }
0x6: {  	_ = 	snop  }
0x7: {  	_ = 	snop  }
__scs_overlays_trampoline_lowered:
0x8: {  	[smem:$0x3FA4] =	sst s0  }
0x9: {  	[smem:$0x3FA5] =	sst s1  }
0xa: {  	[smem:$0x3FA6] =	sst s2  }
0xb: {  	[smem:$0x3FA7] =	sst s3  }
0xc: {  	[smem:$0x3FA8] =	sst s4  }
0xd: {  	[smem:$0x3FA9] =	sst s5  }
0xe: {  	[smem:$0x3FAA] =	sst s6  }
0xf: {  	[smem:$0x3FAB] =	sst s7  }
0x10: {  	[smem:$0x3FAC] =	sst s8  }
0x11: {  	[smem:$0x3FAD] =	sst s9;
	s0 =	simm.s32 @!p0 $0x0  }
0x12: {  	s1 =	sld [smem:$0x3F93];
	s0 =	simm.s32 @p0 $0x1  }
0x13: {  	[smem:$0x3FAE] =	sst s0;
	s0 =	simm.s32 @!p1 $0x0  }
0x14: {  	s2 =	sld [smem:$0x3F92];
	s0 =	simm.s32 @p1 $0x1  }
0x15: {  	[smem:$0x3FAF] =	sst s0;
	s0 =	simm.s32 @!p2 $0x0  }
0x16: {  	s3 =	sld [smem:$0x3FDB];
	s0 =	simm.s32 @p2 $0x1  }
0x17: {  	s4 =	simm.s32 $0x1BF5;
	[smem:$0x3FB1] =	sst s0  }
0x18: {  	s0 =	sld [smem:$0x3F94];
	_ =	swait.ge [sflag:s4], $0x0  }
0x19: {  	s7 =	sld [smem:$0x3F95]  }
0x1a: {  	s8 =	sadd.s32 $0xFFFFE003, lr  }
0x1b: {  	s9 =	sadd.s32 $0xFFFFFEF7, lr;
	s5 =	simm.s32 $0xFFFFFFFF;
	p2 =	slt.u32 s8, $0xFFFFF086  }
0x1c: {  	p1 =	slt.u32 s9, $0xF7A;
	s5 =	simm.s32 @!p2 $0x0  }
0x1d: {  	s5 =	simm.s32 @p1 $0x1;
	p0 =	seq.s32 s7, s2  }
0x1e: {  	s7 =	smul.u32 @!p0 $0xF7A, s2;
	p2 =	seq.s32 @!p0 s5, $0x0  }
0x1f: {  	s9 =	smul.u32 $0xF7A, s1;
	s8 =	simm.s32 @!p0 $0x1BF5;
	p2 =	por !p2, p0  }
0x20: {  	[sflag:s8] =	ssyncset.s32 @!p0 $0xFFFFF086;
	s6 =	sadd.s32 @!p0 s3, s7;
	s7 =	simm.s32 @!p0 $0x108  }
0x21: {  	s3 =	sadd.s32 s3, s9;
	s6 =	sadd.s32 @!p0 $0x88, s6;
	s7 =	simm.s32 @p2 $0x1082  }
0x22: {  	[simem:s7], [sflag:s8] =	dma.local @!p0 [hbm:s6], $0xF7A  }
0x23: {  	s9 =	sor.u32 $0xD0000000, s2;
	s6 =	simm.s32 $0x108;
	_ =	swait.ge @!p0 [sflag:s8], $0x0  }
0x24: {  	s3 =	sadd.s32 $0x88, s3;
	s6 =	simm.s32 @!p1 $0x1082;
	[sflag:s4] =	ssyncset.s32 $0xFFFFF086  }
0x25: {  	[simem:s6], [sflag:s4] =	dma.local [hbm:s3], $0xF7A  }
0x26: {  	[smem:$0x3F95] =	sst s1;
	(tag) =	ssettag s2;
	_ =	strace s9  }
0x27: {  	s1 =	sld [smem:$0x3FA5]  }
0x28: {  	s2 =	sld [smem:$0x3FA6]  }
0x29: {  	s4 =	sld [smem:$0x3FA8]  }
0x2a: {  	p0 =	seq.s32 s5, $0x0;
	s5 =	sld [smem:$0x3FA9]  }
0x2b: {  	s6 =	sld [smem:$0x3FAA]  }
0x2c: {  	s7 =	sld [smem:$0x3FAB]  }
0x2d: {  	s3 =	simm.s32 $0x108;
	s8 =	sld [smem:$0x3FAC]  }
0x2e: {  	s3 =	simm.s32 @!p0 $0x1082;
	s9 =	sld [smem:$0x3FAD]  }
0x2f: {  	lr =	sadd.s32 s0, s3;
	s0 =	sld [smem:$0x3FA4]  }
0x30: {  	s3 =	sld [smem:$0x3FA7]  }
0x31: {  	[smem:$0x3FB0] =	sst s10  }
0x32: {  	s10 =	sld [smem:$0x3FAE];
	_ =	sdelay $0x3  }
0x33: {  	p0 =	seq.s32 s10, $0x1;
	s10 =	sld [smem:$0x3FB0];
	_ =	sdelay $0x3  }
0x34: {  	[smem:$0x3FB0] =	sst s10  }
0x35: {  	s10 =	sld [smem:$0x3FAF];
	_ =	sdelay $0x3  }
0x36: {  	p1 =	seq.s32 s10, $0x1;
	s10 =	sld [smem:$0x3FB0];
	_ =	sdelay $0x3  }
0x37: {  	[smem:$0x3FB0] =	sst s10  }
0x38: {  	s10 =	sld [smem:$0x3FB1]  }
0x39: {  	_ = 	snop;
	(pc) =	sbr.ind lr, $3  }
0x3a: {  	_ = 	snop  }
0x3b: {  	_ = 	snop  }
0x3c: {  	p2 =	seq.s32 s10, $0x1;
	s10 =	sld [smem:$0x3FB0]  }
0x3d: {  	_ =	shalt  }
0x3e: {  	_ =	shalt  }
0x3f: {  	_ =	shalt  }
0x40: {  	_ =	shalt  }
0x41: {  	_ =	shalt  }
0x42: {  	_ =	shalt  }
0x43: {  	_ =	shalt  }
0x44: {  	_ =	shalt  }
0x45: {  	_ =	shalt  }
0x46: {  	_ =	shalt  }
0x47: {  	_ =	shalt  }
0x48: {  	_ =	shalt  }
0x49: {  	_ =	shalt  }
0x4a: {  	_ =	shalt  }
0x4b: {  	_ =	shalt  }
0x4c: {  	_ =	shalt  }
0x4d: {  	_ =	shalt  }
0x4e: {  	_ =	shalt  }
0x4f: {  	_ =	shalt  }
0x50: {  	_ =	shalt  }
0x51: {  	_ =	shalt  }
0x52: {  	_ =	shalt  }
0x53: {  	_ =	shalt  }
0x54: {  	_ =	shalt  }
0x55: {  	_ =	shalt  }
0x56: {  	_ =	shalt  }
0x57: {  	_ =	shalt  }
0x58: {  	_ =	shalt  }
0x59: {  	_ =	shalt  }
0x5a: {  	_ =	shalt  }
0x5b: {  	_ =	shalt  }
0x5c: {  	_ =	shalt  }
0x5d: {  	_ =	shalt  }
0x5e: {  	_ =	shalt  }
0x5f: {  	_ =	shalt  }
0x60: {  	_ =	shalt  }
0x61: {  	_ =	shalt  }
0x62: {  	_ =	shalt  }
0x63: {  	_ =	shalt  }
0x64: {  	_ =	shalt  }
0x65: {  	_ =	shalt  }
0x66: {  	_ =	shalt  }
0x67: {  	_ =	shalt  }
0x68: {  	_ =	shalt  }
0x69: {  	_ =	shalt  }
0x6a: {  	_ =	shalt  }
0x6b: {  	_ =	shalt  }
0x6c: {  	_ =	shalt  }
0x6d: {  	_ =	shalt  }
0x6e: {  	_ =	shalt  }
0x6f: {  	_ =	shalt  }
0x70: {  	_ =	shalt  }
0x71: {  	_ =	shalt  }
0x72: {  	_ =	shalt  }
0x73: {  	_ =	shalt  }
0x74: {  	_ =	shalt  }
0x75: {  	_ =	shalt  }
0x76: {  	_ =	shalt  }
0x77: {  	_ =	shalt  }
0x78: {  	_ =	shalt  }
0x79: {  	_ =	shalt  }
0x7a: {  	_ =	shalt  }
0x7b: {  	_ =	shalt  }
0x7c: {  	_ =	shalt  }
0x7d: {  	_ =	shalt  }
0x7e: {  	_ =	shalt  }
0x7f: {  	_ =	shalt  }
0x80: {  	_ =	shalt  }
0x81: {  	_ =	shalt  }
0x82: {  	_ =	shalt  }
0x83: {  	_ =	shalt  }
0x84: {  	_ =	shalt  }
0x85: {  	_ =	shalt  }
0x86: {  	_ =	shalt  }
0x87: {  	_ =	shalt  }
.Lfunc_end0:
.L_simem_size_0:
called_computation_lowered:
.L_overlay_start_0:
0x88: {  	s2 =	sld [smem:$0x3FD9]  }
0x89: {  	s3 =	sld [smem:$0x3FFE];
	_ =	sdelay $0x1  }
0x8a: {  	s1 =	srdreg.scid  }
0x8b: {  	s0 =	sand.u32 $0x1, s1  }
0x8c: {  	s17 =	sshll.u32 s0, $0xA;
	s2 =	sadd.s32 s3, s2  }
0x8d: {  	s2 =	sadd.s32 s2, s17  }
0x8e: {  	[smem:$0x3FBC] =	sst s2  }
0x8f: {  	_ = 	snop  }
0x90: {  	s2 =	sld [smem:$0x3FD0];
	(tm) =	ssettm $0x1  }
0x91: {  	s18 =	sld [smem:$0x3FFB];
	_ =	sdelay $0x3  }
0x92: {  	_ =	strace s18  }
0x93: {  	s3 =	sld [smem:$0x3FFC];
	_ =	sdelay $0x3  }
0x94: {  	_ =	strace s3  }
0x95: {  	s3 =	sld [smem:$0x3FFD];
	_ =	sdelay $0x3  }
0x96: {  	_ =	strace s3  }
0x97: {  	_ =	strace $0x8FFFFFFF  }
0x98: {  	s19 =	sld [smem:$0x3FDB];
	_ =	sdelay $0x1  }
0x99: {  	s4 =	simm.s32 $_scs_section_size  }
0x9a: {  	s5 =	simm.s32 $_size__tile_overlayer_lowered;
	s6 =	simm.s32 $_tile_overlayer_lowered  }
0x9b: {  	s22 =	simm.s32 $0x1BFF;
	s21 =	sshll.u32 s6, $0x1;
	s3 =	sadd.s32 s4, s19  }
0x9c: {  	s7 =	simm.s32 $0x0;
	s20 =	sshll.u32 s5, $0x1;
	s5 =	sadd.s32 s21, s3  }
0x9d: {  	[timem:s7], [sflag:s22] =	dma.local [hbm:s5], s20  }
0x9e: {  	_ =	swait.ge [sflag:s22], s20  }
0x9f: {  	s4 =	ssub.s32 $0x0, s20;
	[sflag:s22] =	ssyncset.done $0x0  }
0xa0: {  	[sflag:s22] =	ssyncadd.s32 s4;
	_ =	sdelay $0x1  }
0xa1: {  	s23 =	simm.s32 $0x1B8B  }
0xa2: {  	_ =	swait.ge [sflag:s23], $0x1  }
0xa3: {  	[sflag:s23] =	ssyncset.done $0x0  }
0xa4: {  	s25 =	simm.s32 $0x1B8E;
	s24 =	sld [smem:$0x3FFE];
	[sflag:s23] =	ssyncadd.s32 $0xFFFFFFFF  }
0xa5: {  	s26 =	simm.s32 $execute0_lowered;
	[smem:$0x3FD2] =	sst s25  }
0xa6: {  	s5 =	sshll.u32 s26, $0x1;
	_ =	strace $0x80000046;
	[dreg:$0x1] =	wrdreg $0xFFFFFFFF  }
0xa7: {  	s28 =	simm.s32 $_size_execute0_lowered;
	s3 =	sadd.s32 s3, s5;
	[dreg:$0x0] =	wrdreg $0x0  }
0xa8: {  	s5 =	sshll.u32 s28, $0x1;
	[dreg:$0x2] =	wrdreg s3  }
0xa9: {  	[dreg:$0x3] =	wrdreg s5  }
0xaa: {  	[dreg:$0x4] =	wrdreg $0xC0  }
0xab: {  	_ =	task [dreg:s7], $0x5FFFF  }
0xac: {  	[dreg:$0x1] =	wrdreg $0xFFFFFFFF  }
0xad: {  	[dreg:$0x0] =	wrdreg $0x60  }
0xae: {  	[dreg:$0x2] =	wrdreg s2  }
0xaf: {  	[dreg:$0x3] =	wrdreg s24  }
0xb0: {  	[dreg:$0x4] =	wrdreg $0xBC000  }
0xb1: {  	[dreg:$0x5] =	wrdreg $0x9  }
0xb2: {  	_ =	task.clear_ibuf [dreg:s7], $0x6FFFF;
	_ =	strace $0x90000046  }
0xb3: {  	s29 =	simm.s32 $0x9;
	_ =	strace $0x80000048  }
0xb4: {  	_ =	swait.ge [sflag:s29], $0x1  }
0xb5: {  	[sflag:s29] =	ssyncadd.s32 $0xFFFFFFFF  }
0xb6: {  	_ =	strace $0x90000048  }
0xb7: {  	_ =	sfence  }
0xb8: {  	s30 =	sld [smem:$0x0];
	_ =	sdelay $0x2  }
0xb9: {  	s31 =	sshll.u32 s1, $0xD;
	s1 =	sshrl.u32 s1, $0x2  }
0xba: {  	s3 =	sand.u32 $0x4000, s31;
	s1 =	sadd.s32 s1, s30  }
0xbb: {  	s0 =	sor.u32 s3, s0;
	s1 =	sshll.u32 s1, $0x11  }
0xbc: {  	s0 =	sor.u32 s1, s0  }
0xbd: {  	s0 =	sadd.s32 $0x8F2B, s0  }
0xbe: {  	[sflag:s0] =	ssyncadd.remote.s32 $0x1  }
0xbf: {  	_ =	sfence.sel $0xFFFF  }
0xc0: {  	[dreg:$0x0] =	wrdreg $0xFFFFFFFF;
	(pc) =	sbr.abs _section_cstart, $3  }
0xc1: {  	[dreg:$0x1] =	wrdreg $0xFFFFFFFF  }
0xc2: {  	_ =	task.clear_ibuf [dreg:s7], $0x2FFFF;
	_ =	strace $0x9FFFFFFF  }
0xc3: {  	(tm) =	ssettm $0x7FFFFFFF  }
tec
execute0_lowered:
.L_overlay_start_1:
0x0: {  	(tag) =	ssettag $0x1  }
0x1: {  	s1 =	rddreg [dreg:$0x0]  }
0x2: {  	s0 =	rddreg [dreg:$0x1]  }
0x3: {  	s2 =	rddreg [dreg:$0x2];
	s3 =	simm.s32 $0x0  }
0x4: {  	s4 =	srdreg.scid;
	s12 =	stileid.u32;
	s28 =	simm.s32 $0x2  }
0x5: {  	s29 =	simm.s32 $0x3;
	s30 =	simm.s32 $0x4;
	[smem:$0x7FF] =	sst s3  }
0x6: {  	s5 =	sadd.s32 $0x17200, s0;
	s4 =	sand.u32 $0x1, s4;
	s6 =	sadd.s32 $0xD200, s0  }
0x7: {  	s9 =	smul.u32 $0x50000, s12;
	s7 =	sadd.s32 $0x3200, s0;
	s0 =	sadd.s32 $0x21200, s0  }
0x8: {  	s11 =	sshll.u32 s12, $0x1;
	s12 =	smul.u32 $0x14000, s12;
	_ =	strace $0x80000047  }
0x9: {  	s8 =	ssub.s32 $0x2, s4;
	s13 =	sor.u32 s4, s11;
	s4 =	smul.u32 $0x140000, s4  }
0xa: {  	s10 =	sshrl.u32 s8, $0x1;
	s9 =	sshrl.u32 s9, $0x2;
	s15 =	sadd.s32 $0x4000, s12  }
0xb: {  	s16 =	sadd.s32 $0x8000, s12;
	s17 =	sadd.s32 $0xC000, s12;
	s18 =	sadd.s32 $0x10000, s12  }
0xc: {  	s13 =	smul.u32 $0x50, s13;
	s14 =	ssub.s32 s8, s10;
	s8 =	sadd.s32 s9, s2  }
0xd: {  	s9 =	sadd.s32 s15, s2;
	s31 =	sadd.s32 s16, s2;
	s11 =	sadd.s32 s17, s2  }
0xe: {  	s19 =	sadd.s32 s12, s4;
	s12 =	sadd.s32 s18, s2;
	s15 =	sadd.s32 s4, s15  }
0xf: {  	s22 =	sadd.s32 s4, s16;
	s23 =	sadd.s32 s4, s17;
	[dreg:$0x4] =	wrdreg s11  }
0x10: {  	s4 =	sadd.s32 s4, s18;
	[dreg:$0x5] =	wrdreg s12;
	s19 =	sshrl.u32 s19, $0x3  }
0x11: {  	s15 =	sshrl.u32 s15, $0x3;
	s16 =	sshrl.u32 s23, $0x3;
	s4 =	sshrl.u32 s4, $0x3  }
0x12: {  	s26 =	smax.u32 s14, $0x1;
	s23 =	simm.s32 $0x2800;
	s20 =	sadd.s32 s0, s19  }
0x13: {  	s21 =	sadd.s32 s0, s15;
	s15 =	sshrl.u32 s22, $0x3;
	[dreg:$0xb] =	wrdreg s26  }
.Ltmp0:
0x14: {  	s25 =	sadd.s32 s0, s16;
	[dreg:$0x6] =	wrdreg s20;
	(pc) =	sbr.rel .LBB2_1-.Ltmp0, $4  }
0x15: {  	s22 =	simm.s32 $0x1400;
	s26 =	simm.s32 $0x1;
	[dreg:$0x7] =	wrdreg s21  }
0x16: {  	s24 =	sadd.s32 s0, s15;
	[dreg:$0x9] =	wrdreg s25;
	s0 =	sadd.s32 s0, s4  }
0x17: {  	s20 =	simm.s32 $0x3C00;
	s21 =	simm.s32 $0x5;
	[dreg:$0x8] =	wrdreg s24  }
0x18: {  	v0 =	vimm.f32 $0.0e+00;
	s25 =	simm.s32 $0x7C00;
	[dreg:$0xa] =	wrdreg s0;
	s24 =	simm.s32 $0x80  }
.LBB2_12:
0x19: {  	s0 =	stileid.u32  }
0x1a: {  	[bflag:$0x0] =	sbarrier.arrive $0xFFFF;
	s0 =	sshll.u32 s0, $0x6  }
0x1b: {  	s4 =	sshrl.u32 s10, $0x3;
	s9 =	rddreg [dreg:$0x6];
	s0 =	sor.u32 $0x1C05, s0  }
0x1c: {  	[hbm:s9], [sflag:s0] =	dma.local [spmem:s4], $0x800  }
0x1d: {  	_ =	swait.ge [sflag:s21], $0x800  }
0x1e: {  	s8 =	smov.u32 s10;
	s10 =	sshrl.u32 s11, $0x3;
	[sflag:s21] =	ssyncset.done $0x0  }
0x1f: {  	s9 =	smov.u32 s11;
	s11 =	rddreg [dreg:$0x7];
	[sflag:s21] =	ssyncadd.s32 $0xFFFFF800  }
0x20: {  	[hbm:s11], [sflag:s0] =	dma.local [spmem:s10], $0x800  }
0x21: {  	_ =	swait.ge [sflag:s21], $0x800  }
0x22: {  	s31 =	smov.u32 s12;
	[sflag:s21] =	ssyncset.done $0x0  }
0x23: {  	s12 =	sshrl.u32 s12, $0x3;
	s14 =	rddreg [dreg:$0x8];
	[sflag:s21] =	ssyncadd.s32 $0xFFFFF800  }
0x24: {  	[hbm:s14], [sflag:s0] =	dma.local [spmem:s12], $0x800  }
0x25: {  	_ =	swait.ge [sflag:s21], $0x800  }
0x26: {  	[sflag:s21] =	ssyncset.done $0x0;
	s15 =	rddreg [dreg:$0x4]  }
0x27: {  	s16 =	rddreg [dreg:$0x9];
	[sflag:s21] =	ssyncadd.s32 $0xFFFFF800;
	s4 =	sshrl.u32 s15, $0x3  }
0x28: {  	[hbm:s16], [sflag:s0] =	dma.local [spmem:s4], $0x800  }
0x29: {  	_ =	swait.ge [sflag:s21], $0x800  }
0x2a: {  	[sflag:s21] =	ssyncset.done $0x0;
	s17 =	rddreg [dreg:$0x5]  }
0x2b: {  	s18 =	rddreg [dreg:$0xa];
	[sflag:s21] =	ssyncadd.s32 $0xFFFFF800;
	s4 =	sshrl.u32 s17, $0x3  }
0x2c: {  	[hbm:s18], [sflag:s0] =	dma.local [spmem:s4], $0x800  }
0x2d: {  	_ =	swait.ge [sflag:s21], $0x800  }
0x2e: {  	s3 =	sadd.s32 $0x1, s3;
	s19 =	rddreg [dreg:$0xb]  }
0x2f: {  	p0 =	sne.s32 s3, s19  }
.Ltmp1:
0x30: {  	_ = 	snop;
	(pc) =	sbr.rel @!p0 .LBB2_13-.Ltmp1, $3  }
0x31: {  	_ =	sdelay $0x1  }
0x32: {  	[sflag:s21] =	ssyncset.done $0x0  }
0x33: {  	[sflag:s21] =	ssyncadd.s32 $0xFFFFF800  }
.LBB2_1:
0x34: {  	s0 =	simm.s32 $0x0;
	s4 =	simm.s32 $0x200  }
.LBB2_2:
0x35: {  	p0 =	sne.s32 s4, $0xFE00;
	[tilespmem:s0+$0x3C70] =	vst v0  }
0x36: {  	[tilespmem:s0+$0x3C00] =	vst v0  }
0x37: {  	[tilespmem:s0+$0x3C10] =	vst v0  }
.Ltmp2:
0x38: {  	[tilespmem:s0+$0x3C20] =	vst v0;
	(pc) =	sbr.rel @p0 .LBB2_2-.Ltmp2, $4  }
0x39: {  	[tilespmem:s0+$0x3C30] =	vst v0  }
0x3a: {  	[tilespmem:s0+$0x3C40] =	vst v0  }
0x3b: {  	[tilespmem:s0+$0x3C50] =	vst v0  }
0x3c: {  	[tilespmem:s0+$0x3C60] =	vst v0;
	s0 =	sshra.s32 s4, $0x2;
	s4 =	sadd.s32 $0x200, s4  }
0x3d: {  	[tilespmem:s0+$0x3C70] =	vst v0  }
0x3e: {  	[tilespmem:s0+$0x3C00] =	vst v0  }
0x3f: {  	[tilespmem:s0+$0x3C10] =	vst v0  }
0x40: {  	[tilespmem:s0+$0x3C20] =	vst v0  }
0x41: {  	[tilespmem:s0+$0x3C30] =	vst v0  }
0x42: {  	[tilespmem:s0+$0x3C40] =	vst v0  }
0x43: {  	[tilespmem:s0+$0x3C50] =	vst v0  }
0x44: {  	[tilespmem:s0+$0x3C60] =	vst v0  }
0x45: {  	[spmem:s8] =	stream.linear.scatter [tilespmem:s20], [sflag:$0x5], $0x4000, $0x38;
	[tilespmem:$0x1FC00] =	vst v63  }
0x46: {  	_ =	swait.ge [sflag:s21], $0x4000  }
0x47: {  	[sflag:s21] =	ssyncset.done $0x0  }
0x48: {  	[sflag:s21] =	ssyncadd.s32 $0xFFFFC000  }
0x49: {  	[spmem:s9] =	stream.linear.scatter [tilespmem:s20], [sflag:$0x5], $0x4000, $0x38;
	[tilespmem:$0x1FC00] =	vst v63  }
0x4a: {  	_ =	swait.ge [sflag:s21], $0x4000  }
0x4b: {  	[sflag:s21] =	ssyncset.done $0x0  }
0x4c: {  	[sflag:s21] =	ssyncadd.s32 $0xFFFFC000  }
0x4d: {  	[spmem:s31] =	stream.linear.scatter [tilespmem:s20], [sflag:$0x5], $0x4000, $0x38;
	[tilespmem:$0x1FC00] =	vst v63  }
0x4e: {  	_ =	swait.ge [sflag:s21], $0x4000  }
0x4f: {  	[sflag:s21] =	ssyncset.done $0x0  }
0x50: {  	s18 =	rddreg [dreg:$0x4];
	[sflag:s21] =	ssyncadd.s32 $0xFFFFC000  }
0x51: {  	[spmem:s18] =	stream.linear.scatter [tilespmem:s20], [sflag:$0x5], $0x4000, $0x38;
	[tilespmem:$0x1FC00] =	vst v63  }
0x52: {  	_ =	swait.ge [sflag:s21], $0x4000  }
0x53: {  	[sflag:s21] =	ssyncset.done $0x0  }
0x54: {  	s19 =	rddreg [dreg:$0x5];
	[sflag:s21] =	ssyncadd.s32 $0xFFFFC000  }
0x55: {  	[spmem:s19] =	stream.linear.scatter [tilespmem:s20], [sflag:$0x5], $0x4000, $0x38;
	[tilespmem:$0x1FC00] =	vst v63  }
.Ltmp3:
0x56: {  	_ =	swait.ge [sflag:s21], $0x4000;
	(pc) =	sbr.rel .LBB2_4-.Ltmp3, $4  }
0x57: {  	[sflag:s21] =	ssyncset.done $0x0  }
0x58: {  	s10 =	smov.u32 s8;
	[sflag:s21] =	ssyncadd.s32 $0xFFFFC000  }
0x59: {  	s11 =	smov.u32 s9;
	s12 =	smov.u32 s31;
	[bflag:$0x0] =	sbarrier.arrive $0xFFFF  }
0x5a: {  	p1 =	por $0x1, $0x1;
	s0 =	simm.s32 $0x0;
	s31 =	simm.s32 $0x0  }
.LBB2_11:
0x5b: {  	_ =	swait.ge [sflag:s29], $0x4000  }
.Ltmp4:
0x5c: {  	[sflag:s29] =	ssyncset.done $0x0;
	(pc) =	sbr.rel @!p0 .LBB2_12-.Ltmp4, $4  }
0x5d: {  	[sflag:s29] =	ssyncadd.s32 $0xFFFFC000  }
0x5e: {  	_ =	swait.ge [sflag:s30], $0x4000  }
0x5f: {  	[sflag:s30] =	ssyncset.done $0x0  }
0x60: {  	s0 =	simm.s32 $0x28;
	p1 =	por $0x0, $0x0;
	[sflag:s30] =	ssyncadd.s32 $0xFFFFC000  }
.LBB2_4:
0x61: {  	s0 =	sadd.s32 s13, s0  }
0x62: {  	s0 =	sshll.u32 s0, $0x4  }
0x63: {  	s4 =	sadd.s32 s6, s0  }
0x64: {  	[tilespmem:s31], [sflag:$0x5] =	stream.linear.gather [hbm4b:s4+s31], $0x1400, $0x38;
	[tilespmem:$0x1FC00] =	vst v63  }
0x65: {  	_ =	swait.ge [sflag:s21], $0x1400  }
0x66: {  	[sflag:s21] =	ssyncset.done $0x0  }
0x67: {  	s19 =	sadd.s32 s5, s0;
	[sflag:s21] =	ssyncadd.s32 $0xFFFFEC00  }
0x68: {  	[tilespmem:s22], [sflag:$0x5] =	stream.linear.gather [hbm4b:s19+s31], $0x1400, $0x38;
	[tilespmem:$0x1FC00] =	vst v63  }
0x69: {  	_ =	swait.ge [sflag:s21], $0x1400  }
0x6a: {  	[sflag:s21] =	ssyncset.done $0x0  }
0x6b: {  	s0 =	sadd.s32 s7, s0;
	[sflag:s21] =	ssyncadd.s32 $0xFFFFEC00  }
0x6c: {  	[tilespmem:s23], [sflag:$0x5] =	stream.linear.gather [hbm4b:s0+s31], $0x1400, $0x38;
	[tilespmem:$0x1FC00] =	vst v63  }
0x6d: {  	_ =	swait.ge [sflag:s21], $0x1400  }
0x6e: {  	[sflag:s21] =	ssyncset.done $0x0  }
0x6f: {  	[sflag:s21] =	ssyncadd.s32 $0xFFFFEC00  }
0x70: {  	[tilespmem:s20], [sflag:$0x1] =	stream.indirect.gather [hbm4b:s1+s24], $0x80, s31, s24, $0xb8;
	[tilespmem:$0x1FC00] =	vst v63  }
0x71: {  	p0 =	por p1, p1;
	s0 =	simm.s32 $0x0  }
0x72: {  	[tilespmem:s25], [sflag:$0x2] =	stream.indirect.gather [hbm4b:s1+s24], $0x80, s24, s24, $0xb8;
	[tilespmem:$0x1FC00] =	vst v63  }
.LBB2_5:
0x73: {  	_ =	swait.ge [sflag:s26], $0x4000  }
0x74: {  	[sflag:s26] =	ssyncset.done $0x0  }
0x75: {  	s15 =	simm.s32 $0x3D00;
	[sflag:s26] =	ssyncadd.s32 $0xFFFFC000  }
0x76: {  	v2 =	vld [tilespmem:s15+$0x90]  }
0x77: {  	v6 =	vld [tilespmem:s15+$0xFFFFFFF0]  }
0x78: {  	v8 =	vld [tilespmem:s15+$0xB0]  }
0x79: {  	v5 =	vld [tilespmem:s15+$0x40]  }
0x7a: {  	v14 =	vld [tilespmem:s15+$0xA0]  }
0x7b: {  	v27 =	vld [tilespmem:s15+$0xE0]  }
0x7c: {  	v18 =	vld [tilespmem:s15+$0x80]  }
0x7d: {  	s14 =	sshll.u32 s0, $0xA;
	v1 =	vld [tilespmem:s15+$0xD0]  }
0x7e: {  	s4 =	sshrl.u32 s14, $0x2;
	v3 =	vld [tilespmem:s15+$0x30]  }
0x7f: {  	s16 =	sadd.s32 $0x2800, s4;
	v9 =	vld [tilespmem:s15+$0x0]  }
0x80: {  	v4 =	vmov s16;
	v13 =	vld [tilespmem:s15+$0x10]  }
0x81: {  	v20 =	vld [tilespmem:s15+$0xC0]  }
0x82: {  	v25 =	vld [tilespmem:s15+$0xFFFFFF80]  }
0x83: {  	s8 =	simm.s32 $0x0;
	v19 =	vld [tilespmem:s15+$0xFFFFFF00]  }
0x84: {  	s17 =	sand.u32 $0x70, s8;
	v15 =	vld [tilespmem:s15+$0xFFFFFFB0]  }
0x85: {  	v12 =	vld.idx.msk [tilespmem:v4+s17+$0x0 ss:$0x1], $0xffff  }
0x86: {  	v10 =	vld [tilespmem:s15+$0xFFFFFF20]  }
0x87: {  	s16 =	sand.u32 $0xC, s8;
	v21 =	vld [tilespmem:s15+$0xF0]  }
0x88: {  	v11 =	vld [tilespmem:s15+$0x70];
	s9 =	sor.u32 $0x2, s16;
	s18 =	sor.u32 $0x3, s16  }
0x89: {  	v24 =	vld [tilespmem:s15+$0xFFFFFFA0];
	s19 =	sor.u32 $0x1, s16;
	v7 =	vmov s16;
	v22 =	vmov s9;
	v16 =	vmov s18  }
0x8a: {  	v23 =	vld [tilespmem:s15+$0xFFFFFF90];
	v17 =	vmov s19;
	v7 =	vperm.xlane v12, v7;
	v16 =	vperm.xlane v12, v16  }
0x8b: {  	v17 =	vperm.xlane v12, v17;
	v12 =	vperm.xlane v12, v22;
	v22 =	vld [tilespmem:s15+$0x60]  }
0x8c: {  	v28 =	vmul.f32 v19, v7;
	v19 =	vld [tilespmem:s15+$0x50];
	v26 =	vmul.f32 v18, v16  }
0x8d: {  	s16 =	simm.s32 $0x4;
	s17 =	simm.s32 $0x3D00;
	v25 =	vmul.f32 v25, v17;
	v18 =	vld [tilespmem:s15+$0xFFFFFFC0];
	v27 =	vmul.f32 v27, v16  }
.LBB2_6:
0x8e: {  	p1 =	sne.s32 s16, $0x7C  }
0x8f: {  	[tilespmem:s15+$0xFFFFFF00] =	vst v28;
	v28 =	vld [tilespmem:s15+$0xFFFFFF40];
	v24 =	vmul.f32 v24, v17;
	v20 =	vmul.f32 v20, v16;
	s17 =	sadd.s32 $0x200, s17;
	s18 =	smov.u32 s16;
	s16 =	sadd.s32 $0x4, s16  }
0x90: {  	v21 =	vmul.f32 v21, v16;
	v29 =	vld [tilespmem:s15+$0xFFFFFF10];
	v23 =	vmul.f32 v23, v17;
	[tilespmem:s15+$0x80] =	vst v26  }
0x91: {  	v14 =	vmul.f32 v14, v16;
	v26 =	vld [tilespmem:s15+$0xFFFFFFE0];
	v22 =	vmul.f32 v22, v12;
	[tilespmem:s15+$0xE0] =	vst v27  }
0x92: {  	v6 =	vmul.f32 v6, v17;
	[tilespmem:s15+$0xFFFFFF80] =	vst v25;
	v25 =	vld [tilespmem:s15+$0xFFFFFFD0];
	v19 =	vmul.f32 v19, v12  }
0x93: {  	v8 =	vmul.f32 v8, v16;
	v27 =	vld [tilespmem:s15+$0xFFFFFF30];
	v18 =	vmul.f32 v18, v17;
	[tilespmem:s15+$0xC0] =	vst v20  }
0x94: {  	v5 =	vmul.f32 v5, v12;
	v2 =	vmul.f32 v2, v16;
	v20 =	vld [tilespmem:s15+$0xFFFFFF60];
	[tilespmem:s15+$0xA0] =	vst v14  }
0x95: {  	v13 =	vmul.f32 v13, v12;
	v29 =	vmul.f32 v29, v7;
	v14 =	vld [tilespmem:s15+$0xFFFFFF50];
	[tilespmem:s15+$0xB0] =	vst v8  }
0x96: {  	v8 =	vmul.f32 v9, v12;
	v26 =	vmul.f32 v26, v17;
	v9 =	vld [tilespmem:s15+$0x20];
	[tilespmem:s15+$0x90] =	vst v2  }
0x97: {  	v15 =	vmul.f32 v15, v17;
	v30 =	vld [tilespmem:s15+$0xFFFFFF70];
	v17 =	vmul.f32 v25, v17;
	[tilespmem:s15+$0xF0] =	vst v21  }
0x98: {  	v10 =	vmul.f32 v10, v7;
	v11 =	vmul.f32 v11, v12;
	v2 =	vld [tilespmem:s17+$0x90];
	[tilespmem:s15+$0xFFFFFFA0] =	vst v24  }
0x99: {  	v21 =	vmul.f32 v27, v7;
	v24 =	vmul.f32 v28, v7;
	[tilespmem:s15+$0x10] =	vst v13  }
0x9a: {  	v27 =	vmul.f32 v20, v7;
	v25 =	vmul.f32 v14, v7;
	[tilespmem:s15+$0x0] =	vst v8  }
0x9b: {  	v3 =	vmul.f32 v3, v12;
	[tilespmem:s15+$0xFFFFFFF0] =	vst v6;
	v9 =	vmul.f32 v9, v12  }
0x9c: {  	v1 =	vmul.f32 v1, v16;
	v7 =	vmul.f32 v30, v7;
	[tilespmem:s15+$0xFFFFFFB0] =	vst v15  }
0x9d: {  	[tilespmem:s15+$0xFFFFFF90] =	vst v23  }
0x9e: {  	[tilespmem:s15+$0xFFFFFF20] =	vst v10  }
0x9f: {  	[tilespmem:s15+$0x30] =	vst v3  }
0xa0: {  	[tilespmem:s15+$0xD0] =	vst v1  }
0xa1: {  	[tilespmem:s15+$0x70] =	vst v11  }
0xa2: {  	v6 =	vld [tilespmem:s17+$0xFFFFFFF0];
	[tilespmem:s15+$0x60] =	vst v22  }
0xa3: {  	v8 =	vld [tilespmem:s17+$0xB0];
	[tilespmem:s15+$0x40] =	vst v5  }
0xa4: {  	v5 =	vld [tilespmem:s17+$0x40];
	[tilespmem:s15+$0xFFFFFF70] =	vst v7  }
0xa5: {  	v14 =	vld [tilespmem:s17+$0xA0];
	[tilespmem:s15+$0x20] =	vst v9  }
0xa6: {  	v30 =	vld [tilespmem:s17+$0xE0];
	[tilespmem:s15+$0xFFFFFF40] =	vst v24  }
0xa7: {  	v31 =	vld [tilespmem:s17+$0x80];
	[tilespmem:s15+$0x50] =	vst v19  }
0xa8: {  	v1 =	vld [tilespmem:s17+$0xD0];
	[tilespmem:s15+$0xFFFFFFD0] =	vst v17  }
0xa9: {  	v3 =	vld [tilespmem:s17+$0x30];
	[tilespmem:s15+$0xFFFFFF30] =	vst v21  }
0xaa: {  	v9 =	vld [tilespmem:s17+$0x0];
	[tilespmem:s15+$0xFFFFFF10] =	vst v29  }
0xab: {  	v13 =	vld [tilespmem:s17+$0x10];
	[tilespmem:s15+$0xFFFFFFC0] =	vst v18  }
0xac: {  	v20 =	vld [tilespmem:s17+$0xC0];
	[tilespmem:s15+$0xFFFFFFE0] =	vst v26  }
0xad: {  	v18 =	vld [tilespmem:s17+$0xFFFFFF80];
	[tilespmem:s15+$0xFFFFFF60] =	vst v27  }
0xae: {  	s19 =	sand.u32 $0x70, s18;
	v19 =	vld [tilespmem:s17+$0xFFFFFF00];
	[tilespmem:s15+$0xFFFFFF50] =	vst v25;
	s15 =	smov.u32 s17  }
0xaf: {  	v12 =	vld.idx.msk [tilespmem:v4+s19+$0x0 ss:$0x1], $0xffff  }
0xb0: {  	v15 =	vld [tilespmem:s17+$0xFFFFFFB0]  }
0xb1: {  	v10 =	vld [tilespmem:s17+$0xFFFFFF20]  }
0xb2: {  	s18 =	sand.u32 $0xC, s18;
	v21 =	vld [tilespmem:s17+$0xF0]  }
0xb3: {  	s8 =	sor.u32 $0x2, s18;
	s9 =	sor.u32 $0x3, s18;
	s19 =	sor.u32 $0x1, s18;
	v11 =	vld [tilespmem:s17+$0x70]  }
.Ltmp5:
0xb4: {  	v16 =	vmov s9;
	v22 =	vmov s8;
	v7 =	vmov s18;
	v24 =	vld [tilespmem:s17+$0xFFFFFFA0];
	(pc) =	sbr.rel @p1 .LBB2_6-.Ltmp5, $4  }
0xb5: {  	v17 =	vmov s19;
	v7 =	vperm.xlane v12, v7;
	v16 =	vperm.xlane v12, v16;
	v23 =	vld [tilespmem:s17+$0xFFFFFF90]  }
0xb6: {  	v17 =	vperm.xlane v12, v17;
	v12 =	vperm.xlane v12, v22;
	v22 =	vld [tilespmem:s17+$0x60]  }
0xb7: {  	v28 =	vmul.f32 v19, v7;
	v26 =	vmul.f32 v31, v16;
	v19 =	vld [tilespmem:s17+$0x50]  }
0xb8: {  	v25 =	vmul.f32 v18, v17;
	v27 =	vmul.f32 v30, v16;
	v18 =	vld [tilespmem:s17+$0xFFFFFFC0]  }
0xb9: {  	[tilespmem:s15+$0xFFFFFF00] =	vst v28  }
0xba: {  	[tilespmem:s15+$0x80] =	vst v26  }
0xbb: {  	v4 =	vmul.f32 v20, v16;
	[tilespmem:s15+$0xE0] =	vst v27  }
0xbc: {  	v14 =	vmul.f32 v14, v16;
	[tilespmem:s15+$0xFFFFFF80] =	vst v25  }
0xbd: {  	v8 =	vmul.f32 v8, v16;
	[tilespmem:s15+$0xC0] =	vst v4  }
0xbe: {  	v2 =	vmul.f32 v2, v16;
	[tilespmem:s15+$0xA0] =	vst v14  }
0xbf: {  	v6 =	vmul.f32 v6, v17;
	[tilespmem:s15+$0xB0] =	vst v8  }
0xc0: {  	v15 =	vmul.f32 v15, v17;
	[tilespmem:s15+$0x90] =	vst v2  }
0xc1: {  	v10 =	vmul.f32 v10, v7;
	[tilespmem:s15+$0xFFFFFFF0] =	vst v6  }
0xc2: {  	v3 =	vmul.f32 v3, v12;
	[tilespmem:s15+$0xFFFFFFB0] =	vst v15  }
0xc3: {  	v1 =	vmul.f32 v1, v16;
	[tilespmem:s15+$0xFFFFFF20] =	vst v10  }
0xc4: {  	v4 =	vmul.f32 v21, v16;
	[tilespmem:s15+$0x30] =	vst v3  }
0xc5: {  	v8 =	vmul.f32 v24, v17;
	[tilespmem:s15+$0xD0] =	vst v1  }
0xc6: {  	v2 =	vmul.f32 v13, v12;
	[tilespmem:s15+$0xF0] =	vst v4  }
0xc7: {  	v4 =	vmul.f32 v9, v12;
	v9 =	vld [tilespmem:s15+$0x20];
	[tilespmem:s15+$0xFFFFFFA0] =	vst v8  }
0xc8: {  	v3 =	vmul.f32 v22, v12;
	v8 =	vld [tilespmem:s15+$0xFFFFFF40];
	[tilespmem:s15+$0x10] =	vst v2  }
0xc9: {  	v2 =	vld [tilespmem:s15+$0xFFFFFF10];
	[tilespmem:s15+$0x0] =	vst v4;
	v4 =	vmul.f32 v23, v17  }
0xca: {  	v13 =	vld [tilespmem:s15+$0xFFFFFF70];
	v1 =	vmul.f32 v5, v12;
	[tilespmem:s15+$0x60] =	vst v3  }
0xcb: {  	v20 =	vld [tilespmem:s15+$0xFFFFFFD0];
	[tilespmem:s15+$0xFFFFFF90] =	vst v4;
	v4 =	vmul.f32 v11, v12  }
0xcc: {  	v21 =	vld [tilespmem:s15+$0xFFFFFF30];
	[tilespmem:s15+$0x40] =	vst v1;
	v3 =	vmul.f32 v9, v12  }
0xcd: {  	v6 =	vld [tilespmem:s15+$0xFFFFFF60];
	v1 =	vmul.f32 v8, v7;
	[tilespmem:s15+$0x70] =	vst v4  }
0xce: {  	v2 =	vmul.f32 v2, v7;
	[tilespmem:s15+$0x20] =	vst v3  }
0xcf: {  	v4 =	vmul.f32 v13, v7;
	[tilespmem:s15+$0xFFFFFF40] =	vst v1  }
0xd0: {  	v14 =	vld [tilespmem:s15+$0xFFFFFFE0];
	v3 =	vmul.f32 v20, v17;
	[tilespmem:s15+$0xFFFFFF10] =	vst v2  }
0xd1: {  	v15 =	vld [tilespmem:s15+$0xFFFFFF50];
	v1 =	vmul.f32 v21, v7;
	[tilespmem:s15+$0xFFFFFF70] =	vst v4  }
0xd2: {  	v2 =	vmul.f32 v6, v7;
	[tilespmem:s15+$0xFFFFFFD0] =	vst v3  }
0xd3: {  	v4 =	vmul.f32 v19, v12;
	[tilespmem:s15+$0xFFFFFF30] =	vst v1  }
0xd4: {  	v3 =	vmul.f32 v18, v17;
	[tilespmem:s15+$0xFFFFFF60] =	vst v2  }
0xd5: {  	v1 =	vmul.f32 v14, v17;
	[tilespmem:s15+$0x50] =	vst v4  }
0xd6: {  	[tilespmem:s15+$0xFFFFFFC0] =	vst v3;
	v3 =	vmul.f32 v15, v7  }
0xd7: {  	[tilespmem:s15+$0xFFFFFFE0] =	vst v1  }
0xd8: {  	s8 =	sadd.s32 $0x1400, s4;
	p1 =	seq.s32 s0, $0x13;
	[tilespmem:s15+$0xFFFFFF50] =	vst v3  }
0xd9: {  	[spmem:s2] =	stream.indirect.scatter.add.f32 [tilespmem:s20], [sflag:$0x3], $0x80, s8, s24, $0xb8;
	[tilespmem:$0x1FC00] =	vst v63  }
0xda: {  	s8 =	simm.s32 @!p1 $0x3  }
0xdb: {  	_ =	swait.ge @!p1 [sflag:s8], $0x4000  }
0xdc: {  	[sflag:s8] =	ssyncset.done @!p1 $0x0  }
0xdd: {  	[sflag:s8] =	ssyncadd.s32 @!p1 $0xFFFFC000;
	s8 =	sshrl.u32 @!p1 s14, $0x2  }
0xde: {  	s9 =	simm.s32 @!p1 $0x80;
	s15 =	simm.s32 @!p1 $0x3C00;
	s8 =	sadd.s32 @!p1 $0x100, s8  }
0xdf: {  	[tilespmem:s15], [sflag:$0x1] =	stream.indirect.gather @!p1 [hbm4b:s1+s9], $0x80, s8, s9, $0xb8;
	[tilespmem:$0x1FC00] =	vst v63  }
0xe0: {  	_ =	swait.ge [sflag:s28], $0x4000  }
0xe1: {  	[sflag:s28] =	ssyncset.done $0x0  }
0xe2: {  	s15 =	simm.s32 $0x7D00;
	[sflag:s28] =	ssyncadd.s32 $0xFFFFC000  }
0xe3: {  	v2 =	vld [tilespmem:s15+$0x90]  }
0xe4: {  	v6 =	vld [tilespmem:s15+$0xFFFFFFF0]  }
0xe5: {  	v8 =	vld [tilespmem:s15+$0xB0]  }
0xe6: {  	v5 =	vld [tilespmem:s15+$0x40]  }
0xe7: {  	v14 =	vld [tilespmem:s15+$0xA0]  }
0xe8: {  	v27 =	vld [tilespmem:s15+$0xE0]  }
0xe9: {  	v18 =	vld [tilespmem:s15+$0x80]  }
0xea: {  	s16 =	sor.u32 $0x200, s14;
	v1 =	vld [tilespmem:s15+$0xD0]  }
0xeb: {  	s14 =	sshrl.u32 s16, $0x2;
	v3 =	vld [tilespmem:s15+$0x30]  }
0xec: {  	s8 =	sadd.s32 $0x2800, s14;
	v9 =	vld [tilespmem:s15+$0x0]  }
0xed: {  	v4 =	vmov s8;
	v13 =	vld [tilespmem:s15+$0x10]  }
0xee: {  	v20 =	vld [tilespmem:s15+$0xC0]  }
0xef: {  	v25 =	vld [tilespmem:s15+$0xFFFFFF80]  }
0xf0: {  	s17 =	simm.s32 $0x0;
	v19 =	vld [tilespmem:s15+$0xFFFFFF00]  }
0xf1: {  	s18 =	sand.u32 $0x70, s17;
	v15 =	vld [tilespmem:s15+$0xFFFFFFB0]  }
0xf2: {  	v12 =	vld.idx.msk [tilespmem:v4+s18+$0x0 ss:$0x1], $0xffff  }
0xf3: {  	v10 =	vld [tilespmem:s15+$0xFFFFFF20]  }
0xf4: {  	s8 =	sand.u32 $0xC, s17;
	v21 =	vld [tilespmem:s15+$0xF0]  }
0xf5: {  	s19 =	sor.u32 $0x2, s8;
	s16 =	sor.u32 $0x3, s8;
	v11 =	vld [tilespmem:s15+$0x70]  }
0xf6: {  	s17 =	sor.u32 $0x1, s8;
	v7 =	vmov s8;
	v22 =	vmov s19;
	v16 =	vmov s16;
	v24 =	vld [tilespmem:s15+$0xFFFFFFA0]  }
0xf7: {  	v17 =	vmov s17;
	v23 =	vld [tilespmem:s15+$0xFFFFFF90];
	v7 =	vperm.xlane v12, v7;
	v16 =	vperm.xlane v12, v16  }
0xf8: {  	v17 =	vperm.xlane v12, v17;
	v12 =	vperm.xlane v12, v22;
	v22 =	vld [tilespmem:s15+$0x60]  }
0xf9: {  	v28 =	vmul.f32 v19, v7;
	v19 =	vld [tilespmem:s15+$0x50];
	v26 =	vmul.f32 v18, v16  }
0xfa: {  	s16 =	simm.s32 $0x4;
	s17 =	simm.s32 $0x7D00;
	v25 =	vmul.f32 v25, v17;
	v18 =	vld [tilespmem:s15+$0xFFFFFFC0];
	v27 =	vmul.f32 v27, v16  }
.LBB2_8:
0xfb: {  	p2 =	sne.s32 s16, $0x7C  }
0xfc: {  	[tilespmem:s15+$0xFFFFFF00] =	vst v28;
	v28 =	vld [tilespmem:s15+$0xFFFFFF40];
	v24 =	vmul.f32 v24, v17;
	v20 =	vmul.f32 v20, v16;
	s17 =	sadd.s32 $0x200, s17;
	s18 =	smov.u32 s16;
	s16 =	sadd.s32 $0x4, s16  }
0xfd: {  	v21 =	vmul.f32 v21, v16;
	v29 =	vld [tilespmem:s15+$0xFFFFFF10];
	v23 =	vmul.f32 v23, v17;
	[tilespmem:s15+$0x80] =	vst v26  }
0xfe: {  	v14 =	vmul.f32 v14, v16;
	v26 =	vld [tilespmem:s15+$0xFFFFFFE0];
	v22 =	vmul.f32 v22, v12;
	[tilespmem:s15+$0xE0] =	vst v27  }
0xff: {  	v6 =	vmul.f32 v6, v17;
	[tilespmem:s15+$0xFFFFFF80] =	vst v25;
	v25 =	vld [tilespmem:s15+$0xFFFFFFD0];
	v19 =	vmul.f32 v19, v12  }
0x100: {  	v8 =	vmul.f32 v8, v16;
	v27 =	vld [tilespmem:s15+$0xFFFFFF30];
	v18 =	vmul.f32 v18, v17;
	[tilespmem:s15+$0xC0] =	vst v20  }
0x101: {  	v5 =	vmul.f32 v5, v12;
	v2 =	vmul.f32 v2, v16;
	v20 =	vld [tilespmem:s15+$0xFFFFFF60];
	[tilespmem:s15+$0xA0] =	vst v14  }
0x102: {  	v13 =	vmul.f32 v13, v12;
	v29 =	vmul.f32 v29, v7;
	v14 =	vld [tilespmem:s15+$0xFFFFFF50];
	[tilespmem:s15+$0xB0] =	vst v8  }
0x103: {  	v8 =	vmul.f32 v9, v12;
	v26 =	vmul.f32 v26, v17;
	v9 =	vld [tilespmem:s15+$0x20];
	[tilespmem:s15+$0x90] =	vst v2  }
0x104: {  	v15 =	vmul.f32 v15, v17;
	v30 =	vld [tilespmem:s15+$0xFFFFFF70];
	v17 =	vmul.f32 v25, v17;
	[tilespmem:s15+$0xF0] =	vst v21  }
0x105: {  	v10 =	vmul.f32 v10, v7;
	v11 =	vmul.f32 v11, v12;
	v2 =	vld [tilespmem:s17+$0x90];
	[tilespmem:s15+$0xFFFFFFA0] =	vst v24  }
0x106: {  	v21 =	vmul.f32 v27, v7;
	v24 =	vmul.f32 v28, v7;
	[tilespmem:s15+$0x10] =	vst v13  }
0x107: {  	v27 =	vmul.f32 v20, v7;
	v25 =	vmul.f32 v14, v7;
	[tilespmem:s15+$0x0] =	vst v8  }
0x108: {  	v3 =	vmul.f32 v3, v12;
	[tilespmem:s15+$0xFFFFFFF0] =	vst v6;
	v9 =	vmul.f32 v9, v12  }
0x109: {  	v1 =	vmul.f32 v1, v16;
	v7 =	vmul.f32 v30, v7;
	[tilespmem:s15+$0xFFFFFFB0] =	vst v15  }
0x10a: {  	[tilespmem:s15+$0xFFFFFF90] =	vst v23  }
0x10b: {  	[tilespmem:s15+$0xFFFFFF20] =	vst v10  }
0x10c: {  	[tilespmem:s15+$0x30] =	vst v3  }
0x10d: {  	[tilespmem:s15+$0xD0] =	vst v1  }
0x10e: {  	[tilespmem:s15+$0x70] =	vst v11  }
0x10f: {  	v6 =	vld [tilespmem:s17+$0xFFFFFFF0];
	[tilespmem:s15+$0x60] =	vst v22  }
0x110: {  	v8 =	vld [tilespmem:s17+$0xB0];
	[tilespmem:s15+$0x40] =	vst v5  }
0x111: {  	v5 =	vld [tilespmem:s17+$0x40];
	[tilespmem:s15+$0xFFFFFF70] =	vst v7  }
0x112: {  	v14 =	vld [tilespmem:s17+$0xA0];
	[tilespmem:s15+$0x20] =	vst v9  }
0x113: {  	v30 =	vld [tilespmem:s17+$0xE0];
	[tilespmem:s15+$0xFFFFFF40] =	vst v24  }
0x114: {  	v31 =	vld [tilespmem:s17+$0x80];
	[tilespmem:s15+$0x50] =	vst v19  }
0x115: {  	v1 =	vld [tilespmem:s17+$0xD0];
	[tilespmem:s15+$0xFFFFFFD0] =	vst v17  }
0x116: {  	v3 =	vld [tilespmem:s17+$0x30];
	[tilespmem:s15+$0xFFFFFF30] =	vst v21  }
0x117: {  	v9 =	vld [tilespmem:s17+$0x0];
	[tilespmem:s15+$0xFFFFFF10] =	vst v29  }
0x118: {  	v13 =	vld [tilespmem:s17+$0x10];
	[tilespmem:s15+$0xFFFFFFC0] =	vst v18  }
0x119: {  	v20 =	vld [tilespmem:s17+$0xC0];
	[tilespmem:s15+$0xFFFFFFE0] =	vst v26  }
0x11a: {  	v18 =	vld [tilespmem:s17+$0xFFFFFF80];
	[tilespmem:s15+$0xFFFFFF60] =	vst v27  }
0x11b: {  	s8 =	sand.u32 $0x70, s18;
	v19 =	vld [tilespmem:s17+$0xFFFFFF00];
	[tilespmem:s15+$0xFFFFFF50] =	vst v25;
	s15 =	smov.u32 s17  }
0x11c: {  	v12 =	vld.idx.msk [tilespmem:v4+s8+$0x0 ss:$0x1], $0xffff  }
0x11d: {  	v15 =	vld [tilespmem:s17+$0xFFFFFFB0]  }
0x11e: {  	v10 =	vld [tilespmem:s17+$0xFFFFFF20]  }
0x11f: {  	s8 =	sand.u32 $0xC, s18;
	v21 =	vld [tilespmem:s17+$0xF0]  }
0x120: {  	s9 =	sor.u32 $0x1, s8;
	s18 =	sor.u32 $0x2, s8;
	s19 =	sor.u32 $0x3, s8;
	v11 =	vld [tilespmem:s17+$0x70]  }
.Ltmp6:
0x121: {  	v7 =	vmov s8;
	v22 =	vmov s18;
	v16 =	vmov s19;
	v24 =	vld [tilespmem:s17+$0xFFFFFFA0];
	(pc) =	sbr.rel @p2 .LBB2_8-.Ltmp6, $4  }
0x122: {  	v17 =	vmov s9;
	v7 =	vperm.xlane v12, v7;
	v16 =	vperm.xlane v12, v16;
	v23 =	vld [tilespmem:s17+$0xFFFFFF90]  }
0x123: {  	v17 =	vperm.xlane v12, v17;
	v12 =	vperm.xlane v12, v22;
	v22 =	vld [tilespmem:s17+$0x60]  }
0x124: {  	v28 =	vmul.f32 v19, v7;
	v26 =	vmul.f32 v31, v16;
	v19 =	vld [tilespmem:s17+$0x50]  }
0x125: {  	v25 =	vmul.f32 v18, v17;
	v27 =	vmul.f32 v30, v16;
	v18 =	vld [tilespmem:s17+$0xFFFFFFC0]  }
0x126: {  	[tilespmem:s15+$0xFFFFFF00] =	vst v28  }
0x127: {  	[tilespmem:s15+$0x80] =	vst v26  }
0x128: {  	v4 =	vmul.f32 v20, v16;
	[tilespmem:s15+$0xE0] =	vst v27  }
0x129: {  	v14 =	vmul.f32 v14, v16;
	[tilespmem:s15+$0xFFFFFF80] =	vst v25  }
0x12a: {  	v8 =	vmul.f32 v8, v16;
	[tilespmem:s15+$0xC0] =	vst v4  }
0x12b: {  	v2 =	vmul.f32 v2, v16;
	[tilespmem:s15+$0xA0] =	vst v14  }
0x12c: {  	v49 =	vmul.f32 v21, v16;
	[tilespmem:s15+$0xB0] =	vst v8  }
0x12d: {  	v51 =	vmul.f32 v24, v17;
	[tilespmem:s15+$0x90] =	vst v2  }
0x12e: {  	v54 =	vmul.f32 v9, v12;
	[tilespmem:s15+$0xF0] =	vst v49  }
0x12f: {  	v6 =	vmul.f32 v6, v17;
	[tilespmem:s15+$0xFFFFFFA0] =	vst v51  }
0x130: {  	v15 =	vmul.f32 v15, v17;
	[tilespmem:s15+$0x0] =	vst v54  }
0x131: {  	v10 =	vmul.f32 v10, v7;
	[tilespmem:s15+$0xFFFFFFF0] =	vst v6  }
0x132: {  	v3 =	vmul.f32 v3, v12;
	[tilespmem:s15+$0xFFFFFFB0] =	vst v15  }
0x133: {  	v1 =	vmul.f32 v1, v16;
	[tilespmem:s15+$0xFFFFFF20] =	vst v10  }
0x134: {  	v61 =	vmul.f32 v11, v12;
	[tilespmem:s15+$0x30] =	vst v3  }
0x135: {  	v53 =	vld [tilespmem:s15+$0xFFFFFF70];
	v57 =	vmul.f32 v23, v17;
	[tilespmem:s15+$0xD0] =	vst v1  }
0x136: {  	v55 =	vld [tilespmem:s15+$0x20];
	v2 =	vmul.f32 v13, v12;
	[tilespmem:s15+$0x70] =	vst v61  }
0x137: {  	v56 =	vld [tilespmem:s15+$0xFFFFFF40];
	v3 =	vmul.f32 v22, v12;
	[tilespmem:s15+$0xFFFFFF90] =	vst v57  }
0x138: {  	v52 =	vld [tilespmem:s15+$0xFFFFFFD0];
	v1 =	vmul.f32 v5, v12;
	[tilespmem:s15+$0x10] =	vst v2  }
0x139: {  	v58 =	vld [tilespmem:s15+$0xFFFFFF30];
	v63 =	vmul.f32 v19, v12;
	[tilespmem:s15+$0x60] =	vst v3  }
0x13a: {  	v2 =	vld [tilespmem:s15+$0xFFFFFF10];
	[tilespmem:s15+$0x40] =	vst v1;
	v62 =	vmul.f32 v53, v7  }
0x13b: {  	v3 =	vmul.f32 v55, v12;
	[tilespmem:s15+$0x50] =	vst v63  }
0x13c: {  	v50 =	vld [tilespmem:s15+$0xFFFFFFE0];
	v1 =	vmul.f32 v56, v7;
	[tilespmem:s15+$0xFFFFFF70] =	vst v62  }
0x13d: {  	v59 =	vld [tilespmem:s15+$0xFFFFFF60];
	[tilespmem:s15+$0x20] =	vst v3;
	v3 =	vmul.f32 v52, v17  }
0x13e: {  	v60 =	vld [tilespmem:s15+$0xFFFFFF50];
	[tilespmem:s15+$0xFFFFFF40] =	vst v1;
	v1 =	vmul.f32 v58, v7  }
0x13f: {  	v2 =	vmul.f32 v2, v7;
	[tilespmem:s15+$0xFFFFFFD0] =	vst v3  }
0x140: {  	v3 =	vmul.f32 v18, v17;
	[tilespmem:s15+$0xFFFFFF30] =	vst v1  }
0x141: {  	v1 =	vmul.f32 v50, v17;
	[tilespmem:s15+$0xFFFFFF10] =	vst v2  }
.Ltmp7:
0x142: {  	v2 =	vmul.f32 v59, v7;
	[tilespmem:s15+$0xFFFFFFC0] =	vst v3;
	(pc) =	sbr.rel @p1 .LBB2_11-.Ltmp7, $4  }
0x143: {  	v3 =	vmul.f32 v60, v7;
	[tilespmem:s15+$0xFFFFFFE0] =	vst v1  }
0x144: {  	[tilespmem:s15+$0xFFFFFF60] =	vst v2  }
0x145: {  	s8 =	sadd.s32 $0x1400, s14;
	[tilespmem:s15+$0xFFFFFF50] =	vst v3  }
0x146: {  	[spmem:s2] =	stream.indirect.scatter.add.f32 [tilespmem:s25], [sflag:$0x4], $0x80, s8, s24, $0xb8;
	[tilespmem:$0x1FC00] =	vst v63  }
.Ltmp8:
0x147: {  	(pc) =	sbr.rel .LBB2_5-.Ltmp8, $4  }
0x148: {  	_ =	swait.ge [sflag:s30], $0x4000  }
0x149: {  	[sflag:s30] =	ssyncset.done $0x0  }
0x14a: {  	s4 =	sadd.s32 $0x180, s4;
	s0 =	sadd.s32 $0x1, s0;
	[sflag:s30] =	ssyncadd.s32 $0xFFFFC000  }
0x14b: {  	[tilespmem:s25], [sflag:$0x2] =	stream.indirect.gather [hbm4b:s1+s24], $0x80, s4, s24, $0xb8;
	[tilespmem:$0x1FC00] =	vst v63  }
.LBB2_13:
0x14c: {  	_ =	sfence.sel $0x180000  }
0x14d: {  	[bflag:$0x0] =	sbarrier.arrive $0xFFFF  }
0x14e: {  	_ =	strace $0x90000047  }
0x14f: {  	s0 =	stileid.u32;
	[bflag:$0x2] =	sbarrier.arrive $0xFFFF  }
0x150: {  	p0 =	sne.s32 s0, $0x0;
	s0 =	rddreg [dreg:$0x3]  }
0x151: {  	s0 =	sadd.s32 @!p0 $0x100000, s0  }
0x152: {  	[sflag:s0] =	ssyncadd.tile.s32 @!p0 $0x1;
	_ =	shalt  }
.Lfunc_end2:
_tile_overlayer_lowered:
.L_overlay_start_2:
0x153: {  	(tag) =	ssettag $0x2  }
0x154: {  	s0 =	rddreg [dreg:$0x0];
	s2 =	stileid.u32  }
0x155: {  	s1 =	rddreg [dreg:$0x1];
	p0 =	sne.s32 s2, $0x0  }
0x156: {  	s3 =	rddreg [dreg:$0x2];
	[bflag:$0x3] =	sbarrier.arrive $0xFFFF;
	s2 =	simm.s32 @!p0 $0x1C05  }
0x157: {  	[timem:s3], [sflag:s2] =	dma.local @!p0 [hbm:s0], s1  }
0x158: {  	s0 =	simm.s32 @!p0 $0x5  }
0x159: {  	_ =	swait.ge @!p0 [sflag:s0], s1  }
0x15a: {  	s1 =	ssub.s32 @!p0 $0x0, s1;
	[sflag:s0] =	ssyncset.done @!p0 $0x0  }
0x15b: {  	[sflag:s0] =	ssyncadd.s32 @!p0 s1  }
0x15c: {  	[bflag:$0x3] =	sbarrier.arrive $0xFFFF  }
0x15d: {  	_ =	shalt  }

</sc_bundles>
